<compile_context>
chip_gen: v7x
topology: tpu7x:2x2x1
jax: 0.10.2.dev20260603
libtpu: 0.0.44.dev20260713+nightly
codegen_flags: <defaults>
</compile_context>

<pallas_src>
import functools

import jax
import jax.numpy as jnp
from jax import lax
from jax.experimental import pallas as pl
from jax.experimental.pallas import tpu as pltpu
from jax.experimental.pallas import tpu_sc as plsc

_B = 4096
_N = 8192
_NC = 2
_NS = 16
_NW = _NC * _NS
_GROUPS = _B // (_NW * 16)
_SEG = 1024
_NSEG = _N // _SEG
_TOT = _GROUPS * _NSEG
_UNROLL = 16


def _sc_body(x_hbm, y_hbm, in0, in1, out0, out1, si0, si1, so0, so1):
    wid = lax.axis_index("s") * _NC + lax.axis_index("c")
    lane = lax.broadcasted_iota(jnp.int32, (16,), 0)
    rowbase = lane * _SEG
    ins, outs = (in0, in1), (out0, out1)
    isems, osems = (si0, si1), (so0, so1)

    def coords(it):
        g = it // _NSEG
        s = lax.rem(it, _NSEG)
        r0 = (wid * _GROUPS + g) * 16
        c0 = (_NSEG - 1 - s) * _SEG
        return s, r0, c0

    def fire_in(it, q):
        s, r0, c0 = coords(it)
        for rl in range(16):
            pltpu.async_copy(
                x_hbm.at[r0 + rl, pl.ds(c0, _SEG)],
                ins[q].at[pl.ds(rl * _SEG, _SEG)],
                isems[q],
            )

    def body(it, q, carry):
        in_v, out_v = ins[q], outs[q]
        s, r0, c0 = coords(it)
        carry = jnp.where(s == 0, jnp.zeros((16,), jnp.float32), carry)

        @pl.when(it + 1 < _TOT)
        def _():
            fire_in(it + 1, 1 - q)

        for rl in range(16):
            pltpu.make_async_copy(
                x_hbm.at[r0 + rl, pl.ds(c0, _SEG)],
                in_v.at[pl.ds(rl * _SEG, _SEG)],
                isems[q],
            ).wait()

        @pl.when(it >= 2)
        def _():
            for rl in range(16):
                pltpu.make_async_copy(
                    x_hbm.at[r0 + rl, pl.ds(c0, _SEG)],
                    out_v.at[pl.ds(rl * _SEG, _SEG)],
                    osems[q],
                ).wait()

        def head(hi, carry):
            j = (_SEG + 14 - hi) - lane
            m = j <= _SEG - 1
            idx = rowbase + jnp.minimum(j, _SEG - 1)
            v = plsc.load_gather(in_v, [idx], mask=m)
            carry = carry + jnp.where(m, v, jnp.float32(0))
            plsc.store_scatter(out_v, [idx], carry, mask=m)
            return carry

        carry = lax.fori_loop(0, 15, head, carry)

        def main(_, state):
            carry, idx = state
            vs = [plsc.load_gather(in_v, [idx - k]) for k in range(_UNROLL)]
            pref = [vs[0]]
            for k in range(1, _UNROLL):
                pref.append(pref[-1] + vs[k])
            for k in range(_UNROLL):
                plsc.store_scatter(out_v, [idx - k], carry + pref[k])
            return carry + pref[-1], idx - _UNROLL

        carry, _ = lax.fori_loop(
            0, (_SEG - 16) // _UNROLL, main,
            (carry, rowbase + (_SEG - 1) - lane),
        )

        def tail(ti, carry):
            j = (15 - ti) - lane
            m = j >= 0
            idx = rowbase + jnp.maximum(j, 0)
            v = plsc.load_gather(in_v, [idx], mask=m)
            carry = carry + jnp.where(m, v, jnp.float32(0))
            plsc.store_scatter(out_v, [idx], carry, mask=m)
            return carry

        carry = lax.fori_loop(0, 16, tail, carry)

        for rl in range(16):
            pltpu.async_copy(
                out_v.at[pl.ds(rl * _SEG, _SEG)],
                y_hbm.at[r0 + rl, pl.ds(c0, _SEG)],
                osems[q],
            )
        return carry

    fire_in(0, 0)

    def pair(ip, carry):
        it = ip * 2
        carry = body(it, 0, carry)
        carry = body(it + 1, 1, carry)
        return carry

    lax.fori_loop(0, _TOT // 2, pair, jnp.zeros((16,), jnp.float32))

    for q, it in ((0, _TOT - 2), (1, _TOT - 1)):
        s, r0, c0 = coords(it)
        for rl in range(16):
            pltpu.make_async_copy(
                x_hbm.at[r0 + rl, pl.ds(c0, _SEG)],
                outs[q].at[pl.ds(rl * _SEG, _SEG)],
                osems[q],
            ).wait()


def kernel(x):
    mesh = plsc.VectorSubcoreMesh(core_axis_name="c", subcore_axis_name="s")
    k = functools.partial(
        pl.kernel,
        mesh=mesh,
        out_type=jax.ShapeDtypeStruct((_B, _N), jnp.float32),
        scratch_types=[
            pltpu.VMEM((16 * _SEG,), jnp.float32),
            pltpu.VMEM((16 * _SEG,), jnp.float32),
            pltpu.VMEM((16 * _SEG,), jnp.float32),
            pltpu.VMEM((16 * _SEG,), jnp.float32),
            pltpu.SemaphoreType.DMA,
            pltpu.SemaphoreType.DMA,
            pltpu.SemaphoreType.DMA,
            pltpu.SemaphoreType.DMA,
        ],
        compiler_params=pltpu.CompilerParams(needs_layout_passes=False),
    )(_sc_body)
    return k(x)

# --- scband reference (transcript-rebuilt; emitter-appended) ---
"""Pipeline reference for scband-model-new-1580547968188 (READ-ONLY COPY).

The authoritative reference and input builder live on the scoring server;
editing this copy changes nothing except your own understanding.
"""

import jax, jax.numpy as jnp
import numpy as np


def setup_inputs(seed: int = 0) -> dict:
    key = jax.random.key(seed)
    x = jax.random.normal(key, (4096, 8192), dtype=jnp.float32)
    return {"x": x}


def reference(x):
    # Reverse (suffix) cumulative sum along dim=1:
    # y[b, j] = sum_{t >= j} x[b, t]
    return jnp.flip(jnp.cumsum(jnp.flip(x, axis=1), axis=1), axis=1)

if __name__ == "__main__":
    import jax
    _d = setup_inputs()
    print(jax.jit(kernel)(*tuple(_d.values())))

</pallas_src>

<mosaic_0001>
#map = affine_map<(d0, d1) -> (0, 0)>
module attributes {stable_mosaic.version = 14 : i64} {
  func.func @_sc_body(%arg0: i32, %arg1: i32, %arg2: memref<4096x8192xf32, #tpu.memory_space<hbm>>, %arg3: memref<4096x8192xf32, #tpu.memory_space<hbm>>, %arg4: memref<16384xf32, #tpu.memory_space<vmem>>, %arg5: memref<16384xf32, #tpu.memory_space<vmem>>, %arg6: memref<16384xf32, #tpu.memory_space<vmem>>, %arg7: memref<16384xf32, #tpu.memory_space<vmem>>, %arg8: memref<!tpu.dma_semaphore, #tpu.memory_space<semaphore_mem>>, %arg9: memref<!tpu.dma_semaphore, #tpu.memory_space<semaphore_mem>>, %arg10: memref<!tpu.dma_semaphore, #tpu.memory_space<semaphore_mem>>, %arg11: memref<!tpu.dma_semaphore, #tpu.memory_space<semaphore_mem>>) attributes {dimension_semantics = [#tpu.dimension_semantics<core_parallel>, #tpu.dimension_semantics<subcore_parallel>], iteration_bounds = array<i64: 2, 16>, scalar_prefetch = 0 : i64, scratch_operands = 8 : i64, tpu.core_type = #tpu.core_type<sc_vector_subcore>, window_params = [{transform_indices = #map}, {transform_indices = #map}]} {
    %mul3A = arith.constant 2 : i32
    %mul3A_0 = arith.muli %arg1, %mul3A : i32
    %add3A = arith.addi %mul3A_0, %arg0 : i32
    %iota3A = tpu.iota {dimensions = array<i32: 0>} : vector<16xi32>
    %mul3A_1 = arith.constant 1024 : i32
    %mul3A_2 = vector.broadcast %mul3A_1 : i32 to vector<16xi32>
    %mul3A_3 = arith.muli %iota3A, %mul3A_2 : vector<16xi32>
    %rem3A = arith.constant 0 : i32
    %rem3A_4 = arith.constant 8 : i32
    %rem3A_5 = arith.remsi %rem3A, %rem3A_4 : i32
    %mul3A_6 = arith.constant 8 : i32
    %mul3A_7 = arith.muli %add3A, %mul3A_6 : i32
    %add3A_8 = arith.constant 0 : i32
    %add3A_9 = arith.addi %mul3A_7, %add3A_8 : i32
    %mul3A_10 = arith.constant 16 : i32
    %mul3A_11 = arith.muli %add3A_9, %mul3A_10 : i32
    %sub3A = arith.constant 7 : i32
    %sub3A_12 = arith.subi %sub3A, %rem3A_5 : i32
    %mul3A_13 = arith.constant 1024 : i32
    %mul3A_14 = arith.muli %sub3A_12, %mul3A_13 : i32
    %add3A_15 = arith.constant 0 : i32
    %add3A_16 = arith.addi %mul3A_11, %add3A_15 : i32
    %dma_start3A = arith.constant 0 : i32
    %dma_start3A_17 = tpu.memref_slice %arg4[%dma_start3A] : memref<16384xf32, #tpu.memory_space<vmem>> -> memref<1024xf32, #tpu.memory_space<vmem>>
    %dma_start3A_18 = tpu.memref_slice %arg2[%add3A_16, %mul3A_14] : memref<4096x8192xf32, #tpu.memory_space<hbm>> -> memref<1x1024xf32, #tpu.memory_space<hbm>>
    %dma_start3A_19 = tpu.memref_squeeze %dma_start3A_18 : memref<1x1024xf32, #tpu.memory_space<hbm>> -> memref<1024xf32, #tpu.memory_space<hbm>>
    %dma_start3A_20 = arith.constant 0 : i32
    %dma_start3A_21 = tpu.memref_slice %arg4[%dma_start3A_20] : memref<16384xf32, #tpu.memory_space<vmem>> -> memref<1024xf32, #tpu.memory_space<vmem>>
    %dma_start3A_22 = tpu.memref_slice %arg2[%add3A_16, %mul3A_14] : memref<4096x8192xf32, #tpu.memory_space<hbm>> -> memref<1x1024xf32, #tpu.memory_space<hbm>>
    %dma_start3A_23 = tpu.memref_squeeze %dma_start3A_22 : memref<1x1024xf32, #tpu.memory_space<hbm>> -> memref<1024xf32, #tpu.memory_space<hbm>>
    tpu.enqueue_dma source(%dma_start3A_23 : memref<1024xf32, #tpu.memory_space<hbm>>) target(%dma_start3A_21 : memref<1024xf32, #tpu.memory_space<vmem>>) target_semaphore(%arg8 : memref<!tpu.dma_semaphore, #tpu.memory_space<semaphore_mem>>)
    %add3A_24 = arith.constant 1 : i32
    %add3A_25 = arith.addi %mul3A_11, %add3A_24 : i32
    %dma_start3A_26 = arith.constant 1024 : i32
    %dma_start3A_27 = tpu.memref_slice %arg4[%dma_start3A_26] : memref<16384xf32, #tpu.memory_space<vmem>> -> memref<1024xf32, #tpu.memory_space<vmem>>
    %dma_start3A_28 = tpu.memref_slice %arg2[%add3A_25, %mul3A_14] : memref<4096x8192xf32, #tpu.memory_space<hbm>> -> memref<1x1024xf32, #tpu.memory_space<hbm>>
    %dma_start3A_29 = tpu.memref_squeeze %dma_start3A_28 : memref<1x1024xf32, #tpu.memory_space<hbm>> -> memref<1024xf32, #tpu.memory_space<hbm>>
    %dma_start3A_30 = arith.constant 1024 : i32
    %dma_start3A_31 = tpu.memref_slice %arg4[%dma_start3A_30] : memref<16384xf32, #tpu.memory_space<vmem>> -> memref<1024xf32, #tpu.memory_space<vmem>>
    %dma_start3A_32 = tpu.memref_slice %arg2[%add3A_25, %mul3A_14] : memref<4096x8192xf32, #tpu.memory_space<hbm>> -> memref<1x1024xf32, #tpu.memory_space<hbm>>
    %dma_start3A_33 = tpu.memref_squeeze %dma_start3A_32 : memref<1x1024xf32, #tpu.memory_space<hbm>> -> memref<1024xf32, #tpu.memory_space<hbm>>
    tpu.enqueue_dma source(%dma_start3A_33 : memref<1024xf32, #tpu.memory_space<hbm>>) target(%dma_start3A_31 : memref<1024xf32, #tpu.memory_space<vmem>>) target_semaphore(%arg8 : memref<!tpu.dma_semaphore, #tpu.memory_space<semaphore_mem>>)
    %add3A_34 = arith.constant 2 : i32
    %add3A_35 = arith.addi %mul3A_11, %add3A_34 : i32
    %dma_start3A_36 = arith.constant 2048 : i32
    %dma_start3A_37 = tpu.memref_slice %arg4[%dma_start3A_36] : memref<16384xf32, #tpu.memory_space<vmem>> -> memref<1024xf32, #tpu.memory_space<vmem>>
    %dma_start3A_38 = tpu.memref_slice %arg2[%add3A_35, %mul3A_14] : memref<4096x8192xf32, #tpu.memory_space<hbm>> -> memref<1x1024xf32, #tpu.memory_space<hbm>>
    %dma_start3A_39 = tpu.memref_squeeze %dma_start3A_38 : memref<1x1024xf32, #tpu.memory_space<hbm>> -> memref<1024xf32, #tpu.memory_space<hbm>>
    %dma_start3A_40 = arith.constant 2048 : i32
    %dma_start3A_41 = tpu.memref_slice %arg4[%dma_start3A_40] : memref<16384xf32, #tpu.memory_space<vmem>> -> memref<1024xf32, #tpu.memory_space<vmem>>
    %dma_start3A_42 = tpu.memref_slice %arg2[%add3A_35, %mul3A_14] : memref<4096x8192xf32, #tpu.memory_space<hbm>> -> memref<1x1024xf32, #tpu.memory_space<hbm>>
    %dma_start3A_43 = tpu.memref_squeeze %dma_start3A_42 : memref<1x1024xf32, #tpu.memory_space<hbm>> -> memref<1024xf32, #tpu.memory_space<hbm>>
    tpu.enqueue_dma source(%dma_start3A_43 : memref<1024xf32, #tpu.memory_space<hbm>>) target(%dma_start3A_41 : memref<1024xf32, #tpu.memory_space<vmem>>) target_semaphore(%arg8 : memref<!tpu.dma_semaphore, #tpu.memory_space<semaphore_mem>>)
    %add3A_44 = arith.constant 3 : i32
    %add3A_45 = arith.addi %mul3A_11, %add3A_44 : i32
    %dma_start3A_46 = arith.constant 3072 : i32
    %dma_start3A_47 = tpu.memref_slice %arg4[%dma_start3A_46] : memref<16384xf32, #tpu.memory_space<vmem>> -> memref<1024xf32, #tpu.memory_space<vmem>>
    %dma_start3A_48 = tpu.memref_slice %arg2[%add3A_45, %mul3A_14] : memref<4096x8192xf32, #tpu.memory_space<hbm>> -> memref<1x1024xf32, #tpu.memory_space<hbm>>
    %dma_start3A_49 = tpu.memref_squeeze %dma_start3A_48 : memref<1x1024xf32, #tpu.memory_space<hbm>> -> memref<1024xf32, #tpu.memory_space<hbm>>
    %dma_start3A_50 = arith.constant 3072 : i32
    %dma_start3A_51 = tpu.memref_slice %arg4[%dma_start3A_50] : memref<16384xf32, #tpu.memory_space<vmem>> -> memref<1024xf32, #tpu.memory_space<vmem>>
    %dma_start3A_52 = tpu.memref_slice %arg2[%add3A_45, %mul3A_14] : memref<4096x8192xf32, #tpu.memory_space<hbm>> -> memref<1x1024xf32, #tpu.memory_space<hbm>>
    %dma_start3A_53 = tpu.memref_squeeze %dma_start3A_52 : memref<1x1024xf32, #tpu.memory_space<hbm>> -> memref<1024xf32, #tpu.memory_space<hbm>>
    tpu.enqueue_dma source(%dma_start3A_53 : memref<1024xf32, #tpu.memory_space<hbm>>) target(%dma_start3A_51 : memref<1024xf32, #tpu.memory_space<vmem>>) target_semaphore(%arg8 : memref<!tpu.dma_semaphore, #tpu.memory_space<semaphore_mem>>)
    %add3A_54 = arith.constant 4 : i32
    %add3A_55 = arith.addi %mul3A_11, %add3A_54 : i32
    %dma_start3A_56 = arith.constant 4096 : i32
    %dma_start3A_57 = tpu.memref_slice %arg4[%dma_start3A_56] : memref<16384xf32, #tpu.memory_space<vmem>> -> memref<1024xf32, #tpu.memory_space<vmem>>
    %dma_start3A_58 = tpu.memref_slice %arg2[%add3A_55, %mul3A_14] : memref<4096x8192xf32, #tpu.memory_space<hbm>> -> memref<1x1024xf32, #tpu.memory_space<hbm>>
    %dma_start3A_59 = tpu.memref_squeeze %dma_start3A_58 : memref<1x1024xf32, #tpu.memory_space<hbm>> -> memref<1024xf32, #tpu.memory_space<hbm>>
    %dma_start3A_60 = arith.constant 4096 : i32
    %dma_start3A_61 = tpu.memref_slice %arg4[%dma_start3A_60] : memref<16384xf32, #tpu.memory_space<vmem>> -> memref<1024xf32, #tpu.memory_space<vmem>>
    %dma_start3A_62 = tpu.memref_slice %arg2[%add3A_55, %mul3A_14] : memref<4096x8192xf32, #tpu.memory_space<hbm>> -> memref<1x1024xf32, #tpu.memory_space<hbm>>
    %dma_start3A_63 = tpu.memref_squeeze %dma_start3A_62 : memref<1x1024xf32, #tpu.memory_space<hbm>> -> memref<1024xf32, #tpu.memory_space<hbm>>
    tpu.enqueue_dma source(%dma_start3A_63 : memref<1024xf32, #tpu.memory_space<hbm>>) target(%dma_start3A_61 : memref<1024xf32, #tpu.memory_space<vmem>>) target_semaphore(%arg8 : memref<!tpu.dma_semaphore, #tpu.memory_space<semaphore_mem>>)
    %add3A_64 = arith.constant 5 : i32
    %add3A_65 = arith.addi %mul3A_11, %add3A_64 : i32
    %dma_start3A_66 = arith.constant 5120 : i32
    %dma_start3A_67 = tpu.memref_slice %arg4[%dma_start3A_66] : memref<16384xf32, #tpu.memory_space<vmem>> -> memref<1024xf32, #tpu.memory_space<vmem>>
    %dma_start3A_68 = tpu.memref_slice %arg2[%add3A_65, %mul3A_14] : memref<4096x8192xf32, #tpu.memory_space<hbm>> -> memref<1x1024xf32, #tpu.memory_space<hbm>>
    %dma_start3A_69 = tpu.memref_squeeze %dma_start3A_68 : memref<1x1024xf32, #tpu.memory_space<hbm>> -> memref<1024xf32, #tpu.memory_space<hbm>>
    %dma_start3A_70 = arith.constant 5120 : i32
    %dma_start3A_71 = tpu.memref_slice %arg4[%dma_start3A_70] : memref<16384xf32, #tpu.memory_space<vmem>> -> memref<1024xf32, #tpu.memory_space<vmem>>
    %dma_start3A_72 = tpu.memref_slice %arg2[%add3A_65, %mul3A_14] : memref<4096x8192xf32, #tpu.memory_space<hbm>> -> memref<1x1024xf32, #tpu.memory_space<hbm>>
    %dma_start3A_73 = tpu.memref_squeeze %dma_start3A_72 : memref<1x1024xf32, #tpu.memory_space<hbm>> -> memref<1024xf32, #tpu.memory_space<hbm>>
    tpu.enqueue_dma source(%dma_start3A_73 : memref<1024xf32, #tpu.memory_space<hbm>>) target(%dma_start3A_71 : memref<1024xf32, #tpu.memory_space<vmem>>) target_semaphore(%arg8 : memref<!tpu.dma_semaphore, #tpu.memory_space<semaphore_mem>>)
    %add3A_74 = arith.constant 6 : i32
    %add3A_75 = arith.addi %mul3A_11, %add3A_74 : i32
    %dma_start3A_76 = arith.constant 6144 : i32
    %dma_start3A_77 = tpu.memref_slice %arg4[%dma_start3A_76] : memref<16384xf32, #tpu.memory_space<vmem>> -> memref<1024xf32, #tpu.memory_space<vmem>>
    %dma_start3A_78 = tpu.memref_slice %arg2[%add3A_75, %mul3A_14] : memref<4096x8192xf32, #tpu.memory_space<hbm>> -> memref<1x1024xf32, #tpu.memory_space<hbm>>
    %dma_start3A_79 = tpu.memref_squeeze %dma_start3A_78 : memref<1x1024xf32, #tpu.memory_space<hbm>> -> memref<1024xf32, #tpu.memory_space<hbm>>
    %dma_start3A_80 = arith.constant 6144 : i32
    %dma_start3A_81 = tpu.memref_slice %arg4[%dma_start3A_80] : memref<16384xf32, #tpu.memory_space<vmem>> -> memref<1024xf32, #tpu.memory_space<vmem>>
    %dma_start3A_82 = tpu.memref_slice %arg2[%add3A_75, %mul3A_14] : memref<4096x8192xf32, #tpu.memory_space<hbm>> -> memref<1x1024xf32, #tpu.memory_space<hbm>>
    %dma_start3A_83 = tpu.memref_squeeze %dma_start3A_82 : memref<1x1024xf32, #tpu.memory_space<hbm>> -> memref<1024xf32, #tpu.memory_space<hbm>>
    tpu.enqueue_dma source(%dma_start3A_83 : memref<1024xf32, #tpu.memory_space<hbm>>) target(%dma_start3A_81 : memref<1024xf32, #tpu.memory_space<vmem>>) target_semaphore(%arg8 : memref<!tpu.dma_semaphore, #tpu.memory_space<semaphore_mem>>)
    %add3A_84 = arith.constant 7 : i32
    %add3A_85 = arith.addi %mul3A_11, %add3A_84 : i32
    %dma_start3A_86 = arith.constant 7168 : i32
    %dma_start3A_87 = tpu.memref_slice %arg4[%dma_start3A_86] : memref<16384xf32, #tpu.memory_space<vmem>> -> memref<1024xf32, #tpu.memory_space<vmem>>
    %dma_start3A_88 = tpu.memref_slice %arg2[%add3A_85, %mul3A_14] : memref<4096x8192xf32, #tpu.memory_space<hbm>> -> memref<1x1024xf32, #tpu.memory_space<hbm>>
    %dma_start3A_89 = tpu.memref_squeeze %dma_start3A_88 : memref<1x1024xf32, #tpu.memory_space<hbm>> -> memref<1024xf32, #tpu.memory_space<hbm>>
    %dma_start3A_90 = arith.constant 7168 : i32
    %dma_start3A_91 = tpu.memref_slice %arg4[%dma_start3A_90] : memref<16384xf32, #tpu.memory_space<vmem>> -> memref<1024xf32, #tpu.memory_space<vmem>>
    %dma_start3A_92 = tpu.memref_slice %arg2[%add3A_85, %mul3A_14] : memref<4096x8192xf32, #tpu.memory_space<hbm>> -> memref<1x1024xf32, #tpu.memory_space<hbm>>
    %dma_start3A_93 = tpu.memref_squeeze %dma_start3A_92 : memref<1x1024xf32, #tpu.memory_space<hbm>> -> memref<1024xf32, #tpu.memory_space<hbm>>
    tpu.enqueue_dma source(%dma_start3A_93 : memref<1024xf32, #tpu.memory_space<hbm>>) target(%dma_start3A_91 : memref<1024xf32, #tpu.memory_space<vmem>>) target_semaphore(%arg8 : memref<!tpu.dma_semaphore, #tpu.memory_space<semaphore_mem>>)
    %add3A_94 = arith.constant 8 : i32
    %add3A_95 = arith.addi %mul3A_11, %add3A_94 : i32
    %dma_start3A_96 = arith.constant 8192 : i32
    %dma_start3A_97 = tpu.memref_slice %arg4[%dma_start3A_96] : memref<16384xf32, #tpu.memory_space<vmem>> -> memref<1024xf32, #tpu.memory_space<vmem>>
    %dma_start3A_98 = tpu.memref_slice %arg2[%add3A_95, %mul3A_14] : memref<4096x8192xf32, #tpu.memory_space<hbm>> -> memref<1x1024xf32, #tpu.memory_space<hbm>>
    %dma_start3A_99 = tpu.memref_squeeze %dma_start3A_98 : memref<1x1024xf32, #tpu.memory_space<hbm>> -> memref<1024xf32, #tpu.memory_space<hbm>>
    %dma_start3A_100 = arith.constant 8192 : i32
    %dma_start3A_101 = tpu.memref_slice %arg4[%dma_start3A_100] : memref<16384xf32, #tpu.memory_space<vmem>> -> memref<1024xf32, #tpu.memory_space<vmem>>
    %dma_start3A_102 = tpu.memref_slice %arg2[%add3A_95, %mul3A_14] : memref<4096x8192xf32, #tpu.memory_space<hbm>> -> memref<1x1024xf32, #tpu.memory_space<hbm>>
    %dma_start3A_103 = tpu.memref_squeeze %dma_start3A_102 : memref<1x1024xf32, #tpu.memory_space<hbm>> -> memref<1024xf32, #tpu.memory_space<hbm>>
    tpu.enqueue_dma source(%dma_start3A_103 : memref<1024xf32, #tpu.memory_space<hbm>>) target(%dma_start3A_101 : memref<1024xf32, #tpu.memory_space<vmem>>) target_semaphore(%arg8 : memref<!tpu.dma_semaphore, #tpu.memory_space<semaphore_mem>>)
    %add3A_104 = arith.constant 9 : i32
    %add3A_105 = arith.addi %mul3A_11, %add3A_104 : i32
    %dma_start3A_106 = arith.constant 9216 : i32
    %dma_start3A_107 = tpu.memref_slice %arg4[%dma_start3A_106] : memref<16384xf32, #tpu.memory_space<vmem>> -> memref<1024xf32, #tpu.memory_space<vmem>>
    %dma_start3A_108 = tpu.memref_slice %arg2[%add3A_105, %mul3A_14] : memref<4096x8192xf32, #tpu.memory_space<hbm>> -> memref<1x1024xf32, #tpu.memory_space<hbm>>
    %dma_start3A_109 = tpu.memref_squeeze %dma_start3A_108 : memref<1x1024xf32, #tpu.memory_space<hbm>> -> memref<1024xf32, #tpu.memory_space<hbm>>
    %dma_start3A_110 = arith.constant 9216 : i32
    %dma_start3A_111 = tpu.memref_slice %arg4[%dma_start3A_110] : memref<16384xf32, #tpu.memory_space<vmem>> -> memref<1024xf32, #tpu.memory_space<vmem>>
    %dma_start3A_112 = tpu.memref_slice %arg2[%add3A_105, %mul3A_14] : memref<4096x8192xf32, #tpu.memory_space<hbm>> -> memref<1x1024xf32, #tpu.memory_space<hbm>>
    %dma_start3A_113 = tpu.memref_squeeze %dma_start3A_112 : memref<1x1024xf32, #tpu.memory_space<hbm>> -> memref<1024xf32, #tpu.memory_space<hbm>>
    tpu.enqueue_dma source(%dma_start3A_113 : memref<1024xf32, #tpu.memory_space<hbm>>) target(%dma_start3A_111 : memref<1024xf32, #tpu.memory_space<vmem>>) target_semaphore(%arg8 : memref<!tpu.dma_semaphore, #tpu.memory_space<semaphore_mem>>)
    %add3A_114 = arith.constant 10 : i32
    %add3A_115 = arith.addi %mul3A_11, %add3A_114 : i32
    %dma_start3A_116 = arith.constant 10240 : i32
    %dma_start3A_117 = tpu.memref_slice %arg4[%dma_start3A_116] : memref<16384xf32, #tpu.memory_space<vmem>> -> memref<1024xf32, #tpu.memory_space<vmem>>
    %dma_start3A_118 = tpu.memref_slice %arg2[%add3A_115, %mul3A_14] : memref<4096x8192xf32, #tpu.memory_space<hbm>> -> memref<1x1024xf32, #tpu.memory_space<hbm>>
    %dma_start3A_119 = tpu.memref_squeeze %dma_start3A_118 : memref<1x1024xf32, #tpu.memory_space<hbm>> -> memref<1024xf32, #tpu.memory_space<hbm>>
    %dma_start3A_120 = arith.constant 10240 : i32
    %dma_start3A_121 = tpu.memref_slice %arg4[%dma_start3A_120] : memref<16384xf32, #tpu.memory_space<vmem>> -> memref<1024xf32, #tpu.memory_space<vmem>>
    %dma_start3A_122 = tpu.memref_slice %arg2[%add3A_115, %mul3A_14] : memref<4096x8192xf32, #tpu.memory_space<hbm>> -> memref<1x1024xf32, #tpu.memory_space<hbm>>
    %dma_start3A_123 = tpu.memref_squeeze %dma_start3A_122 : memref<1x1024xf32, #tpu.memory_space<hbm>> -> memref<1024xf32, #tpu.memory_space<hbm>>
    tpu.enqueue_dma source(%dma_start3A_123 : memref<1024xf32, #tpu.memory_space<hbm>>) target(%dma_start3A_121 : memref<1024xf32, #tpu.memory_space<vmem>>) target_semaphore(%arg8 : memref<!tpu.dma_semaphore, #tpu.memory_space<semaphore_mem>>)
    %add3A_124 = arith.constant 11 : i32
    %add3A_125 = arith.addi %mul3A_11, %add3A_124 : i32
    %dma_start3A_126 = arith.constant 11264 : i32
    %dma_start3A_127 = tpu.memref_slice %arg4[%dma_start3A_126] : memref<16384xf32, #tpu.memory_space<vmem>> -> memref<1024xf32, #tpu.memory_space<vmem>>
    %dma_start3A_128 = tpu.memref_slice %arg2[%add3A_125, %mul3A_14] : memref<4096x8192xf32, #tpu.memory_space<hbm>> -> memref<1x1024xf32, #tpu.memory_space<hbm>>
    %dma_start3A_129 = tpu.memref_squeeze %dma_start3A_128 : memref<1x1024xf32, #tpu.memory_space<hbm>> -> memref<1024xf32, #tpu.memory_space<hbm>>
    %dma_start3A_130 = arith.constant 11264 : i32
    %dma_start3A_131 = tpu.memref_slice %arg4[%dma_start3A_130] : memref<16384xf32, #tpu.memory_space<vmem>> -> memref<1024xf32, #tpu.memory_space<vmem>>
    %dma_start3A_132 = tpu.memref_slice %arg2[%add3A_125, %mul3A_14] : memref<4096x8192xf32, #tpu.memory_space<hbm>> -> memref<1x1024xf32, #tpu.memory_space<hbm>>
    %dma_start3A_133 = tpu.memref_squeeze %dma_start3A_132 : memref<1x1024xf32, #tpu.memory_space<hbm>> -> memref<1024xf32, #tpu.memory_space<hbm>>
    tpu.enqueue_dma source(%dma_start3A_133 : memref<1024xf32, #tpu.memory_space<hbm>>) target(%dma_start3A_131 : memref<1024xf32, #tpu.memory_space<vmem>>) target_semaphore(%arg8 : memref<!tpu.dma_semaphore, #tpu.memory_space<semaphore_mem>>)
    %add3A_134 = arith.constant 12 : i32
    %add3A_135 = arith.addi %mul3A_11, %add3A_134 : i32
    %dma_start3A_136 = arith.constant 12288 : i32
    %dma_start3A_137 = tpu.memref_slice %arg4[%dma_start3A_136] : memref<16384xf32, #tpu.memory_space<vmem>> -> memref<1024xf32, #tpu.memory_space<vmem>>
    %dma_start3A_138 = tpu.memref_slice %arg2[%add3A_135, %mul3A_14] : memref<4096x8192xf32, #tpu.memory_space<hbm>> -> memref<1x1024xf32, #tpu.memory_space<hbm>>
    %dma_start3A_139 = tpu.memref_squeeze %dma_start3A_138 : memref<1x1024xf32, #tpu.memory_space<hbm>> -> memref<1024xf32, #tpu.memory_space<hbm>>
    %dma_start3A_140 = arith.constant 12288 : i32
    %dma_start3A_141 = tpu.memref_slice %arg4[%dma_start3A_140] : memref<16384xf32, #tpu.memory_space<vmem>> -> memref<1024xf32, #tpu.memory_space<vmem>>
    %dma_start3A_142 = tpu.memref_slice %arg2[%add3A_135, %mul3A_14] : memref<4096x8192xf32, #tpu.memory_space<hbm>> -> memref<1x1024xf32, #tpu.memory_space<hbm>>
    %dma_start3A_143 = tpu.memref_squeeze %dma_start3A_142 : memref<1x1024xf32, #tpu.memory_space<hbm>> -> memref<1024xf32, #tpu.memory_space<hbm>>
    tpu.enqueue_dma source(%dma_start3A_143 : memref<1024xf32, #tpu.memory_space<hbm>>) target(%dma_start3A_141 : memref<1024xf32, #tpu.memory_space<vmem>>) target_semaphore(%arg8 : memref<!tpu.dma_semaphore, #tpu.memory_space<semaphore_mem>>)
    %add3A_144 = arith.constant 13 : i32
    %add3A_145 = arith.addi %mul3A_11, %add3A_144 : i32
    %dma_start3A_146 = arith.constant 13312 : i32
    %dma_start3A_147 = tpu.memref_slice %arg4[%dma_start3A_146] : memref<16384xf32, #tpu.memory_space<vmem>> -> memref<1024xf32, #tpu.memory_space<vmem>>
    %dma_start3A_148 = tpu.memref_slice %arg2[%add3A_145, %mul3A_14] : memref<4096x8192xf32, #tpu.memory_space<hbm>> -> memref<1x1024xf32, #tpu.memory_space<hbm>>
    %dma_start3A_149 = tpu.memref_squeeze %dma_start3A_148 : memref<1x1024xf32, #tpu.memory_space<hbm>> -> memref<1024xf32, #tpu.memory_space<hbm>>
    %dma_start3A_150 = arith.constant 13312 : i32
    %dma_start3A_151 = tpu.memref_slice %arg4[%dma_start3A_150] : memref<16384xf32, #tpu.memory_space<vmem>> -> memref<1024xf32, #tpu.memory_space<vmem>>
    %dma_start3A_152 = tpu.memref_slice %arg2[%add3A_145, %mul3A_14] : memref<4096x8192xf32, #tpu.memory_space<hbm>> -> memref<1x1024xf32, #tpu.memory_space<hbm>>
    %dma_start3A_153 = tpu.memref_squeeze %dma_start3A_152 : memref<1x1024xf32, #tpu.memory_space<hbm>> -> memref<1024xf32, #tpu.memory_space<hbm>>
    tpu.enqueue_dma source(%dma_start3A_153 : memref<1024xf32, #tpu.memory_space<hbm>>) target(%dma_start3A_151 : memref<1024xf32, #tpu.memory_space<vmem>>) target_semaphore(%arg8 : memref<!tpu.dma_semaphore, #tpu.memory_space<semaphore_mem>>)
    %add3A_154 = arith.constant 14 : i32
    %add3A_155 = arith.addi %mul3A_11, %add3A_154 : i32
    %dma_start3A_156 = arith.constant 14336 : i32
    %dma_start3A_157 = tpu.memref_slice %arg4[%dma_start3A_156] : memref<16384xf32, #tpu.memory_space<vmem>> -> memref<1024xf32, #tpu.memory_space<vmem>>
    %dma_start3A_158 = tpu.memref_slice %arg2[%add3A_155, %mul3A_14] : memref<4096x8192xf32, #tpu.memory_space<hbm>> -> memref<1x1024xf32, #tpu.memory_space<hbm>>
    %dma_start3A_159 = tpu.memref_squeeze %dma_start3A_158 : memref<1x1024xf32, #tpu.memory_space<hbm>> -> memref<1024xf32, #tpu.memory_space<hbm>>
    %dma_start3A_160 = arith.constant 14336 : i32
    %dma_start3A_161 = tpu.memref_slice %arg4[%dma_start3A_160] : memref<16384xf32, #tpu.memory_space<vmem>> -> memref<1024xf32, #tpu.memory_space<vmem>>
    %dma_start3A_162 = tpu.memref_slice %arg2[%add3A_155, %mul3A_14] : memref<4096x8192xf32, #tpu.memory_space<hbm>> -> memref<1x1024xf32, #tpu.memory_space<hbm>>
    %dma_start3A_163 = tpu.memref_squeeze %dma_start3A_162 : memref<1x1024xf32, #tpu.memory_space<hbm>> -> memref<1024xf32, #tpu.memory_space<hbm>>
    tpu.enqueue_dma source(%dma_start3A_163 : memref<1024xf32, #tpu.memory_space<hbm>>) target(%dma_start3A_161 : memref<1024xf32, #tpu.memory_space<vmem>>) target_semaphore(%arg8 : memref<!tpu.dma_semaphore, #tpu.memory_space<semaphore_mem>>)
    %add3A_164 = arith.constant 15 : i32
    %add3A_165 = arith.addi %mul3A_11, %add3A_164 : i32
    %dma_start3A_166 = arith.constant 15360 : i32
    %dma_start3A_167 = tpu.memref_slice %arg4[%dma_start3A_166] : memref<16384xf32, #tpu.memory_space<vmem>> -> memref<1024xf32, #tpu.memory_space<vmem>>
    %dma_start3A_168 = tpu.memref_slice %arg2[%add3A_165, %mul3A_14] : memref<4096x8192xf32, #tpu.memory_space<hbm>> -> memref<1x1024xf32, #tpu.memory_space<hbm>>
    %dma_start3A_169 = tpu.memref_squeeze %dma_start3A_168 : memref<1x1024xf32, #tpu.memory_space<hbm>> -> memref<1024xf32, #tpu.memory_space<hbm>>
    %dma_start3A_170 = arith.constant 15360 : i32
    %dma_start3A_171 = tpu.memref_slice %arg4[%dma_start3A_170] : memref<16384xf32, #tpu.memory_space<vmem>> -> memref<1024xf32, #tpu.memory_space<vmem>>
    %dma_start3A_172 = tpu.memref_slice %arg2[%add3A_165, %mul3A_14] : memref<4096x8192xf32, #tpu.memory_space<hbm>> -> memref<1x1024xf32, #tpu.memory_space<hbm>>
    %dma_start3A_173 = tpu.memref_squeeze %dma_start3A_172 : memref<1x1024xf32, #tpu.memory_space<hbm>> -> memref<1024xf32, #tpu.memory_space<hbm>>
    tpu.enqueue_dma source(%dma_start3A_173 : memref<1024xf32, #tpu.memory_space<hbm>>) target(%dma_start3A_171 : memref<1024xf32, #tpu.memory_space<vmem>>) target_semaphore(%arg8 : memref<!tpu.dma_semaphore, #tpu.memory_space<semaphore_mem>>)
    %broadcast_in_dim3A = arith.constant 0.000000e+00 : f32
    %broadcast_in_dim3A_174 = vector.broadcast %broadcast_in_dim3A : f32 to vector<16xf32>
    %scan3A = arith.constant 0 : i32
    %scan3A_175 = arith.constant 32 : i32
    %scan3A_176 = arith.addi %scan3A, %scan3A_175 : i32
    %scan3A_177 = arith.constant 1 : i32
    %scan3A_178 = scf.for %scan3A_525 = %scan3A to %scan3A_176 step %scan3A_177 iter_args(%scan3A_526 = %broadcast_in_dim3A_174) -> (vector<16xf32>)  : i32 {
      %mul3A_527 = arith.constant 2 : i32
      %mul3A_528 = arith.muli %scan3A_525, %mul3A_527 : i32
      %jit3A = arith.constant 8 : i32
      %div3A = arith.divsi %mul3A_528, %jit3A : i32
      %sign3A = arith.constant 0 : i32
      %sign3A_529 = arith.cmpi sgt, %mul3A_528, %sign3A : i32
      %sign3A_530 = arith.extui %sign3A_529 : i1 to i32
      %sign3A_531 = arith.constant 0 : i32
      %sign3A_532 = arith.cmpi slt, %mul3A_528, %sign3A_531 : i32
      %sign3A_533 = arith.extui %sign3A_532 : i1 to i32
      %sign3A_534 = arith.subi %sign3A_530, %sign3A_533 : i32
      %sign3A_535 = arith.constant 0 : i32
      %sign3A_536 = arith.cmpi sgt, %jit3A, %sign3A_535 : i32
      %sign3A_537 = arith.extui %sign3A_536 : i1 to i32
      %sign3A_538 = arith.constant 0 : i32
      %sign3A_539 = arith.cmpi slt, %jit3A, %sign3A_538 : i32
      %sign3A_540 = arith.extui %sign3A_539 : i1 to i32
      %sign3A_541 = arith.subi %sign3A_537, %sign3A_540 : i32
      %ne3A = arith.cmpi ne, %sign3A_534, %sign3A_541 : i32
      %rem3A_542 = arith.remsi %mul3A_528, %jit3A : i32
      %ne3A_543 = arith.constant 0 : i32
      %ne3A_544 = arith.cmpi ne, %rem3A_542, %ne3A_543 : i32
      %and3A = arith.andi %ne3A, %ne3A_544 : i1
      %sub3A_545 = arith.constant 1 : i32
      %sub3A_546 = arith.subi %div3A, %sub3A_545 : i32
      %select_n3A = arith.select %and3A, %sub3A_546, %div3A : i32
      %rem3A_547 = arith.constant 8 : i32
      %rem3A_548 = arith.remsi %mul3A_528, %rem3A_547 : i32
      %mul3A_549 = arith.constant 8 : i32
      %mul3A_550 = arith.muli %add3A, %mul3A_549 : i32
      %add3A_551 = arith.addi %mul3A_550, %select_n3A : i32
      %mul3A_552 = arith.constant 16 : i32
      %mul3A_553 = arith.muli %add3A_551, %mul3A_552 : i32
      %sub3A_554 = arith.constant 7 : i32
      %sub3A_555 = arith.subi %sub3A_554, %rem3A_548 : i32
      %mul3A_556 = arith.constant 1024 : i32
      %mul3A_557 = arith.muli %sub3A_555, %mul3A_556 : i32
      %eq3A = arith.constant 0 : i32
      %eq3A_558 = arith.cmpi eq, %rem3A_548, %eq3A : i32
      %broadcast_in_dim3A_559 = arith.constant 0.000000e+00 : f32
      %broadcast_in_dim3A_560 = vector.broadcast %broadcast_in_dim3A_559 : f32 to vector<16xf32>
      %select_n3A_561 = arith.select %eq3A_558, %broadcast_in_dim3A_560, %scan3A_526 : vector<16xf32>
      %add3A_562 = arith.constant 1 : i32
      %add3A_563 = arith.addi %mul3A_528, %add3A_562 : i32
      %lt3A = arith.constant 64 : i32
      %lt3A_564 = arith.cmpi slt, %add3A_563, %lt3A : i32
      %convert_element_type3A = arith.extui %lt3A_564 : i1 to i32
      %cond3A = arith.constant 0 : i32
      %cond3A_565 = arith.cmpi ne, %convert_element_type3A, %cond3A : i32
      scf.if %cond3A_565 {
        %add3A_1308 = arith.constant 1 : i32
        %add3A_1309 = arith.addi %mul3A_528, %add3A_1308 : i32
        %jit3A_1310 = arith.constant 8 : i32
        %div3A_1311 = arith.divsi %add3A_1309, %jit3A_1310 : i32
        %sign3A_1312 = arith.constant 0 : i32
        %sign3A_1313 = arith.cmpi sgt, %add3A_1309, %sign3A_1312 : i32
        %sign3A_1314 = arith.extui %sign3A_1313 : i1 to i32
        %sign3A_1315 = arith.constant 0 : i32
        %sign3A_1316 = arith.cmpi slt, %add3A_1309, %sign3A_1315 : i32
        %sign3A_1317 = arith.extui %sign3A_1316 : i1 to i32
        %sign3A_1318 = arith.subi %sign3A_1314, %sign3A_1317 : i32
        %sign3A_1319 = arith.constant 0 : i32
        %sign3A_1320 = arith.cmpi sgt, %jit3A_1310, %sign3A_1319 : i32
        %sign3A_1321 = arith.extui %sign3A_1320 : i1 to i32
        %sign3A_1322 = arith.constant 0 : i32
        %sign3A_1323 = arith.cmpi slt, %jit3A_1310, %sign3A_1322 : i32
        %sign3A_1324 = arith.extui %sign3A_1323 : i1 to i32
        %sign3A_1325 = arith.subi %sign3A_1321, %sign3A_1324 : i32
        %ne3A_1326 = arith.cmpi ne, %sign3A_1318, %sign3A_1325 : i32
        %rem3A_1327 = arith.remsi %add3A_1309, %jit3A_1310 : i32
        %ne3A_1328 = arith.constant 0 : i32
        %ne3A_1329 = arith.cmpi ne, %rem3A_1327, %ne3A_1328 : i32
        %and3A_1330 = arith.andi %ne3A_1326, %ne3A_1329 : i1
        %sub3A_1331 = arith.constant 1 : i32
        %sub3A_1332 = arith.subi %div3A_1311, %sub3A_1331 : i32
        %select_n3A_1333 = arith.select %and3A_1330, %sub3A_1332, %div3A_1311 : i32
        %rem3A_1334 = arith.constant 8 : i32
        %rem3A_1335 = arith.remsi %add3A_1309, %rem3A_1334 : i32
        %mul3A_1336 = arith.constant 8 : i32
        %mul3A_1337 = arith.muli %add3A, %mul3A_1336 : i32
        %add3A_1338 = arith.addi %mul3A_1337, %select_n3A_1333 : i32
        %mul3A_1339 = arith.constant 16 : i32
        %mul3A_1340 = arith.muli %add3A_1338, %mul3A_1339 : i32
        %sub3A_1341 = arith.constant 7 : i32
        %sub3A_1342 = arith.subi %sub3A_1341, %rem3A_1335 : i32
        %mul3A_1343 = arith.constant 1024 : i32
        %mul3A_1344 = arith.muli %sub3A_1342, %mul3A_1343 : i32
        %add3A_1345 = arith.constant 0 : i32
        %add3A_1346 = arith.addi %mul3A_1340, %add3A_1345 : i32
        %dma_start3A_1347 = arith.constant 0 : i32
        %dma_start3A_1348 = tpu.memref_slice %arg5[%dma_start3A_1347] : memref<16384xf32, #tpu.memory_space<vmem>> -> memref<1024xf32, #tpu.memory_space<vmem>>
        %dma_start3A_1349 = tpu.memref_slice %arg2[%add3A_1346, %mul3A_1344] : memref<4096x8192xf32, #tpu.memory_space<hbm>> -> memref<1x1024xf32, #tpu.memory_space<hbm>>
        %dma_start3A_1350 = tpu.memref_squeeze %dma_start3A_1349 : memref<1x1024xf32, #tpu.memory_space<hbm>> -> memref<1024xf32, #tpu.memory_space<hbm>>
        %dma_start3A_1351 = arith.constant 0 : i32
        %dma_start3A_1352 = tpu.memref_slice %arg5[%dma_start3A_1351] : memref<16384xf32, #tpu.memory_space<vmem>> -> memref<1024xf32, #tpu.memory_space<vmem>>
        %dma_start3A_1353 = tpu.memref_slice %arg2[%add3A_1346, %mul3A_1344] : memref<4096x8192xf32, #tpu.memory_space<hbm>> -> memref<1x1024xf32, #tpu.memory_space<hbm>>
        %dma_start3A_1354 = tpu.memref_squeeze %dma_start3A_1353 : memref<1x1024xf32, #tpu.memory_space<hbm>> -> memref<1024xf32, #tpu.memory_space<hbm>>
        tpu.enqueue_dma source(%dma_start3A_1354 : memref<1024xf32, #tpu.memory_space<hbm>>) target(%dma_start3A_1352 : memref<1024xf32, #tpu.memory_space<vmem>>) target_semaphore(%arg9 : memref<!tpu.dma_semaphore, #tpu.memory_space<semaphore_mem>>)
        %add3A_1355 = arith.constant 1 : i32
        %add3A_1356 = arith.addi %mul3A_1340, %add3A_1355 : i32
        %dma_start3A_1357 = arith.constant 1024 : i32
        %dma_start3A_1358 = tpu.memref_slice %arg5[%dma_start3A_1357] : memref<16384xf32, #tpu.memory_space<vmem>> -> memref<1024xf32, #tpu.memory_space<vmem>>
        %dma_start3A_1359 = tpu.memref_slice %arg2[%add3A_1356, %mul3A_1344] : memref<4096x8192xf32, #tpu.memory_space<hbm>> -> memref<1x1024xf32, #tpu.memory_space<hbm>>
        %dma_start3A_1360 = tpu.memref_squeeze %dma_start3A_1359 : memref<1x1024xf32, #tpu.memory_space<hbm>> -> memref<1024xf32, #tpu.memory_space<hbm>>
        %dma_start3A_1361 = arith.constant 1024 : i32
        %dma_start3A_1362 = tpu.memref_slice %arg5[%dma_start3A_1361] : memref<16384xf32, #tpu.memory_space<vmem>> -> memref<1024xf32, #tpu.memory_space<vmem>>
        %dma_start3A_1363 = tpu.memref_slice %arg2[%add3A_1356, %mul3A_1344] : memref<4096x8192xf32, #tpu.memory_space<hbm>> -> memref<1x1024xf32, #tpu.memory_space<hbm>>
        %dma_start3A_1364 = tpu.memref_squeeze %dma_start3A_1363 : memref<1x1024xf32, #tpu.memory_space<hbm>> -> memref<1024xf32, #tpu.memory_space<hbm>>
        tpu.enqueue_dma source(%dma_start3A_1364 : memref<1024xf32, #tpu.memory_space<hbm>>) target(%dma_start3A_1362 : memref<1024xf32, #tpu.memory_space<vmem>>) target_semaphore(%arg9 : memref<!tpu.dma_semaphore, #tpu.memory_space<semaphore_mem>>)
        %add3A_1365 = arith.constant 2 : i32
        %add3A_1366 = arith.addi %mul3A_1340, %add3A_1365 : i32
        %dma_start3A_1367 = arith.constant 2048 : i32
        %dma_start3A_1368 = tpu.memref_slice %arg5[%dma_start3A_1367] : memref<16384xf32, #tpu.memory_space<vmem>> -> memref<1024xf32, #tpu.memory_space<vmem>>
        %dma_start3A_1369 = tpu.memref_slice %arg2[%add3A_1366, %mul3A_1344] : memref<4096x8192xf32, #tpu.memory_space<hbm>> -> memref<1x1024xf32, #tpu.memory_space<hbm>>
        %dma_start3A_1370 = tpu.memref_squeeze %dma_start3A_1369 : memref<1x1024xf32, #tpu.memory_space<hbm>> -> memref<1024xf32, #tpu.memory_space<hbm>>
        %dma_start3A_1371 = arith.constant 2048 : i32
        %dma_start3A_1372 = tpu.memref_slice %arg5[%dma_start3A_1371] : memref<16384xf32, #tpu.memory_space<vmem>> -> memref<1024xf32, #tpu.memory_space<vmem>>
        %dma_start3A_1373 = tpu.memref_slice %arg2[%add3A_1366, %mul3A_1344] : memref<4096x8192xf32, #tpu.memory_space<hbm>> -> memref<1x1024xf32, #tpu.memory_space<hbm>>
        %dma_start3A_1374 = tpu.memref_squeeze %dma_start3A_1373 : memref<1x1024xf32, #tpu.memory_space<hbm>> -> memref<1024xf32, #tpu.memory_space<hbm>>
        tpu.enqueue_dma source(%dma_start3A_1374 : memref<1024xf32, #tpu.memory_space<hbm>>) target(%dma_start3A_1372 : memref<1024xf32, #tpu.memory_space<vmem>>) target_semaphore(%arg9 : memref<!tpu.dma_semaphore, #tpu.memory_space<semaphore_mem>>)
        %add3A_1375 = arith.constant 3 : i32
        %add3A_1376 = arith.addi %mul3A_1340, %add3A_1375 : i32
        %dma_start3A_1377 = arith.constant 3072 : i32
        %dma_start3A_1378 = tpu.memref_slice %arg5[%dma_start3A_1377] : memref<16384xf32, #tpu.memory_space<vmem>> -> memref<1024xf32, #tpu.memory_space<vmem>>
        %dma_start3A_1379 = tpu.memref_slice %arg2[%add3A_1376, %mul3A_1344] : memref<4096x8192xf32, #tpu.memory_space<hbm>> -> memref<1x1024xf32, #tpu.memory_space<hbm>>
        %dma_start3A_1380 = tpu.memref_squeeze %dma_start3A_1379 : memref<1x1024xf32, #tpu.memory_space<hbm>> -> memref<1024xf32, #tpu.memory_space<hbm>>
        %dma_start3A_1381 = arith.constant 3072 : i32
        %dma_start3A_1382 = tpu.memref_slice %arg5[%dma_start3A_1381] : memref<16384xf32, #tpu.memory_space<vmem>> -> memref<1024xf32, #tpu.memory_space<vmem>>
        %dma_start3A_1383 = tpu.memref_slice %arg2[%add3A_1376, %mul3A_1344] : memref<4096x8192xf32, #tpu.memory_space<hbm>> -> memref<1x1024xf32, #tpu.memory_space<hbm>>
        %dma_start3A_1384 = tpu.memref_squeeze %dma_start3A_1383 : memref<1x1024xf32, #tpu.memory_space<hbm>> -> memref<1024xf32, #tpu.memory_space<hbm>>
        tpu.enqueue_dma source(%dma_start3A_1384 : memref<1024xf32, #tpu.memory_space<hbm>>) target(%dma_start3A_1382 : memref<1024xf32, #tpu.memory_space<vmem>>) target_semaphore(%arg9 : memref<!tpu.dma_semaphore, #tpu.memory_space<semaphore_mem>>)
        %add3A_1385 = arith.constant 4 : i32
        %add3A_1386 = arith.addi %mul3A_1340, %add3A_1385 : i32
        %dma_start3A_1387 = arith.constant 4096 : i32
        %dma_start3A_1388 = tpu.memref_slice %arg5[%dma_start3A_1387] : memref<16384xf32, #tpu.memory_space<vmem>> -> memref<1024xf32, #tpu.memory_space<vmem>>
        %dma_start3A_1389 = tpu.memref_slice %arg2[%add3A_1386, %mul3A_1344] : memref<4096x8192xf32, #tpu.memory_space<hbm>> -> memref<1x1024xf32, #tpu.memory_space<hbm>>
        %dma_start3A_1390 = tpu.memref_squeeze %dma_start3A_1389 : memref<1x1024xf32, #tpu.memory_space<hbm>> -> memref<1024xf32, #tpu.memory_space<hbm>>
        %dma_start3A_1391 = arith.constant 4096 : i32
        %dma_start3A_1392 = tpu.memref_slice %arg5[%dma_start3A_1391] : memref<16384xf32, #tpu.memory_space<vmem>> -> memref<1024xf32, #tpu.memory_space<vmem>>
        %dma_start3A_1393 = tpu.memref_slice %arg2[%add3A_1386, %mul3A_1344] : memref<4096x8192xf32, #tpu.memory_space<hbm>> -> memref<1x1024xf32, #tpu.memory_space<hbm>>
        %dma_start3A_1394 = tpu.memref_squeeze %dma_start3A_1393 : memref<1x1024xf32, #tpu.memory_space<hbm>> -> memref<1024xf32, #tpu.memory_space<hbm>>
        tpu.enqueue_dma source(%dma_start3A_1394 : memref<1024xf32, #tpu.memory_space<hbm>>) target(%dma_start3A_1392 : memref<1024xf32, #tpu.memory_space<vmem>>) target_semaphore(%arg9 : memref<!tpu.dma_semaphore, #tpu.memory_space<semaphore_mem>>)
        %add3A_1395 = arith.constant 5 : i32
        %add3A_1396 = arith.addi %mul3A_1340, %add3A_1395 : i32
        %dma_start3A_1397 = arith.constant 5120 : i32
        %dma_start3A_1398 = tpu.memref_slice %arg5[%dma_start3A_1397] : memref<16384xf32, #tpu.memory_space<vmem>> -> memref<1024xf32, #tpu.memory_space<vmem>>
        %dma_start3A_1399 = tpu.memref_slice %arg2[%add3A_1396, %mul3A_1344] : memref<4096x8192xf32, #tpu.memory_space<hbm>> -> memref<1x1024xf32, #tpu.memory_space<hbm>>
        %dma_start3A_1400 = tpu.memref_squeeze %dma_start3A_1399 : memref<1x1024xf32, #tpu.memory_space<hbm>> -> memref<1024xf32, #tpu.memory_space<hbm>>
        %dma_start3A_1401 = arith.constant 5120 : i32
        %dma_start3A_1402 = tpu.memref_slice %arg5[%dma_start3A_1401] : memref<16384xf32, #tpu.memory_space<vmem>> -> memref<1024xf32, #tpu.memory_space<vmem>>
        %dma_start3A_1403 = tpu.memref_slice %arg2[%add3A_1396, %mul3A_1344] : memref<4096x8192xf32, #tpu.memory_space<hbm>> -> memref<1x1024xf32, #tpu.memory_space<hbm>>
        %dma_start3A_1404 = tpu.memref_squeeze %dma_start3A_1403 : memref<1x1024xf32, #tpu.memory_space<hbm>> -> memref<1024xf32, #tpu.memory_space<hbm>>
        tpu.enqueue_dma source(%dma_start3A_1404 : memref<1024xf32, #tpu.memory_space<hbm>>) target(%dma_start3A_1402 : memref<1024xf32, #tpu.memory_space<vmem>>) target_semaphore(%arg9 : memref<!tpu.dma_semaphore, #tpu.memory_space<semaphore_mem>>)
        %add3A_1405 = arith.constant 6 : i32
        %add3A_1406 = arith.addi %mul3A_1340, %add3A_1405 : i32
        %dma_start3A_1407 = arith.constant 6144 : i32
        %dma_start3A_1408 = tpu.memref_slice %arg5[%dma_start3A_1407] : memref<16384xf32, #tpu.memory_space<vmem>> -> memref<1024xf32, #tpu.memory_space<vmem>>
        %dma_start3A_1409 = tpu.memref_slice %arg2[%add3A_1406, %mul3A_1344] : memref<4096x8192xf32, #tpu.memory_space<hbm>> -> memref<1x1024xf32, #tpu.memory_space<hbm>>
        %dma_start3A_1410 = tpu.memref_squeeze %dma_start3A_1409 : memref<1x1024xf32, #tpu.memory_space<hbm>> -> memref<1024xf32, #tpu.memory_space<hbm>>
        %dma_start3A_1411 = arith.constant 6144 : i32
        %dma_start3A_1412 = tpu.memref_slice %arg5[%dma_start3A_1411] : memref<16384xf32, #tpu.memory_space<vmem>> -> memref<1024xf32, #tpu.memory_space<vmem>>
        %dma_start3A_1413 = tpu.memref_slice %arg2[%add3A_1406, %mul3A_1344] : memref<4096x8192xf32, #tpu.memory_space<hbm>> -> memref<1x1024xf32, #tpu.memory_space<hbm>>
        %dma_start3A_1414 = tpu.memref_squeeze %dma_start3A_1413 : memref<1x1024xf32, #tpu.memory_space<hbm>> -> memref<1024xf32, #tpu.memory_space<hbm>>
        tpu.enqueue_dma source(%dma_start3A_1414 : memref<1024xf32, #tpu.memory_space<hbm>>) target(%dma_start3A_1412 : memref<1024xf32, #tpu.memory_space<vmem>>) target_semaphore(%arg9 : memref<!tpu.dma_semaphore, #tpu.memory_space<semaphore_mem>>)
        %add3A_1415 = arith.constant 7 : i32
        %add3A_1416 = arith.addi %mul3A_1340, %add3A_1415 : i32
        %dma_start3A_1417 = arith.constant 7168 : i32
        %dma_start3A_1418 = tpu.memref_slice %arg5[%dma_start3A_1417] : memref<16384xf32, #tpu.memory_space<vmem>> -> memref<1024xf32, #tpu.memory_space<vmem>>
        %dma_start3A_1419 = tpu.memref_slice %arg2[%add3A_1416, %mul3A_1344] : memref<4096x8192xf32, #tpu.memory_space<hbm>> -> memref<1x1024xf32, #tpu.memory_space<hbm>>
        %dma_start3A_1420 = tpu.memref_squeeze %dma_start3A_1419 : memref<1x1024xf32, #tpu.memory_space<hbm>> -> memref<1024xf32, #tpu.memory_space<hbm>>
        %dma_start3A_1421 = arith.constant 7168 : i32
        %dma_start3A_1422 = tpu.memref_slice %arg5[%dma_start3A_1421] : memref<16384xf32, #tpu.memory_space<vmem>> -> memref<1024xf32, #tpu.memory_space<vmem>>
        %dma_start3A_1423 = tpu.memref_slice %arg2[%add3A_1416, %mul3A_1344] : memref<4096x8192xf32, #tpu.memory_space<hbm>> -> memref<1x1024xf32, #tpu.memory_space<hbm>>
        %dma_start3A_1424 = tpu.memref_squeeze %dma_start3A_1423 : memref<1x1024xf32, #tpu.memory_space<hbm>> -> memref<1024xf32, #tpu.memory_space<hbm>>
        tpu.enqueue_dma source(%dma_start3A_1424 : memref<1024xf32, #tpu.memory_space<hbm>>) target(%dma_start3A_1422 : memref<1024xf32, #tpu.memory_space<vmem>>) target_semaphore(%arg9 : memref<!tpu.dma_semaphore, #tpu.memory_space<semaphore_mem>>)
        %add3A_1425 = arith.constant 8 : i32
        %add3A_1426 = arith.addi %mul3A_1340, %add3A_1425 : i32
        %dma_start3A_1427 = arith.constant 8192 : i32
        %dma_start3A_1428 = tpu.memref_slice %arg5[%dma_start3A_1427] : memref<16384xf32, #tpu.memory_space<vmem>> -> memref<1024xf32, #tpu.memory_space<vmem>>
        %dma_start3A_1429 = tpu.memref_slice %arg2[%add3A_1426, %mul3A_1344] : memref<4096x8192xf32, #tpu.memory_space<hbm>> -> memref<1x1024xf32, #tpu.memory_space<hbm>>
        %dma_start3A_1430 = tpu.memref_squeeze %dma_start3A_1429 : memref<1x1024xf32, #tpu.memory_space<hbm>> -> memref<1024xf32, #tpu.memory_space<hbm>>
        %dma_start3A_1431 = arith.constant 8192 : i32
        %dma_start3A_1432 = tpu.memref_slice %arg5[%dma_start3A_1431] : memref<16384xf32, #tpu.memory_space<vmem>> -> memref<1024xf32, #tpu.memory_space<vmem>>
        %dma_start3A_1433 = tpu.memref_slice %arg2[%add3A_1426, %mul3A_1344] : memref<4096x8192xf32, #tpu.memory_space<hbm>> -> memref<1x1024xf32, #tpu.memory_space<hbm>>
        %dma_start3A_1434 = tpu.memref_squeeze %dma_start3A_1433 : memref<1x1024xf32, #tpu.memory_space<hbm>> -> memref<1024xf32, #tpu.memory_space<hbm>>
        tpu.enqueue_dma source(%dma_start3A_1434 : memref<1024xf32, #tpu.memory_space<hbm>>) target(%dma_start3A_1432 : memref<1024xf32, #tpu.memory_space<vmem>>) target_semaphore(%arg9 : memref<!tpu.dma_semaphore, #tpu.memory_space<semaphore_mem>>)
        %add3A_1435 = arith.constant 9 : i32
        %add3A_1436 = arith.addi %mul3A_1340, %add3A_1435 : i32
        %dma_start3A_1437 = arith.constant 9216 : i32
        %dma_start3A_1438 = tpu.memref_slice %arg5[%dma_start3A_1437] : memref<16384xf32, #tpu.memory_space<vmem>> -> memref<1024xf32, #tpu.memory_space<vmem>>
        %dma_start3A_1439 = tpu.memref_slice %arg2[%add3A_1436, %mul3A_1344] : memref<4096x8192xf32, #tpu.memory_space<hbm>> -> memref<1x1024xf32, #tpu.memory_space<hbm>>
        %dma_start3A_1440 = tpu.memref_squeeze %dma_start3A_1439 : memref<1x1024xf32, #tpu.memory_space<hbm>> -> memref<1024xf32, #tpu.memory_space<hbm>>
        %dma_start3A_1441 = arith.constant 9216 : i32
        %dma_start3A_1442 = tpu.memref_slice %arg5[%dma_start3A_1441] : memref<16384xf32, #tpu.memory_space<vmem>> -> memref<1024xf32, #tpu.memory_space<vmem>>
        %dma_start3A_1443 = tpu.memref_slice %arg2[%add3A_1436, %mul3A_1344] : memref<4096x8192xf32, #tpu.memory_space<hbm>> -> memref<1x1024xf32, #tpu.memory_space<hbm>>
        %dma_start3A_1444 = tpu.memref_squeeze %dma_start3A_1443 : memref<1x1024xf32, #tpu.memory_space<hbm>> -> memref<1024xf32, #tpu.memory_space<hbm>>
        tpu.enqueue_dma source(%dma_start3A_1444 : memref<1024xf32, #tpu.memory_space<hbm>>) target(%dma_start3A_1442 : memref<1024xf32, #tpu.memory_space<vmem>>) target_semaphore(%arg9 : memref<!tpu.dma_semaphore, #tpu.memory_space<semaphore_mem>>)
        %add3A_1445 = arith.constant 10 : i32
        %add3A_1446 = arith.addi %mul3A_1340, %add3A_1445 : i32
        %dma_start3A_1447 = arith.constant 10240 : i32
        %dma_start3A_1448 = tpu.memref_slice %arg5[%dma_start3A_1447] : memref<16384xf32, #tpu.memory_space<vmem>> -> memref<1024xf32, #tpu.memory_space<vmem>>
        %dma_start3A_1449 = tpu.memref_slice %arg2[%add3A_1446, %mul3A_1344] : memref<4096x8192xf32, #tpu.memory_space<hbm>> -> memref<1x1024xf32, #tpu.memory_space<hbm>>
        %dma_start3A_1450 = tpu.memref_squeeze %dma_start3A_1449 : memref<1x1024xf32, #tpu.memory_space<hbm>> -> memref<1024xf32, #tpu.memory_space<hbm>>
        %dma_start3A_1451 = arith.constant 10240 : i32
        %dma_start3A_1452 = tpu.memref_slice %arg5[%dma_start3A_1451] : memref<16384xf32, #tpu.memory_space<vmem>> -> memref<1024xf32, #tpu.memory_space<vmem>>
        %dma_start3A_1453 = tpu.memref_slice %arg2[%add3A_1446, %mul3A_1344] : memref<4096x8192xf32, #tpu.memory_space<hbm>> -> memref<1x1024xf32, #tpu.memory_space<hbm>>
        %dma_start3A_1454 = tpu.memref_squeeze %dma_start3A_1453 : memref<1x1024xf32, #tpu.memory_space<hbm>> -> memref<1024xf32, #tpu.memory_space<hbm>>
        tpu.enqueue_dma source(%dma_start3A_1454 : memref<1024xf32, #tpu.memory_space<hbm>>) target(%dma_start3A_1452 : memref<1024xf32, #tpu.memory_space<vmem>>) target_semaphore(%arg9 : memref<!tpu.dma_semaphore, #tpu.memory_space<semaphore_mem>>)
        %add3A_1455 = arith.constant 11 : i32
        %add3A_1456 = arith.addi %mul3A_1340, %add3A_1455 : i32
        %dma_start3A_1457 = arith.constant 11264 : i32
        %dma_start3A_1458 = tpu.memref_slice %arg5[%dma_start3A_1457] : memref<16384xf32, #tpu.memory_space<vmem>> -> memref<1024xf32, #tpu.memory_space<vmem>>
        %dma_start3A_1459 = tpu.memref_slice %arg2[%add3A_1456, %mul3A_1344] : memref<4096x8192xf32, #tpu.memory_space<hbm>> -> memref<1x1024xf32, #tpu.memory_space<hbm>>
        %dma_start3A_1460 = tpu.memref_squeeze %dma_start3A_1459 : memref<1x1024xf32, #tpu.memory_space<hbm>> -> memref<1024xf32, #tpu.memory_space<hbm>>
        %dma_start3A_1461 = arith.constant 11264 : i32
        %dma_start3A_1462 = tpu.memref_slice %arg5[%dma_start3A_1461] : memref<16384xf32, #tpu.memory_space<vmem>> -> memref<1024xf32, #tpu.memory_space<vmem>>
        %dma_start3A_1463 = tpu.memref_slice %arg2[%add3A_1456, %mul3A_1344] : memref<4096x8192xf32, #tpu.memory_space<hbm>> -> memref<1x1024xf32, #tpu.memory_space<hbm>>
        %dma_start3A_1464 = tpu.memref_squeeze %dma_start3A_1463 : memref<1x1024xf32, #tpu.memory_space<hbm>> -> memref<1024xf32, #tpu.memory_space<hbm>>
        tpu.enqueue_dma source(%dma_start3A_1464 : memref<1024xf32, #tpu.memory_space<hbm>>) target(%dma_start3A_1462 : memref<1024xf32, #tpu.memory_space<vmem>>) target_semaphore(%arg9 : memref<!tpu.dma_semaphore, #tpu.memory_space<semaphore_mem>>)
        %add3A_1465 = arith.constant 12 : i32
        %add3A_1466 = arith.addi %mul3A_1340, %add3A_1465 : i32
        %dma_start3A_1467 = arith.constant 12288 : i32
        %dma_start3A_1468 = tpu.memref_slice %arg5[%dma_start3A_1467] : memref<16384xf32, #tpu.memory_space<vmem>> -> memref<1024xf32, #tpu.memory_space<vmem>>
        %dma_start3A_1469 = tpu.memref_slice %arg2[%add3A_1466, %mul3A_1344] : memref<4096x8192xf32, #tpu.memory_space<hbm>> -> memref<1x1024xf32, #tpu.memory_space<hbm>>
        %dma_start3A_1470 = tpu.memref_squeeze %dma_start3A_1469 : memref<1x1024xf32, #tpu.memory_space<hbm>> -> memref<1024xf32, #tpu.memory_space<hbm>>
        %dma_start3A_1471 = arith.constant 12288 : i32
        %dma_start3A_1472 = tpu.memref_slice %arg5[%dma_start3A_1471] : memref<16384xf32, #tpu.memory_space<vmem>> -> memref<1024xf32, #tpu.memory_space<vmem>>
        %dma_start3A_1473 = tpu.memref_slice %arg2[%add3A_1466, %mul3A_1344] : memref<4096x8192xf32, #tpu.memory_space<hbm>> -> memref<1x1024xf32, #tpu.memory_space<hbm>>
        %dma_start3A_1474 = tpu.memref_squeeze %dma_start3A_1473 : memref<1x1024xf32, #tpu.memory_space<hbm>> -> memref<1024xf32, #tpu.memory_space<hbm>>
        tpu.enqueue_dma source(%dma_start3A_1474 : memref<1024xf32, #tpu.memory_space<hbm>>) target(%dma_start3A_1472 : memref<1024xf32, #tpu.memory_space<vmem>>) target_semaphore(%arg9 : memref<!tpu.dma_semaphore, #tpu.memory_space<semaphore_mem>>)
        %add3A_1475 = arith.constant 13 : i32
        %add3A_1476 = arith.addi %mul3A_1340, %add3A_1475 : i32
        %dma_start3A_1477 = arith.constant 13312 : i32
        %dma_start3A_1478 = tpu.memref_slice %arg5[%dma_start3A_1477] : memref<16384xf32, #tpu.memory_space<vmem>> -> memref<1024xf32, #tpu.memory_space<vmem>>
        %dma_start3A_1479 = tpu.memref_slice %arg2[%add3A_1476, %mul3A_1344] : memref<4096x8192xf32, #tpu.memory_space<hbm>> -> memref<1x1024xf32, #tpu.memory_space<hbm>>
        %dma_start3A_1480 = tpu.memref_squeeze %dma_start3A_1479 : memref<1x1024xf32, #tpu.memory_space<hbm>> -> memref<1024xf32, #tpu.memory_space<hbm>>
        %dma_start3A_1481 = arith.constant 13312 : i32
        %dma_start3A_1482 = tpu.memref_slice %arg5[%dma_start3A_1481] : memref<16384xf32, #tpu.memory_space<vmem>> -> memref<1024xf32, #tpu.memory_space<vmem>>
        %dma_start3A_1483 = tpu.memref_slice %arg2[%add3A_1476, %mul3A_1344] : memref<4096x8192xf32, #tpu.memory_space<hbm>> -> memref<1x1024xf32, #tpu.memory_space<hbm>>
        %dma_start3A_1484 = tpu.memref_squeeze %dma_start3A_1483 : memref<1x1024xf32, #tpu.memory_space<hbm>> -> memref<1024xf32, #tpu.memory_space<hbm>>
        tpu.enqueue_dma source(%dma_start3A_1484 : memref<1024xf32, #tpu.memory_space<hbm>>) target(%dma_start3A_1482 : memref<1024xf32, #tpu.memory_space<vmem>>) target_semaphore(%arg9 : memref<!tpu.dma_semaphore, #tpu.memory_space<semaphore_mem>>)
        %add3A_1485 = arith.constant 14 : i32
        %add3A_1486 = arith.addi %mul3A_1340, %add3A_1485 : i32
        %dma_start3A_1487 = arith.constant 14336 : i32
        %dma_start3A_1488 = tpu.memref_slice %arg5[%dma_start3A_1487] : memref<16384xf32, #tpu.memory_space<vmem>> -> memref<1024xf32, #tpu.memory_space<vmem>>
        %dma_start3A_1489 = tpu.memref_slice %arg2[%add3A_1486, %mul3A_1344] : memref<4096x8192xf32, #tpu.memory_space<hbm>> -> memref<1x1024xf32, #tpu.memory_space<hbm>>
        %dma_start3A_1490 = tpu.memref_squeeze %dma_start3A_1489 : memref<1x1024xf32, #tpu.memory_space<hbm>> -> memref<1024xf32, #tpu.memory_space<hbm>>
        %dma_start3A_1491 = arith.constant 14336 : i32
        %dma_start3A_1492 = tpu.memref_slice %arg5[%dma_start3A_1491] : memref<16384xf32, #tpu.memory_space<vmem>> -> memref<1024xf32, #tpu.memory_space<vmem>>
        %dma_start3A_1493 = tpu.memref_slice %arg2[%add3A_1486, %mul3A_1344] : memref<4096x8192xf32, #tpu.memory_space<hbm>> -> memref<1x1024xf32, #tpu.memory_space<hbm>>
        %dma_start3A_1494 = tpu.memref_squeeze %dma_start3A_1493 : memref<1x1024xf32, #tpu.memory_space<hbm>> -> memref<1024xf32, #tpu.memory_space<hbm>>
        tpu.enqueue_dma source(%dma_start3A_1494 : memref<1024xf32, #tpu.memory_space<hbm>>) target(%dma_start3A_1492 : memref<1024xf32, #tpu.memory_space<vmem>>) target_semaphore(%arg9 : memref<!tpu.dma_semaphore, #tpu.memory_space<semaphore_mem>>)
        %add3A_1495 = arith.constant 15 : i32
        %add3A_1496 = arith.addi %mul3A_1340, %add3A_1495 : i32
        %dma_start3A_1497 = arith.constant 15360 : i32
        %dma_start3A_1498 = tpu.memref_slice %arg5[%dma_start3A_1497] : memref<16384xf32, #tpu.memory_space<vmem>> -> memref<1024xf32, #tpu.memory_space<vmem>>
        %dma_start3A_1499 = tpu.memref_slice %arg2[%add3A_1496, %mul3A_1344] : memref<4096x8192xf32, #tpu.memory_space<hbm>> -> memref<1x1024xf32, #tpu.memory_space<hbm>>
        %dma_start3A_1500 = tpu.memref_squeeze %dma_start3A_1499 : memref<1x1024xf32, #tpu.memory_space<hbm>> -> memref<1024xf32, #tpu.memory_space<hbm>>
        %dma_start3A_1501 = arith.constant 15360 : i32
        %dma_start3A_1502 = tpu.memref_slice %arg5[%dma_start3A_1501] : memref<16384xf32, #tpu.memory_space<vmem>> -> memref<1024xf32, #tpu.memory_space<vmem>>
        %dma_start3A_1503 = tpu.memref_slice %arg2[%add3A_1496, %mul3A_1344] : memref<4096x8192xf32, #tpu.memory_space<hbm>> -> memref<1x1024xf32, #tpu.memory_space<hbm>>
        %dma_start3A_1504 = tpu.memref_squeeze %dma_start3A_1503 : memref<1x1024xf32, #tpu.memory_space<hbm>> -> memref<1024xf32, #tpu.memory_space<hbm>>
        tpu.enqueue_dma source(%dma_start3A_1504 : memref<1024xf32, #tpu.memory_space<hbm>>) target(%dma_start3A_1502 : memref<1024xf32, #tpu.memory_space<vmem>>) target_semaphore(%arg9 : memref<!tpu.dma_semaphore, #tpu.memory_space<semaphore_mem>>)
      } else {
      }
      %add3A_566 = arith.constant 0 : i32
      %add3A_567 = arith.addi %mul3A_553, %add3A_566 : i32
      %dma_wait3A_568 = arith.constant 0 : i32
      %dma_wait3A_569 = tpu.memref_slice %arg4[%dma_wait3A_568] : memref<16384xf32, #tpu.memory_space<vmem>> -> memref<1024xf32, #tpu.memory_space<vmem>>
      %dma_wait3A_570 = tpu.memref_slice %arg2[%add3A_567, %mul3A_557] : memref<4096x8192xf32, #tpu.memory_space<hbm>> -> memref<1x1024xf32, #tpu.memory_space<hbm>>
      %dma_wait3A_571 = tpu.memref_squeeze %dma_wait3A_570 : memref<1x1024xf32, #tpu.memory_space<hbm>> -> memref<1024xf32, #tpu.memory_space<hbm>>
      %dma_wait3A_572 = arith.constant 0 : i32
      %dma_wait3A_573 = tpu.memref_slice %arg4[%dma_wait3A_572] : memref<16384xf32, #tpu.memory_space<vmem>> -> memref<1024xf32, #tpu.memory_space<vmem>>
      %dma_wait3A_574 = tpu.memref_slice %arg2[%add3A_567, %mul3A_557] : memref<4096x8192xf32, #tpu.memory_space<hbm>> -> memref<1x1024xf32, #tpu.memory_space<hbm>>
      %dma_wait3A_575 = tpu.memref_squeeze %dma_wait3A_574 : memref<1x1024xf32, #tpu.memory_space<hbm>> -> memref<1024xf32, #tpu.memory_space<hbm>>
      tpu.wait_dma2 semaphore(%arg8 : memref<!tpu.dma_semaphore, #tpu.memory_space<semaphore_mem>>) src(%dma_wait3A_575 : memref<1024xf32, #tpu.memory_space<hbm>>) dst(%dma_wait3A_573 : memref<1024xf32, #tpu.memory_space<vmem>>)
      %add3A_576 = arith.constant 1 : i32
      %add3A_577 = arith.addi %mul3A_553, %add3A_576 : i32
      %dma_wait3A_578 = arith.constant 1024 : i32
      %dma_wait3A_579 = tpu.memref_slice %arg4[%dma_wait3A_578] : memref<16384xf32, #tpu.memory_space<vmem>> -> memref<1024xf32, #tpu.memory_space<vmem>>
      %dma_wait3A_580 = tpu.memref_slice %arg2[%add3A_577, %mul3A_557] : memref<4096x8192xf32, #tpu.memory_space<hbm>> -> memref<1x1024xf32, #tpu.memory_space<hbm>>
      %dma_wait3A_581 = tpu.memref_squeeze %dma_wait3A_580 : memref<1x1024xf32, #tpu.memory_space<hbm>> -> memref<1024xf32, #tpu.memory_space<hbm>>
      %dma_wait3A_582 = arith.constant 1024 : i32
      %dma_wait3A_583 = tpu.memref_slice %arg4[%dma_wait3A_582] : memref<16384xf32, #tpu.memory_space<vmem>> -> memref<1024xf32, #tpu.memory_space<vmem>>
      %dma_wait3A_584 = tpu.memref_slice %arg2[%add3A_577, %mul3A_557] : memref<4096x8192xf32, #tpu.memory_space<hbm>> -> memref<1x1024xf32, #tpu.memory_space<hbm>>
      %dma_wait3A_585 = tpu.memref_squeeze %dma_wait3A_584 : memref<1x1024xf32, #tpu.memory_space<hbm>> -> memref<1024xf32, #tpu.memory_space<hbm>>
      tpu.wait_dma2 semaphore(%arg8 : memref<!tpu.dma_semaphore, #tpu.memory_space<semaphore_mem>>) src(%dma_wait3A_585 : memref<1024xf32, #tpu.memory_space<hbm>>) dst(%dma_wait3A_583 : memref<1024xf32, #tpu.memory_space<vmem>>)
      %add3A_586 = arith.constant 2 : i32
      %add3A_587 = arith.addi %mul3A_553, %add3A_586 : i32
      %dma_wait3A_588 = arith.constant 2048 : i32
      %dma_wait3A_589 = tpu.memref_slice %arg4[%dma_wait3A_588] : memref<16384xf32, #tpu.memory_space<vmem>> -> memref<1024xf32, #tpu.memory_space<vmem>>
      %dma_wait3A_590 = tpu.memref_slice %arg2[%add3A_587, %mul3A_557] : memref<4096x8192xf32, #tpu.memory_space<hbm>> -> memref<1x1024xf32, #tpu.memory_space<hbm>>
      %dma_wait3A_591 = tpu.memref_squeeze %dma_wait3A_590 : memref<1x1024xf32, #tpu.memory_space<hbm>> -> memref<1024xf32, #tpu.memory_space<hbm>>
      %dma_wait3A_592 = arith.constant 2048 : i32
      %dma_wait3A_593 = tpu.memref_slice %arg4[%dma_wait3A_592] : memref<16384xf32, #tpu.memory_space<vmem>> -> memref<1024xf32, #tpu.memory_space<vmem>>
      %dma_wait3A_594 = tpu.memref_slice %arg2[%add3A_587, %mul3A_557] : memref<4096x8192xf32, #tpu.memory_space<hbm>> -> memref<1x1024xf32, #tpu.memory_space<hbm>>
      %dma_wait3A_595 = tpu.memref_squeeze %dma_wait3A_594 : memref<1x1024xf32, #tpu.memory_space<hbm>> -> memref<1024xf32, #tpu.memory_space<hbm>>
      tpu.wait_dma2 semaphore(%arg8 : memref<!tpu.dma_semaphore, #tpu.memory_space<semaphore_mem>>) src(%dma_wait3A_595 : memref<1024xf32, #tpu.memory_space<hbm>>) dst(%dma_wait3A_593 : memref<1024xf32, #tpu.memory_space<vmem>>)
      %add3A_596 = arith.constant 3 : i32
      %add3A_597 = arith.addi %mul3A_553, %add3A_596 : i32
      %dma_wait3A_598 = arith.constant 3072 : i32
      %dma_wait3A_599 = tpu.memref_slice %arg4[%dma_wait3A_598] : memref<16384xf32, #tpu.memory_space<vmem>> -> memref<1024xf32, #tpu.memory_space<vmem>>
      %dma_wait3A_600 = tpu.memref_slice %arg2[%add3A_597, %mul3A_557] : memref<4096x8192xf32, #tpu.memory_space<hbm>> -> memref<1x1024xf32, #tpu.memory_space<hbm>>
      %dma_wait3A_601 = tpu.memref_squeeze %dma_wait3A_600 : memref<1x1024xf32, #tpu.memory_space<hbm>> -> memref<1024xf32, #tpu.memory_space<hbm>>
      %dma_wait3A_602 = arith.constant 3072 : i32
      %dma_wait3A_603 = tpu.memref_slice %arg4[%dma_wait3A_602] : memref<16384xf32, #tpu.memory_space<vmem>> -> memref<1024xf32, #tpu.memory_space<vmem>>
      %dma_wait3A_604 = tpu.memref_slice %arg2[%add3A_597, %mul3A_557] : memref<4096x8192xf32, #tpu.memory_space<hbm>> -> memref<1x1024xf32, #tpu.memory_space<hbm>>
      %dma_wait3A_605 = tpu.memref_squeeze %dma_wait3A_604 : memref<1x1024xf32, #tpu.memory_space<hbm>> -> memref<1024xf32, #tpu.memory_space<hbm>>
      tpu.wait_dma2 semaphore(%arg8 : memref<!tpu.dma_semaphore, #tpu.memory_space<semaphore_mem>>) src(%dma_wait3A_605 : memref<1024xf32, #tpu.memory_space<hbm>>) dst(%dma_wait3A_603 : memref<1024xf32, #tpu.memory_space<vmem>>)
      %add3A_606 = arith.constant 4 : i32
      %add3A_607 = arith.addi %mul3A_553, %add3A_606 : i32
      %dma_wait3A_608 = arith.constant 4096 : i32
      %dma_wait3A_609 = tpu.memref_slice %arg4[%dma_wait3A_608] : memref<16384xf32, #tpu.memory_space<vmem>> -> memref<1024xf32, #tpu.memory_space<vmem>>
      %dma_wait3A_610 = tpu.memref_slice %arg2[%add3A_607, %mul3A_557] : memref<4096x8192xf32, #tpu.memory_space<hbm>> -> memref<1x1024xf32, #tpu.memory_space<hbm>>
      %dma_wait3A_611 = tpu.memref_squeeze %dma_wait3A_610 : memref<1x1024xf32, #tpu.memory_space<hbm>> -> memref<1024xf32, #tpu.memory_space<hbm>>
      %dma_wait3A_612 = arith.constant 4096 : i32
      %dma_wait3A_613 = tpu.memref_slice %arg4[%dma_wait3A_612] : memref<16384xf32, #tpu.memory_space<vmem>> -> memref<1024xf32, #tpu.memory_space<vmem>>
      %dma_wait3A_614 = tpu.memref_slice %arg2[%add3A_607, %mul3A_557] : memref<4096x8192xf32, #tpu.memory_space<hbm>> -> memref<1x1024xf32, #tpu.memory_space<hbm>>
      %dma_wait3A_615 = tpu.memref_squeeze %dma_wait3A_614 : memref<1x1024xf32, #tpu.memory_space<hbm>> -> memref<1024xf32, #tpu.memory_space<hbm>>
      tpu.wait_dma2 semaphore(%arg8 : memref<!tpu.dma_semaphore, #tpu.memory_space<semaphore_mem>>) src(%dma_wait3A_615 : memref<1024xf32, #tpu.memory_space<hbm>>) dst(%dma_wait3A_613 : memref<1024xf32, #tpu.memory_space<vmem>>)
      %add3A_616 = arith.constant 5 : i32
      %add3A_617 = arith.addi %mul3A_553, %add3A_616 : i32
      %dma_wait3A_618 = arith.constant 5120 : i32
      %dma_wait3A_619 = tpu.memref_slice %arg4[%dma_wait3A_618] : memref<16384xf32, #tpu.memory_space<vmem>> -> memref<1024xf32, #tpu.memory_space<vmem>>
      %dma_wait3A_620 = tpu.memref_slice %arg2[%add3A_617, %mul3A_557] : memref<4096x8192xf32, #tpu.memory_space<hbm>> -> memref<1x1024xf32, #tpu.memory_space<hbm>>
      %dma_wait3A_621 = tpu.memref_squeeze %dma_wait3A_620 : memref<1x1024xf32, #tpu.memory_space<hbm>> -> memref<1024xf32, #tpu.memory_space<hbm>>
      %dma_wait3A_622 = arith.constant 5120 : i32
      %dma_wait3A_623 = tpu.memref_slice %arg4[%dma_wait3A_622] : memref<16384xf32, #tpu.memory_space<vmem>> -> memref<1024xf32, #tpu.memory_space<vmem>>
      %dma_wait3A_624 = tpu.memref_slice %arg2[%add3A_617, %mul3A_557] : memref<4096x8192xf32, #tpu.memory_space<hbm>> -> memref<1x1024xf32, #tpu.memory_space<hbm>>
      %dma_wait3A_625 = tpu.memref_squeeze %dma_wait3A_624 : memref<1x1024xf32, #tpu.memory_space<hbm>> -> memref<1024xf32, #tpu.memory_space<hbm>>
      tpu.wait_dma2 semaphore(%arg8 : memref<!tpu.dma_semaphore, #tpu.memory_space<semaphore_mem>>) src(%dma_wait3A_625 : memref<1024xf32, #tpu.memory_space<hbm>>) dst(%dma_wait3A_623 : memref<1024xf32, #tpu.memory_space<vmem>>)
      %add3A_626 = arith.constant 6 : i32
      %add3A_627 = arith.addi %mul3A_553, %add3A_626 : i32
      %dma_wait3A_628 = arith.constant 6144 : i32
      %dma_wait3A_629 = tpu.memref_slice %arg4[%dma_wait3A_628] : memref<16384xf32, #tpu.memory_space<vmem>> -> memref<1024xf32, #tpu.memory_space<vmem>>
      %dma_wait3A_630 = tpu.memref_slice %arg2[%add3A_627, %mul3A_557] : memref<4096x8192xf32, #tpu.memory_space<hbm>> -> memref<1x1024xf32, #tpu.memory_space<hbm>>
      %dma_wait3A_631 = tpu.memref_squeeze %dma_wait3A_630 : memref<1x1024xf32, #tpu.memory_space<hbm>> -> memref<1024xf32, #tpu.memory_space<hbm>>
      %dma_wait3A_632 = arith.constant 6144 : i32
      %dma_wait3A_633 = tpu.memref_slice %arg4[%dma_wait3A_632] : memref<16384xf32, #tpu.memory_space<vmem>> -> memref<1024xf32, #tpu.memory_space<vmem>>
      %dma_wait3A_634 = tpu.memref_slice %arg2[%add3A_627, %mul3A_557] : memref<4096x8192xf32, #tpu.memory_space<hbm>> -> memref<1x1024xf32, #tpu.memory_space<hbm>>
      %dma_wait3A_635 = tpu.memref_squeeze %dma_wait3A_634 : memref<1x1024xf32, #tpu.memory_space<hbm>> -> memref<1024xf32, #tpu.memory_space<hbm>>
      tpu.wait_dma2 semaphore(%arg8 : memref<!tpu.dma_semaphore, #tpu.memory_space<semaphore_mem>>) src(%dma_wait3A_635 : memref<1024xf32, #tpu.memory_space<hbm>>) dst(%dma_wait3A_633 : memref<1024xf32, #tpu.memory_space<vmem>>)
      %add3A_636 = arith.constant 7 : i32
      %add3A_637 = arith.addi %mul3A_553, %add3A_636 : i32
      %dma_wait3A_638 = arith.constant 7168 : i32
      %dma_wait3A_639 = tpu.memref_slice %arg4[%dma_wait3A_638] : memref<16384xf32, #tpu.memory_space<vmem>> -> memref<1024xf32, #tpu.memory_space<vmem>>
      %dma_wait3A_640 = tpu.memref_slice %arg2[%add3A_637, %mul3A_557] : memref<4096x8192xf32, #tpu.memory_space<hbm>> -> memref<1x1024xf32, #tpu.memory_space<hbm>>
      %dma_wait3A_641 = tpu.memref_squeeze %dma_wait3A_640 : memref<1x1024xf32, #tpu.memory_space<hbm>> -> memref<1024xf32, #tpu.memory_space<hbm>>
      %dma_wait3A_642 = arith.constant 7168 : i32
      %dma_wait3A_643 = tpu.memref_slice %arg4[%dma_wait3A_642] : memref<16384xf32, #tpu.memory_space<vmem>> -> memref<1024xf32, #tpu.memory_space<vmem>>
      %dma_wait3A_644 = tpu.memref_slice %arg2[%add3A_637, %mul3A_557] : memref<4096x8192xf32, #tpu.memory_space<hbm>> -> memref<1x1024xf32, #tpu.memory_space<hbm>>
      %dma_wait3A_645 = tpu.memref_squeeze %dma_wait3A_644 : memref<1x1024xf32, #tpu.memory_space<hbm>> -> memref<1024xf32, #tpu.memory_space<hbm>>
      tpu.wait_dma2 semaphore(%arg8 : memref<!tpu.dma_semaphore, #tpu.memory_space<semaphore_mem>>) src(%dma_wait3A_645 : memref<1024xf32, #tpu.memory_space<hbm>>) dst(%dma_wait3A_643 : memref<1024xf32, #tpu.memory_space<vmem>>)
      %add3A_646 = arith.constant 8 : i32
      %add3A_647 = arith.addi %mul3A_553, %add3A_646 : i32
      %dma_wait3A_648 = arith.constant 8192 : i32
      %dma_wait3A_649 = tpu.memref_slice %arg4[%dma_wait3A_648] : memref<16384xf32, #tpu.memory_space<vmem>> -> memref<1024xf32, #tpu.memory_space<vmem>>
      %dma_wait3A_650 = tpu.memref_slice %arg2[%add3A_647, %mul3A_557] : memref<4096x8192xf32, #tpu.memory_space<hbm>> -> memref<1x1024xf32, #tpu.memory_space<hbm>>
      %dma_wait3A_651 = tpu.memref_squeeze %dma_wait3A_650 : memref<1x1024xf32, #tpu.memory_space<hbm>> -> memref<1024xf32, #tpu.memory_space<hbm>>
      %dma_wait3A_652 = arith.constant 8192 : i32
      %dma_wait3A_653 = tpu.memref_slice %arg4[%dma_wait3A_652] : memref<16384xf32, #tpu.memory_space<vmem>> -> memref<1024xf32, #tpu.memory_space<vmem>>
      %dma_wait3A_654 = tpu.memref_slice %arg2[%add3A_647, %mul3A_557] : memref<4096x8192xf32, #tpu.memory_space<hbm>> -> memref<1x1024xf32, #tpu.memory_space<hbm>>
      %dma_wait3A_655 = tpu.memref_squeeze %dma_wait3A_654 : memref<1x1024xf32, #tpu.memory_space<hbm>> -> memref<1024xf32, #tpu.memory_space<hbm>>
      tpu.wait_dma2 semaphore(%arg8 : memref<!tpu.dma_semaphore, #tpu.memory_space<semaphore_mem>>) src(%dma_wait3A_655 : memref<1024xf32, #tpu.memory_space<hbm>>) dst(%dma_wait3A_653 : memref<1024xf32, #tpu.memory_space<vmem>>)
      %add3A_656 = arith.constant 9 : i32
      %add3A_657 = arith.addi %mul3A_553, %add3A_656 : i32
      %dma_wait3A_658 = arith.constant 9216 : i32
      %dma_wait3A_659 = tpu.memref_slice %arg4[%dma_wait3A_658] : memref<16384xf32, #tpu.memory_space<vmem>> -> memref<1024xf32, #tpu.memory_space<vmem>>
      %dma_wait3A_660 = tpu.memref_slice %arg2[%add3A_657, %mul3A_557] : memref<4096x8192xf32, #tpu.memory_space<hbm>> -> memref<1x1024xf32, #tpu.memory_space<hbm>>
      %dma_wait3A_661 = tpu.memref_squeeze %dma_wait3A_660 : memref<1x1024xf32, #tpu.memory_space<hbm>> -> memref<1024xf32, #tpu.memory_space<hbm>>
      %dma_wait3A_662 = arith.constant 9216 : i32
      %dma_wait3A_663 = tpu.memref_slice %arg4[%dma_wait3A_662] : memref<16384xf32, #tpu.memory_space<vmem>> -> memref<1024xf32, #tpu.memory_space<vmem>>
      %dma_wait3A_664 = tpu.memref_slice %arg2[%add3A_657, %mul3A_557] : memref<4096x8192xf32, #tpu.memory_space<hbm>> -> memref<1x1024xf32, #tpu.memory_space<hbm>>
      %dma_wait3A_665 = tpu.memref_squeeze %dma_wait3A_664 : memref<1x1024xf32, #tpu.memory_space<hbm>> -> memref<1024xf32, #tpu.memory_space<hbm>>
      tpu.wait_dma2 semaphore(%arg8 : memref<!tpu.dma_semaphore, #tpu.memory_space<semaphore_mem>>) src(%dma_wait3A_665 : memref<1024xf32, #tpu.memory_space<hbm>>) dst(%dma_wait3A_663 : memref<1024xf32, #tpu.memory_space<vmem>>)
      %add3A_666 = arith.constant 10 : i32
      %add3A_667 = arith.addi %mul3A_553, %add3A_666 : i32
      %dma_wait3A_668 = arith.constant 10240 : i32
      %dma_wait3A_669 = tpu.memref_slice %arg4[%dma_wait3A_668] : memref<16384xf32, #tpu.memory_space<vmem>> -> memref<1024xf32, #tpu.memory_space<vmem>>
      %dma_wait3A_670 = tpu.memref_slice %arg2[%add3A_667, %mul3A_557] : memref<4096x8192xf32, #tpu.memory_space<hbm>> -> memref<1x1024xf32, #tpu.memory_space<hbm>>
      %dma_wait3A_671 = tpu.memref_squeeze %dma_wait3A_670 : memref<1x1024xf32, #tpu.memory_space<hbm>> -> memref<1024xf32, #tpu.memory_space<hbm>>
      %dma_wait3A_672 = arith.constant 10240 : i32
      %dma_wait3A_673 = tpu.memref_slice %arg4[%dma_wait3A_672] : memref<16384xf32, #tpu.memory_space<vmem>> -> memref<1024xf32, #tpu.memory_space<vmem>>
      %dma_wait3A_674 = tpu.memref_slice %arg2[%add3A_667, %mul3A_557] : memref<4096x8192xf32, #tpu.memory_space<hbm>> -> memref<1x1024xf32, #tpu.memory_space<hbm>>
      %dma_wait3A_675 = tpu.memref_squeeze %dma_wait3A_674 : memref<1x1024xf32, #tpu.memory_space<hbm>> -> memref<1024xf32, #tpu.memory_space<hbm>>
      tpu.wait_dma2 semaphore(%arg8 : memref<!tpu.dma_semaphore, #tpu.memory_space<semaphore_mem>>) src(%dma_wait3A_675 : memref<1024xf32, #tpu.memory_space<hbm>>) dst(%dma_wait3A_673 : memref<1024xf32, #tpu.memory_space<vmem>>)
      %add3A_676 = arith.constant 11 : i32
      %add3A_677 = arith.addi %mul3A_553, %add3A_676 : i32
      %dma_wait3A_678 = arith.constant 11264 : i32
      %dma_wait3A_679 = tpu.memref_slice %arg4[%dma_wait3A_678] : memref<16384xf32, #tpu.memory_space<vmem>> -> memref<1024xf32, #tpu.memory_space<vmem>>
      %dma_wait3A_680 = tpu.memref_slice %arg2[%add3A_677, %mul3A_557] : memref<4096x8192xf32, #tpu.memory_space<hbm>> -> memref<1x1024xf32, #tpu.memory_space<hbm>>
      %dma_wait3A_681 = tpu.memref_squeeze %dma_wait3A_680 : memref<1x1024xf32, #tpu.memory_space<hbm>> -> memref<1024xf32, #tpu.memory_space<hbm>>
      %dma_wait3A_682 = arith.constant 11264 : i32
      %dma_wait3A_683 = tpu.memref_slice %arg4[%dma_wait3A_682] : memref<16384xf32, #tpu.memory_space<vmem>> -> memref<1024xf32, #tpu.memory_space<vmem>>
      %dma_wait3A_684 = tpu.memref_slice %arg2[%add3A_677, %mul3A_557] : memref<4096x8192xf32, #tpu.memory_space<hbm>> -> memref<1x1024xf32, #tpu.memory_space<hbm>>
      %dma_wait3A_685 = tpu.memref_squeeze %dma_wait3A_684 : memref<1x1024xf32, #tpu.memory_space<hbm>> -> memref<1024xf32, #tpu.memory_space<hbm>>
      tpu.wait_dma2 semaphore(%arg8 : memref<!tpu.dma_semaphore, #tpu.memory_space<semaphore_mem>>) src(%dma_wait3A_685 : memref<1024xf32, #tpu.memory_space<hbm>>) dst(%dma_wait3A_683 : memref<1024xf32, #tpu.memory_space<vmem>>)
      %add3A_686 = arith.constant 12 : i32
      %add3A_687 = arith.addi %mul3A_553, %add3A_686 : i32
      %dma_wait3A_688 = arith.constant 12288 : i32
      %dma_wait3A_689 = tpu.memref_slice %arg4[%dma_wait3A_688] : memref<16384xf32, #tpu.memory_space<vmem>> -> memref<1024xf32, #tpu.memory_space<vmem>>
      %dma_wait3A_690 = tpu.memref_slice %arg2[%add3A_687, %mul3A_557] : memref<4096x8192xf32, #tpu.memory_space<hbm>> -> memref<1x1024xf32, #tpu.memory_space<hbm>>
      %dma_wait3A_691 = tpu.memref_squeeze %dma_wait3A_690 : memref<1x1024xf32, #tpu.memory_space<hbm>> -> memref<1024xf32, #tpu.memory_space<hbm>>
      %dma_wait3A_692 = arith.constant 12288 : i32
      %dma_wait3A_693 = tpu.memref_slice %arg4[%dma_wait3A_692] : memref<16384xf32, #tpu.memory_space<vmem>> -> memref<1024xf32, #tpu.memory_space<vmem>>
      %dma_wait3A_694 = tpu.memref_slice %arg2[%add3A_687, %mul3A_557] : memref<4096x8192xf32, #tpu.memory_space<hbm>> -> memref<1x1024xf32, #tpu.memory_space<hbm>>
      %dma_wait3A_695 = tpu.memref_squeeze %dma_wait3A_694 : memref<1x1024xf32, #tpu.memory_space<hbm>> -> memref<1024xf32, #tpu.memory_space<hbm>>
      tpu.wait_dma2 semaphore(%arg8 : memref<!tpu.dma_semaphore, #tpu.memory_space<semaphore_mem>>) src(%dma_wait3A_695 : memref<1024xf32, #tpu.memory_space<hbm>>) dst(%dma_wait3A_693 : memref<1024xf32, #tpu.memory_space<vmem>>)
      %add3A_696 = arith.constant 13 : i32
      %add3A_697 = arith.addi %mul3A_553, %add3A_696 : i32
      %dma_wait3A_698 = arith.constant 13312 : i32
      %dma_wait3A_699 = tpu.memref_slice %arg4[%dma_wait3A_698] : memref<16384xf32, #tpu.memory_space<vmem>> -> memref<1024xf32, #tpu.memory_space<vmem>>
      %dma_wait3A_700 = tpu.memref_slice %arg2[%add3A_697, %mul3A_557] : memref<4096x8192xf32, #tpu.memory_space<hbm>> -> memref<1x1024xf32, #tpu.memory_space<hbm>>
      %dma_wait3A_701 = tpu.memref_squeeze %dma_wait3A_700 : memref<1x1024xf32, #tpu.memory_space<hbm>> -> memref<1024xf32, #tpu.memory_space<hbm>>
      %dma_wait3A_702 = arith.constant 13312 : i32
      %dma_wait3A_703 = tpu.memref_slice %arg4[%dma_wait3A_702] : memref<16384xf32, #tpu.memory_space<vmem>> -> memref<1024xf32, #tpu.memory_space<vmem>>
      %dma_wait3A_704 = tpu.memref_slice %arg2[%add3A_697, %mul3A_557] : memref<4096x8192xf32, #tpu.memory_space<hbm>> -> memref<1x1024xf32, #tpu.memory_space<hbm>>
      %dma_wait3A_705 = tpu.memref_squeeze %dma_wait3A_704 : memref<1x1024xf32, #tpu.memory_space<hbm>> -> memref<1024xf32, #tpu.memory_space<hbm>>
      tpu.wait_dma2 semaphore(%arg8 : memref<!tpu.dma_semaphore, #tpu.memory_space<semaphore_mem>>) src(%dma_wait3A_705 : memref<1024xf32, #tpu.memory_space<hbm>>) dst(%dma_wait3A_703 : memref<1024xf32, #tpu.memory_space<vmem>>)
      %add3A_706 = arith.constant 14 : i32
      %add3A_707 = arith.addi %mul3A_553, %add3A_706 : i32
      %dma_wait3A_708 = arith.constant 14336 : i32
      %dma_wait3A_709 = tpu.memref_slice %arg4[%dma_wait3A_708] : memref<16384xf32, #tpu.memory_space<vmem>> -> memref<1024xf32, #tpu.memory_space<vmem>>
      %dma_wait3A_710 = tpu.memref_slice %arg2[%add3A_707, %mul3A_557] : memref<4096x8192xf32, #tpu.memory_space<hbm>> -> memref<1x1024xf32, #tpu.memory_space<hbm>>
      %dma_wait3A_711 = tpu.memref_squeeze %dma_wait3A_710 : memref<1x1024xf32, #tpu.memory_space<hbm>> -> memref<1024xf32, #tpu.memory_space<hbm>>
      %dma_wait3A_712 = arith.constant 14336 : i32
      %dma_wait3A_713 = tpu.memref_slice %arg4[%dma_wait3A_712] : memref<16384xf32, #tpu.memory_space<vmem>> -> memref<1024xf32, #tpu.memory_space<vmem>>
      %dma_wait3A_714 = tpu.memref_slice %arg2[%add3A_707, %mul3A_557] : memref<4096x8192xf32, #tpu.memory_space<hbm>> -> memref<1x1024xf32, #tpu.memory_space<hbm>>
      %dma_wait3A_715 = tpu.memref_squeeze %dma_wait3A_714 : memref<1x1024xf32, #tpu.memory_space<hbm>> -> memref<1024xf32, #tpu.memory_space<hbm>>
      tpu.wait_dma2 semaphore(%arg8 : memref<!tpu.dma_semaphore, #tpu.memory_space<semaphore_mem>>) src(%dma_wait3A_715 : memref<1024xf32, #tpu.memory_space<hbm>>) dst(%dma_wait3A_713 : memref<1024xf32, #tpu.memory_space<vmem>>)
      %add3A_716 = arith.constant 15 : i32
      %add3A_717 = arith.addi %mul3A_553, %add3A_716 : i32
      %dma_wait3A_718 = arith.constant 15360 : i32
      %dma_wait3A_719 = tpu.memref_slice %arg4[%dma_wait3A_718] : memref<16384xf32, #tpu.memory_space<vmem>> -> memref<1024xf32, #tpu.memory_space<vmem>>
      %dma_wait3A_720 = tpu.memref_slice %arg2[%add3A_717, %mul3A_557] : memref<4096x8192xf32, #tpu.memory_space<hbm>> -> memref<1x1024xf32, #tpu.memory_space<hbm>>
      %dma_wait3A_721 = tpu.memref_squeeze %dma_wait3A_720 : memref<1x1024xf32, #tpu.memory_space<hbm>> -> memref<1024xf32, #tpu.memory_space<hbm>>
      %dma_wait3A_722 = arith.constant 15360 : i32
      %dma_wait3A_723 = tpu.memref_slice %arg4[%dma_wait3A_722] : memref<16384xf32, #tpu.memory_space<vmem>> -> memref<1024xf32, #tpu.memory_space<vmem>>
      %dma_wait3A_724 = tpu.memref_slice %arg2[%add3A_717, %mul3A_557] : memref<4096x8192xf32, #tpu.memory_space<hbm>> -> memref<1x1024xf32, #tpu.memory_space<hbm>>
      %dma_wait3A_725 = tpu.memref_squeeze %dma_wait3A_724 : memref<1x1024xf32, #tpu.memory_space<hbm>> -> memref<1024xf32, #tpu.memory_space<hbm>>
      tpu.wait_dma2 semaphore(%arg8 : memref<!tpu.dma_semaphore, #tpu.memory_space<semaphore_mem>>) src(%dma_wait3A_725 : memref<1024xf32, #tpu.memory_space<hbm>>) dst(%dma_wait3A_723 : memref<1024xf32, #tpu.memory_space<vmem>>)
      %ge3A = arith.constant 2 : i32
      %ge3A_726 = arith.cmpi sge, %mul3A_528, %ge3A : i32
      %convert_element_type3A_727 = arith.extui %ge3A_726 : i1 to i32
      %cond3A_728 = arith.constant 0 : i32
      %cond3A_729 = arith.cmpi ne, %convert_element_type3A_727, %cond3A_728 : i32
      scf.if %cond3A_729 {
        %add3A_1308 = arith.constant 0 : i32
        %add3A_1309 = arith.addi %mul3A_553, %add3A_1308 : i32
        %dma_wait3A_1310 = arith.constant 0 : i32
        %dma_wait3A_1311 = tpu.memref_slice %arg6[%dma_wait3A_1310] : memref<16384xf32, #tpu.memory_space<vmem>> -> memref<1024xf32, #tpu.memory_space<vmem>>
        %dma_wait3A_1312 = tpu.memref_slice %arg2[%add3A_1309, %mul3A_557] : memref<4096x8192xf32, #tpu.memory_space<hbm>> -> memref<1x1024xf32, #tpu.memory_space<hbm>>
        %dma_wait3A_1313 = tpu.memref_squeeze %dma_wait3A_1312 : memref<1x1024xf32, #tpu.memory_space<hbm>> -> memref<1024xf32, #tpu.memory_space<hbm>>
        %dma_wait3A_1314 = arith.constant 0 : i32
        %dma_wait3A_1315 = tpu.memref_slice %arg6[%dma_wait3A_1314] : memref<16384xf32, #tpu.memory_space<vmem>> -> memref<1024xf32, #tpu.memory_space<vmem>>
        %dma_wait3A_1316 = tpu.memref_slice %arg2[%add3A_1309, %mul3A_557] : memref<4096x8192xf32, #tpu.memory_space<hbm>> -> memref<1x1024xf32, #tpu.memory_space<hbm>>
        %dma_wait3A_1317 = tpu.memref_squeeze %dma_wait3A_1316 : memref<1x1024xf32, #tpu.memory_space<hbm>> -> memref<1024xf32, #tpu.memory_space<hbm>>
        tpu.wait_dma2 semaphore(%arg10 : memref<!tpu.dma_semaphore, #tpu.memory_space<semaphore_mem>>) src(%dma_wait3A_1317 : memref<1024xf32, #tpu.memory_space<hbm>>) dst(%dma_wait3A_1315 : memref<1024xf32, #tpu.memory_space<vmem>>)
        %add3A_1318 = arith.constant 1 : i32
        %add3A_1319 = arith.addi %mul3A_553, %add3A_1318 : i32
        %dma_wait3A_1320 = arith.constant 1024 : i32
        %dma_wait3A_1321 = tpu.memref_slice %arg6[%dma_wait3A_1320] : memref<16384xf32, #tpu.memory_space<vmem>> -> memref<1024xf32, #tpu.memory_space<vmem>>
        %dma_wait3A_1322 = tpu.memref_slice %arg2[%add3A_1319, %mul3A_557] : memref<4096x8192xf32, #tpu.memory_space<hbm>> -> memref<1x1024xf32, #tpu.memory_space<hbm>>
        %dma_wait3A_1323 = tpu.memref_squeeze %dma_wait3A_1322 : memref<1x1024xf32, #tpu.memory_space<hbm>> -> memref<1024xf32, #tpu.memory_space<hbm>>
        %dma_wait3A_1324 = arith.constant 1024 : i32
        %dma_wait3A_1325 = tpu.memref_slice %arg6[%dma_wait3A_1324] : memref<16384xf32, #tpu.memory_space<vmem>> -> memref<1024xf32, #tpu.memory_space<vmem>>
        %dma_wait3A_1326 = tpu.memref_slice %arg2[%add3A_1319, %mul3A_557] : memref<4096x8192xf32, #tpu.memory_space<hbm>> -> memref<1x1024xf32, #tpu.memory_space<hbm>>
        %dma_wait3A_1327 = tpu.memref_squeeze %dma_wait3A_1326 : memref<1x1024xf32, #tpu.memory_space<hbm>> -> memref<1024xf32, #tpu.memory_space<hbm>>
        tpu.wait_dma2 semaphore(%arg10 : memref<!tpu.dma_semaphore, #tpu.memory_space<semaphore_mem>>) src(%dma_wait3A_1327 : memref<1024xf32, #tpu.memory_space<hbm>>) dst(%dma_wait3A_1325 : memref<1024xf32, #tpu.memory_space<vmem>>)
        %add3A_1328 = arith.constant 2 : i32
        %add3A_1329 = arith.addi %mul3A_553, %add3A_1328 : i32
        %dma_wait3A_1330 = arith.constant 2048 : i32
        %dma_wait3A_1331 = tpu.memref_slice %arg6[%dma_wait3A_1330] : memref<16384xf32, #tpu.memory_space<vmem>> -> memref<1024xf32, #tpu.memory_space<vmem>>
        %dma_wait3A_1332 = tpu.memref_slice %arg2[%add3A_1329, %mul3A_557] : memref<4096x8192xf32, #tpu.memory_space<hbm>> -> memref<1x1024xf32, #tpu.memory_space<hbm>>
        %dma_wait3A_1333 = tpu.memref_squeeze %dma_wait3A_1332 : memref<1x1024xf32, #tpu.memory_space<hbm>> -> memref<1024xf32, #tpu.memory_space<hbm>>
        %dma_wait3A_1334 = arith.constant 2048 : i32
        %dma_wait3A_1335 = tpu.memref_slice %arg6[%dma_wait3A_1334] : memref<16384xf32, #tpu.memory_space<vmem>> -> memref<1024xf32, #tpu.memory_space<vmem>>
        %dma_wait3A_1336 = tpu.memref_slice %arg2[%add3A_1329, %mul3A_557] : memref<4096x8192xf32, #tpu.memory_space<hbm>> -> memref<1x1024xf32, #tpu.memory_space<hbm>>
        %dma_wait3A_1337 = tpu.memref_squeeze %dma_wait3A_1336 : memref<1x1024xf32, #tpu.memory_space<hbm>> -> memref<1024xf32, #tpu.memory_space<hbm>>
        tpu.wait_dma2 semaphore(%arg10 : memref<!tpu.dma_semaphore, #tpu.memory_space<semaphore_mem>>) src(%dma_wait3A_1337 : memref<1024xf32, #tpu.memory_space<hbm>>) dst(%dma_wait3A_1335 : memref<1024xf32, #tpu.memory_space<vmem>>)
        %add3A_1338 = arith.constant 3 : i32
        %add3A_1339 = arith.addi %mul3A_553, %add3A_1338 : i32
        %dma_wait3A_1340 = arith.constant 3072 : i32
        %dma_wait3A_1341 = tpu.memref_slice %arg6[%dma_wait3A_1340] : memref<16384xf32, #tpu.memory_space<vmem>> -> memref<1024xf32, #tpu.memory_space<vmem>>
        %dma_wait3A_1342 = tpu.memref_slice %arg2[%add3A_1339, %mul3A_557] : memref<4096x8192xf32, #tpu.memory_space<hbm>> -> memref<1x1024xf32, #tpu.memory_space<hbm>>
        %dma_wait3A_1343 = tpu.memref_squeeze %dma_wait3A_1342 : memref<1x1024xf32, #tpu.memory_space<hbm>> -> memref<1024xf32, #tpu.memory_space<hbm>>
        %dma_wait3A_1344 = arith.constant 3072 : i32
        %dma_wait3A_1345 = tpu.memref_slice %arg6[%dma_wait3A_1344] : memref<16384xf32, #tpu.memory_space<vmem>> -> memref<1024xf32, #tpu.memory_space<vmem>>
        %dma_wait3A_1346 = tpu.memref_slice %arg2[%add3A_1339, %mul3A_557] : memref<4096x8192xf32, #tpu.memory_space<hbm>> -> memref<1x1024xf32, #tpu.memory_space<hbm>>
        %dma_wait3A_1347 = tpu.memref_squeeze %dma_wait3A_1346 : memref<1x1024xf32, #tpu.memory_space<hbm>> -> memref<1024xf32, #tpu.memory_space<hbm>>
        tpu.wait_dma2 semaphore(%arg10 : memref<!tpu.dma_semaphore, #tpu.memory_space<semaphore_mem>>) src(%dma_wait3A_1347 : memref<1024xf32, #tpu.memory_space<hbm>>) dst(%dma_wait3A_1345 : memref<1024xf32, #tpu.memory_space<vmem>>)
        %add3A_1348 = arith.constant 4 : i32
        %add3A_1349 = arith.addi %mul3A_553, %add3A_1348 : i32
        %dma_wait3A_1350 = arith.constant 4096 : i32
        %dma_wait3A_1351 = tpu.memref_slice %arg6[%dma_wait3A_1350] : memref<16384xf32, #tpu.memory_space<vmem>> -> memref<1024xf32, #tpu.memory_space<vmem>>
        %dma_wait3A_1352 = tpu.memref_slice %arg2[%add3A_1349, %mul3A_557] : memref<4096x8192xf32, #tpu.memory_space<hbm>> -> memref<1x1024xf32, #tpu.memory_space<hbm>>
        %dma_wait3A_1353 = tpu.memref_squeeze %dma_wait3A_1352 : memref<1x1024xf32, #tpu.memory_space<hbm>> -> memref<1024xf32, #tpu.memory_space<hbm>>
        %dma_wait3A_1354 = arith.constant 4096 : i32
        %dma_wait3A_1355 = tpu.memref_slice %arg6[%dma_wait3A_1354] : memref<16384xf32, #tpu.memory_space<vmem>> -> memref<1024xf32, #tpu.memory_space<vmem>>
        %dma_wait3A_1356 = tpu.memref_slice %arg2[%add3A_1349, %mul3A_557] : memref<4096x8192xf32, #tpu.memory_space<hbm>> -> memref<1x1024xf32, #tpu.memory_space<hbm>>
        %dma_wait3A_1357 = tpu.memref_squeeze %dma_wait3A_1356 : memref<1x1024xf32, #tpu.memory_space<hbm>> -> memref<1024xf32, #tpu.memory_space<hbm>>
        tpu.wait_dma2 semaphore(%arg10 : memref<!tpu.dma_semaphore, #tpu.memory_space<semaphore_mem>>) src(%dma_wait3A_1357 : memref<1024xf32, #tpu.memory_space<hbm>>) dst(%dma_wait3A_1355 : memref<1024xf32, #tpu.memory_space<vmem>>)
        %add3A_1358 = arith.constant 5 : i32
        %add3A_1359 = arith.addi %mul3A_553, %add3A_1358 : i32
        %dma_wait3A_1360 = arith.constant 5120 : i32
        %dma_wait3A_1361 = tpu.memref_slice %arg6[%dma_wait3A_1360] : memref<16384xf32, #tpu.memory_space<vmem>> -> memref<1024xf32, #tpu.memory_space<vmem>>
        %dma_wait3A_1362 = tpu.memref_slice %arg2[%add3A_1359, %mul3A_557] : memref<4096x8192xf32, #tpu.memory_space<hbm>> -> memref<1x1024xf32, #tpu.memory_space<hbm>>
        %dma_wait3A_1363 = tpu.memref_squeeze %dma_wait3A_1362 : memref<1x1024xf32, #tpu.memory_space<hbm>> -> memref<1024xf32, #tpu.memory_space<hbm>>
        %dma_wait3A_1364 = arith.constant 5120 : i32
        %dma_wait3A_1365 = tpu.memref_slice %arg6[%dma_wait3A_1364] : memref<16384xf32, #tpu.memory_space<vmem>> -> memref<1024xf32, #tpu.memory_space<vmem>>
        %dma_wait3A_1366 = tpu.memref_slice %arg2[%add3A_1359, %mul3A_557] : memref<4096x8192xf32, #tpu.memory_space<hbm>> -> memref<1x1024xf32, #tpu.memory_space<hbm>>
        %dma_wait3A_1367 = tpu.memref_squeeze %dma_wait3A_1366 : memref<1x1024xf32, #tpu.memory_space<hbm>> -> memref<1024xf32, #tpu.memory_space<hbm>>
        tpu.wait_dma2 semaphore(%arg10 : memref<!tpu.dma_semaphore, #tpu.memory_space<semaphore_mem>>) src(%dma_wait3A_1367 : memref<1024xf32, #tpu.memory_space<hbm>>) dst(%dma_wait3A_1365 : memref<1024xf32, #tpu.memory_space<vmem>>)
        %add3A_1368 = arith.constant 6 : i32
        %add3A_1369 = arith.addi %mul3A_553, %add3A_1368 : i32
        %dma_wait3A_1370 = arith.constant 6144 : i32
        %dma_wait3A_1371 = tpu.memref_slice %arg6[%dma_wait3A_1370] : memref<16384xf32, #tpu.memory_space<vmem>> -> memref<1024xf32, #tpu.memory_space<vmem>>
        %dma_wait3A_1372 = tpu.memref_slice %arg2[%add3A_1369, %mul3A_557] : memref<4096x8192xf32, #tpu.memory_space<hbm>> -> memref<1x1024xf32, #tpu.memory_space<hbm>>
        %dma_wait3A_1373 = tpu.memref_squeeze %dma_wait3A_1372 : memref<1x1024xf32, #tpu.memory_space<hbm>> -> memref<1024xf32, #tpu.memory_space<hbm>>
        %dma_wait3A_1374 = arith.constant 6144 : i32
        %dma_wait3A_1375 = tpu.memref_slice %arg6[%dma_wait3A_1374] : memref<16384xf32, #tpu.memory_space<vmem>> -> memref<1024xf32, #tpu.memory_space<vmem>>
        %dma_wait3A_1376 = tpu.memref_slice %arg2[%add3A_1369, %mul3A_557] : memref<4096x8192xf32, #tpu.memory_space<hbm>> -> memref<1x1024xf32, #tpu.memory_space<hbm>>
        %dma_wait3A_1377 = tpu.memref_squeeze %dma_wait3A_1376 : memref<1x1024xf32, #tpu.memory_space<hbm>> -> memref<1024xf32, #tpu.memory_space<hbm>>
        tpu.wait_dma2 semaphore(%arg10 : memref<!tpu.dma_semaphore, #tpu.memory_space<semaphore_mem>>) src(%dma_wait3A_1377 : memref<1024xf32, #tpu.memory_space<hbm>>) dst(%dma_wait3A_1375 : memref<1024xf32, #tpu.memory_space<vmem>>)
        %add3A_1378 = arith.constant 7 : i32
        %add3A_1379 = arith.addi %mul3A_553, %add3A_1378 : i32
        %dma_wait3A_1380 = arith.constant 7168 : i32
        %dma_wait3A_1381 = tpu.memref_slice %arg6[%dma_wait3A_1380] : memref<16384xf32, #tpu.memory_space<vmem>> -> memref<1024xf32, #tpu.memory_space<vmem>>
        %dma_wait3A_1382 = tpu.memref_slice %arg2[%add3A_1379, %mul3A_557] : memref<4096x8192xf32, #tpu.memory_space<hbm>> -> memref<1x1024xf32, #tpu.memory_space<hbm>>
        %dma_wait3A_1383 = tpu.memref_squeeze %dma_wait3A_1382 : memref<1x1024xf32, #tpu.memory_space<hbm>> -> memref<1024xf32, #tpu.memory_space<hbm>>
        %dma_wait3A_1384 = arith.constant 7168 : i32
        %dma_wait3A_1385 = tpu.memref_slice %arg6[%dma_wait3A_1384] : memref<16384xf32, #tpu.memory_space<vmem>> -> memref<1024xf32, #tpu.memory_space<vmem>>
        %dma_wait3A_1386 = tpu.memref_slice %arg2[%add3A_1379, %mul3A_557] : memref<4096x8192xf32, #tpu.memory_space<hbm>> -> memref<1x1024xf32, #tpu.memory_space<hbm>>
        %dma_wait3A_1387 = tpu.memref_squeeze %dma_wait3A_1386 : memref<1x1024xf32, #tpu.memory_space<hbm>> -> memref<1024xf32, #tpu.memory_space<hbm>>
        tpu.wait_dma2 semaphore(%arg10 : memref<!tpu.dma_semaphore, #tpu.memory_space<semaphore_mem>>) src(%dma_wait3A_1387 : memref<1024xf32, #tpu.memory_space<hbm>>) dst(%dma_wait3A_1385 : memref<1024xf32, #tpu.memory_space<vmem>>)
        %add3A_1388 = arith.constant 8 : i32
        %add3A_1389 = arith.addi %mul3A_553, %add3A_1388 : i32
        %dma_wait3A_1390 = arith.constant 8192 : i32
        %dma_wait3A_1391 = tpu.memref_slice %arg6[%dma_wait3A_1390] : memref<16384xf32, #tpu.memory_space<vmem>> -> memref<1024xf32, #tpu.memory_space<vmem>>
        %dma_wait3A_1392 = tpu.memref_slice %arg2[%add3A_1389, %mul3A_557] : memref<4096x8192xf32, #tpu.memory_space<hbm>> -> memref<1x1024xf32, #tpu.memory_space<hbm>>
        %dma_wait3A_1393 = tpu.memref_squeeze %dma_wait3A_1392 : memref<1x1024xf32, #tpu.memory_space<hbm>> -> memref<1024xf32, #tpu.memory_space<hbm>>
        %dma_wait3A_1394 = arith.constant 8192 : i32
        %dma_wait3A_1395 = tpu.memref_slice %arg6[%dma_wait3A_1394] : memref<16384xf32, #tpu.memory_space<vmem>> -> memref<1024xf32, #tpu.memory_space<vmem>>
        %dma_wait3A_1396 = tpu.memref_slice %arg2[%add3A_1389, %mul3A_557] : memref<4096x8192xf32, #tpu.memory_space<hbm>> -> memref<1x1024xf32, #tpu.memory_space<hbm>>
        %dma_wait3A_1397 = tpu.memref_squeeze %dma_wait3A_1396 : memref<1x1024xf32, #tpu.memory_space<hbm>> -> memref<1024xf32, #tpu.memory_space<hbm>>
        tpu.wait_dma2 semaphore(%arg10 : memref<!tpu.dma_semaphore, #tpu.memory_space<semaphore_mem>>) src(%dma_wait3A_1397 : memref<1024xf32, #tpu.memory_space<hbm>>) dst(%dma_wait3A_1395 : memref<1024xf32, #tpu.memory_space<vmem>>)
        %add3A_1398 = arith.constant 9 : i32
        %add3A_1399 = arith.addi %mul3A_553, %add3A_1398 : i32
        %dma_wait3A_1400 = arith.constant 9216 : i32
        %dma_wait3A_1401 = tpu.memref_slice %arg6[%dma_wait3A_1400] : memref<16384xf32, #tpu.memory_space<vmem>> -> memref<1024xf32, #tpu.memory_space<vmem>>
        %dma_wait3A_1402 = tpu.memref_slice %arg2[%add3A_1399, %mul3A_557] : memref<4096x8192xf32, #tpu.memory_space<hbm>> -> memref<1x1024xf32, #tpu.memory_space<hbm>>
        %dma_wait3A_1403 = tpu.memref_squeeze %dma_wait3A_1402 : memref<1x1024xf32, #tpu.memory_space<hbm>> -> memref<1024xf32, #tpu.memory_space<hbm>>
        %dma_wait3A_1404 = arith.constant 9216 : i32
        %dma_wait3A_1405 = tpu.memref_slice %arg6[%dma_wait3A_1404] : memref<16384xf32, #tpu.memory_space<vmem>> -> memref<1024xf32, #tpu.memory_space<vmem>>
        %dma_wait3A_1406 = tpu.memref_slice %arg2[%add3A_1399, %mul3A_557] : memref<4096x8192xf32, #tpu.memory_space<hbm>> -> memref<1x1024xf32, #tpu.memory_space<hbm>>
        %dma_wait3A_1407 = tpu.memref_squeeze %dma_wait3A_1406 : memref<1x1024xf32, #tpu.memory_space<hbm>> -> memref<1024xf32, #tpu.memory_space<hbm>>
        tpu.wait_dma2 semaphore(%arg10 : memref<!tpu.dma_semaphore, #tpu.memory_space<semaphore_mem>>) src(%dma_wait3A_1407 : memref<1024xf32, #tpu.memory_space<hbm>>) dst(%dma_wait3A_1405 : memref<1024xf32, #tpu.memory_space<vmem>>)
        %add3A_1408 = arith.constant 10 : i32
        %add3A_1409 = arith.addi %mul3A_553, %add3A_1408 : i32
        %dma_wait3A_1410 = arith.constant 10240 : i32
        %dma_wait3A_1411 = tpu.memref_slice %arg6[%dma_wait3A_1410] : memref<16384xf32, #tpu.memory_space<vmem>> -> memref<1024xf32, #tpu.memory_space<vmem>>
        %dma_wait3A_1412 = tpu.memref_slice %arg2[%add3A_1409, %mul3A_557] : memref<4096x8192xf32, #tpu.memory_space<hbm>> -> memref<1x1024xf32, #tpu.memory_space<hbm>>
        %dma_wait3A_1413 = tpu.memref_squeeze %dma_wait3A_1412 : memref<1x1024xf32, #tpu.memory_space<hbm>> -> memref<1024xf32, #tpu.memory_space<hbm>>
        %dma_wait3A_1414 = arith.constant 10240 : i32
        %dma_wait3A_1415 = tpu.memref_slice %arg6[%dma_wait3A_1414] : memref<16384xf32, #tpu.memory_space<vmem>> -> memref<1024xf32, #tpu.memory_space<vmem>>
        %dma_wait3A_1416 = tpu.memref_slice %arg2[%add3A_1409, %mul3A_557] : memref<4096x8192xf32, #tpu.memory_space<hbm>> -> memref<1x1024xf32, #tpu.memory_space<hbm>>
        %dma_wait3A_1417 = tpu.memref_squeeze %dma_wait3A_1416 : memref<1x1024xf32, #tpu.memory_space<hbm>> -> memref<1024xf32, #tpu.memory_space<hbm>>
        tpu.wait_dma2 semaphore(%arg10 : memref<!tpu.dma_semaphore, #tpu.memory_space<semaphore_mem>>) src(%dma_wait3A_1417 : memref<1024xf32, #tpu.memory_space<hbm>>) dst(%dma_wait3A_1415 : memref<1024xf32, #tpu.memory_space<vmem>>)
        %add3A_1418 = arith.constant 11 : i32
        %add3A_1419 = arith.addi %mul3A_553, %add3A_1418 : i32
        %dma_wait3A_1420 = arith.constant 11264 : i32
        %dma_wait3A_1421 = tpu.memref_slice %arg6[%dma_wait3A_1420] : memref<16384xf32, #tpu.memory_space<vmem>> -> memref<1024xf32, #tpu.memory_space<vmem>>
        %dma_wait3A_1422 = tpu.memref_slice %arg2[%add3A_1419, %mul3A_557] : memref<4096x8192xf32, #tpu.memory_space<hbm>> -> memref<1x1024xf32, #tpu.memory_space<hbm>>
        %dma_wait3A_1423 = tpu.memref_squeeze %dma_wait3A_1422 : memref<1x1024xf32, #tpu.memory_space<hbm>> -> memref<1024xf32, #tpu.memory_space<hbm>>
        %dma_wait3A_1424 = arith.constant 11264 : i32
        %dma_wait3A_1425 = tpu.memref_slice %arg6[%dma_wait3A_1424] : memref<16384xf32, #tpu.memory_space<vmem>> -> memref<1024xf32, #tpu.memory_space<vmem>>
        %dma_wait3A_1426 = tpu.memref_slice %arg2[%add3A_1419, %mul3A_557] : memref<4096x8192xf32, #tpu.memory_space<hbm>> -> memref<1x1024xf32, #tpu.memory_space<hbm>>
        %dma_wait3A_1427 = tpu.memref_squeeze %dma_wait3A_1426 : memref<1x1024xf32, #tpu.memory_space<hbm>> -> memref<1024xf32, #tpu.memory_space<hbm>>
        tpu.wait_dma2 semaphore(%arg10 : memref<!tpu.dma_semaphore, #tpu.memory_space<semaphore_mem>>) src(%dma_wait3A_1427 : memref<1024xf32, #tpu.memory_space<hbm>>) dst(%dma_wait3A_1425 : memref<1024xf32, #tpu.memory_space<vmem>>)
        %add3A_1428 = arith.constant 12 : i32
        %add3A_1429 = arith.addi %mul3A_553, %add3A_1428 : i32
        %dma_wait3A_1430 = arith.constant 12288 : i32
        %dma_wait3A_1431 = tpu.memref_slice %arg6[%dma_wait3A_1430] : memref<16384xf32, #tpu.memory_space<vmem>> -> memref<1024xf32, #tpu.memory_space<vmem>>
        %dma_wait3A_1432 = tpu.memref_slice %arg2[%add3A_1429, %mul3A_557] : memref<4096x8192xf32, #tpu.memory_space<hbm>> -> memref<1x1024xf32, #tpu.memory_space<hbm>>
        %dma_wait3A_1433 = tpu.memref_squeeze %dma_wait3A_1432 : memref<1x1024xf32, #tpu.memory_space<hbm>> -> memref<1024xf32, #tpu.memory_space<hbm>>
        %dma_wait3A_1434 = arith.constant 12288 : i32
        %dma_wait3A_1435 = tpu.memref_slice %arg6[%dma_wait3A_1434] : memref<16384xf32, #tpu.memory_space<vmem>> -> memref<1024xf32, #tpu.memory_space<vmem>>
        %dma_wait3A_1436 = tpu.memref_slice %arg2[%add3A_1429, %mul3A_557] : memref<4096x8192xf32, #tpu.memory_space<hbm>> -> memref<1x1024xf32, #tpu.memory_space<hbm>>
        %dma_wait3A_1437 = tpu.memref_squeeze %dma_wait3A_1436 : memref<1x1024xf32, #tpu.memory_space<hbm>> -> memref<1024xf32, #tpu.memory_space<hbm>>
        tpu.wait_dma2 semaphore(%arg10 : memref<!tpu.dma_semaphore, #tpu.memory_space<semaphore_mem>>) src(%dma_wait3A_1437 : memref<1024xf32, #tpu.memory_space<hbm>>) dst(%dma_wait3A_1435 : memref<1024xf32, #tpu.memory_space<vmem>>)
        %add3A_1438 = arith.constant 13 : i32
        %add3A_1439 = arith.addi %mul3A_553, %add3A_1438 : i32
        %dma_wait3A_1440 = arith.constant 13312 : i32
        %dma_wait3A_1441 = tpu.memref_slice %arg6[%dma_wait3A_1440] : memref<16384xf32, #tpu.memory_space<vmem>> -> memref<1024xf32, #tpu.memory_space<vmem>>
        %dma_wait3A_1442 = tpu.memref_slice %arg2[%add3A_1439, %mul3A_557] : memref<4096x8192xf32, #tpu.memory_space<hbm>> -> memref<1x1024xf32, #tpu.memory_space<hbm>>
        %dma_wait3A_1443 = tpu.memref_squeeze %dma_wait3A_1442 : memref<1x1024xf32, #tpu.memory_space<hbm>> -> memref<1024xf32, #tpu.memory_space<hbm>>
        %dma_wait3A_1444 = arith.constant 13312 : i32
        %dma_wait3A_1445 = tpu.memref_slice %arg6[%dma_wait3A_1444] : memref<16384xf32, #tpu.memory_space<vmem>> -> memref<1024xf32, #tpu.memory_space<vmem>>
        %dma_wait3A_1446 = tpu.memref_slice %arg2[%add3A_1439, %mul3A_557] : memref<4096x8192xf32, #tpu.memory_space<hbm>> -> memref<1x1024xf32, #tpu.memory_space<hbm>>
        %dma_wait3A_1447 = tpu.memref_squeeze %dma_wait3A_1446 : memref<1x1024xf32, #tpu.memory_space<hbm>> -> memref<1024xf32, #tpu.memory_space<hbm>>
        tpu.wait_dma2 semaphore(%arg10 : memref<!tpu.dma_semaphore, #tpu.memory_space<semaphore_mem>>) src(%dma_wait3A_1447 : memref<1024xf32, #tpu.memory_space<hbm>>) dst(%dma_wait3A_1445 : memref<1024xf32, #tpu.memory_space<vmem>>)
        %add3A_1448 = arith.constant 14 : i32
        %add3A_1449 = arith.addi %mul3A_553, %add3A_1448 : i32
        %dma_wait3A_1450 = arith.constant 14336 : i32
        %dma_wait3A_1451 = tpu.memref_slice %arg6[%dma_wait3A_1450] : memref<16384xf32, #tpu.memory_space<vmem>> -> memref<1024xf32, #tpu.memory_space<vmem>>
        %dma_wait3A_1452 = tpu.memref_slice %arg2[%add3A_1449, %mul3A_557] : memref<4096x8192xf32, #tpu.memory_space<hbm>> -> memref<1x1024xf32, #tpu.memory_space<hbm>>
        %dma_wait3A_1453 = tpu.memref_squeeze %dma_wait3A_1452 : memref<1x1024xf32, #tpu.memory_space<hbm>> -> memref<1024xf32, #tpu.memory_space<hbm>>
        %dma_wait3A_1454 = arith.constant 14336 : i32
        %dma_wait3A_1455 = tpu.memref_slice %arg6[%dma_wait3A_1454] : memref<16384xf32, #tpu.memory_space<vmem>> -> memref<1024xf32, #tpu.memory_space<vmem>>
        %dma_wait3A_1456 = tpu.memref_slice %arg2[%add3A_1449, %mul3A_557] : memref<4096x8192xf32, #tpu.memory_space<hbm>> -> memref<1x1024xf32, #tpu.memory_space<hbm>>
        %dma_wait3A_1457 = tpu.memref_squeeze %dma_wait3A_1456 : memref<1x1024xf32, #tpu.memory_space<hbm>> -> memref<1024xf32, #tpu.memory_space<hbm>>
        tpu.wait_dma2 semaphore(%arg10 : memref<!tpu.dma_semaphore, #tpu.memory_space<semaphore_mem>>) src(%dma_wait3A_1457 : memref<1024xf32, #tpu.memory_space<hbm>>) dst(%dma_wait3A_1455 : memref<1024xf32, #tpu.memory_space<vmem>>)
        %add3A_1458 = arith.constant 15 : i32
        %add3A_1459 = arith.addi %mul3A_553, %add3A_1458 : i32
        %dma_wait3A_1460 = arith.constant 15360 : i32
        %dma_wait3A_1461 = tpu.memref_slice %arg6[%dma_wait3A_1460] : memref<16384xf32, #tpu.memory_space<vmem>> -> memref<1024xf32, #tpu.memory_space<vmem>>
        %dma_wait3A_1462 = tpu.memref_slice %arg2[%add3A_1459, %mul3A_557] : memref<4096x8192xf32, #tpu.memory_space<hbm>> -> memref<1x1024xf32, #tpu.memory_space<hbm>>
        %dma_wait3A_1463 = tpu.memref_squeeze %dma_wait3A_1462 : memref<1x1024xf32, #tpu.memory_space<hbm>> -> memref<1024xf32, #tpu.memory_space<hbm>>
        %dma_wait3A_1464 = arith.constant 15360 : i32
        %dma_wait3A_1465 = tpu.memref_slice %arg6[%dma_wait3A_1464] : memref<16384xf32, #tpu.memory_space<vmem>> -> memref<1024xf32, #tpu.memory_space<vmem>>
        %dma_wait3A_1466 = tpu.memref_slice %arg2[%add3A_1459, %mul3A_557] : memref<4096x8192xf32, #tpu.memory_space<hbm>> -> memref<1x1024xf32, #tpu.memory_space<hbm>>
        %dma_wait3A_1467 = tpu.memref_squeeze %dma_wait3A_1466 : memref<1x1024xf32, #tpu.memory_space<hbm>> -> memref<1024xf32, #tpu.memory_space<hbm>>
        tpu.wait_dma2 semaphore(%arg10 : memref<!tpu.dma_semaphore, #tpu.memory_space<semaphore_mem>>) src(%dma_wait3A_1467 : memref<1024xf32, #tpu.memory_space<hbm>>) dst(%dma_wait3A_1465 : memref<1024xf32, #tpu.memory_space<vmem>>)
      } else {
      }
      %scan3A_730 = arith.constant 0 : i32
      %scan3A_731 = arith.constant 15 : i32
      %scan3A_732 = arith.addi %scan3A_730, %scan3A_731 : i32
      %scan3A_733 = arith.constant 1 : i32
      %scan3A_734 = scf.for %scan3A_1308 = %scan3A_730 to %scan3A_732 step %scan3A_733 iter_args(%scan3A_1309 = %select_n3A_561) -> (vector<16xf32>)  : i32 {
        %sub3A_1310 = arith.constant 1038 : i32
        %sub3A_1311 = arith.subi %sub3A_1310, %scan3A_1308 : i32
        %sub3A_1312 = vector.broadcast %sub3A_1311 : i32 to vector<16xi32>
        %sub3A_1313 = arith.subi %sub3A_1312, %iota3A : vector<16xi32>
        %le3A = arith.constant 1023 : i32
        %le3A_1314 = vector.broadcast %le3A : i32 to vector<16xi32>
        %le3A_1315 = arith.cmpi sle, %sub3A_1313, %le3A_1314 : vector<16xi32>
        %min3A = arith.constant 1023 : i32
        %min3A_1316 = vector.broadcast %min3A : i32 to vector<16xi32>
        %min3A_1317 = arith.minsi %sub3A_1313, %min3A_1316 : vector<16xi32>
        %add3A_1318 = arith.addi %mul3A_3, %min3A_1317 : vector<16xi32>
        %gather3A = tpu.vector_load_idx %arg4[%add3A_1318] masked %le3A_1315 : memref<16384xf32, #tpu.memory_space<vmem>>[vector<16xi32>], vector<16xf32>, vector<16xi1>
        %jit3A_1319 = arith.constant 0.000000e+00 : f32
        %broadcast_in_dim3A_1320 = vector.broadcast %jit3A_1319 : f32 to vector<16xf32>
        %select_n3A_1321 = arith.select %le3A_1315, %gather3A, %broadcast_in_dim3A_1320 : vector<16xi1>, vector<16xf32>
        %add3A_1322 = arith.addf %scan3A_1309, %select_n3A_1321 : vector<16xf32>
        tpu.vector_store_idx %arg6[%add3A_1318], %add3A_1322 masked %le3A_1315 : memref<16384xf32, #tpu.memory_space<vmem>>[vector<16xi32>], vector<16xf32>, vector<16xi1>
        scf.yield %add3A_1322 : vector<16xf32>
      }
      %scan3A_735 = arith.constant 15 : i32
      %add3A_736 = arith.constant 1023 : i32
      %add3A_737 = vector.broadcast %add3A_736 : i32 to vector<16xi32>
      %add3A_738 = arith.addi %mul3A_3, %add3A_737 : vector<16xi32>
      %sub3A_739 = arith.subi %add3A_738, %iota3A : vector<16xi32>
      %scan3A_740 = arith.constant 0 : i32
      %scan3A_741 = arith.constant 63 : i32
      %scan3A_742 = arith.addi %scan3A_740, %scan3A_741 : i32
      %scan3A_743 = arith.constant 1 : i32
      %scan3A_744:2 = scf.for %scan3A_1308 = %scan3A_740 to %scan3A_742 step %scan3A_743 iter_args(%scan3A_1309 = %scan3A_734, %scan3A_1310 = %sub3A_739) -> (vector<16xf32>, vector<16xi32>)  : i32 {
        %sub3A_1311 = arith.constant 0 : i32
        %sub3A_1312 = vector.broadcast %sub3A_1311 : i32 to vector<16xi32>
        %sub3A_1313 = arith.subi %scan3A_1310, %sub3A_1312 : vector<16xi32>
        %gather3A = tpu.vector_load_idx %arg4[%sub3A_1313] : memref<16384xf32, #tpu.memory_space<vmem>>[vector<16xi32>], vector<16xf32>,
        %sub3A_1314 = arith.constant 1 : i32
        %sub3A_1315 = vector.broadcast %sub3A_1314 : i32 to vector<16xi32>
        %sub3A_1316 = arith.subi %scan3A_1310, %sub3A_1315 : vector<16xi32>
        %gather3A_1317 = tpu.vector_load_idx %arg4[%sub3A_1316] : memref<16384xf32, #tpu.memory_space<vmem>>[vector<16xi32>], vector<16xf32>,
        %sub3A_1318 = arith.constant 2 : i32
        %sub3A_1319 = vector.broadcast %sub3A_1318 : i32 to vector<16xi32>
        %sub3A_1320 = arith.subi %scan3A_1310, %sub3A_1319 : vector<16xi32>
        %gather3A_1321 = tpu.vector_load_idx %arg4[%sub3A_1320] : memref<16384xf32, #tpu.memory_space<vmem>>[vector<16xi32>], vector<16xf32>,
        %sub3A_1322 = arith.constant 3 : i32
        %sub3A_1323 = vector.broadcast %sub3A_1322 : i32 to vector<16xi32>
        %sub3A_1324 = arith.subi %scan3A_1310, %sub3A_1323 : vector<16xi32>
        %gather3A_1325 = tpu.vector_load_idx %arg4[%sub3A_1324] : memref<16384xf32, #tpu.memory_space<vmem>>[vector<16xi32>], vector<16xf32>,
        %sub3A_1326 = arith.constant 4 : i32
        %sub3A_1327 = vector.broadcast %sub3A_1326 : i32 to vector<16xi32>
        %sub3A_1328 = arith.subi %scan3A_1310, %sub3A_1327 : vector<16xi32>
        %gather3A_1329 = tpu.vector_load_idx %arg4[%sub3A_1328] : memref<16384xf32, #tpu.memory_space<vmem>>[vector<16xi32>], vector<16xf32>,
        %sub3A_1330 = arith.constant 5 : i32
        %sub3A_1331 = vector.broadcast %sub3A_1330 : i32 to vector<16xi32>
        %sub3A_1332 = arith.subi %scan3A_1310, %sub3A_1331 : vector<16xi32>
        %gather3A_1333 = tpu.vector_load_idx %arg4[%sub3A_1332] : memref<16384xf32, #tpu.memory_space<vmem>>[vector<16xi32>], vector<16xf32>,
        %sub3A_1334 = arith.constant 6 : i32
        %sub3A_1335 = vector.broadcast %sub3A_1334 : i32 to vector<16xi32>
        %sub3A_1336 = arith.subi %scan3A_1310, %sub3A_1335 : vector<16xi32>
        %gather3A_1337 = tpu.vector_load_idx %arg4[%sub3A_1336] : memref<16384xf32, #tpu.memory_space<vmem>>[vector<16xi32>], vector<16xf32>,
        %sub3A_1338 = arith.constant 7 : i32
        %sub3A_1339 = vector.broadcast %sub3A_1338 : i32 to vector<16xi32>
        %sub3A_1340 = arith.subi %scan3A_1310, %sub3A_1339 : vector<16xi32>
        %gather3A_1341 = tpu.vector_load_idx %arg4[%sub3A_1340] : memref<16384xf32, #tpu.memory_space<vmem>>[vector<16xi32>], vector<16xf32>,
        %sub3A_1342 = arith.constant 8 : i32
        %sub3A_1343 = vector.broadcast %sub3A_1342 : i32 to vector<16xi32>
        %sub3A_1344 = arith.subi %scan3A_1310, %sub3A_1343 : vector<16xi32>
        %gather3A_1345 = tpu.vector_load_idx %arg4[%sub3A_1344] : memref<16384xf32, #tpu.memory_space<vmem>>[vector<16xi32>], vector<16xf32>,
        %sub3A_1346 = arith.constant 9 : i32
        %sub3A_1347 = vector.broadcast %sub3A_1346 : i32 to vector<16xi32>
        %sub3A_1348 = arith.subi %scan3A_1310, %sub3A_1347 : vector<16xi32>
        %gather3A_1349 = tpu.vector_load_idx %arg4[%sub3A_1348] : memref<16384xf32, #tpu.memory_space<vmem>>[vector<16xi32>], vector<16xf32>,
        %sub3A_1350 = arith.constant 10 : i32
        %sub3A_1351 = vector.broadcast %sub3A_1350 : i32 to vector<16xi32>
        %sub3A_1352 = arith.subi %scan3A_1310, %sub3A_1351 : vector<16xi32>
        %gather3A_1353 = tpu.vector_load_idx %arg4[%sub3A_1352] : memref<16384xf32, #tpu.memory_space<vmem>>[vector<16xi32>], vector<16xf32>,
        %sub3A_1354 = arith.constant 11 : i32
        %sub3A_1355 = vector.broadcast %sub3A_1354 : i32 to vector<16xi32>
        %sub3A_1356 = arith.subi %scan3A_1310, %sub3A_1355 : vector<16xi32>
        %gather3A_1357 = tpu.vector_load_idx %arg4[%sub3A_1356] : memref<16384xf32, #tpu.memory_space<vmem>>[vector<16xi32>], vector<16xf32>,
        %sub3A_1358 = arith.constant 12 : i32
        %sub3A_1359 = vector.broadcast %sub3A_1358 : i32 to vector<16xi32>
        %sub3A_1360 = arith.subi %scan3A_1310, %sub3A_1359 : vector<16xi32>
        %gather3A_1361 = tpu.vector_load_idx %arg4[%sub3A_1360] : memref<16384xf32, #tpu.memory_space<vmem>>[vector<16xi32>], vector<16xf32>,
        %sub3A_1362 = arith.constant 13 : i32
        %sub3A_1363 = vector.broadcast %sub3A_1362 : i32 to vector<16xi32>
        %sub3A_1364 = arith.subi %scan3A_1310, %sub3A_1363 : vector<16xi32>
        %gather3A_1365 = tpu.vector_load_idx %arg4[%sub3A_1364] : memref<16384xf32, #tpu.memory_space<vmem>>[vector<16xi32>], vector<16xf32>,
        %sub3A_1366 = arith.constant 14 : i32
        %sub3A_1367 = vector.broadcast %sub3A_1366 : i32 to vector<16xi32>
        %sub3A_1368 = arith.subi %scan3A_1310, %sub3A_1367 : vector<16xi32>
        %gather3A_1369 = tpu.vector_load_idx %arg4[%sub3A_1368] : memref<16384xf32, #tpu.memory_space<vmem>>[vector<16xi32>], vector<16xf32>,
        %sub3A_1370 = arith.constant 15 : i32
        %sub3A_1371 = vector.broadcast %sub3A_1370 : i32 to vector<16xi32>
        %sub3A_1372 = arith.subi %scan3A_1310, %sub3A_1371 : vector<16xi32>
        %gather3A_1373 = tpu.vector_load_idx %arg4[%sub3A_1372] : memref<16384xf32, #tpu.memory_space<vmem>>[vector<16xi32>], vector<16xf32>,
        %add3A_1374 = arith.addf %gather3A, %gather3A_1317 : vector<16xf32>
        %add3A_1375 = arith.addf %add3A_1374, %gather3A_1321 : vector<16xf32>
        %add3A_1376 = arith.addf %add3A_1375, %gather3A_1325 : vector<16xf32>
        %add3A_1377 = arith.addf %add3A_1376, %gather3A_1329 : vector<16xf32>
        %add3A_1378 = arith.addf %add3A_1377, %gather3A_1333 : vector<16xf32>
        %add3A_1379 = arith.addf %add3A_1378, %gather3A_1337 : vector<16xf32>
        %add3A_1380 = arith.addf %add3A_1379, %gather3A_1341 : vector<16xf32>
        %add3A_1381 = arith.addf %add3A_1380, %gather3A_1345 : vector<16xf32>
        %add3A_1382 = arith.addf %add3A_1381, %gather3A_1349 : vector<16xf32>
        %add3A_1383 = arith.addf %add3A_1382, %gather3A_1353 : vector<16xf32>
        %add3A_1384 = arith.addf %add3A_1383, %gather3A_1357 : vector<16xf32>
        %add3A_1385 = arith.addf %add3A_1384, %gather3A_1361 : vector<16xf32>
        %add3A_1386 = arith.addf %add3A_1385, %gather3A_1365 : vector<16xf32>
        %add3A_1387 = arith.addf %add3A_1386, %gather3A_1369 : vector<16xf32>
        %add3A_1388 = arith.addf %add3A_1387, %gather3A_1373 : vector<16xf32>
        %sub3A_1389 = arith.constant 0 : i32
        %sub3A_1390 = vector.broadcast %sub3A_1389 : i32 to vector<16xi32>
        %sub3A_1391 = arith.subi %scan3A_1310, %sub3A_1390 : vector<16xi32>
        %add3A_1392 = arith.addf %scan3A_1309, %gather3A : vector<16xf32>
        tpu.vector_store_idx %arg6[%sub3A_1391], %add3A_1392 : memref<16384xf32, #tpu.memory_space<vmem>>[vector<16xi32>], vector<16xf32>,
        %sub3A_1393 = arith.constant 1 : i32
        %sub3A_1394 = vector.broadcast %sub3A_1393 : i32 to vector<16xi32>
        %sub3A_1395 = arith.subi %scan3A_1310, %sub3A_1394 : vector<16xi32>
        %add3A_1396 = arith.addf %scan3A_1309, %add3A_1374 : vector<16xf32>
        tpu.vector_store_idx %arg6[%sub3A_1395], %add3A_1396 : memref<16384xf32, #tpu.memory_space<vmem>>[vector<16xi32>], vector<16xf32>,
        %sub3A_1397 = arith.constant 2 : i32
        %sub3A_1398 = vector.broadcast %sub3A_1397 : i32 to vector<16xi32>
        %sub3A_1399 = arith.subi %scan3A_1310, %sub3A_1398 : vector<16xi32>
        %add3A_1400 = arith.addf %scan3A_1309, %add3A_1375 : vector<16xf32>
        tpu.vector_store_idx %arg6[%sub3A_1399], %add3A_1400 : memref<16384xf32, #tpu.memory_space<vmem>>[vector<16xi32>], vector<16xf32>,
        %sub3A_1401 = arith.constant 3 : i32
        %sub3A_1402 = vector.broadcast %sub3A_1401 : i32 to vector<16xi32>
        %sub3A_1403 = arith.subi %scan3A_1310, %sub3A_1402 : vector<16xi32>
        %add3A_1404 = arith.addf %scan3A_1309, %add3A_1376 : vector<16xf32>
        tpu.vector_store_idx %arg6[%sub3A_1403], %add3A_1404 : memref<16384xf32, #tpu.memory_space<vmem>>[vector<16xi32>], vector<16xf32>,
        %sub3A_1405 = arith.constant 4 : i32
        %sub3A_1406 = vector.broadcast %sub3A_1405 : i32 to vector<16xi32>
        %sub3A_1407 = arith.subi %scan3A_1310, %sub3A_1406 : vector<16xi32>
        %add3A_1408 = arith.addf %scan3A_1309, %add3A_1377 : vector<16xf32>
        tpu.vector_store_idx %arg6[%sub3A_1407], %add3A_1408 : memref<16384xf32, #tpu.memory_space<vmem>>[vector<16xi32>], vector<16xf32>,
        %sub3A_1409 = arith.constant 5 : i32
        %sub3A_1410 = vector.broadcast %sub3A_1409 : i32 to vector<16xi32>
        %sub3A_1411 = arith.subi %scan3A_1310, %sub3A_1410 : vector<16xi32>
        %add3A_1412 = arith.addf %scan3A_1309, %add3A_1378 : vector<16xf32>
        tpu.vector_store_idx %arg6[%sub3A_1411], %add3A_1412 : memref<16384xf32, #tpu.memory_space<vmem>>[vector<16xi32>], vector<16xf32>,
        %sub3A_1413 = arith.constant 6 : i32
        %sub3A_1414 = vector.broadcast %sub3A_1413 : i32 to vector<16xi32>
        %sub3A_1415 = arith.subi %scan3A_1310, %sub3A_1414 : vector<16xi32>
        %add3A_1416 = arith.addf %scan3A_1309, %add3A_1379 : vector<16xf32>
        tpu.vector_store_idx %arg6[%sub3A_1415], %add3A_1416 : memref<16384xf32, #tpu.memory_space<vmem>>[vector<16xi32>], vector<16xf32>,
        %sub3A_1417 = arith.constant 7 : i32
        %sub3A_1418 = vector.broadcast %sub3A_1417 : i32 to vector<16xi32>
        %sub3A_1419 = arith.subi %scan3A_1310, %sub3A_1418 : vector<16xi32>
        %add3A_1420 = arith.addf %scan3A_1309, %add3A_1380 : vector<16xf32>
        tpu.vector_store_idx %arg6[%sub3A_1419], %add3A_1420 : memref<16384xf32, #tpu.memory_space<vmem>>[vector<16xi32>], vector<16xf32>,
        %sub3A_1421 = arith.constant 8 : i32
        %sub3A_1422 = vector.broadcast %sub3A_1421 : i32 to vector<16xi32>
        %sub3A_1423 = arith.subi %scan3A_1310, %sub3A_1422 : vector<16xi32>
        %add3A_1424 = arith.addf %scan3A_1309, %add3A_1381 : vector<16xf32>
        tpu.vector_store_idx %arg6[%sub3A_1423], %add3A_1424 : memref<16384xf32, #tpu.memory_space<vmem>>[vector<16xi32>], vector<16xf32>,
        %sub3A_1425 = arith.constant 9 : i32
        %sub3A_1426 = vector.broadcast %sub3A_1425 : i32 to vector<16xi32>
        %sub3A_1427 = arith.subi %scan3A_1310, %sub3A_1426 : vector<16xi32>
        %add3A_1428 = arith.addf %scan3A_1309, %add3A_1382 : vector<16xf32>
        tpu.vector_store_idx %arg6[%sub3A_1427], %add3A_1428 : memref<16384xf32, #tpu.memory_space<vmem>>[vector<16xi32>], vector<16xf32>,
        %sub3A_1429 = arith.constant 10 : i32
        %sub3A_1430 = vector.broadcast %sub3A_1429 : i32 to vector<16xi32>
        %sub3A_1431 = arith.subi %scan3A_1310, %sub3A_1430 : vector<16xi32>
        %add3A_1432 = arith.addf %scan3A_1309, %add3A_1383 : vector<16xf32>
        tpu.vector_store_idx %arg6[%sub3A_1431], %add3A_1432 : memref<16384xf32, #tpu.memory_space<vmem>>[vector<16xi32>], vector<16xf32>,
        %sub3A_1433 = arith.constant 11 : i32
        %sub3A_1434 = vector.broadcast %sub3A_1433 : i32 to vector<16xi32>
        %sub3A_1435 = arith.subi %scan3A_1310, %sub3A_1434 : vector<16xi32>
        %add3A_1436 = arith.addf %scan3A_1309, %add3A_1384 : vector<16xf32>
        tpu.vector_store_idx %arg6[%sub3A_1435], %add3A_1436 : memref<16384xf32, #tpu.memory_space<vmem>>[vector<16xi32>], vector<16xf32>,
        %sub3A_1437 = arith.constant 12 : i32
        %sub3A_1438 = vector.broadcast %sub3A_1437 : i32 to vector<16xi32>
        %sub3A_1439 = arith.subi %scan3A_1310, %sub3A_1438 : vector<16xi32>
        %add3A_1440 = arith.addf %scan3A_1309, %add3A_1385 : vector<16xf32>
        tpu.vector_store_idx %arg6[%sub3A_1439], %add3A_1440 : memref<16384xf32, #tpu.memory_space<vmem>>[vector<16xi32>], vector<16xf32>,
        %sub3A_1441 = arith.constant 13 : i32
        %sub3A_1442 = vector.broadcast %sub3A_1441 : i32 to vector<16xi32>
        %sub3A_1443 = arith.subi %scan3A_1310, %sub3A_1442 : vector<16xi32>
        %add3A_1444 = arith.addf %scan3A_1309, %add3A_1386 : vector<16xf32>
        tpu.vector_store_idx %arg6[%sub3A_1443], %add3A_1444 : memref<16384xf32, #tpu.memory_space<vmem>>[vector<16xi32>], vector<16xf32>,
        %sub3A_1445 = arith.constant 14 : i32
        %sub3A_1446 = vector.broadcast %sub3A_1445 : i32 to vector<16xi32>
        %sub3A_1447 = arith.subi %scan3A_1310, %sub3A_1446 : vector<16xi32>
        %add3A_1448 = arith.addf %scan3A_1309, %add3A_1387 : vector<16xf32>
        tpu.vector_store_idx %arg6[%sub3A_1447], %add3A_1448 : memref<16384xf32, #tpu.memory_space<vmem>>[vector<16xi32>], vector<16xf32>,
        %sub3A_1449 = arith.constant 15 : i32
        %sub3A_1450 = vector.broadcast %sub3A_1449 : i32 to vector<16xi32>
        %sub3A_1451 = arith.subi %scan3A_1310, %sub3A_1450 : vector<16xi32>
        %add3A_1452 = arith.addf %scan3A_1309, %add3A_1388 : vector<16xf32>
        tpu.vector_store_idx %arg6[%sub3A_1451], %add3A_1452 : memref<16384xf32, #tpu.memory_space<vmem>>[vector<16xi32>], vector<16xf32>,
        %add3A_1453 = arith.addf %scan3A_1309, %add3A_1388 : vector<16xf32>
        %sub3A_1454 = arith.constant 16 : i32
        %sub3A_1455 = vector.broadcast %sub3A_1454 : i32 to vector<16xi32>
        %sub3A_1456 = arith.subi %scan3A_1310, %sub3A_1455 : vector<16xi32>
        scf.yield %add3A_1453, %sub3A_1456 : vector<16xf32>, vector<16xi32>
      }
      %scan3A_745 = arith.constant 63 : i32
      %scan3A_746 = arith.constant 0 : i32
      %scan3A_747 = arith.constant 16 : i32
      %scan3A_748 = arith.addi %scan3A_746, %scan3A_747 : i32
      %scan3A_749 = arith.constant 1 : i32
      %scan3A_750 = scf.for %scan3A_1308 = %scan3A_746 to %scan3A_748 step %scan3A_749 iter_args(%scan3A_1309 = %scan3A_744#0) -> (vector<16xf32>)  : i32 {
        %sub3A_1310 = arith.constant 15 : i32
        %sub3A_1311 = arith.subi %sub3A_1310, %scan3A_1308 : i32
        %sub3A_1312 = vector.broadcast %sub3A_1311 : i32 to vector<16xi32>
        %sub3A_1313 = arith.subi %sub3A_1312, %iota3A : vector<16xi32>
        %ge3A_1314 = arith.constant 0 : i32
        %ge3A_1315 = vector.broadcast %ge3A_1314 : i32 to vector<16xi32>
        %ge3A_1316 = arith.cmpi sge, %sub3A_1313, %ge3A_1315 : vector<16xi32>
        %max3A = arith.constant 0 : i32
        %max3A_1317 = vector.broadcast %max3A : i32 to vector<16xi32>
        %max3A_1318 = arith.maxsi %sub3A_1313, %max3A_1317 : vector<16xi32>
        %add3A_1319 = arith.addi %mul3A_3, %max3A_1318 : vector<16xi32>
        %gather3A = tpu.vector_load_idx %arg4[%add3A_1319] masked %ge3A_1316 : memref<16384xf32, #tpu.memory_space<vmem>>[vector<16xi32>], vector<16xf32>, vector<16xi1>
        %jit3A_1320 = arith.constant 0.000000e+00 : f32
        %broadcast_in_dim3A_1321 = vector.broadcast %jit3A_1320 : f32 to vector<16xf32>
        %select_n3A_1322 = arith.select %ge3A_1316, %gather3A, %broadcast_in_dim3A_1321 : vector<16xi1>, vector<16xf32>
        %add3A_1323 = arith.addf %scan3A_1309, %select_n3A_1322 : vector<16xf32>
        tpu.vector_store_idx %arg6[%add3A_1319], %add3A_1323 masked %ge3A_1316 : memref<16384xf32, #tpu.memory_space<vmem>>[vector<16xi32>], vector<16xf32>, vector<16xi1>
        scf.yield %add3A_1323 : vector<16xf32>
      }
      %scan3A_751 = arith.constant 16 : i32
      %add3A_752 = arith.constant 0 : i32
      %add3A_753 = arith.addi %mul3A_553, %add3A_752 : i32
      %dma_start3A_754 = arith.constant 0 : i32
      %dma_start3A_755 = tpu.memref_slice %arg6[%dma_start3A_754] : memref<16384xf32, #tpu.memory_space<vmem>> -> memref<1024xf32, #tpu.memory_space<vmem>>
      %dma_start3A_756 = tpu.memref_slice %arg3[%add3A_753, %mul3A_557] : memref<4096x8192xf32, #tpu.memory_space<hbm>> -> memref<1x1024xf32, #tpu.memory_space<hbm>>
      %dma_start3A_757 = tpu.memref_squeeze %dma_start3A_756 : memref<1x1024xf32, #tpu.memory_space<hbm>> -> memref<1024xf32, #tpu.memory_space<hbm>>
      %dma_start3A_758 = tpu.memref_slice %arg3[%add3A_753, %mul3A_557] : memref<4096x8192xf32, #tpu.memory_space<hbm>> -> memref<1x1024xf32, #tpu.memory_space<hbm>>
      %dma_start3A_759 = tpu.memref_squeeze %dma_start3A_758 : memref<1x1024xf32, #tpu.memory_space<hbm>> -> memref<1024xf32, #tpu.memory_space<hbm>>
      %dma_start3A_760 = arith.constant 0 : i32
      %dma_start3A_761 = tpu.memref_slice %arg6[%dma_start3A_760] : memref<16384xf32, #tpu.memory_space<vmem>> -> memref<1024xf32, #tpu.memory_space<vmem>>
      tpu.enqueue_dma source(%dma_start3A_761 : memref<1024xf32, #tpu.memory_space<vmem>>) target(%dma_start3A_759 : memref<1024xf32, #tpu.memory_space<hbm>>) target_semaphore(%arg10 : memref<!tpu.dma_semaphore, #tpu.memory_space<semaphore_mem>>)
      %add3A_762 = arith.constant 1 : i32
      %add3A_763 = arith.addi %mul3A_553, %add3A_762 : i32
      %dma_start3A_764 = arith.constant 1024 : i32
      %dma_start3A_765 = tpu.memref_slice %arg6[%dma_start3A_764] : memref<16384xf32, #tpu.memory_space<vmem>> -> memref<1024xf32, #tpu.memory_space<vmem>>
      %dma_start3A_766 = tpu.memref_slice %arg3[%add3A_763, %mul3A_557] : memref<4096x8192xf32, #tpu.memory_space<hbm>> -> memref<1x1024xf32, #tpu.memory_space<hbm>>
      %dma_start3A_767 = tpu.memref_squeeze %dma_start3A_766 : memref<1x1024xf32, #tpu.memory_space<hbm>> -> memref<1024xf32, #tpu.memory_space<hbm>>
      %dma_start3A_768 = tpu.memref_slice %arg3[%add3A_763, %mul3A_557] : memref<4096x8192xf32, #tpu.memory_space<hbm>> -> memref<1x1024xf32, #tpu.memory_space<hbm>>
      %dma_start3A_769 = tpu.memref_squeeze %dma_start3A_768 : memref<1x1024xf32, #tpu.memory_space<hbm>> -> memref<1024xf32, #tpu.memory_space<hbm>>
      %dma_start3A_770 = arith.constant 1024 : i32
      %dma_start3A_771 = tpu.memref_slice %arg6[%dma_start3A_770] : memref<16384xf32, #tpu.memory_space<vmem>> -> memref<1024xf32, #tpu.memory_space<vmem>>
      tpu.enqueue_dma source(%dma_start3A_771 : memref<1024xf32, #tpu.memory_space<vmem>>) target(%dma_start3A_769 : memref<1024xf32, #tpu.memory_space<hbm>>) target_semaphore(%arg10 : memref<!tpu.dma_semaphore, #tpu.memory_space<semaphore_mem>>)
      %add3A_772 = arith.constant 2 : i32
      %add3A_773 = arith.addi %mul3A_553, %add3A_772 : i32
      %dma_start3A_774 = arith.constant 2048 : i32
      %dma_start3A_775 = tpu.memref_slice %arg6[%dma_start3A_774] : memref<16384xf32, #tpu.memory_space<vmem>> -> memref<1024xf32, #tpu.memory_space<vmem>>
      %dma_start3A_776 = tpu.memref_slice %arg3[%add3A_773, %mul3A_557] : memref<4096x8192xf32, #tpu.memory_space<hbm>> -> memref<1x1024xf32, #tpu.memory_space<hbm>>
      %dma_start3A_777 = tpu.memref_squeeze %dma_start3A_776 : memref<1x1024xf32, #tpu.memory_space<hbm>> -> memref<1024xf32, #tpu.memory_space<hbm>>
      %dma_start3A_778 = tpu.memref_slice %arg3[%add3A_773, %mul3A_557] : memref<4096x8192xf32, #tpu.memory_space<hbm>> -> memref<1x1024xf32, #tpu.memory_space<hbm>>
      %dma_start3A_779 = tpu.memref_squeeze %dma_start3A_778 : memref<1x1024xf32, #tpu.memory_space<hbm>> -> memref<1024xf32, #tpu.memory_space<hbm>>
      %dma_start3A_780 = arith.constant 2048 : i32
      %dma_start3A_781 = tpu.memref_slice %arg6[%dma_start3A_780] : memref<16384xf32, #tpu.memory_space<vmem>> -> memref<1024xf32, #tpu.memory_space<vmem>>
      tpu.enqueue_dma source(%dma_start3A_781 : memref<1024xf32, #tpu.memory_space<vmem>>) target(%dma_start3A_779 : memref<1024xf32, #tpu.memory_space<hbm>>) target_semaphore(%arg10 : memref<!tpu.dma_semaphore, #tpu.memory_space<semaphore_mem>>)
      %add3A_782 = arith.constant 3 : i32
      %add3A_783 = arith.addi %mul3A_553, %add3A_782 : i32
      %dma_start3A_784 = arith.constant 3072 : i32
      %dma_start3A_785 = tpu.memref_slice %arg6[%dma_start3A_784] : memref<16384xf32, #tpu.memory_space<vmem>> -> memref<1024xf32, #tpu.memory_space<vmem>>
      %dma_start3A_786 = tpu.memref_slice %arg3[%add3A_783, %mul3A_557] : memref<4096x8192xf32, #tpu.memory_space<hbm>> -> memref<1x1024xf32, #tpu.memory_space<hbm>>
      %dma_start3A_787 = tpu.memref_squeeze %dma_start3A_786 : memref<1x1024xf32, #tpu.memory_space<hbm>> -> memref<1024xf32, #tpu.memory_space<hbm>>
      %dma_start3A_788 = tpu.memref_slice %arg3[%add3A_783, %mul3A_557] : memref<4096x8192xf32, #tpu.memory_space<hbm>> -> memref<1x1024xf32, #tpu.memory_space<hbm>>
      %dma_start3A_789 = tpu.memref_squeeze %dma_start3A_788 : memref<1x1024xf32, #tpu.memory_space<hbm>> -> memref<1024xf32, #tpu.memory_space<hbm>>
      %dma_start3A_790 = arith.constant 3072 : i32
      %dma_start3A_791 = tpu.memref_slice %arg6[%dma_start3A_790] : memref<16384xf32, #tpu.memory_space<vmem>> -> memref<1024xf32, #tpu.memory_space<vmem>>
      tpu.enqueue_dma source(%dma_start3A_791 : memref<1024xf32, #tpu.memory_space<vmem>>) target(%dma_start3A_789 : memref<1024xf32, #tpu.memory_space<hbm>>) target_semaphore(%arg10 : memref<!tpu.dma_semaphore, #tpu.memory_space<semaphore_mem>>)
      %add3A_792 = arith.constant 4 : i32
      %add3A_793 = arith.addi %mul3A_553, %add3A_792 : i32
      %dma_start3A_794 = arith.constant 4096 : i32
      %dma_start3A_795 = tpu.memref_slice %arg6[%dma_start3A_794] : memref<16384xf32, #tpu.memory_space<vmem>> -> memref<1024xf32, #tpu.memory_space<vmem>>
      %dma_start3A_796 = tpu.memref_slice %arg3[%add3A_793, %mul3A_557] : memref<4096x8192xf32, #tpu.memory_space<hbm>> -> memref<1x1024xf32, #tpu.memory_space<hbm>>
      %dma_start3A_797 = tpu.memref_squeeze %dma_start3A_796 : memref<1x1024xf32, #tpu.memory_space<hbm>> -> memref<1024xf32, #tpu.memory_space<hbm>>
      %dma_start3A_798 = tpu.memref_slice %arg3[%add3A_793, %mul3A_557] : memref<4096x8192xf32, #tpu.memory_space<hbm>> -> memref<1x1024xf32, #tpu.memory_space<hbm>>
      %dma_start3A_799 = tpu.memref_squeeze %dma_start3A_798 : memref<1x1024xf32, #tpu.memory_space<hbm>> -> memref<1024xf32, #tpu.memory_space<hbm>>
      %dma_start3A_800 = arith.constant 4096 : i32
      %dma_start3A_801 = tpu.memref_slice %arg6[%dma_start3A_800] : memref<16384xf32, #tpu.memory_space<vmem>> -> memref<1024xf32, #tpu.memory_space<vmem>>
      tpu.enqueue_dma source(%dma_start3A_801 : memref<1024xf32, #tpu.memory_space<vmem>>) target(%dma_start3A_799 : memref<1024xf32, #tpu.memory_space<hbm>>) target_semaphore(%arg10 : memref<!tpu.dma_semaphore, #tpu.memory_space<semaphore_mem>>)
      %add3A_802 = arith.constant 5 : i32
      %add3A_803 = arith.addi %mul3A_553, %add3A_802 : i32
      %dma_start3A_804 = arith.constant 5120 : i32
      %dma_start3A_805 = tpu.memref_slice %arg6[%dma_start3A_804] : memref<16384xf32, #tpu.memory_space<vmem>> -> memref<1024xf32, #tpu.memory_space<vmem>>
      %dma_start3A_806 = tpu.memref_slice %arg3[%add3A_803, %mul3A_557] : memref<4096x8192xf32, #tpu.memory_space<hbm>> -> memref<1x1024xf32, #tpu.memory_space<hbm>>
      %dma_start3A_807 = tpu.memref_squeeze %dma_start3A_806 : memref<1x1024xf32, #tpu.memory_space<hbm>> -> memref<1024xf32, #tpu.memory_space<hbm>>
      %dma_start3A_808 = tpu.memref_slice %arg3[%add3A_803, %mul3A_557] : memref<4096x8192xf32, #tpu.memory_space<hbm>> -> memref<1x1024xf32, #tpu.memory_space<hbm>>
      %dma_start3A_809 = tpu.memref_squeeze %dma_start3A_808 : memref<1x1024xf32, #tpu.memory_space<hbm>> -> memref<1024xf32, #tpu.memory_space<hbm>>
      %dma_start3A_810 = arith.constant 5120 : i32
      %dma_start3A_811 = tpu.memref_slice %arg6[%dma_start3A_810] : memref<16384xf32, #tpu.memory_space<vmem>> -> memref<1024xf32, #tpu.memory_space<vmem>>
      tpu.enqueue_dma source(%dma_start3A_811 : memref<1024xf32, #tpu.memory_space<vmem>>) target(%dma_start3A_809 : memref<1024xf32, #tpu.memory_space<hbm>>) target_semaphore(%arg10 : memref<!tpu.dma_semaphore, #tpu.memory_space<semaphore_mem>>)
      %add3A_812 = arith.constant 6 : i32
      %add3A_813 = arith.addi %mul3A_553, %add3A_812 : i32
      %dma_start3A_814 = arith.constant 6144 : i32
      %dma_start3A_815 = tpu.memref_slice %arg6[%dma_start3A_814] : memref<16384xf32, #tpu.memory_space<vmem>> -> memref<1024xf32, #tpu.memory_space<vmem>>
      %dma_start3A_816 = tpu.memref_slice %arg3[%add3A_813, %mul3A_557] : memref<4096x8192xf32, #tpu.memory_space<hbm>> -> memref<1x1024xf32, #tpu.memory_space<hbm>>
      %dma_start3A_817 = tpu.memref_squeeze %dma_start3A_816 : memref<1x1024xf32, #tpu.memory_space<hbm>> -> memref<1024xf32, #tpu.memory_space<hbm>>
      %dma_start3A_818 = tpu.memref_slice %arg3[%add3A_813, %mul3A_557] : memref<4096x8192xf32, #tpu.memory_space<hbm>> -> memref<1x1024xf32, #tpu.memory_space<hbm>>
      %dma_start3A_819 = tpu.memref_squeeze %dma_start3A_818 : memref<1x1024xf32, #tpu.memory_space<hbm>> -> memref<1024xf32, #tpu.memory_space<hbm>>
      %dma_start3A_820 = arith.constant 6144 : i32
      %dma_start3A_821 = tpu.memref_slice %arg6[%dma_start3A_820] : memref<16384xf32, #tpu.memory_space<vmem>> -> memref<1024xf32, #tpu.memory_space<vmem>>
      tpu.enqueue_dma source(%dma_start3A_821 : memref<1024xf32, #tpu.memory_space<vmem>>) target(%dma_start3A_819 : memref<1024xf32, #tpu.memory_space<hbm>>) target_semaphore(%arg10 : memref<!tpu.dma_semaphore, #tpu.memory_space<semaphore_mem>>)
      %add3A_822 = arith.constant 7 : i32
      %add3A_823 = arith.addi %mul3A_553, %add3A_822 : i32
      %dma_start3A_824 = arith.constant 7168 : i32
      %dma_start3A_825 = tpu.memref_slice %arg6[%dma_start3A_824] : memref<16384xf32, #tpu.memory_space<vmem>> -> memref<1024xf32, #tpu.memory_space<vmem>>
      %dma_start3A_826 = tpu.memref_slice %arg3[%add3A_823, %mul3A_557] : memref<4096x8192xf32, #tpu.memory_space<hbm>> -> memref<1x1024xf32, #tpu.memory_space<hbm>>
      %dma_start3A_827 = tpu.memref_squeeze %dma_start3A_826 : memref<1x1024xf32, #tpu.memory_space<hbm>> -> memref<1024xf32, #tpu.memory_space<hbm>>
      %dma_start3A_828 = tpu.memref_slice %arg3[%add3A_823, %mul3A_557] : memref<4096x8192xf32, #tpu.memory_space<hbm>> -> memref<1x1024xf32, #tpu.memory_space<hbm>>
      %dma_start3A_829 = tpu.memref_squeeze %dma_start3A_828 : memref<1x1024xf32, #tpu.memory_space<hbm>> -> memref<1024xf32, #tpu.memory_space<hbm>>
      %dma_start3A_830 = arith.constant 7168 : i32
      %dma_start3A_831 = tpu.memref_slice %arg6[%dma_start3A_830] : memref<16384xf32, #tpu.memory_space<vmem>> -> memref<1024xf32, #tpu.memory_space<vmem>>
      tpu.enqueue_dma source(%dma_start3A_831 : memref<1024xf32, #tpu.memory_space<vmem>>) target(%dma_start3A_829 : memref<1024xf32, #tpu.memory_space<hbm>>) target_semaphore(%arg10 : memref<!tpu.dma_semaphore, #tpu.memory_space<semaphore_mem>>)
      %add3A_832 = arith.constant 8 : i32
      %add3A_833 = arith.addi %mul3A_553, %add3A_832 : i32
      %dma_start3A_834 = arith.constant 8192 : i32
      %dma_start3A_835 = tpu.memref_slice %arg6[%dma_start3A_834] : memref<16384xf32, #tpu.memory_space<vmem>> -> memref<1024xf32, #tpu.memory_space<vmem>>
      %dma_start3A_836 = tpu.memref_slice %arg3[%add3A_833, %mul3A_557] : memref<4096x8192xf32, #tpu.memory_space<hbm>> -> memref<1x1024xf32, #tpu.memory_space<hbm>>
      %dma_start3A_837 = tpu.memref_squeeze %dma_start3A_836 : memref<1x1024xf32, #tpu.memory_space<hbm>> -> memref<1024xf32, #tpu.memory_space<hbm>>
      %dma_start3A_838 = tpu.memref_slice %arg3[%add3A_833, %mul3A_557] : memref<4096x8192xf32, #tpu.memory_space<hbm>> -> memref<1x1024xf32, #tpu.memory_space<hbm>>
      %dma_start3A_839 = tpu.memref_squeeze %dma_start3A_838 : memref<1x1024xf32, #tpu.memory_space<hbm>> -> memref<1024xf32, #tpu.memory_space<hbm>>
      %dma_start3A_840 = arith.constant 8192 : i32
      %dma_start3A_841 = tpu.memref_slice %arg6[%dma_start3A_840] : memref<16384xf32, #tpu.memory_space<vmem>> -> memref<1024xf32, #tpu.memory_space<vmem>>
      tpu.enqueue_dma source(%dma_start3A_841 : memref<1024xf32, #tpu.memory_space<vmem>>) target(%dma_start3A_839 : memref<1024xf32, #tpu.memory_space<hbm>>) target_semaphore(%arg10 : memref<!tpu.dma_semaphore, #tpu.memory_space<semaphore_mem>>)
      %add3A_842 = arith.constant 9 : i32
      %add3A_843 = arith.addi %mul3A_553, %add3A_842 : i32
      %dma_start3A_844 = arith.constant 9216 : i32
      %dma_start3A_845 = tpu.memref_slice %arg6[%dma_start3A_844] : memref<16384xf32, #tpu.memory_space<vmem>> -> memref<1024xf32, #tpu.memory_space<vmem>>
      %dma_start3A_846 = tpu.memref_slice %arg3[%add3A_843, %mul3A_557] : memref<4096x8192xf32, #tpu.memory_space<hbm>> -> memref<1x1024xf32, #tpu.memory_space<hbm>>
      %dma_start3A_847 = tpu.memref_squeeze %dma_start3A_846 : memref<1x1024xf32, #tpu.memory_space<hbm>> -> memref<1024xf32, #tpu.memory_space<hbm>>
      %dma_start3A_848 = tpu.memref_slice %arg3[%add3A_843, %mul3A_557] : memref<4096x8192xf32, #tpu.memory_space<hbm>> -> memref<1x1024xf32, #tpu.memory_space<hbm>>
      %dma_start3A_849 = tpu.memref_squeeze %dma_start3A_848 : memref<1x1024xf32, #tpu.memory_space<hbm>> -> memref<1024xf32, #tpu.memory_space<hbm>>
      %dma_start3A_850 = arith.constant 9216 : i32
      %dma_start3A_851 = tpu.memref_slice %arg6[%dma_start3A_850] : memref<16384xf32, #tpu.memory_space<vmem>> -> memref<1024xf32, #tpu.memory_space<vmem>>
      tpu.enqueue_dma source(%dma_start3A_851 : memref<1024xf32, #tpu.memory_space<vmem>>) target(%dma_start3A_849 : memref<1024xf32, #tpu.memory_space<hbm>>) target_semaphore(%arg10 : memref<!tpu.dma_semaphore, #tpu.memory_space<semaphore_mem>>)
      %add3A_852 = arith.constant 10 : i32
      %add3A_853 = arith.addi %mul3A_553, %add3A_852 : i32
      %dma_start3A_854 = arith.constant 10240 : i32
      %dma_start3A_855 = tpu.memref_slice %arg6[%dma_start3A_854] : memref<16384xf32, #tpu.memory_space<vmem>> -> memref<1024xf32, #tpu.memory_space<vmem>>
      %dma_start3A_856 = tpu.memref_slice %arg3[%add3A_853, %mul3A_557] : memref<4096x8192xf32, #tpu.memory_space<hbm>> -> memref<1x1024xf32, #tpu.memory_space<hbm>>
      %dma_start3A_857 = tpu.memref_squeeze %dma_start3A_856 : memref<1x1024xf32, #tpu.memory_space<hbm>> -> memref<1024xf32, #tpu.memory_space<hbm>>
      %dma_start3A_858 = tpu.memref_slice %arg3[%add3A_853, %mul3A_557] : memref<4096x8192xf32, #tpu.memory_space<hbm>> -> memref<1x1024xf32, #tpu.memory_space<hbm>>
      %dma_start3A_859 = tpu.memref_squeeze %dma_start3A_858 : memref<1x1024xf32, #tpu.memory_space<hbm>> -> memref<1024xf32, #tpu.memory_space<hbm>>
      %dma_start3A_860 = arith.constant 10240 : i32
      %dma_start3A_861 = tpu.memref_slice %arg6[%dma_start3A_860] : memref<16384xf32, #tpu.memory_space<vmem>> -> memref<1024xf32, #tpu.memory_space<vmem>>
      tpu.enqueue_dma source(%dma_start3A_861 : memref<1024xf32, #tpu.memory_space<vmem>>) target(%dma_start3A_859 : memref<1024xf32, #tpu.memory_space<hbm>>) target_semaphore(%arg10 : memref<!tpu.dma_semaphore, #tpu.memory_space<semaphore_mem>>)
      %add3A_862 = arith.constant 11 : i32
      %add3A_863 = arith.addi %mul3A_553, %add3A_862 : i32
      %dma_start3A_864 = arith.constant 11264 : i32
      %dma_start3A_865 = tpu.memref_slice %arg6[%dma_start3A_864] : memref<16384xf32, #tpu.memory_space<vmem>> -> memref<1024xf32, #tpu.memory_space<vmem>>
      %dma_start3A_866 = tpu.memref_slice %arg3[%add3A_863, %mul3A_557] : memref<4096x8192xf32, #tpu.memory_space<hbm>> -> memref<1x1024xf32, #tpu.memory_space<hbm>>
      %dma_start3A_867 = tpu.memref_squeeze %dma_start3A_866 : memref<1x1024xf32, #tpu.memory_space<hbm>> -> memref<1024xf32, #tpu.memory_space<hbm>>
      %dma_start3A_868 = tpu.memref_slice %arg3[%add3A_863, %mul3A_557] : memref<4096x8192xf32, #tpu.memory_space<hbm>> -> memref<1x1024xf32, #tpu.memory_space<hbm>>
      %dma_start3A_869 = tpu.memref_squeeze %dma_start3A_868 : memref<1x1024xf32, #tpu.memory_space<hbm>> -> memref<1024xf32, #tpu.memory_space<hbm>>
      %dma_start3A_870 = arith.constant 11264 : i32
      %dma_start3A_871 = tpu.memref_slice %arg6[%dma_start3A_870] : memref<16384xf32, #tpu.memory_space<vmem>> -> memref<1024xf32, #tpu.memory_space<vmem>>
      tpu.enqueue_dma source(%dma_start3A_871 : memref<1024xf32, #tpu.memory_space<vmem>>) target(%dma_start3A_869 : memref<1024xf32, #tpu.memory_space<hbm>>) target_semaphore(%arg10 : memref<!tpu.dma_semaphore, #tpu.memory_space<semaphore_mem>>)
      %add3A_872 = arith.constant 12 : i32
      %add3A_873 = arith.addi %mul3A_553, %add3A_872 : i32
      %dma_start3A_874 = arith.constant 12288 : i32
      %dma_start3A_875 = tpu.memref_slice %arg6[%dma_start3A_874] : memref<16384xf32, #tpu.memory_space<vmem>> -> memref<1024xf32, #tpu.memory_space<vmem>>
      %dma_start3A_876 = tpu.memref_slice %arg3[%add3A_873, %mul3A_557] : memref<4096x8192xf32, #tpu.memory_space<hbm>> -> memref<1x1024xf32, #tpu.memory_space<hbm>>
      %dma_start3A_877 = tpu.memref_squeeze %dma_start3A_876 : memref<1x1024xf32, #tpu.memory_space<hbm>> -> memref<1024xf32, #tpu.memory_space<hbm>>
      %dma_start3A_878 = tpu.memref_slice %arg3[%add3A_873, %mul3A_557] : memref<4096x8192xf32, #tpu.memory_space<hbm>> -> memref<1x1024xf32, #tpu.memory_space<hbm>>
      %dma_start3A_879 = tpu.memref_squeeze %dma_start3A_878 : memref<1x1024xf32, #tpu.memory_space<hbm>> -> memref<1024xf32, #tpu.memory_space<hbm>>
      %dma_start3A_880 = arith.constant 12288 : i32
      %dma_start3A_881 = tpu.memref_slice %arg6[%dma_start3A_880] : memref<16384xf32, #tpu.memory_space<vmem>> -> memref<1024xf32, #tpu.memory_space<vmem>>
      tpu.enqueue_dma source(%dma_start3A_881 : memref<1024xf32, #tpu.memory_space<vmem>>) target(%dma_start3A_879 : memref<1024xf32, #tpu.memory_space<hbm>>) target_semaphore(%arg10 : memref<!tpu.dma_semaphore, #tpu.memory_space<semaphore_mem>>)
      %add3A_882 = arith.constant 13 : i32
      %add3A_883 = arith.addi %mul3A_553, %add3A_882 : i32
      %dma_start3A_884 = arith.constant 13312 : i32
      %dma_start3A_885 = tpu.memref_slice %arg6[%dma_start3A_884] : memref<16384xf32, #tpu.memory_space<vmem>> -> memref<1024xf32, #tpu.memory_space<vmem>>
      %dma_start3A_886 = tpu.memref_slice %arg3[%add3A_883, %mul3A_557] : memref<4096x8192xf32, #tpu.memory_space<hbm>> -> memref<1x1024xf32, #tpu.memory_space<hbm>>
      %dma_start3A_887 = tpu.memref_squeeze %dma_start3A_886 : memref<1x1024xf32, #tpu.memory_space<hbm>> -> memref<1024xf32, #tpu.memory_space<hbm>>
      %dma_start3A_888 = tpu.memref_slice %arg3[%add3A_883, %mul3A_557] : memref<4096x8192xf32, #tpu.memory_space<hbm>> -> memref<1x1024xf32, #tpu.memory_space<hbm>>
      %dma_start3A_889 = tpu.memref_squeeze %dma_start3A_888 : memref<1x1024xf32, #tpu.memory_space<hbm>> -> memref<1024xf32, #tpu.memory_space<hbm>>
      %dma_start3A_890 = arith.constant 13312 : i32
      %dma_start3A_891 = tpu.memref_slice %arg6[%dma_start3A_890] : memref<16384xf32, #tpu.memory_space<vmem>> -> memref<1024xf32, #tpu.memory_space<vmem>>
      tpu.enqueue_dma source(%dma_start3A_891 : memref<1024xf32, #tpu.memory_space<vmem>>) target(%dma_start3A_889 : memref<1024xf32, #tpu.memory_space<hbm>>) target_semaphore(%arg10 : memref<!tpu.dma_semaphore, #tpu.memory_space<semaphore_mem>>)
      %add3A_892 = arith.constant 14 : i32
      %add3A_893 = arith.addi %mul3A_553, %add3A_892 : i32
      %dma_start3A_894 = arith.constant 14336 : i32
      %dma_start3A_895 = tpu.memref_slice %arg6[%dma_start3A_894] : memref<16384xf32, #tpu.memory_space<vmem>> -> memref<1024xf32, #tpu.memory_space<vmem>>
      %dma_start3A_896 = tpu.memref_slice %arg3[%add3A_893, %mul3A_557] : memref<4096x8192xf32, #tpu.memory_space<hbm>> -> memref<1x1024xf32, #tpu.memory_space<hbm>>
      %dma_start3A_897 = tpu.memref_squeeze %dma_start3A_896 : memref<1x1024xf32, #tpu.memory_space<hbm>> -> memref<1024xf32, #tpu.memory_space<hbm>>
      %dma_start3A_898 = tpu.memref_slice %arg3[%add3A_893, %mul3A_557] : memref<4096x8192xf32, #tpu.memory_space<hbm>> -> memref<1x1024xf32, #tpu.memory_space<hbm>>
      %dma_start3A_899 = tpu.memref_squeeze %dma_start3A_898 : memref<1x1024xf32, #tpu.memory_space<hbm>> -> memref<1024xf32, #tpu.memory_space<hbm>>
      %dma_start3A_900 = arith.constant 14336 : i32
      %dma_start3A_901 = tpu.memref_slice %arg6[%dma_start3A_900] : memref<16384xf32, #tpu.memory_space<vmem>> -> memref<1024xf32, #tpu.memory_space<vmem>>
      tpu.enqueue_dma source(%dma_start3A_901 : memref<1024xf32, #tpu.memory_space<vmem>>) target(%dma_start3A_899 : memref<1024xf32, #tpu.memory_space<hbm>>) target_semaphore(%arg10 : memref<!tpu.dma_semaphore, #tpu.memory_space<semaphore_mem>>)
      %add3A_902 = arith.constant 15 : i32
      %add3A_903 = arith.addi %mul3A_553, %add3A_902 : i32
      %dma_start3A_904 = arith.constant 15360 : i32
      %dma_start3A_905 = tpu.memref_slice %arg6[%dma_start3A_904] : memref<16384xf32, #tpu.memory_space<vmem>> -> memref<1024xf32, #tpu.memory_space<vmem>>
      %dma_start3A_906 = tpu.memref_slice %arg3[%add3A_903, %mul3A_557] : memref<4096x8192xf32, #tpu.memory_space<hbm>> -> memref<1x1024xf32, #tpu.memory_space<hbm>>
      %dma_start3A_907 = tpu.memref_squeeze %dma_start3A_906 : memref<1x1024xf32, #tpu.memory_space<hbm>> -> memref<1024xf32, #tpu.memory_space<hbm>>
      %dma_start3A_908 = tpu.memref_slice %arg3[%add3A_903, %mul3A_557] : memref<4096x8192xf32, #tpu.memory_space<hbm>> -> memref<1x1024xf32, #tpu.memory_space<hbm>>
      %dma_start3A_909 = tpu.memref_squeeze %dma_start3A_908 : memref<1x1024xf32, #tpu.memory_space<hbm>> -> memref<1024xf32, #tpu.memory_space<hbm>>
      %dma_start3A_910 = arith.constant 15360 : i32
      %dma_start3A_911 = tpu.memref_slice %arg6[%dma_start3A_910] : memref<16384xf32, #tpu.memory_space<vmem>> -> memref<1024xf32, #tpu.memory_space<vmem>>
      tpu.enqueue_dma source(%dma_start3A_911 : memref<1024xf32, #tpu.memory_space<vmem>>) target(%dma_start3A_909 : memref<1024xf32, #tpu.memory_space<hbm>>) target_semaphore(%arg10 : memref<!tpu.dma_semaphore, #tpu.memory_space<semaphore_mem>>)
      %add3A_912 = arith.constant 1 : i32
      %add3A_913 = arith.addi %mul3A_528, %add3A_912 : i32
      %jit3A_914 = arith.constant 8 : i32
      %div3A_915 = arith.divsi %add3A_913, %jit3A_914 : i32
      %sign3A_916 = arith.constant 0 : i32
      %sign3A_917 = arith.cmpi sgt, %add3A_913, %sign3A_916 : i32
      %sign3A_918 = arith.extui %sign3A_917 : i1 to i32
      %sign3A_919 = arith.constant 0 : i32
      %sign3A_920 = arith.cmpi slt, %add3A_913, %sign3A_919 : i32
      %sign3A_921 = arith.extui %sign3A_920 : i1 to i32
      %sign3A_922 = arith.subi %sign3A_918, %sign3A_921 : i32
      %sign3A_923 = arith.constant 0 : i32
      %sign3A_924 = arith.cmpi sgt, %jit3A_914, %sign3A_923 : i32
      %sign3A_925 = arith.extui %sign3A_924 : i1 to i32
      %sign3A_926 = arith.constant 0 : i32
      %sign3A_927 = arith.cmpi slt, %jit3A_914, %sign3A_926 : i32
      %sign3A_928 = arith.extui %sign3A_927 : i1 to i32
      %sign3A_929 = arith.subi %sign3A_925, %sign3A_928 : i32
      %ne3A_930 = arith.cmpi ne, %sign3A_922, %sign3A_929 : i32
      %rem3A_931 = arith.remsi %add3A_913, %jit3A_914 : i32
      %ne3A_932 = arith.constant 0 : i32
      %ne3A_933 = arith.cmpi ne, %rem3A_931, %ne3A_932 : i32
      %and3A_934 = arith.andi %ne3A_930, %ne3A_933 : i1
      %sub3A_935 = arith.constant 1 : i32
      %sub3A_936 = arith.subi %div3A_915, %sub3A_935 : i32
      %select_n3A_937 = arith.select %and3A_934, %sub3A_936, %div3A_915 : i32
      %rem3A_938 = arith.constant 8 : i32
      %rem3A_939 = arith.remsi %add3A_913, %rem3A_938 : i32
      %mul3A_940 = arith.constant 8 : i32
      %mul3A_941 = arith.muli %add3A, %mul3A_940 : i32
      %add3A_942 = arith.addi %mul3A_941, %select_n3A_937 : i32
      %mul3A_943 = arith.constant 16 : i32
      %mul3A_944 = arith.muli %add3A_942, %mul3A_943 : i32
      %sub3A_945 = arith.constant 7 : i32
      %sub3A_946 = arith.subi %sub3A_945, %rem3A_939 : i32
      %mul3A_947 = arith.constant 1024 : i32
      %mul3A_948 = arith.muli %sub3A_946, %mul3A_947 : i32
      %eq3A_949 = arith.constant 0 : i32
      %eq3A_950 = arith.cmpi eq, %rem3A_939, %eq3A_949 : i32
      %broadcast_in_dim3A_951 = arith.constant 0.000000e+00 : f32
      %broadcast_in_dim3A_952 = vector.broadcast %broadcast_in_dim3A_951 : f32 to vector<16xf32>
      %select_n3A_953 = arith.select %eq3A_950, %broadcast_in_dim3A_952, %scan3A_750 : vector<16xf32>
      %add3A_954 = arith.constant 1 : i32
      %add3A_955 = arith.addi %add3A_913, %add3A_954 : i32
      %lt3A_956 = arith.constant 64 : i32
      %lt3A_957 = arith.cmpi slt, %add3A_955, %lt3A_956 : i32
      %convert_element_type3A_958 = arith.extui %lt3A_957 : i1 to i32
      %cond3A_959 = arith.constant 0 : i32
      %cond3A_960 = arith.cmpi ne, %convert_element_type3A_958, %cond3A_959 : i32
      scf.if %cond3A_960 {
        %add3A_1308 = arith.constant 1 : i32
        %add3A_1309 = arith.addi %add3A_913, %add3A_1308 : i32
        %jit3A_1310 = arith.constant 8 : i32
        %div3A_1311 = arith.divsi %add3A_1309, %jit3A_1310 : i32
        %sign3A_1312 = arith.constant 0 : i32
        %sign3A_1313 = arith.cmpi sgt, %add3A_1309, %sign3A_1312 : i32
        %sign3A_1314 = arith.extui %sign3A_1313 : i1 to i32
        %sign3A_1315 = arith.constant 0 : i32
        %sign3A_1316 = arith.cmpi slt, %add3A_1309, %sign3A_1315 : i32
        %sign3A_1317 = arith.extui %sign3A_1316 : i1 to i32
        %sign3A_1318 = arith.subi %sign3A_1314, %sign3A_1317 : i32
        %sign3A_1319 = arith.constant 0 : i32
        %sign3A_1320 = arith.cmpi sgt, %jit3A_1310, %sign3A_1319 : i32
        %sign3A_1321 = arith.extui %sign3A_1320 : i1 to i32
        %sign3A_1322 = arith.constant 0 : i32
        %sign3A_1323 = arith.cmpi slt, %jit3A_1310, %sign3A_1322 : i32
        %sign3A_1324 = arith.extui %sign3A_1323 : i1 to i32
        %sign3A_1325 = arith.subi %sign3A_1321, %sign3A_1324 : i32
        %ne3A_1326 = arith.cmpi ne, %sign3A_1318, %sign3A_1325 : i32
        %rem3A_1327 = arith.remsi %add3A_1309, %jit3A_1310 : i32
        %ne3A_1328 = arith.constant 0 : i32
        %ne3A_1329 = arith.cmpi ne, %rem3A_1327, %ne3A_1328 : i32
        %and3A_1330 = arith.andi %ne3A_1326, %ne3A_1329 : i1
        %sub3A_1331 = arith.constant 1 : i32
        %sub3A_1332 = arith.subi %div3A_1311, %sub3A_1331 : i32
        %select_n3A_1333 = arith.select %and3A_1330, %sub3A_1332, %div3A_1311 : i32
        %rem3A_1334 = arith.constant 8 : i32
        %rem3A_1335 = arith.remsi %add3A_1309, %rem3A_1334 : i32
        %mul3A_1336 = arith.constant 8 : i32
        %mul3A_1337 = arith.muli %add3A, %mul3A_1336 : i32
        %add3A_1338 = arith.addi %mul3A_1337, %select_n3A_1333 : i32
        %mul3A_1339 = arith.constant 16 : i32
        %mul3A_1340 = arith.muli %add3A_1338, %mul3A_1339 : i32
        %sub3A_1341 = arith.constant 7 : i32
        %sub3A_1342 = arith.subi %sub3A_1341, %rem3A_1335 : i32
        %mul3A_1343 = arith.constant 1024 : i32
        %mul3A_1344 = arith.muli %sub3A_1342, %mul3A_1343 : i32
        %add3A_1345 = arith.constant 0 : i32
        %add3A_1346 = arith.addi %mul3A_1340, %add3A_1345 : i32
        %dma_start3A_1347 = arith.constant 0 : i32
        %dma_start3A_1348 = tpu.memref_slice %arg4[%dma_start3A_1347] : memref<16384xf32, #tpu.memory_space<vmem>> -> memref<1024xf32, #tpu.memory_space<vmem>>
        %dma_start3A_1349 = tpu.memref_slice %arg2[%add3A_1346, %mul3A_1344] : memref<4096x8192xf32, #tpu.memory_space<hbm>> -> memref<1x1024xf32, #tpu.memory_space<hbm>>
        %dma_start3A_1350 = tpu.memref_squeeze %dma_start3A_1349 : memref<1x1024xf32, #tpu.memory_space<hbm>> -> memref<1024xf32, #tpu.memory_space<hbm>>
        %dma_start3A_1351 = arith.constant 0 : i32
        %dma_start3A_1352 = tpu.memref_slice %arg4[%dma_start3A_1351] : memref<16384xf32, #tpu.memory_space<vmem>> -> memref<1024xf32, #tpu.memory_space<vmem>>
        %dma_start3A_1353 = tpu.memref_slice %arg2[%add3A_1346, %mul3A_1344] : memref<4096x8192xf32, #tpu.memory_space<hbm>> -> memref<1x1024xf32, #tpu.memory_space<hbm>>
        %dma_start3A_1354 = tpu.memref_squeeze %dma_start3A_1353 : memref<1x1024xf32, #tpu.memory_space<hbm>> -> memref<1024xf32, #tpu.memory_space<hbm>>
        tpu.enqueue_dma source(%dma_start3A_1354 : memref<1024xf32, #tpu.memory_space<hbm>>) target(%dma_start3A_1352 : memref<1024xf32, #tpu.memory_space<vmem>>) target_semaphore(%arg8 : memref<!tpu.dma_semaphore, #tpu.memory_space<semaphore_mem>>)
        %add3A_1355 = arith.constant 1 : i32
        %add3A_1356 = arith.addi %mul3A_1340, %add3A_1355 : i32
        %dma_start3A_1357 = arith.constant 1024 : i32
        %dma_start3A_1358 = tpu.memref_slice %arg4[%dma_start3A_1357] : memref<16384xf32, #tpu.memory_space<vmem>> -> memref<1024xf32, #tpu.memory_space<vmem>>
        %dma_start3A_1359 = tpu.memref_slice %arg2[%add3A_1356, %mul3A_1344] : memref<4096x8192xf32, #tpu.memory_space<hbm>> -> memref<1x1024xf32, #tpu.memory_space<hbm>>
        %dma_start3A_1360 = tpu.memref_squeeze %dma_start3A_1359 : memref<1x1024xf32, #tpu.memory_space<hbm>> -> memref<1024xf32, #tpu.memory_space<hbm>>
        %dma_start3A_1361 = arith.constant 1024 : i32
        %dma_start3A_1362 = tpu.memref_slice %arg4[%dma_start3A_1361] : memref<16384xf32, #tpu.memory_space<vmem>> -> memref<1024xf32, #tpu.memory_space<vmem>>
        %dma_start3A_1363 = tpu.memref_slice %arg2[%add3A_1356, %mul3A_1344] : memref<4096x8192xf32, #tpu.memory_space<hbm>> -> memref<1x1024xf32, #tpu.memory_space<hbm>>
        %dma_start3A_1364 = tpu.memref_squeeze %dma_start3A_1363 : memref<1x1024xf32, #tpu.memory_space<hbm>> -> memref<1024xf32, #tpu.memory_space<hbm>>
        tpu.enqueue_dma source(%dma_start3A_1364 : memref<1024xf32, #tpu.memory_space<hbm>>) target(%dma_start3A_1362 : memref<1024xf32, #tpu.memory_space<vmem>>) target_semaphore(%arg8 : memref<!tpu.dma_semaphore, #tpu.memory_space<semaphore_mem>>)
        %add3A_1365 = arith.constant 2 : i32
        %add3A_1366 = arith.addi %mul3A_1340, %add3A_1365 : i32
        %dma_start3A_1367 = arith.constant 2048 : i32
        %dma_start3A_1368 = tpu.memref_slice %arg4[%dma_start3A_1367] : memref<16384xf32, #tpu.memory_space<vmem>> -> memref<1024xf32, #tpu.memory_space<vmem>>
        %dma_start3A_1369 = tpu.memref_slice %arg2[%add3A_1366, %mul3A_1344] : memref<4096x8192xf32, #tpu.memory_space<hbm>> -> memref<1x1024xf32, #tpu.memory_space<hbm>>
        %dma_start3A_1370 = tpu.memref_squeeze %dma_start3A_1369 : memref<1x1024xf32, #tpu.memory_space<hbm>> -> memref<1024xf32, #tpu.memory_space<hbm>>
        %dma_start3A_1371 = arith.constant 2048 : i32
        %dma_start3A_1372 = tpu.memref_slice %arg4[%dma_start3A_1371] : memref<16384xf32, #tpu.memory_space<vmem>> -> memref<1024xf32, #tpu.memory_space<vmem>>
        %dma_start3A_1373 = tpu.memref_slice %arg2[%add3A_1366, %mul3A_1344] : memref<4096x8192xf32, #tpu.memory_space<hbm>> -> memref<1x1024xf32, #tpu.memory_space<hbm>>
        %dma_start3A_1374 = tpu.memref_squeeze %dma_start3A_1373 : memref<1x1024xf32, #tpu.memory_space<hbm>> -> memref<1024xf32, #tpu.memory_space<hbm>>
        tpu.enqueue_dma source(%dma_start3A_1374 : memref<1024xf32, #tpu.memory_space<hbm>>) target(%dma_start3A_1372 : memref<1024xf32, #tpu.memory_space<vmem>>) target_semaphore(%arg8 : memref<!tpu.dma_semaphore, #tpu.memory_space<semaphore_mem>>)
        %add3A_1375 = arith.constant 3 : i32
        %add3A_1376 = arith.addi %mul3A_1340, %add3A_1375 : i32
        %dma_start3A_1377 = arith.constant 3072 : i32
        %dma_start3A_1378 = tpu.memref_slice %arg4[%dma_start3A_1377] : memref<16384xf32, #tpu.memory_space<vmem>> -> memref<1024xf32, #tpu.memory_space<vmem>>
        %dma_start3A_1379 = tpu.memref_slice %arg2[%add3A_1376, %mul3A_1344] : memref<4096x8192xf32, #tpu.memory_space<hbm>> -> memref<1x1024xf32, #tpu.memory_space<hbm>>
        %dma_start3A_1380 = tpu.memref_squeeze %dma_start3A_1379 : memref<1x1024xf32, #tpu.memory_space<hbm>> -> memref<1024xf32, #tpu.memory_space<hbm>>
        %dma_start3A_1381 = arith.constant 3072 : i32
        %dma_start3A_1382 = tpu.memref_slice %arg4[%dma_start3A_1381] : memref<16384xf32, #tpu.memory_space<vmem>> -> memref<1024xf32, #tpu.memory_space<vmem>>
        %dma_start3A_1383 = tpu.memref_slice %arg2[%add3A_1376, %mul3A_1344] : memref<4096x8192xf32, #tpu.memory_space<hbm>> -> memref<1x1024xf32, #tpu.memory_space<hbm>>
        %dma_start3A_1384 = tpu.memref_squeeze %dma_start3A_1383 : memref<1x1024xf32, #tpu.memory_space<hbm>> -> memref<1024xf32, #tpu.memory_space<hbm>>
        tpu.enqueue_dma source(%dma_start3A_1384 : memref<1024xf32, #tpu.memory_space<hbm>>) target(%dma_start3A_1382 : memref<1024xf32, #tpu.memory_space<vmem>>) target_semaphore(%arg8 : memref<!tpu.dma_semaphore, #tpu.memory_space<semaphore_mem>>)
        %add3A_1385 = arith.constant 4 : i32
        %add3A_1386 = arith.addi %mul3A_1340, %add3A_1385 : i32
        %dma_start3A_1387 = arith.constant 4096 : i32
        %dma_start3A_1388 = tpu.memref_slice %arg4[%dma_start3A_1387] : memref<16384xf32, #tpu.memory_space<vmem>> -> memref<1024xf32, #tpu.memory_space<vmem>>
        %dma_start3A_1389 = tpu.memref_slice %arg2[%add3A_1386, %mul3A_1344] : memref<4096x8192xf32, #tpu.memory_space<hbm>> -> memref<1x1024xf32, #tpu.memory_space<hbm>>
        %dma_start3A_1390 = tpu.memref_squeeze %dma_start3A_1389 : memref<1x1024xf32, #tpu.memory_space<hbm>> -> memref<1024xf32, #tpu.memory_space<hbm>>
        %dma_start3A_1391 = arith.constant 4096 : i32
        %dma_start3A_1392 = tpu.memref_slice %arg4[%dma_start3A_1391] : memref<16384xf32, #tpu.memory_space<vmem>> -> memref<1024xf32, #tpu.memory_space<vmem>>
        %dma_start3A_1393 = tpu.memref_slice %arg2[%add3A_1386, %mul3A_1344] : memref<4096x8192xf32, #tpu.memory_space<hbm>> -> memref<1x1024xf32, #tpu.memory_space<hbm>>
        %dma_start3A_1394 = tpu.memref_squeeze %dma_start3A_1393 : memref<1x1024xf32, #tpu.memory_space<hbm>> -> memref<1024xf32, #tpu.memory_space<hbm>>
        tpu.enqueue_dma source(%dma_start3A_1394 : memref<1024xf32, #tpu.memory_space<hbm>>) target(%dma_start3A_1392 : memref<1024xf32, #tpu.memory_space<vmem>>) target_semaphore(%arg8 : memref<!tpu.dma_semaphore, #tpu.memory_space<semaphore_mem>>)
        %add3A_1395 = arith.constant 5 : i32
        %add3A_1396 = arith.addi %mul3A_1340, %add3A_1395 : i32
        %dma_start3A_1397 = arith.constant 5120 : i32
        %dma_start3A_1398 = tpu.memref_slice %arg4[%dma_start3A_1397] : memref<16384xf32, #tpu.memory_space<vmem>> -> memref<1024xf32, #tpu.memory_space<vmem>>
        %dma_start3A_1399 = tpu.memref_slice %arg2[%add3A_1396, %mul3A_1344] : memref<4096x8192xf32, #tpu.memory_space<hbm>> -> memref<1x1024xf32, #tpu.memory_space<hbm>>
        %dma_start3A_1400 = tpu.memref_squeeze %dma_start3A_1399 : memref<1x1024xf32, #tpu.memory_space<hbm>> -> memref<1024xf32, #tpu.memory_space<hbm>>
        %dma_start3A_1401 = arith.constant 5120 : i32
        %dma_start3A_1402 = tpu.memref_slice %arg4[%dma_start3A_1401] : memref<16384xf32, #tpu.memory_space<vmem>> -> memref<1024xf32, #tpu.memory_space<vmem>>
        %dma_start3A_1403 = tpu.memref_slice %arg2[%add3A_1396, %mul3A_1344] : memref<4096x8192xf32, #tpu.memory_space<hbm>> -> memref<1x1024xf32, #tpu.memory_space<hbm>>
        %dma_start3A_1404 = tpu.memref_squeeze %dma_start3A_1403 : memref<1x1024xf32, #tpu.memory_space<hbm>> -> memref<1024xf32, #tpu.memory_space<hbm>>
        tpu.enqueue_dma source(%dma_start3A_1404 : memref<1024xf32, #tpu.memory_space<hbm>>) target(%dma_start3A_1402 : memref<1024xf32, #tpu.memory_space<vmem>>) target_semaphore(%arg8 : memref<!tpu.dma_semaphore, #tpu.memory_space<semaphore_mem>>)
        %add3A_1405 = arith.constant 6 : i32
        %add3A_1406 = arith.addi %mul3A_1340, %add3A_1405 : i32
        %dma_start3A_1407 = arith.constant 6144 : i32
        %dma_start3A_1408 = tpu.memref_slice %arg4[%dma_start3A_1407] : memref<16384xf32, #tpu.memory_space<vmem>> -> memref<1024xf32, #tpu.memory_space<vmem>>
        %dma_start3A_1409 = tpu.memref_slice %arg2[%add3A_1406, %mul3A_1344] : memref<4096x8192xf32, #tpu.memory_space<hbm>> -> memref<1x1024xf32, #tpu.memory_space<hbm>>
        %dma_start3A_1410 = tpu.memref_squeeze %dma_start3A_1409 : memref<1x1024xf32, #tpu.memory_space<hbm>> -> memref<1024xf32, #tpu.memory_space<hbm>>
        %dma_start3A_1411 = arith.constant 6144 : i32
        %dma_start3A_1412 = tpu.memref_slice %arg4[%dma_start3A_1411] : memref<16384xf32, #tpu.memory_space<vmem>> -> memref<1024xf32, #tpu.memory_space<vmem>>
        %dma_start3A_1413 = tpu.memref_slice %arg2[%add3A_1406, %mul3A_1344] : memref<4096x8192xf32, #tpu.memory_space<hbm>> -> memref<1x1024xf32, #tpu.memory_space<hbm>>
        %dma_start3A_1414 = tpu.memref_squeeze %dma_start3A_1413 : memref<1x1024xf32, #tpu.memory_space<hbm>> -> memref<1024xf32, #tpu.memory_space<hbm>>
        tpu.enqueue_dma source(%dma_start3A_1414 : memref<1024xf32, #tpu.memory_space<hbm>>) target(%dma_start3A_1412 : memref<1024xf32, #tpu.memory_space<vmem>>) target_semaphore(%arg8 : memref<!tpu.dma_semaphore, #tpu.memory_space<semaphore_mem>>)
        %add3A_1415 = arith.constant 7 : i32
        %add3A_1416 = arith.addi %mul3A_1340, %add3A_1415 : i32
        %dma_start3A_1417 = arith.constant 7168 : i32
        %dma_start3A_1418 = tpu.memref_slice %arg4[%dma_start3A_1417] : memref<16384xf32, #tpu.memory_space<vmem>> -> memref<1024xf32, #tpu.memory_space<vmem>>
        %dma_start3A_1419 = tpu.memref_slice %arg2[%add3A_1416, %mul3A_1344] : memref<4096x8192xf32, #tpu.memory_space<hbm>> -> memref<1x1024xf32, #tpu.memory_space<hbm>>
        %dma_start3A_1420 = tpu.memref_squeeze %dma_start3A_1419 : memref<1x1024xf32, #tpu.memory_space<hbm>> -> memref<1024xf32, #tpu.memory_space<hbm>>
        %dma_start3A_1421 = arith.constant 7168 : i32
        %dma_start3A_1422 = tpu.memref_slice %arg4[%dma_start3A_1421] : memref<16384xf32, #tpu.memory_space<vmem>> -> memref<1024xf32, #tpu.memory_space<vmem>>
        %dma_start3A_1423 = tpu.memref_slice %arg2[%add3A_1416, %mul3A_1344] : memref<4096x8192xf32, #tpu.memory_space<hbm>> -> memref<1x1024xf32, #tpu.memory_space<hbm>>
        %dma_start3A_1424 = tpu.memref_squeeze %dma_start3A_1423 : memref<1x1024xf32, #tpu.memory_space<hbm>> -> memref<1024xf32, #tpu.memory_space<hbm>>
        tpu.enqueue_dma source(%dma_start3A_1424 : memref<1024xf32, #tpu.memory_space<hbm>>) target(%dma_start3A_1422 : memref<1024xf32, #tpu.memory_space<vmem>>) target_semaphore(%arg8 : memref<!tpu.dma_semaphore, #tpu.memory_space<semaphore_mem>>)
        %add3A_1425 = arith.constant 8 : i32
        %add3A_1426 = arith.addi %mul3A_1340, %add3A_1425 : i32
        %dma_start3A_1427 = arith.constant 8192 : i32
        %dma_start3A_1428 = tpu.memref_slice %arg4[%dma_start3A_1427] : memref<16384xf32, #tpu.memory_space<vmem>> -> memref<1024xf32, #tpu.memory_space<vmem>>
        %dma_start3A_1429 = tpu.memref_slice %arg2[%add3A_1426, %mul3A_1344] : memref<4096x8192xf32, #tpu.memory_space<hbm>> -> memref<1x1024xf32, #tpu.memory_space<hbm>>
        %dma_start3A_1430 = tpu.memref_squeeze %dma_start3A_1429 : memref<1x1024xf32, #tpu.memory_space<hbm>> -> memref<1024xf32, #tpu.memory_space<hbm>>
        %dma_start3A_1431 = arith.constant 8192 : i32
        %dma_start3A_1432 = tpu.memref_slice %arg4[%dma_start3A_1431] : memref<16384xf32, #tpu.memory_space<vmem>> -> memref<1024xf32, #tpu.memory_space<vmem>>
        %dma_start3A_1433 = tpu.memref_slice %arg2[%add3A_1426, %mul3A_1344] : memref<4096x8192xf32, #tpu.memory_space<hbm>> -> memref<1x1024xf32, #tpu.memory_space<hbm>>
        %dma_start3A_1434 = tpu.memref_squeeze %dma_start3A_1433 : memref<1x1024xf32, #tpu.memory_space<hbm>> -> memref<1024xf32, #tpu.memory_space<hbm>>
        tpu.enqueue_dma source(%dma_start3A_1434 : memref<1024xf32, #tpu.memory_space<hbm>>) target(%dma_start3A_1432 : memref<1024xf32, #tpu.memory_space<vmem>>) target_semaphore(%arg8 : memref<!tpu.dma_semaphore, #tpu.memory_space<semaphore_mem>>)
        %add3A_1435 = arith.constant 9 : i32
        %add3A_1436 = arith.addi %mul3A_1340, %add3A_1435 : i32
        %dma_start3A_1437 = arith.constant 9216 : i32
        %dma_start3A_1438 = tpu.memref_slice %arg4[%dma_start3A_1437] : memref<16384xf32, #tpu.memory_space<vmem>> -> memref<1024xf32, #tpu.memory_space<vmem>>
        %dma_start3A_1439 = tpu.memref_slice %arg2[%add3A_1436, %mul3A_1344] : memref<4096x8192xf32, #tpu.memory_space<hbm>> -> memref<1x1024xf32, #tpu.memory_space<hbm>>
        %dma_start3A_1440 = tpu.memref_squeeze %dma_start3A_1439 : memref<1x1024xf32, #tpu.memory_space<hbm>> -> memref<1024xf32, #tpu.memory_space<hbm>>
        %dma_start3A_1441 = arith.constant 9216 : i32
        %dma_start3A_1442 = tpu.memref_slice %arg4[%dma_start3A_1441] : memref<16384xf32, #tpu.memory_space<vmem>> -> memref<1024xf32, #tpu.memory_space<vmem>>
        %dma_start3A_1443 = tpu.memref_slice %arg2[%add3A_1436, %mul3A_1344] : memref<4096x8192xf32, #tpu.memory_space<hbm>> -> memref<1x1024xf32, #tpu.memory_space<hbm>>
        %dma_start3A_1444 = tpu.memref_squeeze %dma_start3A_1443 : memref<1x1024xf32, #tpu.memory_space<hbm>> -> memref<1024xf32, #tpu.memory_space<hbm>>
        tpu.enqueue_dma source(%dma_start3A_1444 : memref<1024xf32, #tpu.memory_space<hbm>>) target(%dma_start3A_1442 : memref<1024xf32, #tpu.memory_space<vmem>>) target_semaphore(%arg8 : memref<!tpu.dma_semaphore, #tpu.memory_space<semaphore_mem>>)
        %add3A_1445 = arith.constant 10 : i32
        %add3A_1446 = arith.addi %mul3A_1340, %add3A_1445 : i32
        %dma_start3A_1447 = arith.constant 10240 : i32
        %dma_start3A_1448 = tpu.memref_slice %arg4[%dma_start3A_1447] : memref<16384xf32, #tpu.memory_space<vmem>> -> memref<1024xf32, #tpu.memory_space<vmem>>
        %dma_start3A_1449 = tpu.memref_slice %arg2[%add3A_1446, %mul3A_1344] : memref<4096x8192xf32, #tpu.memory_space<hbm>> -> memref<1x1024xf32, #tpu.memory_space<hbm>>
        %dma_start3A_1450 = tpu.memref_squeeze %dma_start3A_1449 : memref<1x1024xf32, #tpu.memory_space<hbm>> -> memref<1024xf32, #tpu.memory_space<hbm>>
        %dma_start3A_1451 = arith.constant 10240 : i32
        %dma_start3A_1452 = tpu.memref_slice %arg4[%dma_start3A_1451] : memref<16384xf32, #tpu.memory_space<vmem>> -> memref<1024xf32, #tpu.memory_space<vmem>>
        %dma_start3A_1453 = tpu.memref_slice %arg2[%add3A_1446, %mul3A_1344] : memref<4096x8192xf32, #tpu.memory_space<hbm>> -> memref<1x1024xf32, #tpu.memory_space<hbm>>
        %dma_start3A_1454 = tpu.memref_squeeze %dma_start3A_1453 : memref<1x1024xf32, #tpu.memory_space<hbm>> -> memref<1024xf32, #tpu.memory_space<hbm>>
        tpu.enqueue_dma source(%dma_start3A_1454 : memref<1024xf32, #tpu.memory_space<hbm>>) target(%dma_start3A_1452 : memref<1024xf32, #tpu.memory_space<vmem>>) target_semaphore(%arg8 : memref<!tpu.dma_semaphore, #tpu.memory_space<semaphore_mem>>)
        %add3A_1455 = arith.constant 11 : i32
        %add3A_1456 = arith.addi %mul3A_1340, %add3A_1455 : i32
        %dma_start3A_1457 = arith.constant 11264 : i32
        %dma_start3A_1458 = tpu.memref_slice %arg4[%dma_start3A_1457] : memref<16384xf32, #tpu.memory_space<vmem>> -> memref<1024xf32, #tpu.memory_space<vmem>>
        %dma_start3A_1459 = tpu.memref_slice %arg2[%add3A_1456, %mul3A_1344] : memref<4096x8192xf32, #tpu.memory_space<hbm>> -> memref<1x1024xf32, #tpu.memory_space<hbm>>
        %dma_start3A_1460 = tpu.memref_squeeze %dma_start3A_1459 : memref<1x1024xf32, #tpu.memory_space<hbm>> -> memref<1024xf32, #tpu.memory_space<hbm>>
        %dma_start3A_1461 = arith.constant 11264 : i32
        %dma_start3A_1462 = tpu.memref_slice %arg4[%dma_start3A_1461] : memref<16384xf32, #tpu.memory_space<vmem>> -> memref<1024xf32, #tpu.memory_space<vmem>>
        %dma_start3A_1463 = tpu.memref_slice %arg2[%add3A_1456, %mul3A_1344] : memref<4096x8192xf32, #tpu.memory_space<hbm>> -> memref<1x1024xf32, #tpu.memory_space<hbm>>
        %dma_start3A_1464 = tpu.memref_squeeze %dma_start3A_1463 : memref<1x1024xf32, #tpu.memory_space<hbm>> -> memref<1024xf32, #tpu.memory_space<hbm>>
        tpu.enqueue_dma source(%dma_start3A_1464 : memref<1024xf32, #tpu.memory_space<hbm>>) target(%dma_start3A_1462 : memref<1024xf32, #tpu.memory_space<vmem>>) target_semaphore(%arg8 : memref<!tpu.dma_semaphore, #tpu.memory_space<semaphore_mem>>)
        %add3A_1465 = arith.constant 12 : i32
        %add3A_1466 = arith.addi %mul3A_1340, %add3A_1465 : i32
        %dma_start3A_1467 = arith.constant 12288 : i32
        %dma_start3A_1468 = tpu.memref_slice %arg4[%dma_start3A_1467] : memref<16384xf32, #tpu.memory_space<vmem>> -> memref<1024xf32, #tpu.memory_space<vmem>>
        %dma_start3A_1469 = tpu.memref_slice %arg2[%add3A_1466, %mul3A_1344] : memref<4096x8192xf32, #tpu.memory_space<hbm>> -> memref<1x1024xf32, #tpu.memory_space<hbm>>
        %dma_start3A_1470 = tpu.memref_squeeze %dma_start3A_1469 : memref<1x1024xf32, #tpu.memory_space<hbm>> -> memref<1024xf32, #tpu.memory_space<hbm>>
        %dma_start3A_1471 = arith.constant 12288 : i32
        %dma_start3A_1472 = tpu.memref_slice %arg4[%dma_start3A_1471] : memref<16384xf32, #tpu.memory_space<vmem>> -> memref<1024xf32, #tpu.memory_space<vmem>>
        %dma_start3A_1473 = tpu.memref_slice %arg2[%add3A_1466, %mul3A_1344] : memref<4096x8192xf32, #tpu.memory_space<hbm>> -> memref<1x1024xf32, #tpu.memory_space<hbm>>
        %dma_start3A_1474 = tpu.memref_squeeze %dma_start3A_1473 : memref<1x1024xf32, #tpu.memory_space<hbm>> -> memref<1024xf32, #tpu.memory_space<hbm>>
        tpu.enqueue_dma source(%dma_start3A_1474 : memref<1024xf32, #tpu.memory_space<hbm>>) target(%dma_start3A_1472 : memref<1024xf32, #tpu.memory_space<vmem>>) target_semaphore(%arg8 : memref<!tpu.dma_semaphore, #tpu.memory_space<semaphore_mem>>)
        %add3A_1475 = arith.constant 13 : i32
        %add3A_1476 = arith.addi %mul3A_1340, %add3A_1475 : i32
        %dma_start3A_1477 = arith.constant 13312 : i32
        %dma_start3A_1478 = tpu.memref_slice %arg4[%dma_start3A_1477] : memref<16384xf32, #tpu.memory_space<vmem>> -> memref<1024xf32, #tpu.memory_space<vmem>>
        %dma_start3A_1479 = tpu.memref_slice %arg2[%add3A_1476, %mul3A_1344] : memref<4096x8192xf32, #tpu.memory_space<hbm>> -> memref<1x1024xf32, #tpu.memory_space<hbm>>
        %dma_start3A_1480 = tpu.memref_squeeze %dma_start3A_1479 : memref<1x1024xf32, #tpu.memory_space<hbm>> -> memref<1024xf32, #tpu.memory_space<hbm>>
        %dma_start3A_1481 = arith.constant 13312 : i32
        %dma_start3A_1482 = tpu.memref_slice %arg4[%dma_start3A_1481] : memref<16384xf32, #tpu.memory_space<vmem>> -> memref<1024xf32, #tpu.memory_space<vmem>>
        %dma_start3A_1483 = tpu.memref_slice %arg2[%add3A_1476, %mul3A_1344] : memref<4096x8192xf32, #tpu.memory_space<hbm>> -> memref<1x1024xf32, #tpu.memory_space<hbm>>
        %dma_start3A_1484 = tpu.memref_squeeze %dma_start3A_1483 : memref<1x1024xf32, #tpu.memory_space<hbm>> -> memref<1024xf32, #tpu.memory_space<hbm>>
        tpu.enqueue_dma source(%dma_start3A_1484 : memref<1024xf32, #tpu.memory_space<hbm>>) target(%dma_start3A_1482 : memref<1024xf32, #tpu.memory_space<vmem>>) target_semaphore(%arg8 : memref<!tpu.dma_semaphore, #tpu.memory_space<semaphore_mem>>)
        %add3A_1485 = arith.constant 14 : i32
        %add3A_1486 = arith.addi %mul3A_1340, %add3A_1485 : i32
        %dma_start3A_1487 = arith.constant 14336 : i32
        %dma_start3A_1488 = tpu.memref_slice %arg4[%dma_start3A_1487] : memref<16384xf32, #tpu.memory_space<vmem>> -> memref<1024xf32, #tpu.memory_space<vmem>>
        %dma_start3A_1489 = tpu.memref_slice %arg2[%add3A_1486, %mul3A_1344] : memref<4096x8192xf32, #tpu.memory_space<hbm>> -> memref<1x1024xf32, #tpu.memory_space<hbm>>
        %dma_start3A_1490 = tpu.memref_squeeze %dma_start3A_1489 : memref<1x1024xf32, #tpu.memory_space<hbm>> -> memref<1024xf32, #tpu.memory_space<hbm>>
        %dma_start3A_1491 = arith.constant 14336 : i32
        %dma_start3A_1492 = tpu.memref_slice %arg4[%dma_start3A_1491] : memref<16384xf32, #tpu.memory_space<vmem>> -> memref<1024xf32, #tpu.memory_space<vmem>>
        %dma_start3A_1493 = tpu.memref_slice %arg2[%add3A_1486, %mul3A_1344] : memref<4096x8192xf32, #tpu.memory_space<hbm>> -> memref<1x1024xf32, #tpu.memory_space<hbm>>
        %dma_start3A_1494 = tpu.memref_squeeze %dma_start3A_1493 : memref<1x1024xf32, #tpu.memory_space<hbm>> -> memref<1024xf32, #tpu.memory_space<hbm>>
        tpu.enqueue_dma source(%dma_start3A_1494 : memref<1024xf32, #tpu.memory_space<hbm>>) target(%dma_start3A_1492 : memref<1024xf32, #tpu.memory_space<vmem>>) target_semaphore(%arg8 : memref<!tpu.dma_semaphore, #tpu.memory_space<semaphore_mem>>)
        %add3A_1495 = arith.constant 15 : i32
        %add3A_1496 = arith.addi %mul3A_1340, %add3A_1495 : i32
        %dma_start3A_1497 = arith.constant 15360 : i32
        %dma_start3A_1498 = tpu.memref_slice %arg4[%dma_start3A_1497] : memref<16384xf32, #tpu.memory_space<vmem>> -> memref<1024xf32, #tpu.memory_space<vmem>>
        %dma_start3A_1499 = tpu.memref_slice %arg2[%add3A_1496, %mul3A_1344] : memref<4096x8192xf32, #tpu.memory_space<hbm>> -> memref<1x1024xf32, #tpu.memory_space<hbm>>
        %dma_start3A_1500 = tpu.memref_squeeze %dma_start3A_1499 : memref<1x1024xf32, #tpu.memory_space<hbm>> -> memref<1024xf32, #tpu.memory_space<hbm>>
        %dma_start3A_1501 = arith.constant 15360 : i32
        %dma_start3A_1502 = tpu.memref_slice %arg4[%dma_start3A_1501] : memref<16384xf32, #tpu.memory_space<vmem>> -> memref<1024xf32, #tpu.memory_space<vmem>>
        %dma_start3A_1503 = tpu.memref_slice %arg2[%add3A_1496, %mul3A_1344] : memref<4096x8192xf32, #tpu.memory_space<hbm>> -> memref<1x1024xf32, #tpu.memory_space<hbm>>
        %dma_start3A_1504 = tpu.memref_squeeze %dma_start3A_1503 : memref<1x1024xf32, #tpu.memory_space<hbm>> -> memref<1024xf32, #tpu.memory_space<hbm>>
        tpu.enqueue_dma source(%dma_start3A_1504 : memref<1024xf32, #tpu.memory_space<hbm>>) target(%dma_start3A_1502 : memref<1024xf32, #tpu.memory_space<vmem>>) target_semaphore(%arg8 : memref<!tpu.dma_semaphore, #tpu.memory_space<semaphore_mem>>)
      } else {
      }
      %add3A_961 = arith.constant 0 : i32
      %add3A_962 = arith.addi %mul3A_944, %add3A_961 : i32
      %dma_wait3A_963 = arith.constant 0 : i32
      %dma_wait3A_964 = tpu.memref_slice %arg5[%dma_wait3A_963] : memref<16384xf32, #tpu.memory_space<vmem>> -> memref<1024xf32, #tpu.memory_space<vmem>>
      %dma_wait3A_965 = tpu.memref_slice %arg2[%add3A_962, %mul3A_948] : memref<4096x8192xf32, #tpu.memory_space<hbm>> -> memref<1x1024xf32, #tpu.memory_space<hbm>>
      %dma_wait3A_966 = tpu.memref_squeeze %dma_wait3A_965 : memref<1x1024xf32, #tpu.memory_space<hbm>> -> memref<1024xf32, #tpu.memory_space<hbm>>
      %dma_wait3A_967 = arith.constant 0 : i32
      %dma_wait3A_968 = tpu.memref_slice %arg5[%dma_wait3A_967] : memref<16384xf32, #tpu.memory_space<vmem>> -> memref<1024xf32, #tpu.memory_space<vmem>>
      %dma_wait3A_969 = tpu.memref_slice %arg2[%add3A_962, %mul3A_948] : memref<4096x8192xf32, #tpu.memory_space<hbm>> -> memref<1x1024xf32, #tpu.memory_space<hbm>>
      %dma_wait3A_970 = tpu.memref_squeeze %dma_wait3A_969 : memref<1x1024xf32, #tpu.memory_space<hbm>> -> memref<1024xf32, #tpu.memory_space<hbm>>
      tpu.wait_dma2 semaphore(%arg9 : memref<!tpu.dma_semaphore, #tpu.memory_space<semaphore_mem>>) src(%dma_wait3A_970 : memref<1024xf32, #tpu.memory_space<hbm>>) dst(%dma_wait3A_968 : memref<1024xf32, #tpu.memory_space<vmem>>)
      %add3A_971 = arith.constant 1 : i32
      %add3A_972 = arith.addi %mul3A_944, %add3A_971 : i32
      %dma_wait3A_973 = arith.constant 1024 : i32
      %dma_wait3A_974 = tpu.memref_slice %arg5[%dma_wait3A_973] : memref<16384xf32, #tpu.memory_space<vmem>> -> memref<1024xf32, #tpu.memory_space<vmem>>
      %dma_wait3A_975 = tpu.memref_slice %arg2[%add3A_972, %mul3A_948] : memref<4096x8192xf32, #tpu.memory_space<hbm>> -> memref<1x1024xf32, #tpu.memory_space<hbm>>
      %dma_wait3A_976 = tpu.memref_squeeze %dma_wait3A_975 : memref<1x1024xf32, #tpu.memory_space<hbm>> -> memref<1024xf32, #tpu.memory_space<hbm>>
      %dma_wait3A_977 = arith.constant 1024 : i32
      %dma_wait3A_978 = tpu.memref_slice %arg5[%dma_wait3A_977] : memref<16384xf32, #tpu.memory_space<vmem>> -> memref<1024xf32, #tpu.memory_space<vmem>>
      %dma_wait3A_979 = tpu.memref_slice %arg2[%add3A_972, %mul3A_948] : memref<4096x8192xf32, #tpu.memory_space<hbm>> -> memref<1x1024xf32, #tpu.memory_space<hbm>>
      %dma_wait3A_980 = tpu.memref_squeeze %dma_wait3A_979 : memref<1x1024xf32, #tpu.memory_space<hbm>> -> memref<1024xf32, #tpu.memory_space<hbm>>
      tpu.wait_dma2 semaphore(%arg9 : memref<!tpu.dma_semaphore, #tpu.memory_space<semaphore_mem>>) src(%dma_wait3A_980 : memref<1024xf32, #tpu.memory_space<hbm>>) dst(%dma_wait3A_978 : memref<1024xf32, #tpu.memory_space<vmem>>)
      %add3A_981 = arith.constant 2 : i32
      %add3A_982 = arith.addi %mul3A_944, %add3A_981 : i32
      %dma_wait3A_983 = arith.constant 2048 : i32
      %dma_wait3A_984 = tpu.memref_slice %arg5[%dma_wait3A_983] : memref<16384xf32, #tpu.memory_space<vmem>> -> memref<1024xf32, #tpu.memory_space<vmem>>
      %dma_wait3A_985 = tpu.memref_slice %arg2[%add3A_982, %mul3A_948] : memref<4096x8192xf32, #tpu.memory_space<hbm>> -> memref<1x1024xf32, #tpu.memory_space<hbm>>
      %dma_wait3A_986 = tpu.memref_squeeze %dma_wait3A_985 : memref<1x1024xf32, #tpu.memory_space<hbm>> -> memref<1024xf32, #tpu.memory_space<hbm>>
      %dma_wait3A_987 = arith.constant 2048 : i32
      %dma_wait3A_988 = tpu.memref_slice %arg5[%dma_wait3A_987] : memref<16384xf32, #tpu.memory_space<vmem>> -> memref<1024xf32, #tpu.memory_space<vmem>>
      %dma_wait3A_989 = tpu.memref_slice %arg2[%add3A_982, %mul3A_948] : memref<4096x8192xf32, #tpu.memory_space<hbm>> -> memref<1x1024xf32, #tpu.memory_space<hbm>>
      %dma_wait3A_990 = tpu.memref_squeeze %dma_wait3A_989 : memref<1x1024xf32, #tpu.memory_space<hbm>> -> memref<1024xf32, #tpu.memory_space<hbm>>
      tpu.wait_dma2 semaphore(%arg9 : memref<!tpu.dma_semaphore, #tpu.memory_space<semaphore_mem>>) src(%dma_wait3A_990 : memref<1024xf32, #tpu.memory_space<hbm>>) dst(%dma_wait3A_988 : memref<1024xf32, #tpu.memory_space<vmem>>)
      %add3A_991 = arith.constant 3 : i32
      %add3A_992 = arith.addi %mul3A_944, %add3A_991 : i32
      %dma_wait3A_993 = arith.constant 3072 : i32
      %dma_wait3A_994 = tpu.memref_slice %arg5[%dma_wait3A_993] : memref<16384xf32, #tpu.memory_space<vmem>> -> memref<1024xf32, #tpu.memory_space<vmem>>
      %dma_wait3A_995 = tpu.memref_slice %arg2[%add3A_992, %mul3A_948] : memref<4096x8192xf32, #tpu.memory_space<hbm>> -> memref<1x1024xf32, #tpu.memory_space<hbm>>
      %dma_wait3A_996 = tpu.memref_squeeze %dma_wait3A_995 : memref<1x1024xf32, #tpu.memory_space<hbm>> -> memref<1024xf32, #tpu.memory_space<hbm>>
      %dma_wait3A_997 = arith.constant 3072 : i32
      %dma_wait3A_998 = tpu.memref_slice %arg5[%dma_wait3A_997] : memref<16384xf32, #tpu.memory_space<vmem>> -> memref<1024xf32, #tpu.memory_space<vmem>>
      %dma_wait3A_999 = tpu.memref_slice %arg2[%add3A_992, %mul3A_948] : memref<4096x8192xf32, #tpu.memory_space<hbm>> -> memref<1x1024xf32, #tpu.memory_space<hbm>>
      %dma_wait3A_1000 = tpu.memref_squeeze %dma_wait3A_999 : memref<1x1024xf32, #tpu.memory_space<hbm>> -> memref<1024xf32, #tpu.memory_space<hbm>>
      tpu.wait_dma2 semaphore(%arg9 : memref<!tpu.dma_semaphore, #tpu.memory_space<semaphore_mem>>) src(%dma_wait3A_1000 : memref<1024xf32, #tpu.memory_space<hbm>>) dst(%dma_wait3A_998 : memref<1024xf32, #tpu.memory_space<vmem>>)
      %add3A_1001 = arith.constant 4 : i32
      %add3A_1002 = arith.addi %mul3A_944, %add3A_1001 : i32
      %dma_wait3A_1003 = arith.constant 4096 : i32
      %dma_wait3A_1004 = tpu.memref_slice %arg5[%dma_wait3A_1003] : memref<16384xf32, #tpu.memory_space<vmem>> -> memref<1024xf32, #tpu.memory_space<vmem>>
      %dma_wait3A_1005 = tpu.memref_slice %arg2[%add3A_1002, %mul3A_948] : memref<4096x8192xf32, #tpu.memory_space<hbm>> -> memref<1x1024xf32, #tpu.memory_space<hbm>>
      %dma_wait3A_1006 = tpu.memref_squeeze %dma_wait3A_1005 : memref<1x1024xf32, #tpu.memory_space<hbm>> -> memref<1024xf32, #tpu.memory_space<hbm>>
      %dma_wait3A_1007 = arith.constant 4096 : i32
      %dma_wait3A_1008 = tpu.memref_slice %arg5[%dma_wait3A_1007] : memref<16384xf32, #tpu.memory_space<vmem>> -> memref<1024xf32, #tpu.memory_space<vmem>>
      %dma_wait3A_1009 = tpu.memref_slice %arg2[%add3A_1002, %mul3A_948] : memref<4096x8192xf32, #tpu.memory_space<hbm>> -> memref<1x1024xf32, #tpu.memory_space<hbm>>
      %dma_wait3A_1010 = tpu.memref_squeeze %dma_wait3A_1009 : memref<1x1024xf32, #tpu.memory_space<hbm>> -> memref<1024xf32, #tpu.memory_space<hbm>>
      tpu.wait_dma2 semaphore(%arg9 : memref<!tpu.dma_semaphore, #tpu.memory_space<semaphore_mem>>) src(%dma_wait3A_1010 : memref<1024xf32, #tpu.memory_space<hbm>>) dst(%dma_wait3A_1008 : memref<1024xf32, #tpu.memory_space<vmem>>)
      %add3A_1011 = arith.constant 5 : i32
      %add3A_1012 = arith.addi %mul3A_944, %add3A_1011 : i32
      %dma_wait3A_1013 = arith.constant 5120 : i32
      %dma_wait3A_1014 = tpu.memref_slice %arg5[%dma_wait3A_1013] : memref<16384xf32, #tpu.memory_space<vmem>> -> memref<1024xf32, #tpu.memory_space<vmem>>
      %dma_wait3A_1015 = tpu.memref_slice %arg2[%add3A_1012, %mul3A_948] : memref<4096x8192xf32, #tpu.memory_space<hbm>> -> memref<1x1024xf32, #tpu.memory_space<hbm>>
      %dma_wait3A_1016 = tpu.memref_squeeze %dma_wait3A_1015 : memref<1x1024xf32, #tpu.memory_space<hbm>> -> memref<1024xf32, #tpu.memory_space<hbm>>
      %dma_wait3A_1017 = arith.constant 5120 : i32
      %dma_wait3A_1018 = tpu.memref_slice %arg5[%dma_wait3A_1017] : memref<16384xf32, #tpu.memory_space<vmem>> -> memref<1024xf32, #tpu.memory_space<vmem>>
      %dma_wait3A_1019 = tpu.memref_slice %arg2[%add3A_1012, %mul3A_948] : memref<4096x8192xf32, #tpu.memory_space<hbm>> -> memref<1x1024xf32, #tpu.memory_space<hbm>>
      %dma_wait3A_1020 = tpu.memref_squeeze %dma_wait3A_1019 : memref<1x1024xf32, #tpu.memory_space<hbm>> -> memref<1024xf32, #tpu.memory_space<hbm>>
      tpu.wait_dma2 semaphore(%arg9 : memref<!tpu.dma_semaphore, #tpu.memory_space<semaphore_mem>>) src(%dma_wait3A_1020 : memref<1024xf32, #tpu.memory_space<hbm>>) dst(%dma_wait3A_1018 : memref<1024xf32, #tpu.memory_space<vmem>>)
      %add3A_1021 = arith.constant 6 : i32
      %add3A_1022 = arith.addi %mul3A_944, %add3A_1021 : i32
      %dma_wait3A_1023 = arith.constant 6144 : i32
      %dma_wait3A_1024 = tpu.memref_slice %arg5[%dma_wait3A_1023] : memref<16384xf32, #tpu.memory_space<vmem>> -> memref<1024xf32, #tpu.memory_space<vmem>>
      %dma_wait3A_1025 = tpu.memref_slice %arg2[%add3A_1022, %mul3A_948] : memref<4096x8192xf32, #tpu.memory_space<hbm>> -> memref<1x1024xf32, #tpu.memory_space<hbm>>
      %dma_wait3A_1026 = tpu.memref_squeeze %dma_wait3A_1025 : memref<1x1024xf32, #tpu.memory_space<hbm>> -> memref<1024xf32, #tpu.memory_space<hbm>>
      %dma_wait3A_1027 = arith.constant 6144 : i32
      %dma_wait3A_1028 = tpu.memref_slice %arg5[%dma_wait3A_1027] : memref<16384xf32, #tpu.memory_space<vmem>> -> memref<1024xf32, #tpu.memory_space<vmem>>
      %dma_wait3A_1029 = tpu.memref_slice %arg2[%add3A_1022, %mul3A_948] : memref<4096x8192xf32, #tpu.memory_space<hbm>> -> memref<1x1024xf32, #tpu.memory_space<hbm>>
      %dma_wait3A_1030 = tpu.memref_squeeze %dma_wait3A_1029 : memref<1x1024xf32, #tpu.memory_space<hbm>> -> memref<1024xf32, #tpu.memory_space<hbm>>
      tpu.wait_dma2 semaphore(%arg9 : memref<!tpu.dma_semaphore, #tpu.memory_space<semaphore_mem>>) src(%dma_wait3A_1030 : memref<1024xf32, #tpu.memory_space<hbm>>) dst(%dma_wait3A_1028 : memref<1024xf32, #tpu.memory_space<vmem>>)
      %add3A_1031 = arith.constant 7 : i32
      %add3A_1032 = arith.addi %mul3A_944, %add3A_1031 : i32
      %dma_wait3A_1033 = arith.constant 7168 : i32
      %dma_wait3A_1034 = tpu.memref_slice %arg5[%dma_wait3A_1033] : memref<16384xf32, #tpu.memory_space<vmem>> -> memref<1024xf32, #tpu.memory_space<vmem>>
      %dma_wait3A_1035 = tpu.memref_slice %arg2[%add3A_1032, %mul3A_948] : memref<4096x8192xf32, #tpu.memory_space<hbm>> -> memref<1x1024xf32, #tpu.memory_space<hbm>>
      %dma_wait3A_1036 = tpu.memref_squeeze %dma_wait3A_1035 : memref<1x1024xf32, #tpu.memory_space<hbm>> -> memref<1024xf32, #tpu.memory_space<hbm>>
      %dma_wait3A_1037 = arith.constant 7168 : i32
      %dma_wait3A_1038 = tpu.memref_slice %arg5[%dma_wait3A_1037] : memref<16384xf32, #tpu.memory_space<vmem>> -> memref<1024xf32, #tpu.memory_space<vmem>>
      %dma_wait3A_1039 = tpu.memref_slice %arg2[%add3A_1032, %mul3A_948] : memref<4096x8192xf32, #tpu.memory_space<hbm>> -> memref<1x1024xf32, #tpu.memory_space<hbm>>
      %dma_wait3A_1040 = tpu.memref_squeeze %dma_wait3A_1039 : memref<1x1024xf32, #tpu.memory_space<hbm>> -> memref<1024xf32, #tpu.memory_space<hbm>>
      tpu.wait_dma2 semaphore(%arg9 : memref<!tpu.dma_semaphore, #tpu.memory_space<semaphore_mem>>) src(%dma_wait3A_1040 : memref<1024xf32, #tpu.memory_space<hbm>>) dst(%dma_wait3A_1038 : memref<1024xf32, #tpu.memory_space<vmem>>)
      %add3A_1041 = arith.constant 8 : i32
      %add3A_1042 = arith.addi %mul3A_944, %add3A_1041 : i32
      %dma_wait3A_1043 = arith.constant 8192 : i32
      %dma_wait3A_1044 = tpu.memref_slice %arg5[%dma_wait3A_1043] : memref<16384xf32, #tpu.memory_space<vmem>> -> memref<1024xf32, #tpu.memory_space<vmem>>
      %dma_wait3A_1045 = tpu.memref_slice %arg2[%add3A_1042, %mul3A_948] : memref<4096x8192xf32, #tpu.memory_space<hbm>> -> memref<1x1024xf32, #tpu.memory_space<hbm>>
      %dma_wait3A_1046 = tpu.memref_squeeze %dma_wait3A_1045 : memref<1x1024xf32, #tpu.memory_space<hbm>> -> memref<1024xf32, #tpu.memory_space<hbm>>
      %dma_wait3A_1047 = arith.constant 8192 : i32
      %dma_wait3A_1048 = tpu.memref_slice %arg5[%dma_wait3A_1047] : memref<16384xf32, #tpu.memory_space<vmem>> -> memref<1024xf32, #tpu.memory_space<vmem>>
      %dma_wait3A_1049 = tpu.memref_slice %arg2[%add3A_1042, %mul3A_948] : memref<4096x8192xf32, #tpu.memory_space<hbm>> -> memref<1x1024xf32, #tpu.memory_space<hbm>>
      %dma_wait3A_1050 = tpu.memref_squeeze %dma_wait3A_1049 : memref<1x1024xf32, #tpu.memory_space<hbm>> -> memref<1024xf32, #tpu.memory_space<hbm>>
      tpu.wait_dma2 semaphore(%arg9 : memref<!tpu.dma_semaphore, #tpu.memory_space<semaphore_mem>>) src(%dma_wait3A_1050 : memref<1024xf32, #tpu.memory_space<hbm>>) dst(%dma_wait3A_1048 : memref<1024xf32, #tpu.memory_space<vmem>>)
      %add3A_1051 = arith.constant 9 : i32
      %add3A_1052 = arith.addi %mul3A_944, %add3A_1051 : i32
      %dma_wait3A_1053 = arith.constant 9216 : i32
      %dma_wait3A_1054 = tpu.memref_slice %arg5[%dma_wait3A_1053] : memref<16384xf32, #tpu.memory_space<vmem>> -> memref<1024xf32, #tpu.memory_space<vmem>>
      %dma_wait3A_1055 = tpu.memref_slice %arg2[%add3A_1052, %mul3A_948] : memref<4096x8192xf32, #tpu.memory_space<hbm>> -> memref<1x1024xf32, #tpu.memory_space<hbm>>
      %dma_wait3A_1056 = tpu.memref_squeeze %dma_wait3A_1055 : memref<1x1024xf32, #tpu.memory_space<hbm>> -> memref<1024xf32, #tpu.memory_space<hbm>>
      %dma_wait3A_1057 = arith.constant 9216 : i32
      %dma_wait3A_1058 = tpu.memref_slice %arg5[%dma_wait3A_1057] : memref<16384xf32, #tpu.memory_space<vmem>> -> memref<1024xf32, #tpu.memory_space<vmem>>
      %dma_wait3A_1059 = tpu.memref_slice %arg2[%add3A_1052, %mul3A_948] : memref<4096x8192xf32, #tpu.memory_space<hbm>> -> memref<1x1024xf32, #tpu.memory_space<hbm>>
      %dma_wait3A_1060 = tpu.memref_squeeze %dma_wait3A_1059 : memref<1x1024xf32, #tpu.memory_space<hbm>> -> memref<1024xf32, #tpu.memory_space<hbm>>
      tpu.wait_dma2 semaphore(%arg9 : memref<!tpu.dma_semaphore, #tpu.memory_space<semaphore_mem>>) src(%dma_wait3A_1060 : memref<1024xf32, #tpu.memory_space<hbm>>) dst(%dma_wait3A_1058 : memref<1024xf32, #tpu.memory_space<vmem>>)
      %add3A_1061 = arith.constant 10 : i32
      %add3A_1062 = arith.addi %mul3A_944, %add3A_1061 : i32
      %dma_wait3A_1063 = arith.constant 10240 : i32
      %dma_wait3A_1064 = tpu.memref_slice %arg5[%dma_wait3A_1063] : memref<16384xf32, #tpu.memory_space<vmem>> -> memref<1024xf32, #tpu.memory_space<vmem>>
      %dma_wait3A_1065 = tpu.memref_slice %arg2[%add3A_1062, %mul3A_948] : memref<4096x8192xf32, #tpu.memory_space<hbm>> -> memref<1x1024xf32, #tpu.memory_space<hbm>>
      %dma_wait3A_1066 = tpu.memref_squeeze %dma_wait3A_1065 : memref<1x1024xf32, #tpu.memory_space<hbm>> -> memref<1024xf32, #tpu.memory_space<hbm>>
      %dma_wait3A_1067 = arith.constant 10240 : i32
      %dma_wait3A_1068 = tpu.memref_slice %arg5[%dma_wait3A_1067] : memref<16384xf32, #tpu.memory_space<vmem>> -> memref<1024xf32, #tpu.memory_space<vmem>>
      %dma_wait3A_1069 = tpu.memref_slice %arg2[%add3A_1062, %mul3A_948] : memref<4096x8192xf32, #tpu.memory_space<hbm>> -> memref<1x1024xf32, #tpu.memory_space<hbm>>
      %dma_wait3A_1070 = tpu.memref_squeeze %dma_wait3A_1069 : memref<1x1024xf32, #tpu.memory_space<hbm>> -> memref<1024xf32, #tpu.memory_space<hbm>>
      tpu.wait_dma2 semaphore(%arg9 : memref<!tpu.dma_semaphore, #tpu.memory_space<semaphore_mem>>) src(%dma_wait3A_1070 : memref<1024xf32, #tpu.memory_space<hbm>>) dst(%dma_wait3A_1068 : memref<1024xf32, #tpu.memory_space<vmem>>)
      %add3A_1071 = arith.constant 11 : i32
      %add3A_1072 = arith.addi %mul3A_944, %add3A_1071 : i32
      %dma_wait3A_1073 = arith.constant 11264 : i32
      %dma_wait3A_1074 = tpu.memref_slice %arg5[%dma_wait3A_1073] : memref<16384xf32, #tpu.memory_space<vmem>> -> memref<1024xf32, #tpu.memory_space<vmem>>
      %dma_wait3A_1075 = tpu.memref_slice %arg2[%add3A_1072, %mul3A_948] : memref<4096x8192xf32, #tpu.memory_space<hbm>> -> memref<1x1024xf32, #tpu.memory_space<hbm>>
      %dma_wait3A_1076 = tpu.memref_squeeze %dma_wait3A_1075 : memref<1x1024xf32, #tpu.memory_space<hbm>> -> memref<1024xf32, #tpu.memory_space<hbm>>
      %dma_wait3A_1077 = arith.constant 11264 : i32
      %dma_wait3A_1078 = tpu.memref_slice %arg5[%dma_wait3A_1077] : memref<16384xf32, #tpu.memory_space<vmem>> -> memref<1024xf32, #tpu.memory_space<vmem>>
      %dma_wait3A_1079 = tpu.memref_slice %arg2[%add3A_1072, %mul3A_948] : memref<4096x8192xf32, #tpu.memory_space<hbm>> -> memref<1x1024xf32, #tpu.memory_space<hbm>>
      %dma_wait3A_1080 = tpu.memref_squeeze %dma_wait3A_1079 : memref<1x1024xf32, #tpu.memory_space<hbm>> -> memref<1024xf32, #tpu.memory_space<hbm>>
      tpu.wait_dma2 semaphore(%arg9 : memref<!tpu.dma_semaphore, #tpu.memory_space<semaphore_mem>>) src(%dma_wait3A_1080 : memref<1024xf32, #tpu.memory_space<hbm>>) dst(%dma_wait3A_1078 : memref<1024xf32, #tpu.memory_space<vmem>>)
      %add3A_1081 = arith.constant 12 : i32
      %add3A_1082 = arith.addi %mul3A_944, %add3A_1081 : i32
      %dma_wait3A_1083 = arith.constant 12288 : i32
      %dma_wait3A_1084 = tpu.memref_slice %arg5[%dma_wait3A_1083] : memref<16384xf32, #tpu.memory_space<vmem>> -> memref<1024xf32, #tpu.memory_space<vmem>>
      %dma_wait3A_1085 = tpu.memref_slice %arg2[%add3A_1082, %mul3A_948] : memref<4096x8192xf32, #tpu.memory_space<hbm>> -> memref<1x1024xf32, #tpu.memory_space<hbm>>
      %dma_wait3A_1086 = tpu.memref_squeeze %dma_wait3A_1085 : memref<1x1024xf32, #tpu.memory_space<hbm>> -> memref<1024xf32, #tpu.memory_space<hbm>>
      %dma_wait3A_1087 = arith.constant 12288 : i32
      %dma_wait3A_1088 = tpu.memref_slice %arg5[%dma_wait3A_1087] : memref<16384xf32, #tpu.memory_space<vmem>> -> memref<1024xf32, #tpu.memory_space<vmem>>
      %dma_wait3A_1089 = tpu.memref_slice %arg2[%add3A_1082, %mul3A_948] : memref<4096x8192xf32, #tpu.memory_space<hbm>> -> memref<1x1024xf32, #tpu.memory_space<hbm>>
      %dma_wait3A_1090 = tpu.memref_squeeze %dma_wait3A_1089 : memref<1x1024xf32, #tpu.memory_space<hbm>> -> memref<1024xf32, #tpu.memory_space<hbm>>
      tpu.wait_dma2 semaphore(%arg9 : memref<!tpu.dma_semaphore, #tpu.memory_space<semaphore_mem>>) src(%dma_wait3A_1090 : memref<1024xf32, #tpu.memory_space<hbm>>) dst(%dma_wait3A_1088 : memref<1024xf32, #tpu.memory_space<vmem>>)
      %add3A_1091 = arith.constant 13 : i32
      %add3A_1092 = arith.addi %mul3A_944, %add3A_1091 : i32
      %dma_wait3A_1093 = arith.constant 13312 : i32
      %dma_wait3A_1094 = tpu.memref_slice %arg5[%dma_wait3A_1093] : memref<16384xf32, #tpu.memory_space<vmem>> -> memref<1024xf32, #tpu.memory_space<vmem>>
      %dma_wait3A_1095 = tpu.memref_slice %arg2[%add3A_1092, %mul3A_948] : memref<4096x8192xf32, #tpu.memory_space<hbm>> -> memref<1x1024xf32, #tpu.memory_space<hbm>>
      %dma_wait3A_1096 = tpu.memref_squeeze %dma_wait3A_1095 : memref<1x1024xf32, #tpu.memory_space<hbm>> -> memref<1024xf32, #tpu.memory_space<hbm>>
      %dma_wait3A_1097 = arith.constant 13312 : i32
      %dma_wait3A_1098 = tpu.memref_slice %arg5[%dma_wait3A_1097] : memref<16384xf32, #tpu.memory_space<vmem>> -> memref<1024xf32, #tpu.memory_space<vmem>>
      %dma_wait3A_1099 = tpu.memref_slice %arg2[%add3A_1092, %mul3A_948] : memref<4096x8192xf32, #tpu.memory_space<hbm>> -> memref<1x1024xf32, #tpu.memory_space<hbm>>
      %dma_wait3A_1100 = tpu.memref_squeeze %dma_wait3A_1099 : memref<1x1024xf32, #tpu.memory_space<hbm>> -> memref<1024xf32, #tpu.memory_space<hbm>>
      tpu.wait_dma2 semaphore(%arg9 : memref<!tpu.dma_semaphore, #tpu.memory_space<semaphore_mem>>) src(%dma_wait3A_1100 : memref<1024xf32, #tpu.memory_space<hbm>>) dst(%dma_wait3A_1098 : memref<1024xf32, #tpu.memory_space<vmem>>)
      %add3A_1101 = arith.constant 14 : i32
      %add3A_1102 = arith.addi %mul3A_944, %add3A_1101 : i32
      %dma_wait3A_1103 = arith.constant 14336 : i32
      %dma_wait3A_1104 = tpu.memref_slice %arg5[%dma_wait3A_1103] : memref<16384xf32, #tpu.memory_space<vmem>> -> memref<1024xf32, #tpu.memory_space<vmem>>
      %dma_wait3A_1105 = tpu.memref_slice %arg2[%add3A_1102, %mul3A_948] : memref<4096x8192xf32, #tpu.memory_space<hbm>> -> memref<1x1024xf32, #tpu.memory_space<hbm>>
      %dma_wait3A_1106 = tpu.memref_squeeze %dma_wait3A_1105 : memref<1x1024xf32, #tpu.memory_space<hbm>> -> memref<1024xf32, #tpu.memory_space<hbm>>
      %dma_wait3A_1107 = arith.constant 14336 : i32
      %dma_wait3A_1108 = tpu.memref_slice %arg5[%dma_wait3A_1107] : memref<16384xf32, #tpu.memory_space<vmem>> -> memref<1024xf32, #tpu.memory_space<vmem>>
      %dma_wait3A_1109 = tpu.memref_slice %arg2[%add3A_1102, %mul3A_948] : memref<4096x8192xf32, #tpu.memory_space<hbm>> -> memref<1x1024xf32, #tpu.memory_space<hbm>>
      %dma_wait3A_1110 = tpu.memref_squeeze %dma_wait3A_1109 : memref<1x1024xf32, #tpu.memory_space<hbm>> -> memref<1024xf32, #tpu.memory_space<hbm>>
      tpu.wait_dma2 semaphore(%arg9 : memref<!tpu.dma_semaphore, #tpu.memory_space<semaphore_mem>>) src(%dma_wait3A_1110 : memref<1024xf32, #tpu.memory_space<hbm>>) dst(%dma_wait3A_1108 : memref<1024xf32, #tpu.memory_space<vmem>>)
      %add3A_1111 = arith.constant 15 : i32
      %add3A_1112 = arith.addi %mul3A_944, %add3A_1111 : i32
      %dma_wait3A_1113 = arith.constant 15360 : i32
      %dma_wait3A_1114 = tpu.memref_slice %arg5[%dma_wait3A_1113] : memref<16384xf32, #tpu.memory_space<vmem>> -> memref<1024xf32, #tpu.memory_space<vmem>>
      %dma_wait3A_1115 = tpu.memref_slice %arg2[%add3A_1112, %mul3A_948] : memref<4096x8192xf32, #tpu.memory_space<hbm>> -> memref<1x1024xf32, #tpu.memory_space<hbm>>
      %dma_wait3A_1116 = tpu.memref_squeeze %dma_wait3A_1115 : memref<1x1024xf32, #tpu.memory_space<hbm>> -> memref<1024xf32, #tpu.memory_space<hbm>>
      %dma_wait3A_1117 = arith.constant 15360 : i32
      %dma_wait3A_1118 = tpu.memref_slice %arg5[%dma_wait3A_1117] : memref<16384xf32, #tpu.memory_space<vmem>> -> memref<1024xf32, #tpu.memory_space<vmem>>
      %dma_wait3A_1119 = tpu.memref_slice %arg2[%add3A_1112, %mul3A_948] : memref<4096x8192xf32, #tpu.memory_space<hbm>> -> memref<1x1024xf32, #tpu.memory_space<hbm>>
      %dma_wait3A_1120 = tpu.memref_squeeze %dma_wait3A_1119 : memref<1x1024xf32, #tpu.memory_space<hbm>> -> memref<1024xf32, #tpu.memory_space<hbm>>
      tpu.wait_dma2 semaphore(%arg9 : memref<!tpu.dma_semaphore, #tpu.memory_space<semaphore_mem>>) src(%dma_wait3A_1120 : memref<1024xf32, #tpu.memory_space<hbm>>) dst(%dma_wait3A_1118 : memref<1024xf32, #tpu.memory_space<vmem>>)
      %ge3A_1121 = arith.constant 2 : i32
      %ge3A_1122 = arith.cmpi sge, %add3A_913, %ge3A_1121 : i32
      %convert_element_type3A_1123 = arith.extui %ge3A_1122 : i1 to i32
      %cond3A_1124 = arith.constant 0 : i32
      %cond3A_1125 = arith.cmpi ne, %convert_element_type3A_1123, %cond3A_1124 : i32
      scf.if %cond3A_1125 {
        %add3A_1308 = arith.constant 0 : i32
        %add3A_1309 = arith.addi %mul3A_944, %add3A_1308 : i32
        %dma_wait3A_1310 = arith.constant 0 : i32
        %dma_wait3A_1311 = tpu.memref_slice %arg7[%dma_wait3A_1310] : memref<16384xf32, #tpu.memory_space<vmem>> -> memref<1024xf32, #tpu.memory_space<vmem>>
        %dma_wait3A_1312 = tpu.memref_slice %arg2[%add3A_1309, %mul3A_948] : memref<4096x8192xf32, #tpu.memory_space<hbm>> -> memref<1x1024xf32, #tpu.memory_space<hbm>>
        %dma_wait3A_1313 = tpu.memref_squeeze %dma_wait3A_1312 : memref<1x1024xf32, #tpu.memory_space<hbm>> -> memref<1024xf32, #tpu.memory_space<hbm>>
        %dma_wait3A_1314 = arith.constant 0 : i32
        %dma_wait3A_1315 = tpu.memref_slice %arg7[%dma_wait3A_1314] : memref<16384xf32, #tpu.memory_space<vmem>> -> memref<1024xf32, #tpu.memory_space<vmem>>
        %dma_wait3A_1316 = tpu.memref_slice %arg2[%add3A_1309, %mul3A_948] : memref<4096x8192xf32, #tpu.memory_space<hbm>> -> memref<1x1024xf32, #tpu.memory_space<hbm>>
        %dma_wait3A_1317 = tpu.memref_squeeze %dma_wait3A_1316 : memref<1x1024xf32, #tpu.memory_space<hbm>> -> memref<1024xf32, #tpu.memory_space<hbm>>
        tpu.wait_dma2 semaphore(%arg11 : memref<!tpu.dma_semaphore, #tpu.memory_space<semaphore_mem>>) src(%dma_wait3A_1317 : memref<1024xf32, #tpu.memory_space<hbm>>) dst(%dma_wait3A_1315 : memref<1024xf32, #tpu.memory_space<vmem>>)
        %add3A_1318 = arith.constant 1 : i32
        %add3A_1319 = arith.addi %mul3A_944, %add3A_1318 : i32
        %dma_wait3A_1320 = arith.constant 1024 : i32
        %dma_wait3A_1321 = tpu.memref_slice %arg7[%dma_wait3A_1320] : memref<16384xf32, #tpu.memory_space<vmem>> -> memref<1024xf32, #tpu.memory_space<vmem>>
        %dma_wait3A_1322 = tpu.memref_slice %arg2[%add3A_1319, %mul3A_948] : memref<4096x8192xf32, #tpu.memory_space<hbm>> -> memref<1x1024xf32, #tpu.memory_space<hbm>>
        %dma_wait3A_1323 = tpu.memref_squeeze %dma_wait3A_1322 : memref<1x1024xf32, #tpu.memory_space<hbm>> -> memref<1024xf32, #tpu.memory_space<hbm>>
        %dma_wait3A_1324 = arith.constant 1024 : i32
        %dma_wait3A_1325 = tpu.memref_slice %arg7[%dma_wait3A_1324] : memref<16384xf32, #tpu.memory_space<vmem>> -> memref<1024xf32, #tpu.memory_space<vmem>>
        %dma_wait3A_1326 = tpu.memref_slice %arg2[%add3A_1319, %mul3A_948] : memref<4096x8192xf32, #tpu.memory_space<hbm>> -> memref<1x1024xf32, #tpu.memory_space<hbm>>
        %dma_wait3A_1327 = tpu.memref_squeeze %dma_wait3A_1326 : memref<1x1024xf32, #tpu.memory_space<hbm>> -> memref<1024xf32, #tpu.memory_space<hbm>>
        tpu.wait_dma2 semaphore(%arg11 : memref<!tpu.dma_semaphore, #tpu.memory_space<semaphore_mem>>) src(%dma_wait3A_1327 : memref<1024xf32, #tpu.memory_space<hbm>>) dst(%dma_wait3A_1325 : memref<1024xf32, #tpu.memory_space<vmem>>)
        %add3A_1328 = arith.constant 2 : i32
        %add3A_1329 = arith.addi %mul3A_944, %add3A_1328 : i32
        %dma_wait3A_1330 = arith.constant 2048 : i32
        %dma_wait3A_1331 = tpu.memref_slice %arg7[%dma_wait3A_1330] : memref<16384xf32, #tpu.memory_space<vmem>> -> memref<1024xf32, #tpu.memory_space<vmem>>
        %dma_wait3A_1332 = tpu.memref_slice %arg2[%add3A_1329, %mul3A_948] : memref<4096x8192xf32, #tpu.memory_space<hbm>> -> memref<1x1024xf32, #tpu.memory_space<hbm>>
        %dma_wait3A_1333 = tpu.memref_squeeze %dma_wait3A_1332 : memref<1x1024xf32, #tpu.memory_space<hbm>> -> memref<1024xf32, #tpu.memory_space<hbm>>
        %dma_wait3A_1334 = arith.constant 2048 : i32
        %dma_wait3A_1335 = tpu.memref_slice %arg7[%dma_wait3A_1334] : memref<16384xf32, #tpu.memory_space<vmem>> -> memref<1024xf32, #tpu.memory_space<vmem>>
        %dma_wait3A_1336 = tpu.memref_slice %arg2[%add3A_1329, %mul3A_948] : memref<4096x8192xf32, #tpu.memory_space<hbm>> -> memref<1x1024xf32, #tpu.memory_space<hbm>>
        %dma_wait3A_1337 = tpu.memref_squeeze %dma_wait3A_1336 : memref<1x1024xf32, #tpu.memory_space<hbm>> -> memref<1024xf32, #tpu.memory_space<hbm>>
        tpu.wait_dma2 semaphore(%arg11 : memref<!tpu.dma_semaphore, #tpu.memory_space<semaphore_mem>>) src(%dma_wait3A_1337 : memref<1024xf32, #tpu.memory_space<hbm>>) dst(%dma_wait3A_1335 : memref<1024xf32, #tpu.memory_space<vmem>>)
        %add3A_1338 = arith.constant 3 : i32
        %add3A_1339 = arith.addi %mul3A_944, %add3A_1338 : i32
        %dma_wait3A_1340 = arith.constant 3072 : i32
        %dma_wait3A_1341 = tpu.memref_slice %arg7[%dma_wait3A_1340] : memref<16384xf32, #tpu.memory_space<vmem>> -> memref<1024xf32, #tpu.memory_space<vmem>>
        %dma_wait3A_1342 = tpu.memref_slice %arg2[%add3A_1339, %mul3A_948] : memref<4096x8192xf32, #tpu.memory_space<hbm>> -> memref<1x1024xf32, #tpu.memory_space<hbm>>
        %dma_wait3A_1343 = tpu.memref_squeeze %dma_wait3A_1342 : memref<1x1024xf32, #tpu.memory_space<hbm>> -> memref<1024xf32, #tpu.memory_space<hbm>>
        %dma_wait3A_1344 = arith.constant 3072 : i32
        %dma_wait3A_1345 = tpu.memref_slice %arg7[%dma_wait3A_1344] : memref<16384xf32, #tpu.memory_space<vmem>> -> memref<1024xf32, #tpu.memory_space<vmem>>
        %dma_wait3A_1346 = tpu.memref_slice %arg2[%add3A_1339, %mul3A_948] : memref<4096x8192xf32, #tpu.memory_space<hbm>> -> memref<1x1024xf32, #tpu.memory_space<hbm>>
        %dma_wait3A_1347 = tpu.memref_squeeze %dma_wait3A_1346 : memref<1x1024xf32, #tpu.memory_space<hbm>> -> memref<1024xf32, #tpu.memory_space<hbm>>
        tpu.wait_dma2 semaphore(%arg11 : memref<!tpu.dma_semaphore, #tpu.memory_space<semaphore_mem>>) src(%dma_wait3A_1347 : memref<1024xf32, #tpu.memory_space<hbm>>) dst(%dma_wait3A_1345 : memref<1024xf32, #tpu.memory_space<vmem>>)
        %add3A_1348 = arith.constant 4 : i32
        %add3A_1349 = arith.addi %mul3A_944, %add3A_1348 : i32
        %dma_wait3A_1350 = arith.constant 4096 : i32
        %dma_wait3A_1351 = tpu.memref_slice %arg7[%dma_wait3A_1350] : memref<16384xf32, #tpu.memory_space<vmem>> -> memref<1024xf32, #tpu.memory_space<vmem>>
        %dma_wait3A_1352 = tpu.memref_slice %arg2[%add3A_1349, %mul3A_948] : memref<4096x8192xf32, #tpu.memory_space<hbm>> -> memref<1x1024xf32, #tpu.memory_space<hbm>>
        %dma_wait3A_1353 = tpu.memref_squeeze %dma_wait3A_1352 : memref<1x1024xf32, #tpu.memory_space<hbm>> -> memref<1024xf32, #tpu.memory_space<hbm>>
        %dma_wait3A_1354 = arith.constant 4096 : i32
        %dma_wait3A_1355 = tpu.memref_slice %arg7[%dma_wait3A_1354] : memref<16384xf32, #tpu.memory_space<vmem>> -> memref<1024xf32, #tpu.memory_space<vmem>>
        %dma_wait3A_1356 = tpu.memref_slice %arg2[%add3A_1349, %mul3A_948] : memref<4096x8192xf32, #tpu.memory_space<hbm>> -> memref<1x1024xf32, #tpu.memory_space<hbm>>
        %dma_wait3A_1357 = tpu.memref_squeeze %dma_wait3A_1356 : memref<1x1024xf32, #tpu.memory_space<hbm>> -> memref<1024xf32, #tpu.memory_space<hbm>>
        tpu.wait_dma2 semaphore(%arg11 : memref<!tpu.dma_semaphore, #tpu.memory_space<semaphore_mem>>) src(%dma_wait3A_1357 : memref<1024xf32, #tpu.memory_space<hbm>>) dst(%dma_wait3A_1355 : memref<1024xf32, #tpu.memory_space<vmem>>)
        %add3A_1358 = arith.constant 5 : i32
        %add3A_1359 = arith.addi %mul3A_944, %add3A_1358 : i32
        %dma_wait3A_1360 = arith.constant 5120 : i32
        %dma_wait3A_1361 = tpu.memref_slice %arg7[%dma_wait3A_1360] : memref<16384xf32, #tpu.memory_space<vmem>> -> memref<1024xf32, #tpu.memory_space<vmem>>
        %dma_wait3A_1362 = tpu.memref_slice %arg2[%add3A_1359, %mul3A_948] : memref<4096x8192xf32, #tpu.memory_space<hbm>> -> memref<1x1024xf32, #tpu.memory_space<hbm>>
        %dma_wait3A_1363 = tpu.memref_squeeze %dma_wait3A_1362 : memref<1x1024xf32, #tpu.memory_space<hbm>> -> memref<1024xf32, #tpu.memory_space<hbm>>
        %dma_wait3A_1364 = arith.constant 5120 : i32
        %dma_wait3A_1365 = tpu.memref_slice %arg7[%dma_wait3A_1364] : memref<16384xf32, #tpu.memory_space<vmem>> -> memref<1024xf32, #tpu.memory_space<vmem>>
        %dma_wait3A_1366 = tpu.memref_slice %arg2[%add3A_1359, %mul3A_948] : memref<4096x8192xf32, #tpu.memory_space<hbm>> -> memref<1x1024xf32, #tpu.memory_space<hbm>>
        %dma_wait3A_1367 = tpu.memref_squeeze %dma_wait3A_1366 : memref<1x1024xf32, #tpu.memory_space<hbm>> -> memref<1024xf32, #tpu.memory_space<hbm>>
        tpu.wait_dma2 semaphore(%arg11 : memref<!tpu.dma_semaphore, #tpu.memory_space<semaphore_mem>>) src(%dma_wait3A_1367 : memref<1024xf32, #tpu.memory_space<hbm>>) dst(%dma_wait3A_1365 : memref<1024xf32, #tpu.memory_space<vmem>>)
        %add3A_1368 = arith.constant 6 : i32
        %add3A_1369 = arith.addi %mul3A_944, %add3A_1368 : i32
        %dma_wait3A_1370 = arith.constant 6144 : i32
        %dma_wait3A_1371 = tpu.memref_slice %arg7[%dma_wait3A_1370] : memref<16384xf32, #tpu.memory_space<vmem>> -> memref<1024xf32, #tpu.memory_space<vmem>>
        %dma_wait3A_1372 = tpu.memref_slice %arg2[%add3A_1369, %mul3A_948] : memref<4096x8192xf32, #tpu.memory_space<hbm>> -> memref<1x1024xf32, #tpu.memory_space<hbm>>
        %dma_wait3A_1373 = tpu.memref_squeeze %dma_wait3A_1372 : memref<1x1024xf32, #tpu.memory_space<hbm>> -> memref<1024xf32, #tpu.memory_space<hbm>>
        %dma_wait3A_1374 = arith.constant 6144 : i32
        %dma_wait3A_1375 = tpu.memref_slice %arg7[%dma_wait3A_1374] : memref<16384xf32, #tpu.memory_space<vmem>> -> memref<1024xf32, #tpu.memory_space<vmem>>
        %dma_wait3A_1376 = tpu.memref_slice %arg2[%add3A_1369, %mul3A_948] : memref<4096x8192xf32, #tpu.memory_space<hbm>> -> memref<1x1024xf32, #tpu.memory_space<hbm>>
        %dma_wait3A_1377 = tpu.memref_squeeze %dma_wait3A_1376 : memref<1x1024xf32, #tpu.memory_space<hbm>> -> memref<1024xf32, #tpu.memory_space<hbm>>
        tpu.wait_dma2 semaphore(%arg11 : memref<!tpu.dma_semaphore, #tpu.memory_space<semaphore_mem>>) src(%dma_wait3A_1377 : memref<1024xf32, #tpu.memory_space<hbm>>) dst(%dma_wait3A_1375 : memref<1024xf32, #tpu.memory_space<vmem>>)
        %add3A_1378 = arith.constant 7 : i32
        %add3A_1379 = arith.addi %mul3A_944, %add3A_1378 : i32
        %dma_wait3A_1380 = arith.constant 7168 : i32
        %dma_wait3A_1381 = tpu.memref_slice %arg7[%dma_wait3A_1380] : memref<16384xf32, #tpu.memory_space<vmem>> -> memref<1024xf32, #tpu.memory_space<vmem>>
        %dma_wait3A_1382 = tpu.memref_slice %arg2[%add3A_1379, %mul3A_948] : memref<4096x8192xf32, #tpu.memory_space<hbm>> -> memref<1x1024xf32, #tpu.memory_space<hbm>>
        %dma_wait3A_1383 = tpu.memref_squeeze %dma_wait3A_1382 : memref<1x1024xf32, #tpu.memory_space<hbm>> -> memref<1024xf32, #tpu.memory_space<hbm>>
        %dma_wait3A_1384 = arith.constant 7168 : i32
        %dma_wait3A_1385 = tpu.memref_slice %arg7[%dma_wait3A_1384] : memref<16384xf32, #tpu.memory_space<vmem>> -> memref<1024xf32, #tpu.memory_space<vmem>>
        %dma_wait3A_1386 = tpu.memref_slice %arg2[%add3A_1379, %mul3A_948] : memref<4096x8192xf32, #tpu.memory_space<hbm>> -> memref<1x1024xf32, #tpu.memory_space<hbm>>
        %dma_wait3A_1387 = tpu.memref_squeeze %dma_wait3A_1386 : memref<1x1024xf32, #tpu.memory_space<hbm>> -> memref<1024xf32, #tpu.memory_space<hbm>>
        tpu.wait_dma2 semaphore(%arg11 : memref<!tpu.dma_semaphore, #tpu.memory_space<semaphore_mem>>) src(%dma_wait3A_1387 : memref<1024xf32, #tpu.memory_space<hbm>>) dst(%dma_wait3A_1385 : memref<1024xf32, #tpu.memory_space<vmem>>)
        %add3A_1388 = arith.constant 8 : i32
        %add3A_1389 = arith.addi %mul3A_944, %add3A_1388 : i32
        %dma_wait3A_1390 = arith.constant 8192 : i32
        %dma_wait3A_1391 = tpu.memref_slice %arg7[%dma_wait3A_1390] : memref<16384xf32, #tpu.memory_space<vmem>> -> memref<1024xf32, #tpu.memory_space<vmem>>
        %dma_wait3A_1392 = tpu.memref_slice %arg2[%add3A_1389, %mul3A_948] : memref<4096x8192xf32, #tpu.memory_space<hbm>> -> memref<1x1024xf32, #tpu.memory_space<hbm>>
        %dma_wait3A_1393 = tpu.memref_squeeze %dma_wait3A_1392 : memref<1x1024xf32, #tpu.memory_space<hbm>> -> memref<1024xf32, #tpu.memory_space<hbm>>
        %dma_wait3A_1394 = arith.constant 8192 : i32
        %dma_wait3A_1395 = tpu.memref_slice %arg7[%dma_wait3A_1394] : memref<16384xf32, #tpu.memory_space<vmem>> -> memref<1024xf32, #tpu.memory_space<vmem>>
        %dma_wait3A_1396 = tpu.memref_slice %arg2[%add3A_1389, %mul3A_948] : memref<4096x8192xf32, #tpu.memory_space<hbm>> -> memref<1x1024xf32, #tpu.memory_space<hbm>>
        %dma_wait3A_1397 = tpu.memref_squeeze %dma_wait3A_1396 : memref<1x1024xf32, #tpu.memory_space<hbm>> -> memref<1024xf32, #tpu.memory_space<hbm>>
        tpu.wait_dma2 semaphore(%arg11 : memref<!tpu.dma_semaphore, #tpu.memory_space<semaphore_mem>>) src(%dma_wait3A_1397 : memref<1024xf32, #tpu.memory_space<hbm>>) dst(%dma_wait3A_1395 : memref<1024xf32, #tpu.memory_space<vmem>>)
        %add3A_1398 = arith.constant 9 : i32
        %add3A_1399 = arith.addi %mul3A_944, %add3A_1398 : i32
        %dma_wait3A_1400 = arith.constant 9216 : i32
        %dma_wait3A_1401 = tpu.memref_slice %arg7[%dma_wait3A_1400] : memref<16384xf32, #tpu.memory_space<vmem>> -> memref<1024xf32, #tpu.memory_space<vmem>>
        %dma_wait3A_1402 = tpu.memref_slice %arg2[%add3A_1399, %mul3A_948] : memref<4096x8192xf32, #tpu.memory_space<hbm>> -> memref<1x1024xf32, #tpu.memory_space<hbm>>
        %dma_wait3A_1403 = tpu.memref_squeeze %dma_wait3A_1402 : memref<1x1024xf32, #tpu.memory_space<hbm>> -> memref<1024xf32, #tpu.memory_space<hbm>>
        %dma_wait3A_1404 = arith.constant 9216 : i32
        %dma_wait3A_1405 = tpu.memref_slice %arg7[%dma_wait3A_1404] : memref<16384xf32, #tpu.memory_space<vmem>> -> memref<1024xf32, #tpu.memory_space<vmem>>
        %dma_wait3A_1406 = tpu.memref_slice %arg2[%add3A_1399, %mul3A_948] : memref<4096x8192xf32, #tpu.memory_space<hbm>> -> memref<1x1024xf32, #tpu.memory_space<hbm>>
        %dma_wait3A_1407 = tpu.memref_squeeze %dma_wait3A_1406 : memref<1x1024xf32, #tpu.memory_space<hbm>> -> memref<1024xf32, #tpu.memory_space<hbm>>
        tpu.wait_dma2 semaphore(%arg11 : memref<!tpu.dma_semaphore, #tpu.memory_space<semaphore_mem>>) src(%dma_wait3A_1407 : memref<1024xf32, #tpu.memory_space<hbm>>) dst(%dma_wait3A_1405 : memref<1024xf32, #tpu.memory_space<vmem>>)
        %add3A_1408 = arith.constant 10 : i32
        %add3A_1409 = arith.addi %mul3A_944, %add3A_1408 : i32
        %dma_wait3A_1410 = arith.constant 10240 : i32
        %dma_wait3A_1411 = tpu.memref_slice %arg7[%dma_wait3A_1410] : memref<16384xf32, #tpu.memory_space<vmem>> -> memref<1024xf32, #tpu.memory_space<vmem>>
        %dma_wait3A_1412 = tpu.memref_slice %arg2[%add3A_1409, %mul3A_948] : memref<4096x8192xf32, #tpu.memory_space<hbm>> -> memref<1x1024xf32, #tpu.memory_space<hbm>>
        %dma_wait3A_1413 = tpu.memref_squeeze %dma_wait3A_1412 : memref<1x1024xf32, #tpu.memory_space<hbm>> -> memref<1024xf32, #tpu.memory_space<hbm>>
        %dma_wait3A_1414 = arith.constant 10240 : i32
        %dma_wait3A_1415 = tpu.memref_slice %arg7[%dma_wait3A_1414] : memref<16384xf32, #tpu.memory_space<vmem>> -> memref<1024xf32, #tpu.memory_space<vmem>>
        %dma_wait3A_1416 = tpu.memref_slice %arg2[%add3A_1409, %mul3A_948] : memref<4096x8192xf32, #tpu.memory_space<hbm>> -> memref<1x1024xf32, #tpu.memory_space<hbm>>
        %dma_wait3A_1417 = tpu.memref_squeeze %dma_wait3A_1416 : memref<1x1024xf32, #tpu.memory_space<hbm>> -> memref<1024xf32, #tpu.memory_space<hbm>>
        tpu.wait_dma2 semaphore(%arg11 : memref<!tpu.dma_semaphore, #tpu.memory_space<semaphore_mem>>) src(%dma_wait3A_1417 : memref<1024xf32, #tpu.memory_space<hbm>>) dst(%dma_wait3A_1415 : memref<1024xf32, #tpu.memory_space<vmem>>)
        %add3A_1418 = arith.constant 11 : i32
        %add3A_1419 = arith.addi %mul3A_944, %add3A_1418 : i32
        %dma_wait3A_1420 = arith.constant 11264 : i32
        %dma_wait3A_1421 = tpu.memref_slice %arg7[%dma_wait3A_1420] : memref<16384xf32, #tpu.memory_space<vmem>> -> memref<1024xf32, #tpu.memory_space<vmem>>
        %dma_wait3A_1422 = tpu.memref_slice %arg2[%add3A_1419, %mul3A_948] : memref<4096x8192xf32, #tpu.memory_space<hbm>> -> memref<1x1024xf32, #tpu.memory_space<hbm>>
        %dma_wait3A_1423 = tpu.memref_squeeze %dma_wait3A_1422 : memref<1x1024xf32, #tpu.memory_space<hbm>> -> memref<1024xf32, #tpu.memory_space<hbm>>
        %dma_wait3A_1424 = arith.constant 11264 : i32
        %dma_wait3A_1425 = tpu.memref_slice %arg7[%dma_wait3A_1424] : memref<16384xf32, #tpu.memory_space<vmem>> -> memref<1024xf32, #tpu.memory_space<vmem>>
        %dma_wait3A_1426 = tpu.memref_slice %arg2[%add3A_1419, %mul3A_948] : memref<4096x8192xf32, #tpu.memory_space<hbm>> -> memref<1x1024xf32, #tpu.memory_space<hbm>>
        %dma_wait3A_1427 = tpu.memref_squeeze %dma_wait3A_1426 : memref<1x1024xf32, #tpu.memory_space<hbm>> -> memref<1024xf32, #tpu.memory_space<hbm>>
        tpu.wait_dma2 semaphore(%arg11 : memref<!tpu.dma_semaphore, #tpu.memory_space<semaphore_mem>>) src(%dma_wait3A_1427 : memref<1024xf32, #tpu.memory_space<hbm>>) dst(%dma_wait3A_1425 : memref<1024xf32, #tpu.memory_space<vmem>>)
        %add3A_1428 = arith.constant 12 : i32
        %add3A_1429 = arith.addi %mul3A_944, %add3A_1428 : i32
        %dma_wait3A_1430 = arith.constant 12288 : i32
        %dma_wait3A_1431 = tpu.memref_slice %arg7[%dma_wait3A_1430] : memref<16384xf32, #tpu.memory_space<vmem>> -> memref<1024xf32, #tpu.memory_space<vmem>>
        %dma_wait3A_1432 = tpu.memref_slice %arg2[%add3A_1429, %mul3A_948] : memref<4096x8192xf32, #tpu.memory_space<hbm>> -> memref<1x1024xf32, #tpu.memory_space<hbm>>
        %dma_wait3A_1433 = tpu.memref_squeeze %dma_wait3A_1432 : memref<1x1024xf32, #tpu.memory_space<hbm>> -> memref<1024xf32, #tpu.memory_space<hbm>>
        %dma_wait3A_1434 = arith.constant 12288 : i32
        %dma_wait3A_1435 = tpu.memref_slice %arg7[%dma_wait3A_1434] : memref<16384xf32, #tpu.memory_space<vmem>> -> memref<1024xf32, #tpu.memory_space<vmem>>
        %dma_wait3A_1436 = tpu.memref_slice %arg2[%add3A_1429, %mul3A_948] : memref<4096x8192xf32, #tpu.memory_space<hbm>> -> memref<1x1024xf32, #tpu.memory_space<hbm>>
        %dma_wait3A_1437 = tpu.memref_squeeze %dma_wait3A_1436 : memref<1x1024xf32, #tpu.memory_space<hbm>> -> memref<1024xf32, #tpu.memory_space<hbm>>
        tpu.wait_dma2 semaphore(%arg11 : memref<!tpu.dma_semaphore, #tpu.memory_space<semaphore_mem>>) src(%dma_wait3A_1437 : memref<1024xf32, #tpu.memory_space<hbm>>) dst(%dma_wait3A_1435 : memref<1024xf32, #tpu.memory_space<vmem>>)
        %add3A_1438 = arith.constant 13 : i32
        %add3A_1439 = arith.addi %mul3A_944, %add3A_1438 : i32
        %dma_wait3A_1440 = arith.constant 13312 : i32
        %dma_wait3A_1441 = tpu.memref_slice %arg7[%dma_wait3A_1440] : memref<16384xf32, #tpu.memory_space<vmem>> -> memref<1024xf32, #tpu.memory_space<vmem>>
        %dma_wait3A_1442 = tpu.memref_slice %arg2[%add3A_1439, %mul3A_948] : memref<4096x8192xf32, #tpu.memory_space<hbm>> -> memref<1x1024xf32, #tpu.memory_space<hbm>>
        %dma_wait3A_1443 = tpu.memref_squeeze %dma_wait3A_1442 : memref<1x1024xf32, #tpu.memory_space<hbm>> -> memref<1024xf32, #tpu.memory_space<hbm>>
        %dma_wait3A_1444 = arith.constant 13312 : i32
        %dma_wait3A_1445 = tpu.memref_slice %arg7[%dma_wait3A_1444] : memref<16384xf32, #tpu.memory_space<vmem>> -> memref<1024xf32, #tpu.memory_space<vmem>>
        %dma_wait3A_1446 = tpu.memref_slice %arg2[%add3A_1439, %mul3A_948] : memref<4096x8192xf32, #tpu.memory_space<hbm>> -> memref<1x1024xf32, #tpu.memory_space<hbm>>
        %dma_wait3A_1447 = tpu.memref_squeeze %dma_wait3A_1446 : memref<1x1024xf32, #tpu.memory_space<hbm>> -> memref<1024xf32, #tpu.memory_space<hbm>>
        tpu.wait_dma2 semaphore(%arg11 : memref<!tpu.dma_semaphore, #tpu.memory_space<semaphore_mem>>) src(%dma_wait3A_1447 : memref<1024xf32, #tpu.memory_space<hbm>>) dst(%dma_wait3A_1445 : memref<1024xf32, #tpu.memory_space<vmem>>)
        %add3A_1448 = arith.constant 14 : i32
        %add3A_1449 = arith.addi %mul3A_944, %add3A_1448 : i32
        %dma_wait3A_1450 = arith.constant 14336 : i32
        %dma_wait3A_1451 = tpu.memref_slice %arg7[%dma_wait3A_1450] : memref<16384xf32, #tpu.memory_space<vmem>> -> memref<1024xf32, #tpu.memory_space<vmem>>
        %dma_wait3A_1452 = tpu.memref_slice %arg2[%add3A_1449, %mul3A_948] : memref<4096x8192xf32, #tpu.memory_space<hbm>> -> memref<1x1024xf32, #tpu.memory_space<hbm>>
        %dma_wait3A_1453 = tpu.memref_squeeze %dma_wait3A_1452 : memref<1x1024xf32, #tpu.memory_space<hbm>> -> memref<1024xf32, #tpu.memory_space<hbm>>
        %dma_wait3A_1454 = arith.constant 14336 : i32
        %dma_wait3A_1455 = tpu.memref_slice %arg7[%dma_wait3A_1454] : memref<16384xf32, #tpu.memory_space<vmem>> -> memref<1024xf32, #tpu.memory_space<vmem>>
        %dma_wait3A_1456 = tpu.memref_slice %arg2[%add3A_1449, %mul3A_948] : memref<4096x8192xf32, #tpu.memory_space<hbm>> -> memref<1x1024xf32, #tpu.memory_space<hbm>>
        %dma_wait3A_1457 = tpu.memref_squeeze %dma_wait3A_1456 : memref<1x1024xf32, #tpu.memory_space<hbm>> -> memref<1024xf32, #tpu.memory_space<hbm>>
        tpu.wait_dma2 semaphore(%arg11 : memref<!tpu.dma_semaphore, #tpu.memory_space<semaphore_mem>>) src(%dma_wait3A_1457 : memref<1024xf32, #tpu.memory_space<hbm>>) dst(%dma_wait3A_1455 : memref<1024xf32, #tpu.memory_space<vmem>>)
        %add3A_1458 = arith.constant 15 : i32
        %add3A_1459 = arith.addi %mul3A_944, %add3A_1458 : i32
        %dma_wait3A_1460 = arith.constant 15360 : i32
        %dma_wait3A_1461 = tpu.memref_slice %arg7[%dma_wait3A_1460] : memref<16384xf32, #tpu.memory_space<vmem>> -> memref<1024xf32, #tpu.memory_space<vmem>>
        %dma_wait3A_1462 = tpu.memref_slice %arg2[%add3A_1459, %mul3A_948] : memref<4096x8192xf32, #tpu.memory_space<hbm>> -> memref<1x1024xf32, #tpu.memory_space<hbm>>
        %dma_wait3A_1463 = tpu.memref_squeeze %dma_wait3A_1462 : memref<1x1024xf32, #tpu.memory_space<hbm>> -> memref<1024xf32, #tpu.memory_space<hbm>>
        %dma_wait3A_1464 = arith.constant 15360 : i32
        %dma_wait3A_1465 = tpu.memref_slice %arg7[%dma_wait3A_1464] : memref<16384xf32, #tpu.memory_space<vmem>> -> memref<1024xf32, #tpu.memory_space<vmem>>
        %dma_wait3A_1466 = tpu.memref_slice %arg2[%add3A_1459, %mul3A_948] : memref<4096x8192xf32, #tpu.memory_space<hbm>> -> memref<1x1024xf32, #tpu.memory_space<hbm>>
        %dma_wait3A_1467 = tpu.memref_squeeze %dma_wait3A_1466 : memref<1x1024xf32, #tpu.memory_space<hbm>> -> memref<1024xf32, #tpu.memory_space<hbm>>
        tpu.wait_dma2 semaphore(%arg11 : memref<!tpu.dma_semaphore, #tpu.memory_space<semaphore_mem>>) src(%dma_wait3A_1467 : memref<1024xf32, #tpu.memory_space<hbm>>) dst(%dma_wait3A_1465 : memref<1024xf32, #tpu.memory_space<vmem>>)
      } else {
      }
      %scan3A_1126 = arith.constant 0 : i32
      %scan3A_1127 = arith.constant 15 : i32
      %scan3A_1128 = arith.addi %scan3A_1126, %scan3A_1127 : i32
      %scan3A_1129 = arith.constant 1 : i32
      %scan3A_1130 = scf.for %scan3A_1308 = %scan3A_1126 to %scan3A_1128 step %scan3A_1129 iter_args(%scan3A_1309 = %select_n3A_953) -> (vector<16xf32>)  : i32 {
        %sub3A_1310 = arith.constant 1038 : i32
        %sub3A_1311 = arith.subi %sub3A_1310, %scan3A_1308 : i32
        %sub3A_1312 = vector.broadcast %sub3A_1311 : i32 to vector<16xi32>
        %sub3A_1313 = arith.subi %sub3A_1312, %iota3A : vector<16xi32>
        %le3A = arith.constant 1023 : i32
        %le3A_1314 = vector.broadcast %le3A : i32 to vector<16xi32>
        %le3A_1315 = arith.cmpi sle, %sub3A_1313, %le3A_1314 : vector<16xi32>
        %min3A = arith.constant 1023 : i32
        %min3A_1316 = vector.broadcast %min3A : i32 to vector<16xi32>
        %min3A_1317 = arith.minsi %sub3A_1313, %min3A_1316 : vector<16xi32>
        %add3A_1318 = arith.addi %mul3A_3, %min3A_1317 : vector<16xi32>
        %gather3A = tpu.vector_load_idx %arg5[%add3A_1318] masked %le3A_1315 : memref<16384xf32, #tpu.memory_space<vmem>>[vector<16xi32>], vector<16xf32>, vector<16xi1>
        %jit3A_1319 = arith.constant 0.000000e+00 : f32
        %broadcast_in_dim3A_1320 = vector.broadcast %jit3A_1319 : f32 to vector<16xf32>
        %select_n3A_1321 = arith.select %le3A_1315, %gather3A, %broadcast_in_dim3A_1320 : vector<16xi1>, vector<16xf32>
        %add3A_1322 = arith.addf %scan3A_1309, %select_n3A_1321 : vector<16xf32>
        tpu.vector_store_idx %arg7[%add3A_1318], %add3A_1322 masked %le3A_1315 : memref<16384xf32, #tpu.memory_space<vmem>>[vector<16xi32>], vector<16xf32>, vector<16xi1>
        scf.yield %add3A_1322 : vector<16xf32>
      }
      %scan3A_1131 = arith.constant 15 : i32
      %add3A_1132 = arith.constant 1023 : i32
      %add3A_1133 = vector.broadcast %add3A_1132 : i32 to vector<16xi32>
      %add3A_1134 = arith.addi %mul3A_3, %add3A_1133 : vector<16xi32>
      %sub3A_1135 = arith.subi %add3A_1134, %iota3A : vector<16xi32>
      %scan3A_1136 = arith.constant 0 : i32
      %scan3A_1137 = arith.constant 63 : i32
      %scan3A_1138 = arith.addi %scan3A_1136, %scan3A_1137 : i32
      %scan3A_1139 = arith.constant 1 : i32
      %scan3A_1140:2 = scf.for %scan3A_1308 = %scan3A_1136 to %scan3A_1138 step %scan3A_1139 iter_args(%scan3A_1309 = %scan3A_1130, %scan3A_1310 = %sub3A_1135) -> (vector<16xf32>, vector<16xi32>)  : i32 {
        %sub3A_1311 = arith.constant 0 : i32
        %sub3A_1312 = vector.broadcast %sub3A_1311 : i32 to vector<16xi32>
        %sub3A_1313 = arith.subi %scan3A_1310, %sub3A_1312 : vector<16xi32>
        %gather3A = tpu.vector_load_idx %arg5[%sub3A_1313] : memref<16384xf32, #tpu.memory_space<vmem>>[vector<16xi32>], vector<16xf32>,
        %sub3A_1314 = arith.constant 1 : i32
        %sub3A_1315 = vector.broadcast %sub3A_1314 : i32 to vector<16xi32>
        %sub3A_1316 = arith.subi %scan3A_1310, %sub3A_1315 : vector<16xi32>
        %gather3A_1317 = tpu.vector_load_idx %arg5[%sub3A_1316] : memref<16384xf32, #tpu.memory_space<vmem>>[vector<16xi32>], vector<16xf32>,
        %sub3A_1318 = arith.constant 2 : i32
        %sub3A_1319 = vector.broadcast %sub3A_1318 : i32 to vector<16xi32>
        %sub3A_1320 = arith.subi %scan3A_1310, %sub3A_1319 : vector<16xi32>
        %gather3A_1321 = tpu.vector_load_idx %arg5[%sub3A_1320] : memref<16384xf32, #tpu.memory_space<vmem>>[vector<16xi32>], vector<16xf32>,
        %sub3A_1322 = arith.constant 3 : i32
        %sub3A_1323 = vector.broadcast %sub3A_1322 : i32 to vector<16xi32>
        %sub3A_1324 = arith.subi %scan3A_1310, %sub3A_1323 : vector<16xi32>
        %gather3A_1325 = tpu.vector_load_idx %arg5[%sub3A_1324] : memref<16384xf32, #tpu.memory_space<vmem>>[vector<16xi32>], vector<16xf32>,
        %sub3A_1326 = arith.constant 4 : i32
        %sub3A_1327 = vector.broadcast %sub3A_1326 : i32 to vector<16xi32>
        %sub3A_1328 = arith.subi %scan3A_1310, %sub3A_1327 : vector<16xi32>
        %gather3A_1329 = tpu.vector_load_idx %arg5[%sub3A_1328] : memref<16384xf32, #tpu.memory_space<vmem>>[vector<16xi32>], vector<16xf32>,
        %sub3A_1330 = arith.constant 5 : i32
        %sub3A_1331 = vector.broadcast %sub3A_1330 : i32 to vector<16xi32>
        %sub3A_1332 = arith.subi %scan3A_1310, %sub3A_1331 : vector<16xi32>
        %gather3A_1333 = tpu.vector_load_idx %arg5[%sub3A_1332] : memref<16384xf32, #tpu.memory_space<vmem>>[vector<16xi32>], vector<16xf32>,
        %sub3A_1334 = arith.constant 6 : i32
        %sub3A_1335 = vector.broadcast %sub3A_1334 : i32 to vector<16xi32>
        %sub3A_1336 = arith.subi %scan3A_1310, %sub3A_1335 : vector<16xi32>
        %gather3A_1337 = tpu.vector_load_idx %arg5[%sub3A_1336] : memref<16384xf32, #tpu.memory_space<vmem>>[vector<16xi32>], vector<16xf32>,
        %sub3A_1338 = arith.constant 7 : i32
        %sub3A_1339 = vector.broadcast %sub3A_1338 : i32 to vector<16xi32>
        %sub3A_1340 = arith.subi %scan3A_1310, %sub3A_1339 : vector<16xi32>
        %gather3A_1341 = tpu.vector_load_idx %arg5[%sub3A_1340] : memref<16384xf32, #tpu.memory_space<vmem>>[vector<16xi32>], vector<16xf32>,
        %sub3A_1342 = arith.constant 8 : i32
        %sub3A_1343 = vector.broadcast %sub3A_1342 : i32 to vector<16xi32>
        %sub3A_1344 = arith.subi %scan3A_1310, %sub3A_1343 : vector<16xi32>
        %gather3A_1345 = tpu.vector_load_idx %arg5[%sub3A_1344] : memref<16384xf32, #tpu.memory_space<vmem>>[vector<16xi32>], vector<16xf32>,
        %sub3A_1346 = arith.constant 9 : i32
        %sub3A_1347 = vector.broadcast %sub3A_1346 : i32 to vector<16xi32>
        %sub3A_1348 = arith.subi %scan3A_1310, %sub3A_1347 : vector<16xi32>
        %gather3A_1349 = tpu.vector_load_idx %arg5[%sub3A_1348] : memref<16384xf32, #tpu.memory_space<vmem>>[vector<16xi32>], vector<16xf32>,
        %sub3A_1350 = arith.constant 10 : i32
        %sub3A_1351 = vector.broadcast %sub3A_1350 : i32 to vector<16xi32>
        %sub3A_1352 = arith.subi %scan3A_1310, %sub3A_1351 : vector<16xi32>
        %gather3A_1353 = tpu.vector_load_idx %arg5[%sub3A_1352] : memref<16384xf32, #tpu.memory_space<vmem>>[vector<16xi32>], vector<16xf32>,
        %sub3A_1354 = arith.constant 11 : i32
        %sub3A_1355 = vector.broadcast %sub3A_1354 : i32 to vector<16xi32>
        %sub3A_1356 = arith.subi %scan3A_1310, %sub3A_1355 : vector<16xi32>
        %gather3A_1357 = tpu.vector_load_idx %arg5[%sub3A_1356] : memref<16384xf32, #tpu.memory_space<vmem>>[vector<16xi32>], vector<16xf32>,
        %sub3A_1358 = arith.constant 12 : i32
        %sub3A_1359 = vector.broadcast %sub3A_1358 : i32 to vector<16xi32>
        %sub3A_1360 = arith.subi %scan3A_1310, %sub3A_1359 : vector<16xi32>
        %gather3A_1361 = tpu.vector_load_idx %arg5[%sub3A_1360] : memref<16384xf32, #tpu.memory_space<vmem>>[vector<16xi32>], vector<16xf32>,
        %sub3A_1362 = arith.constant 13 : i32
        %sub3A_1363 = vector.broadcast %sub3A_1362 : i32 to vector<16xi32>
        %sub3A_1364 = arith.subi %scan3A_1310, %sub3A_1363 : vector<16xi32>
        %gather3A_1365 = tpu.vector_load_idx %arg5[%sub3A_1364] : memref<16384xf32, #tpu.memory_space<vmem>>[vector<16xi32>], vector<16xf32>,
        %sub3A_1366 = arith.constant 14 : i32
        %sub3A_1367 = vector.broadcast %sub3A_1366 : i32 to vector<16xi32>
        %sub3A_1368 = arith.subi %scan3A_1310, %sub3A_1367 : vector<16xi32>
        %gather3A_1369 = tpu.vector_load_idx %arg5[%sub3A_1368] : memref<16384xf32, #tpu.memory_space<vmem>>[vector<16xi32>], vector<16xf32>,
        %sub3A_1370 = arith.constant 15 : i32
        %sub3A_1371 = vector.broadcast %sub3A_1370 : i32 to vector<16xi32>
        %sub3A_1372 = arith.subi %scan3A_1310, %sub3A_1371 : vector<16xi32>
        %gather3A_1373 = tpu.vector_load_idx %arg5[%sub3A_1372] : memref<16384xf32, #tpu.memory_space<vmem>>[vector<16xi32>], vector<16xf32>,
        %add3A_1374 = arith.addf %gather3A, %gather3A_1317 : vector<16xf32>
        %add3A_1375 = arith.addf %add3A_1374, %gather3A_1321 : vector<16xf32>
        %add3A_1376 = arith.addf %add3A_1375, %gather3A_1325 : vector<16xf32>
        %add3A_1377 = arith.addf %add3A_1376, %gather3A_1329 : vector<16xf32>
        %add3A_1378 = arith.addf %add3A_1377, %gather3A_1333 : vector<16xf32>
        %add3A_1379 = arith.addf %add3A_1378, %gather3A_1337 : vector<16xf32>
        %add3A_1380 = arith.addf %add3A_1379, %gather3A_1341 : vector<16xf32>
        %add3A_1381 = arith.addf %add3A_1380, %gather3A_1345 : vector<16xf32>
        %add3A_1382 = arith.addf %add3A_1381, %gather3A_1349 : vector<16xf32>
        %add3A_1383 = arith.addf %add3A_1382, %gather3A_1353 : vector<16xf32>
        %add3A_1384 = arith.addf %add3A_1383, %gather3A_1357 : vector<16xf32>
        %add3A_1385 = arith.addf %add3A_1384, %gather3A_1361 : vector<16xf32>
        %add3A_1386 = arith.addf %add3A_1385, %gather3A_1365 : vector<16xf32>
        %add3A_1387 = arith.addf %add3A_1386, %gather3A_1369 : vector<16xf32>
        %add3A_1388 = arith.addf %add3A_1387, %gather3A_1373 : vector<16xf32>
        %sub3A_1389 = arith.constant 0 : i32
        %sub3A_1390 = vector.broadcast %sub3A_1389 : i32 to vector<16xi32>
        %sub3A_1391 = arith.subi %scan3A_1310, %sub3A_1390 : vector<16xi32>
        %add3A_1392 = arith.addf %scan3A_1309, %gather3A : vector<16xf32>
        tpu.vector_store_idx %arg7[%sub3A_1391], %add3A_1392 : memref<16384xf32, #tpu.memory_space<vmem>>[vector<16xi32>], vector<16xf32>,
        %sub3A_1393 = arith.constant 1 : i32
        %sub3A_1394 = vector.broadcast %sub3A_1393 : i32 to vector<16xi32>
        %sub3A_1395 = arith.subi %scan3A_1310, %sub3A_1394 : vector<16xi32>
        %add3A_1396 = arith.addf %scan3A_1309, %add3A_1374 : vector<16xf32>
        tpu.vector_store_idx %arg7[%sub3A_1395], %add3A_1396 : memref<16384xf32, #tpu.memory_space<vmem>>[vector<16xi32>], vector<16xf32>,
        %sub3A_1397 = arith.constant 2 : i32
        %sub3A_1398 = vector.broadcast %sub3A_1397 : i32 to vector<16xi32>
        %sub3A_1399 = arith.subi %scan3A_1310, %sub3A_1398 : vector<16xi32>
        %add3A_1400 = arith.addf %scan3A_1309, %add3A_1375 : vector<16xf32>
        tpu.vector_store_idx %arg7[%sub3A_1399], %add3A_1400 : memref<16384xf32, #tpu.memory_space<vmem>>[vector<16xi32>], vector<16xf32>,
        %sub3A_1401 = arith.constant 3 : i32
        %sub3A_1402 = vector.broadcast %sub3A_1401 : i32 to vector<16xi32>
        %sub3A_1403 = arith.subi %scan3A_1310, %sub3A_1402 : vector<16xi32>
        %add3A_1404 = arith.addf %scan3A_1309, %add3A_1376 : vector<16xf32>
        tpu.vector_store_idx %arg7[%sub3A_1403], %add3A_1404 : memref<16384xf32, #tpu.memory_space<vmem>>[vector<16xi32>], vector<16xf32>,
        %sub3A_1405 = arith.constant 4 : i32
        %sub3A_1406 = vector.broadcast %sub3A_1405 : i32 to vector<16xi32>
        %sub3A_1407 = arith.subi %scan3A_1310, %sub3A_1406 : vector<16xi32>
        %add3A_1408 = arith.addf %scan3A_1309, %add3A_1377 : vector<16xf32>
        tpu.vector_store_idx %arg7[%sub3A_1407], %add3A_1408 : memref<16384xf32, #tpu.memory_space<vmem>>[vector<16xi32>], vector<16xf32>,
        %sub3A_1409 = arith.constant 5 : i32
        %sub3A_1410 = vector.broadcast %sub3A_1409 : i32 to vector<16xi32>
        %sub3A_1411 = arith.subi %scan3A_1310, %sub3A_1410 : vector<16xi32>
        %add3A_1412 = arith.addf %scan3A_1309, %add3A_1378 : vector<16xf32>
        tpu.vector_store_idx %arg7[%sub3A_1411], %add3A_1412 : memref<16384xf32, #tpu.memory_space<vmem>>[vector<16xi32>], vector<16xf32>,
        %sub3A_1413 = arith.constant 6 : i32
        %sub3A_1414 = vector.broadcast %sub3A_1413 : i32 to vector<16xi32>
        %sub3A_1415 = arith.subi %scan3A_1310, %sub3A_1414 : vector<16xi32>
        %add3A_1416 = arith.addf %scan3A_1309, %add3A_1379 : vector<16xf32>
        tpu.vector_store_idx %arg7[%sub3A_1415], %add3A_1416 : memref<16384xf32, #tpu.memory_space<vmem>>[vector<16xi32>], vector<16xf32>,
        %sub3A_1417 = arith.constant 7 : i32
        %sub3A_1418 = vector.broadcast %sub3A_1417 : i32 to vector<16xi32>
        %sub3A_1419 = arith.subi %scan3A_1310, %sub3A_1418 : vector<16xi32>
        %add3A_1420 = arith.addf %scan3A_1309, %add3A_1380 : vector<16xf32>
        tpu.vector_store_idx %arg7[%sub3A_1419], %add3A_1420 : memref<16384xf32, #tpu.memory_space<vmem>>[vector<16xi32>], vector<16xf32>,
        %sub3A_1421 = arith.constant 8 : i32
        %sub3A_1422 = vector.broadcast %sub3A_1421 : i32 to vector<16xi32>
        %sub3A_1423 = arith.subi %scan3A_1310, %sub3A_1422 : vector<16xi32>
        %add3A_1424 = arith.addf %scan3A_1309, %add3A_1381 : vector<16xf32>
        tpu.vector_store_idx %arg7[%sub3A_1423], %add3A_1424 : memref<16384xf32, #tpu.memory_space<vmem>>[vector<16xi32>], vector<16xf32>,
        %sub3A_1425 = arith.constant 9 : i32
        %sub3A_1426 = vector.broadcast %sub3A_1425 : i32 to vector<16xi32>
        %sub3A_1427 = arith.subi %scan3A_1310, %sub3A_1426 : vector<16xi32>
        %add3A_1428 = arith.addf %scan3A_1309, %add3A_1382 : vector<16xf32>
        tpu.vector_store_idx %arg7[%sub3A_1427], %add3A_1428 : memref<16384xf32, #tpu.memory_space<vmem>>[vector<16xi32>], vector<16xf32>,
        %sub3A_1429 = arith.constant 10 : i32
        %sub3A_1430 = vector.broadcast %sub3A_1429 : i32 to vector<16xi32>
        %sub3A_1431 = arith.subi %scan3A_1310, %sub3A_1430 : vector<16xi32>
        %add3A_1432 = arith.addf %scan3A_1309, %add3A_1383 : vector<16xf32>
        tpu.vector_store_idx %arg7[%sub3A_1431], %add3A_1432 : memref<16384xf32, #tpu.memory_space<vmem>>[vector<16xi32>], vector<16xf32>,
        %sub3A_1433 = arith.constant 11 : i32
        %sub3A_1434 = vector.broadcast %sub3A_1433 : i32 to vector<16xi32>
        %sub3A_1435 = arith.subi %scan3A_1310, %sub3A_1434 : vector<16xi32>
        %add3A_1436 = arith.addf %scan3A_1309, %add3A_1384 : vector<16xf32>
        tpu.vector_store_idx %arg7[%sub3A_1435], %add3A_1436 : memref<16384xf32, #tpu.memory_space<vmem>>[vector<16xi32>], vector<16xf32>,
        %sub3A_1437 = arith.constant 12 : i32
        %sub3A_1438 = vector.broadcast %sub3A_1437 : i32 to vector<16xi32>
        %sub3A_1439 = arith.subi %scan3A_1310, %sub3A_1438 : vector<16xi32>
        %add3A_1440 = arith.addf %scan3A_1309, %add3A_1385 : vector<16xf32>
        tpu.vector_store_idx %arg7[%sub3A_1439], %add3A_1440 : memref<16384xf32, #tpu.memory_space<vmem>>[vector<16xi32>], vector<16xf32>,
        %sub3A_1441 = arith.constant 13 : i32
        %sub3A_1442 = vector.broadcast %sub3A_1441 : i32 to vector<16xi32>
        %sub3A_1443 = arith.subi %scan3A_1310, %sub3A_1442 : vector<16xi32>
        %add3A_1444 = arith.addf %scan3A_1309, %add3A_1386 : vector<16xf32>
        tpu.vector_store_idx %arg7[%sub3A_1443], %add3A_1444 : memref<16384xf32, #tpu.memory_space<vmem>>[vector<16xi32>], vector<16xf32>,
        %sub3A_1445 = arith.constant 14 : i32
        %sub3A_1446 = vector.broadcast %sub3A_1445 : i32 to vector<16xi32>
        %sub3A_1447 = arith.subi %scan3A_1310, %sub3A_1446 : vector<16xi32>
        %add3A_1448 = arith.addf %scan3A_1309, %add3A_1387 : vector<16xf32>
        tpu.vector_store_idx %arg7[%sub3A_1447], %add3A_1448 : memref<16384xf32, #tpu.memory_space<vmem>>[vector<16xi32>], vector<16xf32>,
        %sub3A_1449 = arith.constant 15 : i32
        %sub3A_1450 = vector.broadcast %sub3A_1449 : i32 to vector<16xi32>
        %sub3A_1451 = arith.subi %scan3A_1310, %sub3A_1450 : vector<16xi32>
        %add3A_1452 = arith.addf %scan3A_1309, %add3A_1388 : vector<16xf32>
        tpu.vector_store_idx %arg7[%sub3A_1451], %add3A_1452 : memref<16384xf32, #tpu.memory_space<vmem>>[vector<16xi32>], vector<16xf32>,
        %add3A_1453 = arith.addf %scan3A_1309, %add3A_1388 : vector<16xf32>
        %sub3A_1454 = arith.constant 16 : i32
        %sub3A_1455 = vector.broadcast %sub3A_1454 : i32 to vector<16xi32>
        %sub3A_1456 = arith.subi %scan3A_1310, %sub3A_1455 : vector<16xi32>
        scf.yield %add3A_1453, %sub3A_1456 : vector<16xf32>, vector<16xi32>
      }
      %scan3A_1141 = arith.constant 63 : i32
      %scan3A_1142 = arith.constant 0 : i32
      %scan3A_1143 = arith.constant 16 : i32
      %scan3A_1144 = arith.addi %scan3A_1142, %scan3A_1143 : i32
      %scan3A_1145 = arith.constant 1 : i32
      %scan3A_1146 = scf.for %scan3A_1308 = %scan3A_1142 to %scan3A_1144 step %scan3A_1145 iter_args(%scan3A_1309 = %scan3A_1140#0) -> (vector<16xf32>)  : i32 {
        %sub3A_1310 = arith.constant 15 : i32
        %sub3A_1311 = arith.subi %sub3A_1310, %scan3A_1308 : i32
        %sub3A_1312 = vector.broadcast %sub3A_1311 : i32 to vector<16xi32>
        %sub3A_1313 = arith.subi %sub3A_1312, %iota3A : vector<16xi32>
        %ge3A_1314 = arith.constant 0 : i32
        %ge3A_1315 = vector.broadcast %ge3A_1314 : i32 to vector<16xi32>
        %ge3A_1316 = arith.cmpi sge, %sub3A_1313, %ge3A_1315 : vector<16xi32>
        %max3A = arith.constant 0 : i32
        %max3A_1317 = vector.broadcast %max3A : i32 to vector<16xi32>
        %max3A_1318 = arith.maxsi %sub3A_1313, %max3A_1317 : vector<16xi32>
        %add3A_1319 = arith.addi %mul3A_3, %max3A_1318 : vector<16xi32>
        %gather3A = tpu.vector_load_idx %arg5[%add3A_1319] masked %ge3A_1316 : memref<16384xf32, #tpu.memory_space<vmem>>[vector<16xi32>], vector<16xf32>, vector<16xi1>
        %jit3A_1320 = arith.constant 0.000000e+00 : f32
        %broadcast_in_dim3A_1321 = vector.broadcast %jit3A_1320 : f32 to vector<16xf32>
        %select_n3A_1322 = arith.select %ge3A_1316, %gather3A, %broadcast_in_dim3A_1321 : vector<16xi1>, vector<16xf32>
        %add3A_1323 = arith.addf %scan3A_1309, %select_n3A_1322 : vector<16xf32>
        tpu.vector_store_idx %arg7[%add3A_1319], %add3A_1323 masked %ge3A_1316 : memref<16384xf32, #tpu.memory_space<vmem>>[vector<16xi32>], vector<16xf32>, vector<16xi1>
        scf.yield %add3A_1323 : vector<16xf32>
      }
      %scan3A_1147 = arith.constant 16 : i32
      %add3A_1148 = arith.constant 0 : i32
      %add3A_1149 = arith.addi %mul3A_944, %add3A_1148 : i32
      %dma_start3A_1150 = arith.constant 0 : i32
      %dma_start3A_1151 = tpu.memref_slice %arg7[%dma_start3A_1150] : memref<16384xf32, #tpu.memory_space<vmem>> -> memref<1024xf32, #tpu.memory_space<vmem>>
      %dma_start3A_1152 = tpu.memref_slice %arg3[%add3A_1149, %mul3A_948] : memref<4096x8192xf32, #tpu.memory_space<hbm>> -> memref<1x1024xf32, #tpu.memory_space<hbm>>
      %dma_start3A_1153 = tpu.memref_squeeze %dma_start3A_1152 : memref<1x1024xf32, #tpu.memory_space<hbm>> -> memref<1024xf32, #tpu.memory_space<hbm>>
      %dma_start3A_1154 = tpu.memref_slice %arg3[%add3A_1149, %mul3A_948] : memref<4096x8192xf32, #tpu.memory_space<hbm>> -> memref<1x1024xf32, #tpu.memory_space<hbm>>
      %dma_start3A_1155 = tpu.memref_squeeze %dma_start3A_1154 : memref<1x1024xf32, #tpu.memory_space<hbm>> -> memref<1024xf32, #tpu.memory_space<hbm>>
      %dma_start3A_1156 = arith.constant 0 : i32
      %dma_start3A_1157 = tpu.memref_slice %arg7[%dma_start3A_1156] : memref<16384xf32, #tpu.memory_space<vmem>> -> memref<1024xf32, #tpu.memory_space<vmem>>
      tpu.enqueue_dma source(%dma_start3A_1157 : memref<1024xf32, #tpu.memory_space<vmem>>) target(%dma_start3A_1155 : memref<1024xf32, #tpu.memory_space<hbm>>) target_semaphore(%arg11 : memref<!tpu.dma_semaphore, #tpu.memory_space<semaphore_mem>>)
      %add3A_1158 = arith.constant 1 : i32
      %add3A_1159 = arith.addi %mul3A_944, %add3A_1158 : i32
      %dma_start3A_1160 = arith.constant 1024 : i32
      %dma_start3A_1161 = tpu.memref_slice %arg7[%dma_start3A_1160] : memref<16384xf32, #tpu.memory_space<vmem>> -> memref<1024xf32, #tpu.memory_space<vmem>>
      %dma_start3A_1162 = tpu.memref_slice %arg3[%add3A_1159, %mul3A_948] : memref<4096x8192xf32, #tpu.memory_space<hbm>> -> memref<1x1024xf32, #tpu.memory_space<hbm>>
      %dma_start3A_1163 = tpu.memref_squeeze %dma_start3A_1162 : memref<1x1024xf32, #tpu.memory_space<hbm>> -> memref<1024xf32, #tpu.memory_space<hbm>>
      %dma_start3A_1164 = tpu.memref_slice %arg3[%add3A_1159, %mul3A_948] : memref<4096x8192xf32, #tpu.memory_space<hbm>> -> memref<1x1024xf32, #tpu.memory_space<hbm>>
      %dma_start3A_1165 = tpu.memref_squeeze %dma_start3A_1164 : memref<1x1024xf32, #tpu.memory_space<hbm>> -> memref<1024xf32, #tpu.memory_space<hbm>>
      %dma_start3A_1166 = arith.constant 1024 : i32
      %dma_start3A_1167 = tpu.memref_slice %arg7[%dma_start3A_1166] : memref<16384xf32, #tpu.memory_space<vmem>> -> memref<1024xf32, #tpu.memory_space<vmem>>
      tpu.enqueue_dma source(%dma_start3A_1167 : memref<1024xf32, #tpu.memory_space<vmem>>) target(%dma_start3A_1165 : memref<1024xf32, #tpu.memory_space<hbm>>) target_semaphore(%arg11 : memref<!tpu.dma_semaphore, #tpu.memory_space<semaphore_mem>>)
      %add3A_1168 = arith.constant 2 : i32
      %add3A_1169 = arith.addi %mul3A_944, %add3A_1168 : i32
      %dma_start3A_1170 = arith.constant 2048 : i32
      %dma_start3A_1171 = tpu.memref_slice %arg7[%dma_start3A_1170] : memref<16384xf32, #tpu.memory_space<vmem>> -> memref<1024xf32, #tpu.memory_space<vmem>>
      %dma_start3A_1172 = tpu.memref_slice %arg3[%add3A_1169, %mul3A_948] : memref<4096x8192xf32, #tpu.memory_space<hbm>> -> memref<1x1024xf32, #tpu.memory_space<hbm>>
      %dma_start3A_1173 = tpu.memref_squeeze %dma_start3A_1172 : memref<1x1024xf32, #tpu.memory_space<hbm>> -> memref<1024xf32, #tpu.memory_space<hbm>>
      %dma_start3A_1174 = tpu.memref_slice %arg3[%add3A_1169, %mul3A_948] : memref<4096x8192xf32, #tpu.memory_space<hbm>> -> memref<1x1024xf32, #tpu.memory_space<hbm>>
      %dma_start3A_1175 = tpu.memref_squeeze %dma_start3A_1174 : memref<1x1024xf32, #tpu.memory_space<hbm>> -> memref<1024xf32, #tpu.memory_space<hbm>>
      %dma_start3A_1176 = arith.constant 2048 : i32
      %dma_start3A_1177 = tpu.memref_slice %arg7[%dma_start3A_1176] : memref<16384xf32, #tpu.memory_space<vmem>> -> memref<1024xf32, #tpu.memory_space<vmem>>
      tpu.enqueue_dma source(%dma_start3A_1177 : memref<1024xf32, #tpu.memory_space<vmem>>) target(%dma_start3A_1175 : memref<1024xf32, #tpu.memory_space<hbm>>) target_semaphore(%arg11 : memref<!tpu.dma_semaphore, #tpu.memory_space<semaphore_mem>>)
      %add3A_1178 = arith.constant 3 : i32
      %add3A_1179 = arith.addi %mul3A_944, %add3A_1178 : i32
      %dma_start3A_1180 = arith.constant 3072 : i32
      %dma_start3A_1181 = tpu.memref_slice %arg7[%dma_start3A_1180] : memref<16384xf32, #tpu.memory_space<vmem>> -> memref<1024xf32, #tpu.memory_space<vmem>>
      %dma_start3A_1182 = tpu.memref_slice %arg3[%add3A_1179, %mul3A_948] : memref<4096x8192xf32, #tpu.memory_space<hbm>> -> memref<1x1024xf32, #tpu.memory_space<hbm>>
      %dma_start3A_1183 = tpu.memref_squeeze %dma_start3A_1182 : memref<1x1024xf32, #tpu.memory_space<hbm>> -> memref<1024xf32, #tpu.memory_space<hbm>>
      %dma_start3A_1184 = tpu.memref_slice %arg3[%add3A_1179, %mul3A_948] : memref<4096x8192xf32, #tpu.memory_space<hbm>> -> memref<1x1024xf32, #tpu.memory_space<hbm>>
      %dma_start3A_1185 = tpu.memref_squeeze %dma_start3A_1184 : memref<1x1024xf32, #tpu.memory_space<hbm>> -> memref<1024xf32, #tpu.memory_space<hbm>>
      %dma_start3A_1186 = arith.constant 3072 : i32
      %dma_start3A_1187 = tpu.memref_slice %arg7[%dma_start3A_1186] : memref<16384xf32, #tpu.memory_space<vmem>> -> memref<1024xf32, #tpu.memory_space<vmem>>
      tpu.enqueue_dma source(%dma_start3A_1187 : memref<1024xf32, #tpu.memory_space<vmem>>) target(%dma_start3A_1185 : memref<1024xf32, #tpu.memory_space<hbm>>) target_semaphore(%arg11 : memref<!tpu.dma_semaphore, #tpu.memory_space<semaphore_mem>>)
      %add3A_1188 = arith.constant 4 : i32
      %add3A_1189 = arith.addi %mul3A_944, %add3A_1188 : i32
      %dma_start3A_1190 = arith.constant 4096 : i32
      %dma_start3A_1191 = tpu.memref_slice %arg7[%dma_start3A_1190] : memref<16384xf32, #tpu.memory_space<vmem>> -> memref<1024xf32, #tpu.memory_space<vmem>>
      %dma_start3A_1192 = tpu.memref_slice %arg3[%add3A_1189, %mul3A_948] : memref<4096x8192xf32, #tpu.memory_space<hbm>> -> memref<1x1024xf32, #tpu.memory_space<hbm>>
      %dma_start3A_1193 = tpu.memref_squeeze %dma_start3A_1192 : memref<1x1024xf32, #tpu.memory_space<hbm>> -> memref<1024xf32, #tpu.memory_space<hbm>>
      %dma_start3A_1194 = tpu.memref_slice %arg3[%add3A_1189, %mul3A_948] : memref<4096x8192xf32, #tpu.memory_space<hbm>> -> memref<1x1024xf32, #tpu.memory_space<hbm>>
      %dma_start3A_1195 = tpu.memref_squeeze %dma_start3A_1194 : memref<1x1024xf32, #tpu.memory_space<hbm>> -> memref<1024xf32, #tpu.memory_space<hbm>>
      %dma_start3A_1196 = arith.constant 4096 : i32
      %dma_start3A_1197 = tpu.memref_slice %arg7[%dma_start3A_1196] : memref<16384xf32, #tpu.memory_space<vmem>> -> memref<1024xf32, #tpu.memory_space<vmem>>
      tpu.enqueue_dma source(%dma_start3A_1197 : memref<1024xf32, #tpu.memory_space<vmem>>) target(%dma_start3A_1195 : memref<1024xf32, #tpu.memory_space<hbm>>) target_semaphore(%arg11 : memref<!tpu.dma_semaphore, #tpu.memory_space<semaphore_mem>>)
      %add3A_1198 = arith.constant 5 : i32
      %add3A_1199 = arith.addi %mul3A_944, %add3A_1198 : i32
      %dma_start3A_1200 = arith.constant 5120 : i32
      %dma_start3A_1201 = tpu.memref_slice %arg7[%dma_start3A_1200] : memref<16384xf32, #tpu.memory_space<vmem>> -> memref<1024xf32, #tpu.memory_space<vmem>>
      %dma_start3A_1202 = tpu.memref_slice %arg3[%add3A_1199, %mul3A_948] : memref<4096x8192xf32, #tpu.memory_space<hbm>> -> memref<1x1024xf32, #tpu.memory_space<hbm>>
      %dma_start3A_1203 = tpu.memref_squeeze %dma_start3A_1202 : memref<1x1024xf32, #tpu.memory_space<hbm>> -> memref<1024xf32, #tpu.memory_space<hbm>>
      %dma_start3A_1204 = tpu.memref_slice %arg3[%add3A_1199, %mul3A_948] : memref<4096x8192xf32, #tpu.memory_space<hbm>> -> memref<1x1024xf32, #tpu.memory_space<hbm>>
      %dma_start3A_1205 = tpu.memref_squeeze %dma_start3A_1204 : memref<1x1024xf32, #tpu.memory_space<hbm>> -> memref<1024xf32, #tpu.memory_space<hbm>>
      %dma_start3A_1206 = arith.constant 5120 : i32
      %dma_start3A_1207 = tpu.memref_slice %arg7[%dma_start3A_1206] : memref<16384xf32, #tpu.memory_space<vmem>> -> memref<1024xf32, #tpu.memory_space<vmem>>
      tpu.enqueue_dma source(%dma_start3A_1207 : memref<1024xf32, #tpu.memory_space<vmem>>) target(%dma_start3A_1205 : memref<1024xf32, #tpu.memory_space<hbm>>) target_semaphore(%arg11 : memref<!tpu.dma_semaphore, #tpu.memory_space<semaphore_mem>>)
      %add3A_1208 = arith.constant 6 : i32
      %add3A_1209 = arith.addi %mul3A_944, %add3A_1208 : i32
      %dma_start3A_1210 = arith.constant 6144 : i32
      %dma_start3A_1211 = tpu.memref_slice %arg7[%dma_start3A_1210] : memref<16384xf32, #tpu.memory_space<vmem>> -> memref<1024xf32, #tpu.memory_space<vmem>>
      %dma_start3A_1212 = tpu.memref_slice %arg3[%add3A_1209, %mul3A_948] : memref<4096x8192xf32, #tpu.memory_space<hbm>> -> memref<1x1024xf32, #tpu.memory_space<hbm>>
      %dma_start3A_1213 = tpu.memref_squeeze %dma_start3A_1212 : memref<1x1024xf32, #tpu.memory_space<hbm>> -> memref<1024xf32, #tpu.memory_space<hbm>>
      %dma_start3A_1214 = tpu.memref_slice %arg3[%add3A_1209, %mul3A_948] : memref<4096x8192xf32, #tpu.memory_space<hbm>> -> memref<1x1024xf32, #tpu.memory_space<hbm>>
      %dma_start3A_1215 = tpu.memref_squeeze %dma_start3A_1214 : memref<1x1024xf32, #tpu.memory_space<hbm>> -> memref<1024xf32, #tpu.memory_space<hbm>>
      %dma_start3A_1216 = arith.constant 6144 : i32
      %dma_start3A_1217 = tpu.memref_slice %arg7[%dma_start3A_1216] : memref<16384xf32, #tpu.memory_space<vmem>> -> memref<1024xf32, #tpu.memory_space<vmem>>
      tpu.enqueue_dma source(%dma_start3A_1217 : memref<1024xf32, #tpu.memory_space<vmem>>) target(%dma_start3A_1215 : memref<1024xf32, #tpu.memory_space<hbm>>) target_semaphore(%arg11 : memref<!tpu.dma_semaphore, #tpu.memory_space<semaphore_mem>>)
      %add3A_1218 = arith.constant 7 : i32
      %add3A_1219 = arith.addi %mul3A_944, %add3A_1218 : i32
      %dma_start3A_1220 = arith.constant 7168 : i32
      %dma_start3A_1221 = tpu.memref_slice %arg7[%dma_start3A_1220] : memref<16384xf32, #tpu.memory_space<vmem>> -> memref<1024xf32, #tpu.memory_space<vmem>>
      %dma_start3A_1222 = tpu.memref_slice %arg3[%add3A_1219, %mul3A_948] : memref<4096x8192xf32, #tpu.memory_space<hbm>> -> memref<1x1024xf32, #tpu.memory_space<hbm>>
      %dma_start3A_1223 = tpu.memref_squeeze %dma_start3A_1222 : memref<1x1024xf32, #tpu.memory_space<hbm>> -> memref<1024xf32, #tpu.memory_space<hbm>>
      %dma_start3A_1224 = tpu.memref_slice %arg3[%add3A_1219, %mul3A_948] : memref<4096x8192xf32, #tpu.memory_space<hbm>> -> memref<1x1024xf32, #tpu.memory_space<hbm>>
      %dma_start3A_1225 = tpu.memref_squeeze %dma_start3A_1224 : memref<1x1024xf32, #tpu.memory_space<hbm>> -> memref<1024xf32, #tpu.memory_space<hbm>>
      %dma_start3A_1226 = arith.constant 7168 : i32
      %dma_start3A_1227 = tpu.memref_slice %arg7[%dma_start3A_1226] : memref<16384xf32, #tpu.memory_space<vmem>> -> memref<1024xf32, #tpu.memory_space<vmem>>
      tpu.enqueue_dma source(%dma_start3A_1227 : memref<1024xf32, #tpu.memory_space<vmem>>) target(%dma_start3A_1225 : memref<1024xf32, #tpu.memory_space<hbm>>) target_semaphore(%arg11 : memref<!tpu.dma_semaphore, #tpu.memory_space<semaphore_mem>>)
      %add3A_1228 = arith.constant 8 : i32
      %add3A_1229 = arith.addi %mul3A_944, %add3A_1228 : i32
      %dma_start3A_1230 = arith.constant 8192 : i32
      %dma_start3A_1231 = tpu.memref_slice %arg7[%dma_start3A_1230] : memref<16384xf32, #tpu.memory_space<vmem>> -> memref<1024xf32, #tpu.memory_space<vmem>>
      %dma_start3A_1232 = tpu.memref_slice %arg3[%add3A_1229, %mul3A_948] : memref<4096x8192xf32, #tpu.memory_space<hbm>> -> memref<1x1024xf32, #tpu.memory_space<hbm>>
      %dma_start3A_1233 = tpu.memref_squeeze %dma_start3A_1232 : memref<1x1024xf32, #tpu.memory_space<hbm>> -> memref<1024xf32, #tpu.memory_space<hbm>>
      %dma_start3A_1234 = tpu.memref_slice %arg3[%add3A_1229, %mul3A_948] : memref<4096x8192xf32, #tpu.memory_space<hbm>> -> memref<1x1024xf32, #tpu.memory_space<hbm>>
      %dma_start3A_1235 = tpu.memref_squeeze %dma_start3A_1234 : memref<1x1024xf32, #tpu.memory_space<hbm>> -> memref<1024xf32, #tpu.memory_space<hbm>>
      %dma_start3A_1236 = arith.constant 8192 : i32
      %dma_start3A_1237 = tpu.memref_slice %arg7[%dma_start3A_1236] : memref<16384xf32, #tpu.memory_space<vmem>> -> memref<1024xf32, #tpu.memory_space<vmem>>
      tpu.enqueue_dma source(%dma_start3A_1237 : memref<1024xf32, #tpu.memory_space<vmem>>) target(%dma_start3A_1235 : memref<1024xf32, #tpu.memory_space<hbm>>) target_semaphore(%arg11 : memref<!tpu.dma_semaphore, #tpu.memory_space<semaphore_mem>>)
      %add3A_1238 = arith.constant 9 : i32
      %add3A_1239 = arith.addi %mul3A_944, %add3A_1238 : i32
      %dma_start3A_1240 = arith.constant 9216 : i32
      %dma_start3A_1241 = tpu.memref_slice %arg7[%dma_start3A_1240] : memref<16384xf32, #tpu.memory_space<vmem>> -> memref<1024xf32, #tpu.memory_space<vmem>>
      %dma_start3A_1242 = tpu.memref_slice %arg3[%add3A_1239, %mul3A_948] : memref<4096x8192xf32, #tpu.memory_space<hbm>> -> memref<1x1024xf32, #tpu.memory_space<hbm>>
      %dma_start3A_1243 = tpu.memref_squeeze %dma_start3A_1242 : memref<1x1024xf32, #tpu.memory_space<hbm>> -> memref<1024xf32, #tpu.memory_space<hbm>>
      %dma_start3A_1244 = tpu.memref_slice %arg3[%add3A_1239, %mul3A_948] : memref<4096x8192xf32, #tpu.memory_space<hbm>> -> memref<1x1024xf32, #tpu.memory_space<hbm>>
      %dma_start3A_1245 = tpu.memref_squeeze %dma_start3A_1244 : memref<1x1024xf32, #tpu.memory_space<hbm>> -> memref<1024xf32, #tpu.memory_space<hbm>>
      %dma_start3A_1246 = arith.constant 9216 : i32
      %dma_start3A_1247 = tpu.memref_slice %arg7[%dma_start3A_1246] : memref<16384xf32, #tpu.memory_space<vmem>> -> memref<1024xf32, #tpu.memory_space<vmem>>
      tpu.enqueue_dma source(%dma_start3A_1247 : memref<1024xf32, #tpu.memory_space<vmem>>) target(%dma_start3A_1245 : memref<1024xf32, #tpu.memory_space<hbm>>) target_semaphore(%arg11 : memref<!tpu.dma_semaphore, #tpu.memory_space<semaphore_mem>>)
      %add3A_1248 = arith.constant 10 : i32
      %add3A_1249 = arith.addi %mul3A_944, %add3A_1248 : i32
      %dma_start3A_1250 = arith.constant 10240 : i32
      %dma_start3A_1251 = tpu.memref_slice %arg7[%dma_start3A_1250] : memref<16384xf32, #tpu.memory_space<vmem>> -> memref<1024xf32, #tpu.memory_space<vmem>>
      %dma_start3A_1252 = tpu.memref_slice %arg3[%add3A_1249, %mul3A_948] : memref<4096x8192xf32, #tpu.memory_space<hbm>> -> memref<1x1024xf32, #tpu.memory_space<hbm>>
      %dma_start3A_1253 = tpu.memref_squeeze %dma_start3A_1252 : memref<1x1024xf32, #tpu.memory_space<hbm>> -> memref<1024xf32, #tpu.memory_space<hbm>>
      %dma_start3A_1254 = tpu.memref_slice %arg3[%add3A_1249, %mul3A_948] : memref<4096x8192xf32, #tpu.memory_space<hbm>> -> memref<1x1024xf32, #tpu.memory_space<hbm>>
      %dma_start3A_1255 = tpu.memref_squeeze %dma_start3A_1254 : memref<1x1024xf32, #tpu.memory_space<hbm>> -> memref<1024xf32, #tpu.memory_space<hbm>>
      %dma_start3A_1256 = arith.constant 10240 : i32
      %dma_start3A_1257 = tpu.memref_slice %arg7[%dma_start3A_1256] : memref<16384xf32, #tpu.memory_space<vmem>> -> memref<1024xf32, #tpu.memory_space<vmem>>
      tpu.enqueue_dma source(%dma_start3A_1257 : memref<1024xf32, #tpu.memory_space<vmem>>) target(%dma_start3A_1255 : memref<1024xf32, #tpu.memory_space<hbm>>) target_semaphore(%arg11 : memref<!tpu.dma_semaphore, #tpu.memory_space<semaphore_mem>>)
      %add3A_1258 = arith.constant 11 : i32
      %add3A_1259 = arith.addi %mul3A_944, %add3A_1258 : i32
      %dma_start3A_1260 = arith.constant 11264 : i32
      %dma_start3A_1261 = tpu.memref_slice %arg7[%dma_start3A_1260] : memref<16384xf32, #tpu.memory_space<vmem>> -> memref<1024xf32, #tpu.memory_space<vmem>>
      %dma_start3A_1262 = tpu.memref_slice %arg3[%add3A_1259, %mul3A_948] : memref<4096x8192xf32, #tpu.memory_space<hbm>> -> memref<1x1024xf32, #tpu.memory_space<hbm>>
      %dma_start3A_1263 = tpu.memref_squeeze %dma_start3A_1262 : memref<1x1024xf32, #tpu.memory_space<hbm>> -> memref<1024xf32, #tpu.memory_space<hbm>>
      %dma_start3A_1264 = tpu.memref_slice %arg3[%add3A_1259, %mul3A_948] : memref<4096x8192xf32, #tpu.memory_space<hbm>> -> memref<1x1024xf32, #tpu.memory_space<hbm>>
      %dma_start3A_1265 = tpu.memref_squeeze %dma_start3A_1264 : memref<1x1024xf32, #tpu.memory_space<hbm>> -> memref<1024xf32, #tpu.memory_space<hbm>>
      %dma_start3A_1266 = arith.constant 11264 : i32
      %dma_start3A_1267 = tpu.memref_slice %arg7[%dma_start3A_1266] : memref<16384xf32, #tpu.memory_space<vmem>> -> memref<1024xf32, #tpu.memory_space<vmem>>
      tpu.enqueue_dma source(%dma_start3A_1267 : memref<1024xf32, #tpu.memory_space<vmem>>) target(%dma_start3A_1265 : memref<1024xf32, #tpu.memory_space<hbm>>) target_semaphore(%arg11 : memref<!tpu.dma_semaphore, #tpu.memory_space<semaphore_mem>>)
      %add3A_1268 = arith.constant 12 : i32
      %add3A_1269 = arith.addi %mul3A_944, %add3A_1268 : i32
      %dma_start3A_1270 = arith.constant 12288 : i32
      %dma_start3A_1271 = tpu.memref_slice %arg7[%dma_start3A_1270] : memref<16384xf32, #tpu.memory_space<vmem>> -> memref<1024xf32, #tpu.memory_space<vmem>>
      %dma_start3A_1272 = tpu.memref_slice %arg3[%add3A_1269, %mul3A_948] : memref<4096x8192xf32, #tpu.memory_space<hbm>> -> memref<1x1024xf32, #tpu.memory_space<hbm>>
      %dma_start3A_1273 = tpu.memref_squeeze %dma_start3A_1272 : memref<1x1024xf32, #tpu.memory_space<hbm>> -> memref<1024xf32, #tpu.memory_space<hbm>>
      %dma_start3A_1274 = tpu.memref_slice %arg3[%add3A_1269, %mul3A_948] : memref<4096x8192xf32, #tpu.memory_space<hbm>> -> memref<1x1024xf32, #tpu.memory_space<hbm>>
      %dma_start3A_1275 = tpu.memref_squeeze %dma_start3A_1274 : memref<1x1024xf32, #tpu.memory_space<hbm>> -> memref<1024xf32, #tpu.memory_space<hbm>>
      %dma_start3A_1276 = arith.constant 12288 : i32
      %dma_start3A_1277 = tpu.memref_slice %arg7[%dma_start3A_1276] : memref<16384xf32, #tpu.memory_space<vmem>> -> memref<1024xf32, #tpu.memory_space<vmem>>
      tpu.enqueue_dma source(%dma_start3A_1277 : memref<1024xf32, #tpu.memory_space<vmem>>) target(%dma_start3A_1275 : memref<1024xf32, #tpu.memory_space<hbm>>) target_semaphore(%arg11 : memref<!tpu.dma_semaphore, #tpu.memory_space<semaphore_mem>>)
      %add3A_1278 = arith.constant 13 : i32
      %add3A_1279 = arith.addi %mul3A_944, %add3A_1278 : i32
      %dma_start3A_1280 = arith.constant 13312 : i32
      %dma_start3A_1281 = tpu.memref_slice %arg7[%dma_start3A_1280] : memref<16384xf32, #tpu.memory_space<vmem>> -> memref<1024xf32, #tpu.memory_space<vmem>>
      %dma_start3A_1282 = tpu.memref_slice %arg3[%add3A_1279, %mul3A_948] : memref<4096x8192xf32, #tpu.memory_space<hbm>> -> memref<1x1024xf32, #tpu.memory_space<hbm>>
      %dma_start3A_1283 = tpu.memref_squeeze %dma_start3A_1282 : memref<1x1024xf32, #tpu.memory_space<hbm>> -> memref<1024xf32, #tpu.memory_space<hbm>>
      %dma_start3A_1284 = tpu.memref_slice %arg3[%add3A_1279, %mul3A_948] : memref<4096x8192xf32, #tpu.memory_space<hbm>> -> memref<1x1024xf32, #tpu.memory_space<hbm>>
      %dma_start3A_1285 = tpu.memref_squeeze %dma_start3A_1284 : memref<1x1024xf32, #tpu.memory_space<hbm>> -> memref<1024xf32, #tpu.memory_space<hbm>>
      %dma_start3A_1286 = arith.constant 13312 : i32
      %dma_start3A_1287 = tpu.memref_slice %arg7[%dma_start3A_1286] : memref<16384xf32, #tpu.memory_space<vmem>> -> memref<1024xf32, #tpu.memory_space<vmem>>
      tpu.enqueue_dma source(%dma_start3A_1287 : memref<1024xf32, #tpu.memory_space<vmem>>) target(%dma_start3A_1285 : memref<1024xf32, #tpu.memory_space<hbm>>) target_semaphore(%arg11 : memref<!tpu.dma_semaphore, #tpu.memory_space<semaphore_mem>>)
      %add3A_1288 = arith.constant 14 : i32
      %add3A_1289 = arith.addi %mul3A_944, %add3A_1288 : i32
      %dma_start3A_1290 = arith.constant 14336 : i32
      %dma_start3A_1291 = tpu.memref_slice %arg7[%dma_start3A_1290] : memref<16384xf32, #tpu.memory_space<vmem>> -> memref<1024xf32, #tpu.memory_space<vmem>>
      %dma_start3A_1292 = tpu.memref_slice %arg3[%add3A_1289, %mul3A_948] : memref<4096x8192xf32, #tpu.memory_space<hbm>> -> memref<1x1024xf32, #tpu.memory_space<hbm>>
      %dma_start3A_1293 = tpu.memref_squeeze %dma_start3A_1292 : memref<1x1024xf32, #tpu.memory_space<hbm>> -> memref<1024xf32, #tpu.memory_space<hbm>>
      %dma_start3A_1294 = tpu.memref_slice %arg3[%add3A_1289, %mul3A_948] : memref<4096x8192xf32, #tpu.memory_space<hbm>> -> memref<1x1024xf32, #tpu.memory_space<hbm>>
      %dma_start3A_1295 = tpu.memref_squeeze %dma_start3A_1294 : memref<1x1024xf32, #tpu.memory_space<hbm>> -> memref<1024xf32, #tpu.memory_space<hbm>>
      %dma_start3A_1296 = arith.constant 14336 : i32
      %dma_start3A_1297 = tpu.memref_slice %arg7[%dma_start3A_1296] : memref<16384xf32, #tpu.memory_space<vmem>> -> memref<1024xf32, #tpu.memory_space<vmem>>
      tpu.enqueue_dma source(%dma_start3A_1297 : memref<1024xf32, #tpu.memory_space<vmem>>) target(%dma_start3A_1295 : memref<1024xf32, #tpu.memory_space<hbm>>) target_semaphore(%arg11 : memref<!tpu.dma_semaphore, #tpu.memory_space<semaphore_mem>>)
      %add3A_1298 = arith.constant 15 : i32
      %add3A_1299 = arith.addi %mul3A_944, %add3A_1298 : i32
      %dma_start3A_1300 = arith.constant 15360 : i32
      %dma_start3A_1301 = tpu.memref_slice %arg7[%dma_start3A_1300] : memref<16384xf32, #tpu.memory_space<vmem>> -> memref<1024xf32, #tpu.memory_space<vmem>>
      %dma_start3A_1302 = tpu.memref_slice %arg3[%add3A_1299, %mul3A_948] : memref<4096x8192xf32, #tpu.memory_space<hbm>> -> memref<1x1024xf32, #tpu.memory_space<hbm>>
      %dma_start3A_1303 = tpu.memref_squeeze %dma_start3A_1302 : memref<1x1024xf32, #tpu.memory_space<hbm>> -> memref<1024xf32, #tpu.memory_space<hbm>>
      %dma_start3A_1304 = tpu.memref_slice %arg3[%add3A_1299, %mul3A_948] : memref<4096x8192xf32, #tpu.memory_space<hbm>> -> memref<1x1024xf32, #tpu.memory_space<hbm>>
      %dma_start3A_1305 = tpu.memref_squeeze %dma_start3A_1304 : memref<1x1024xf32, #tpu.memory_space<hbm>> -> memref<1024xf32, #tpu.memory_space<hbm>>
      %dma_start3A_1306 = arith.constant 15360 : i32
      %dma_start3A_1307 = tpu.memref_slice %arg7[%dma_start3A_1306] : memref<16384xf32, #tpu.memory_space<vmem>> -> memref<1024xf32, #tpu.memory_space<vmem>>
      tpu.enqueue_dma source(%dma_start3A_1307 : memref<1024xf32, #tpu.memory_space<vmem>>) target(%dma_start3A_1305 : memref<1024xf32, #tpu.memory_space<hbm>>) target_semaphore(%arg11 : memref<!tpu.dma_semaphore, #tpu.memory_space<semaphore_mem>>)
      scf.yield %scan3A_1146 : vector<16xf32>
    }
    %scan3A_179 = arith.constant 32 : i32
    %rem3A_180 = arith.constant 62 : i32
    %rem3A_181 = arith.constant 8 : i32
    %rem3A_182 = arith.remsi %rem3A_180, %rem3A_181 : i32
    %mul3A_183 = arith.constant 8 : i32
    %mul3A_184 = arith.muli %add3A, %mul3A_183 : i32
    %add3A_185 = arith.constant 7 : i32
    %add3A_186 = arith.addi %mul3A_184, %add3A_185 : i32
    %mul3A_187 = arith.constant 16 : i32
    %mul3A_188 = arith.muli %add3A_186, %mul3A_187 : i32
    %sub3A_189 = arith.constant 7 : i32
    %sub3A_190 = arith.subi %sub3A_189, %rem3A_182 : i32
    %mul3A_191 = arith.constant 1024 : i32
    %mul3A_192 = arith.muli %sub3A_190, %mul3A_191 : i32
    %add3A_193 = arith.constant 0 : i32
    %add3A_194 = arith.addi %mul3A_188, %add3A_193 : i32
    %dma_wait3A = arith.constant 0 : i32
    %dma_wait3A_195 = tpu.memref_slice %arg6[%dma_wait3A] : memref<16384xf32, #tpu.memory_space<vmem>> -> memref<1024xf32, #tpu.memory_space<vmem>>
    %dma_wait3A_196 = tpu.memref_slice %arg2[%add3A_194, %mul3A_192] : memref<4096x8192xf32, #tpu.memory_space<hbm>> -> memref<1x1024xf32, #tpu.memory_space<hbm>>
    %dma_wait3A_197 = tpu.memref_squeeze %dma_wait3A_196 : memref<1x1024xf32, #tpu.memory_space<hbm>> -> memref<1024xf32, #tpu.memory_space<hbm>>
    %dma_wait3A_198 = arith.constant 0 : i32
    %dma_wait3A_199 = tpu.memref_slice %arg6[%dma_wait3A_198] : memref<16384xf32, #tpu.memory_space<vmem>> -> memref<1024xf32, #tpu.memory_space<vmem>>
    %dma_wait3A_200 = tpu.memref_slice %arg2[%add3A_194, %mul3A_192] : memref<4096x8192xf32, #tpu.memory_space<hbm>> -> memref<1x1024xf32, #tpu.memory_space<hbm>>
    %dma_wait3A_201 = tpu.memref_squeeze %dma_wait3A_200 : memref<1x1024xf32, #tpu.memory_space<hbm>> -> memref<1024xf32, #tpu.memory_space<hbm>>
    tpu.wait_dma2 semaphore(%arg10 : memref<!tpu.dma_semaphore, #tpu.memory_space<semaphore_mem>>) src(%dma_wait3A_201 : memref<1024xf32, #tpu.memory_space<hbm>>) dst(%dma_wait3A_199 : memref<1024xf32, #tpu.memory_space<vmem>>)
    %add3A_202 = arith.constant 1 : i32
    %add3A_203 = arith.addi %mul3A_188, %add3A_202 : i32
    %dma_wait3A_204 = arith.constant 1024 : i32
    %dma_wait3A_205 = tpu.memref_slice %arg6[%dma_wait3A_204] : memref<16384xf32, #tpu.memory_space<vmem>> -> memref<1024xf32, #tpu.memory_space<vmem>>
    %dma_wait3A_206 = tpu.memref_slice %arg2[%add3A_203, %mul3A_192] : memref<4096x8192xf32, #tpu.memory_space<hbm>> -> memref<1x1024xf32, #tpu.memory_space<hbm>>
    %dma_wait3A_207 = tpu.memref_squeeze %dma_wait3A_206 : memref<1x1024xf32, #tpu.memory_space<hbm>> -> memref<1024xf32, #tpu.memory_space<hbm>>
    %dma_wait3A_208 = arith.constant 1024 : i32
    %dma_wait3A_209 = tpu.memref_slice %arg6[%dma_wait3A_208] : memref<16384xf32, #tpu.memory_space<vmem>> -> memref<1024xf32, #tpu.memory_space<vmem>>
    %dma_wait3A_210 = tpu.memref_slice %arg2[%add3A_203, %mul3A_192] : memref<4096x8192xf32, #tpu.memory_space<hbm>> -> memref<1x1024xf32, #tpu.memory_space<hbm>>
    %dma_wait3A_211 = tpu.memref_squeeze %dma_wait3A_210 : memref<1x1024xf32, #tpu.memory_space<hbm>> -> memref<1024xf32, #tpu.memory_space<hbm>>
    tpu.wait_dma2 semaphore(%arg10 : memref<!tpu.dma_semaphore, #tpu.memory_space<semaphore_mem>>) src(%dma_wait3A_211 : memref<1024xf32, #tpu.memory_space<hbm>>) dst(%dma_wait3A_209 : memref<1024xf32, #tpu.memory_space<vmem>>)
    %add3A_212 = arith.constant 2 : i32
    %add3A_213 = arith.addi %mul3A_188, %add3A_212 : i32
    %dma_wait3A_214 = arith.constant 2048 : i32
    %dma_wait3A_215 = tpu.memref_slice %arg6[%dma_wait3A_214] : memref<16384xf32, #tpu.memory_space<vmem>> -> memref<1024xf32, #tpu.memory_space<vmem>>
    %dma_wait3A_216 = tpu.memref_slice %arg2[%add3A_213, %mul3A_192] : memref<4096x8192xf32, #tpu.memory_space<hbm>> -> memref<1x1024xf32, #tpu.memory_space<hbm>>
    %dma_wait3A_217 = tpu.memref_squeeze %dma_wait3A_216 : memref<1x1024xf32, #tpu.memory_space<hbm>> -> memref<1024xf32, #tpu.memory_space<hbm>>
    %dma_wait3A_218 = arith.constant 2048 : i32
    %dma_wait3A_219 = tpu.memref_slice %arg6[%dma_wait3A_218] : memref<16384xf32, #tpu.memory_space<vmem>> -> memref<1024xf32, #tpu.memory_space<vmem>>
    %dma_wait3A_220 = tpu.memref_slice %arg2[%add3A_213, %mul3A_192] : memref<4096x8192xf32, #tpu.memory_space<hbm>> -> memref<1x1024xf32, #tpu.memory_space<hbm>>
    %dma_wait3A_221 = tpu.memref_squeeze %dma_wait3A_220 : memref<1x1024xf32, #tpu.memory_space<hbm>> -> memref<1024xf32, #tpu.memory_space<hbm>>
    tpu.wait_dma2 semaphore(%arg10 : memref<!tpu.dma_semaphore, #tpu.memory_space<semaphore_mem>>) src(%dma_wait3A_221 : memref<1024xf32, #tpu.memory_space<hbm>>) dst(%dma_wait3A_219 : memref<1024xf32, #tpu.memory_space<vmem>>)
    %add3A_222 = arith.constant 3 : i32
    %add3A_223 = arith.addi %mul3A_188, %add3A_222 : i32
    %dma_wait3A_224 = arith.constant 3072 : i32
    %dma_wait3A_225 = tpu.memref_slice %arg6[%dma_wait3A_224] : memref<16384xf32, #tpu.memory_space<vmem>> -> memref<1024xf32, #tpu.memory_space<vmem>>
    %dma_wait3A_226 = tpu.memref_slice %arg2[%add3A_223, %mul3A_192] : memref<4096x8192xf32, #tpu.memory_space<hbm>> -> memref<1x1024xf32, #tpu.memory_space<hbm>>
    %dma_wait3A_227 = tpu.memref_squeeze %dma_wait3A_226 : memref<1x1024xf32, #tpu.memory_space<hbm>> -> memref<1024xf32, #tpu.memory_space<hbm>>
    %dma_wait3A_228 = arith.constant 3072 : i32
    %dma_wait3A_229 = tpu.memref_slice %arg6[%dma_wait3A_228] : memref<16384xf32, #tpu.memory_space<vmem>> -> memref<1024xf32, #tpu.memory_space<vmem>>
    %dma_wait3A_230 = tpu.memref_slice %arg2[%add3A_223, %mul3A_192] : memref<4096x8192xf32, #tpu.memory_space<hbm>> -> memref<1x1024xf32, #tpu.memory_space<hbm>>
    %dma_wait3A_231 = tpu.memref_squeeze %dma_wait3A_230 : memref<1x1024xf32, #tpu.memory_space<hbm>> -> memref<1024xf32, #tpu.memory_space<hbm>>
    tpu.wait_dma2 semaphore(%arg10 : memref<!tpu.dma_semaphore, #tpu.memory_space<semaphore_mem>>) src(%dma_wait3A_231 : memref<1024xf32, #tpu.memory_space<hbm>>) dst(%dma_wait3A_229 : memref<1024xf32, #tpu.memory_space<vmem>>)
    %add3A_232 = arith.constant 4 : i32
    %add3A_233 = arith.addi %mul3A_188, %add3A_232 : i32
    %dma_wait3A_234 = arith.constant 4096 : i32
    %dma_wait3A_235 = tpu.memref_slice %arg6[%dma_wait3A_234] : memref<16384xf32, #tpu.memory_space<vmem>> -> memref<1024xf32, #tpu.memory_space<vmem>>
    %dma_wait3A_236 = tpu.memref_slice %arg2[%add3A_233, %mul3A_192] : memref<4096x8192xf32, #tpu.memory_space<hbm>> -> memref<1x1024xf32, #tpu.memory_space<hbm>>
    %dma_wait3A_237 = tpu.memref_squeeze %dma_wait3A_236 : memref<1x1024xf32, #tpu.memory_space<hbm>> -> memref<1024xf32, #tpu.memory_space<hbm>>
    %dma_wait3A_238 = arith.constant 4096 : i32
    %dma_wait3A_239 = tpu.memref_slice %arg6[%dma_wait3A_238] : memref<16384xf32, #tpu.memory_space<vmem>> -> memref<1024xf32, #tpu.memory_space<vmem>>
    %dma_wait3A_240 = tpu.memref_slice %arg2[%add3A_233, %mul3A_192] : memref<4096x8192xf32, #tpu.memory_space<hbm>> -> memref<1x1024xf32, #tpu.memory_space<hbm>>
    %dma_wait3A_241 = tpu.memref_squeeze %dma_wait3A_240 : memref<1x1024xf32, #tpu.memory_space<hbm>> -> memref<1024xf32, #tpu.memory_space<hbm>>
    tpu.wait_dma2 semaphore(%arg10 : memref<!tpu.dma_semaphore, #tpu.memory_space<semaphore_mem>>) src(%dma_wait3A_241 : memref<1024xf32, #tpu.memory_space<hbm>>) dst(%dma_wait3A_239 : memref<1024xf32, #tpu.memory_space<vmem>>)
    %add3A_242 = arith.constant 5 : i32
    %add3A_243 = arith.addi %mul3A_188, %add3A_242 : i32
    %dma_wait3A_244 = arith.constant 5120 : i32
    %dma_wait3A_245 = tpu.memref_slice %arg6[%dma_wait3A_244] : memref<16384xf32, #tpu.memory_space<vmem>> -> memref<1024xf32, #tpu.memory_space<vmem>>
    %dma_wait3A_246 = tpu.memref_slice %arg2[%add3A_243, %mul3A_192] : memref<4096x8192xf32, #tpu.memory_space<hbm>> -> memref<1x1024xf32, #tpu.memory_space<hbm>>
    %dma_wait3A_247 = tpu.memref_squeeze %dma_wait3A_246 : memref<1x1024xf32, #tpu.memory_space<hbm>> -> memref<1024xf32, #tpu.memory_space<hbm>>
    %dma_wait3A_248 = arith.constant 5120 : i32
    %dma_wait3A_249 = tpu.memref_slice %arg6[%dma_wait3A_248] : memref<16384xf32, #tpu.memory_space<vmem>> -> memref<1024xf32, #tpu.memory_space<vmem>>
    %dma_wait3A_250 = tpu.memref_slice %arg2[%add3A_243, %mul3A_192] : memref<4096x8192xf32, #tpu.memory_space<hbm>> -> memref<1x1024xf32, #tpu.memory_space<hbm>>
    %dma_wait3A_251 = tpu.memref_squeeze %dma_wait3A_250 : memref<1x1024xf32, #tpu.memory_space<hbm>> -> memref<1024xf32, #tpu.memory_space<hbm>>
    tpu.wait_dma2 semaphore(%arg10 : memref<!tpu.dma_semaphore, #tpu.memory_space<semaphore_mem>>) src(%dma_wait3A_251 : memref<1024xf32, #tpu.memory_space<hbm>>) dst(%dma_wait3A_249 : memref<1024xf32, #tpu.memory_space<vmem>>)
    %add3A_252 = arith.constant 6 : i32
    %add3A_253 = arith.addi %mul3A_188, %add3A_252 : i32
    %dma_wait3A_254 = arith.constant 6144 : i32
    %dma_wait3A_255 = tpu.memref_slice %arg6[%dma_wait3A_254] : memref<16384xf32, #tpu.memory_space<vmem>> -> memref<1024xf32, #tpu.memory_space<vmem>>
    %dma_wait3A_256 = tpu.memref_slice %arg2[%add3A_253, %mul3A_192] : memref<4096x8192xf32, #tpu.memory_space<hbm>> -> memref<1x1024xf32, #tpu.memory_space<hbm>>
    %dma_wait3A_257 = tpu.memref_squeeze %dma_wait3A_256 : memref<1x1024xf32, #tpu.memory_space<hbm>> -> memref<1024xf32, #tpu.memory_space<hbm>>
    %dma_wait3A_258 = arith.constant 6144 : i32
    %dma_wait3A_259 = tpu.memref_slice %arg6[%dma_wait3A_258] : memref<16384xf32, #tpu.memory_space<vmem>> -> memref<1024xf32, #tpu.memory_space<vmem>>
    %dma_wait3A_260 = tpu.memref_slice %arg2[%add3A_253, %mul3A_192] : memref<4096x8192xf32, #tpu.memory_space<hbm>> -> memref<1x1024xf32, #tpu.memory_space<hbm>>
    %dma_wait3A_261 = tpu.memref_squeeze %dma_wait3A_260 : memref<1x1024xf32, #tpu.memory_space<hbm>> -> memref<1024xf32, #tpu.memory_space<hbm>>
    tpu.wait_dma2 semaphore(%arg10 : memref<!tpu.dma_semaphore, #tpu.memory_space<semaphore_mem>>) src(%dma_wait3A_261 : memref<1024xf32, #tpu.memory_space<hbm>>) dst(%dma_wait3A_259 : memref<1024xf32, #tpu.memory_space<vmem>>)
    %add3A_262 = arith.constant 7 : i32
    %add3A_263 = arith.addi %mul3A_188, %add3A_262 : i32
    %dma_wait3A_264 = arith.constant 7168 : i32
    %dma_wait3A_265 = tpu.memref_slice %arg6[%dma_wait3A_264] : memref<16384xf32, #tpu.memory_space<vmem>> -> memref<1024xf32, #tpu.memory_space<vmem>>
    %dma_wait3A_266 = tpu.memref_slice %arg2[%add3A_263, %mul3A_192] : memref<4096x8192xf32, #tpu.memory_space<hbm>> -> memref<1x1024xf32, #tpu.memory_space<hbm>>
    %dma_wait3A_267 = tpu.memref_squeeze %dma_wait3A_266 : memref<1x1024xf32, #tpu.memory_space<hbm>> -> memref<1024xf32, #tpu.memory_space<hbm>>
    %dma_wait3A_268 = arith.constant 7168 : i32
    %dma_wait3A_269 = tpu.memref_slice %arg6[%dma_wait3A_268] : memref<16384xf32, #tpu.memory_space<vmem>> -> memref<1024xf32, #tpu.memory_space<vmem>>
    %dma_wait3A_270 = tpu.memref_slice %arg2[%add3A_263, %mul3A_192] : memref<4096x8192xf32, #tpu.memory_space<hbm>> -> memref<1x1024xf32, #tpu.memory_space<hbm>>
    %dma_wait3A_271 = tpu.memref_squeeze %dma_wait3A_270 : memref<1x1024xf32, #tpu.memory_space<hbm>> -> memref<1024xf32, #tpu.memory_space<hbm>>
    tpu.wait_dma2 semaphore(%arg10 : memref<!tpu.dma_semaphore, #tpu.memory_space<semaphore_mem>>) src(%dma_wait3A_271 : memref<1024xf32, #tpu.memory_space<hbm>>) dst(%dma_wait3A_269 : memref<1024xf32, #tpu.memory_space<vmem>>)
    %add3A_272 = arith.constant 8 : i32
    %add3A_273 = arith.addi %mul3A_188, %add3A_272 : i32
    %dma_wait3A_274 = arith.constant 8192 : i32
    %dma_wait3A_275 = tpu.memref_slice %arg6[%dma_wait3A_274] : memref<16384xf32, #tpu.memory_space<vmem>> -> memref<1024xf32, #tpu.memory_space<vmem>>
    %dma_wait3A_276 = tpu.memref_slice %arg2[%add3A_273, %mul3A_192] : memref<4096x8192xf32, #tpu.memory_space<hbm>> -> memref<1x1024xf32, #tpu.memory_space<hbm>>
    %dma_wait3A_277 = tpu.memref_squeeze %dma_wait3A_276 : memref<1x1024xf32, #tpu.memory_space<hbm>> -> memref<1024xf32, #tpu.memory_space<hbm>>
    %dma_wait3A_278 = arith.constant 8192 : i32
    %dma_wait3A_279 = tpu.memref_slice %arg6[%dma_wait3A_278] : memref<16384xf32, #tpu.memory_space<vmem>> -> memref<1024xf32, #tpu.memory_space<vmem>>
    %dma_wait3A_280 = tpu.memref_slice %arg2[%add3A_273, %mul3A_192] : memref<4096x8192xf32, #tpu.memory_space<hbm>> -> memref<1x1024xf32, #tpu.memory_space<hbm>>
    %dma_wait3A_281 = tpu.memref_squeeze %dma_wait3A_280 : memref<1x1024xf32, #tpu.memory_space<hbm>> -> memref<1024xf32, #tpu.memory_space<hbm>>
    tpu.wait_dma2 semaphore(%arg10 : memref<!tpu.dma_semaphore, #tpu.memory_space<semaphore_mem>>) src(%dma_wait3A_281 : memref<1024xf32, #tpu.memory_space<hbm>>) dst(%dma_wait3A_279 : memref<1024xf32, #tpu.memory_space<vmem>>)
    %add3A_282 = arith.constant 9 : i32
    %add3A_283 = arith.addi %mul3A_188, %add3A_282 : i32
    %dma_wait3A_284 = arith.constant 9216 : i32
    %dma_wait3A_285 = tpu.memref_slice %arg6[%dma_wait3A_284] : memref<16384xf32, #tpu.memory_space<vmem>> -> memref<1024xf32, #tpu.memory_space<vmem>>
    %dma_wait3A_286 = tpu.memref_slice %arg2[%add3A_283, %mul3A_192] : memref<4096x8192xf32, #tpu.memory_space<hbm>> -> memref<1x1024xf32, #tpu.memory_space<hbm>>
    %dma_wait3A_287 = tpu.memref_squeeze %dma_wait3A_286 : memref<1x1024xf32, #tpu.memory_space<hbm>> -> memref<1024xf32, #tpu.memory_space<hbm>>
    %dma_wait3A_288 = arith.constant 9216 : i32
    %dma_wait3A_289 = tpu.memref_slice %arg6[%dma_wait3A_288] : memref<16384xf32, #tpu.memory_space<vmem>> -> memref<1024xf32, #tpu.memory_space<vmem>>
    %dma_wait3A_290 = tpu.memref_slice %arg2[%add3A_283, %mul3A_192] : memref<4096x8192xf32, #tpu.memory_space<hbm>> -> memref<1x1024xf32, #tpu.memory_space<hbm>>
    %dma_wait3A_291 = tpu.memref_squeeze %dma_wait3A_290 : memref<1x1024xf32, #tpu.memory_space<hbm>> -> memref<1024xf32, #tpu.memory_space<hbm>>
    tpu.wait_dma2 semaphore(%arg10 : memref<!tpu.dma_semaphore, #tpu.memory_space<semaphore_mem>>) src(%dma_wait3A_291 : memref<1024xf32, #tpu.memory_space<hbm>>) dst(%dma_wait3A_289 : memref<1024xf32, #tpu.memory_space<vmem>>)
    %add3A_292 = arith.constant 10 : i32
    %add3A_293 = arith.addi %mul3A_188, %add3A_292 : i32
    %dma_wait3A_294 = arith.constant 10240 : i32
    %dma_wait3A_295 = tpu.memref_slice %arg6[%dma_wait3A_294] : memref<16384xf32, #tpu.memory_space<vmem>> -> memref<1024xf32, #tpu.memory_space<vmem>>
    %dma_wait3A_296 = tpu.memref_slice %arg2[%add3A_293, %mul3A_192] : memref<4096x8192xf32, #tpu.memory_space<hbm>> -> memref<1x1024xf32, #tpu.memory_space<hbm>>
    %dma_wait3A_297 = tpu.memref_squeeze %dma_wait3A_296 : memref<1x1024xf32, #tpu.memory_space<hbm>> -> memref<1024xf32, #tpu.memory_space<hbm>>
    %dma_wait3A_298 = arith.constant 10240 : i32
    %dma_wait3A_299 = tpu.memref_slice %arg6[%dma_wait3A_298] : memref<16384xf32, #tpu.memory_space<vmem>> -> memref<1024xf32, #tpu.memory_space<vmem>>
    %dma_wait3A_300 = tpu.memref_slice %arg2[%add3A_293, %mul3A_192] : memref<4096x8192xf32, #tpu.memory_space<hbm>> -> memref<1x1024xf32, #tpu.memory_space<hbm>>
    %dma_wait3A_301 = tpu.memref_squeeze %dma_wait3A_300 : memref<1x1024xf32, #tpu.memory_space<hbm>> -> memref<1024xf32, #tpu.memory_space<hbm>>
    tpu.wait_dma2 semaphore(%arg10 : memref<!tpu.dma_semaphore, #tpu.memory_space<semaphore_mem>>) src(%dma_wait3A_301 : memref<1024xf32, #tpu.memory_space<hbm>>) dst(%dma_wait3A_299 : memref<1024xf32, #tpu.memory_space<vmem>>)
    %add3A_302 = arith.constant 11 : i32
    %add3A_303 = arith.addi %mul3A_188, %add3A_302 : i32
    %dma_wait3A_304 = arith.constant 11264 : i32
    %dma_wait3A_305 = tpu.memref_slice %arg6[%dma_wait3A_304] : memref<16384xf32, #tpu.memory_space<vmem>> -> memref<1024xf32, #tpu.memory_space<vmem>>
    %dma_wait3A_306 = tpu.memref_slice %arg2[%add3A_303, %mul3A_192] : memref<4096x8192xf32, #tpu.memory_space<hbm>> -> memref<1x1024xf32, #tpu.memory_space<hbm>>
    %dma_wait3A_307 = tpu.memref_squeeze %dma_wait3A_306 : memref<1x1024xf32, #tpu.memory_space<hbm>> -> memref<1024xf32, #tpu.memory_space<hbm>>
    %dma_wait3A_308 = arith.constant 11264 : i32
    %dma_wait3A_309 = tpu.memref_slice %arg6[%dma_wait3A_308] : memref<16384xf32, #tpu.memory_space<vmem>> -> memref<1024xf32, #tpu.memory_space<vmem>>
    %dma_wait3A_310 = tpu.memref_slice %arg2[%add3A_303, %mul3A_192] : memref<4096x8192xf32, #tpu.memory_space<hbm>> -> memref<1x1024xf32, #tpu.memory_space<hbm>>
    %dma_wait3A_311 = tpu.memref_squeeze %dma_wait3A_310 : memref<1x1024xf32, #tpu.memory_space<hbm>> -> memref<1024xf32, #tpu.memory_space<hbm>>
    tpu.wait_dma2 semaphore(%arg10 : memref<!tpu.dma_semaphore, #tpu.memory_space<semaphore_mem>>) src(%dma_wait3A_311 : memref<1024xf32, #tpu.memory_space<hbm>>) dst(%dma_wait3A_309 : memref<1024xf32, #tpu.memory_space<vmem>>)
    %add3A_312 = arith.constant 12 : i32
    %add3A_313 = arith.addi %mul3A_188, %add3A_312 : i32
    %dma_wait3A_314 = arith.constant 12288 : i32
    %dma_wait3A_315 = tpu.memref_slice %arg6[%dma_wait3A_314] : memref<16384xf32, #tpu.memory_space<vmem>> -> memref<1024xf32, #tpu.memory_space<vmem>>
    %dma_wait3A_316 = tpu.memref_slice %arg2[%add3A_313, %mul3A_192] : memref<4096x8192xf32, #tpu.memory_space<hbm>> -> memref<1x1024xf32, #tpu.memory_space<hbm>>
    %dma_wait3A_317 = tpu.memref_squeeze %dma_wait3A_316 : memref<1x1024xf32, #tpu.memory_space<hbm>> -> memref<1024xf32, #tpu.memory_space<hbm>>
    %dma_wait3A_318 = arith.constant 12288 : i32
    %dma_wait3A_319 = tpu.memref_slice %arg6[%dma_wait3A_318] : memref<16384xf32, #tpu.memory_space<vmem>> -> memref<1024xf32, #tpu.memory_space<vmem>>
    %dma_wait3A_320 = tpu.memref_slice %arg2[%add3A_313, %mul3A_192] : memref<4096x8192xf32, #tpu.memory_space<hbm>> -> memref<1x1024xf32, #tpu.memory_space<hbm>>
    %dma_wait3A_321 = tpu.memref_squeeze %dma_wait3A_320 : memref<1x1024xf32, #tpu.memory_space<hbm>> -> memref<1024xf32, #tpu.memory_space<hbm>>
    tpu.wait_dma2 semaphore(%arg10 : memref<!tpu.dma_semaphore, #tpu.memory_space<semaphore_mem>>) src(%dma_wait3A_321 : memref<1024xf32, #tpu.memory_space<hbm>>) dst(%dma_wait3A_319 : memref<1024xf32, #tpu.memory_space<vmem>>)
    %add3A_322 = arith.constant 13 : i32
    %add3A_323 = arith.addi %mul3A_188, %add3A_322 : i32
    %dma_wait3A_324 = arith.constant 13312 : i32
    %dma_wait3A_325 = tpu.memref_slice %arg6[%dma_wait3A_324] : memref<16384xf32, #tpu.memory_space<vmem>> -> memref<1024xf32, #tpu.memory_space<vmem>>
    %dma_wait3A_326 = tpu.memref_slice %arg2[%add3A_323, %mul3A_192] : memref<4096x8192xf32, #tpu.memory_space<hbm>> -> memref<1x1024xf32, #tpu.memory_space<hbm>>
    %dma_wait3A_327 = tpu.memref_squeeze %dma_wait3A_326 : memref<1x1024xf32, #tpu.memory_space<hbm>> -> memref<1024xf32, #tpu.memory_space<hbm>>
    %dma_wait3A_328 = arith.constant 13312 : i32
    %dma_wait3A_329 = tpu.memref_slice %arg6[%dma_wait3A_328] : memref<16384xf32, #tpu.memory_space<vmem>> -> memref<1024xf32, #tpu.memory_space<vmem>>
    %dma_wait3A_330 = tpu.memref_slice %arg2[%add3A_323, %mul3A_192] : memref<4096x8192xf32, #tpu.memory_space<hbm>> -> memref<1x1024xf32, #tpu.memory_space<hbm>>
    %dma_wait3A_331 = tpu.memref_squeeze %dma_wait3A_330 : memref<1x1024xf32, #tpu.memory_space<hbm>> -> memref<1024xf32, #tpu.memory_space<hbm>>
    tpu.wait_dma2 semaphore(%arg10 : memref<!tpu.dma_semaphore, #tpu.memory_space<semaphore_mem>>) src(%dma_wait3A_331 : memref<1024xf32, #tpu.memory_space<hbm>>) dst(%dma_wait3A_329 : memref<1024xf32, #tpu.memory_space<vmem>>)
    %add3A_332 = arith.constant 14 : i32
    %add3A_333 = arith.addi %mul3A_188, %add3A_332 : i32
    %dma_wait3A_334 = arith.constant 14336 : i32
    %dma_wait3A_335 = tpu.memref_slice %arg6[%dma_wait3A_334] : memref<16384xf32, #tpu.memory_space<vmem>> -> memref<1024xf32, #tpu.memory_space<vmem>>
    %dma_wait3A_336 = tpu.memref_slice %arg2[%add3A_333, %mul3A_192] : memref<4096x8192xf32, #tpu.memory_space<hbm>> -> memref<1x1024xf32, #tpu.memory_space<hbm>>
    %dma_wait3A_337 = tpu.memref_squeeze %dma_wait3A_336 : memref<1x1024xf32, #tpu.memory_space<hbm>> -> memref<1024xf32, #tpu.memory_space<hbm>>
    %dma_wait3A_338 = arith.constant 14336 : i32
    %dma_wait3A_339 = tpu.memref_slice %arg6[%dma_wait3A_338] : memref<16384xf32, #tpu.memory_space<vmem>> -> memref<1024xf32, #tpu.memory_space<vmem>>
    %dma_wait3A_340 = tpu.memref_slice %arg2[%add3A_333, %mul3A_192] : memref<4096x8192xf32, #tpu.memory_space<hbm>> -> memref<1x1024xf32, #tpu.memory_space<hbm>>
    %dma_wait3A_341 = tpu.memref_squeeze %dma_wait3A_340 : memref<1x1024xf32, #tpu.memory_space<hbm>> -> memref<1024xf32, #tpu.memory_space<hbm>>
    tpu.wait_dma2 semaphore(%arg10 : memref<!tpu.dma_semaphore, #tpu.memory_space<semaphore_mem>>) src(%dma_wait3A_341 : memref<1024xf32, #tpu.memory_space<hbm>>) dst(%dma_wait3A_339 : memref<1024xf32, #tpu.memory_space<vmem>>)
    %add3A_342 = arith.constant 15 : i32
    %add3A_343 = arith.addi %mul3A_188, %add3A_342 : i32
    %dma_wait3A_344 = arith.constant 15360 : i32
    %dma_wait3A_345 = tpu.memref_slice %arg6[%dma_wait3A_344] : memref<16384xf32, #tpu.memory_space<vmem>> -> memref<1024xf32, #tpu.memory_space<vmem>>
    %dma_wait3A_346 = tpu.memref_slice %arg2[%add3A_343, %mul3A_192] : memref<4096x8192xf32, #tpu.memory_space<hbm>> -> memref<1x1024xf32, #tpu.memory_space<hbm>>
    %dma_wait3A_347 = tpu.memref_squeeze %dma_wait3A_346 : memref<1x1024xf32, #tpu.memory_space<hbm>> -> memref<1024xf32, #tpu.memory_space<hbm>>
    %dma_wait3A_348 = arith.constant 15360 : i32
    %dma_wait3A_349 = tpu.memref_slice %arg6[%dma_wait3A_348] : memref<16384xf32, #tpu.memory_space<vmem>> -> memref<1024xf32, #tpu.memory_space<vmem>>
    %dma_wait3A_350 = tpu.memref_slice %arg2[%add3A_343, %mul3A_192] : memref<4096x8192xf32, #tpu.memory_space<hbm>> -> memref<1x1024xf32, #tpu.memory_space<hbm>>
    %dma_wait3A_351 = tpu.memref_squeeze %dma_wait3A_350 : memref<1x1024xf32, #tpu.memory_space<hbm>> -> memref<1024xf32, #tpu.memory_space<hbm>>
    tpu.wait_dma2 semaphore(%arg10 : memref<!tpu.dma_semaphore, #tpu.memory_space<semaphore_mem>>) src(%dma_wait3A_351 : memref<1024xf32, #tpu.memory_space<hbm>>) dst(%dma_wait3A_349 : memref<1024xf32, #tpu.memory_space<vmem>>)
    %rem3A_352 = arith.constant 63 : i32
    %rem3A_353 = arith.constant 8 : i32
    %rem3A_354 = arith.remsi %rem3A_352, %rem3A_353 : i32
    %mul3A_355 = arith.constant 8 : i32
    %mul3A_356 = arith.muli %add3A, %mul3A_355 : i32
    %add3A_357 = arith.constant 7 : i32
    %add3A_358 = arith.addi %mul3A_356, %add3A_357 : i32
    %mul3A_359 = arith.constant 16 : i32
    %mul3A_360 = arith.muli %add3A_358, %mul3A_359 : i32
    %sub3A_361 = arith.constant 7 : i32
    %sub3A_362 = arith.subi %sub3A_361, %rem3A_354 : i32
    %mul3A_363 = arith.constant 1024 : i32
    %mul3A_364 = arith.muli %sub3A_362, %mul3A_363 : i32
    %add3A_365 = arith.constant 0 : i32
    %add3A_366 = arith.addi %mul3A_360, %add3A_365 : i32
    %dma_wait3A_367 = arith.constant 0 : i32
    %dma_wait3A_368 = tpu.memref_slice %arg7[%dma_wait3A_367] : memref<16384xf32, #tpu.memory_space<vmem>> -> memref<1024xf32, #tpu.memory_space<vmem>>
    %dma_wait3A_369 = tpu.memref_slice %arg2[%add3A_366, %mul3A_364] : memref<4096x8192xf32, #tpu.memory_space<hbm>> -> memref<1x1024xf32, #tpu.memory_space<hbm>>
    %dma_wait3A_370 = tpu.memref_squeeze %dma_wait3A_369 : memref<1x1024xf32, #tpu.memory_space<hbm>> -> memref<1024xf32, #tpu.memory_space<hbm>>
    %dma_wait3A_371 = arith.constant 0 : i32
    %dma_wait3A_372 = tpu.memref_slice %arg7[%dma_wait3A_371] : memref<16384xf32, #tpu.memory_space<vmem>> -> memref<1024xf32, #tpu.memory_space<vmem>>
    %dma_wait3A_373 = tpu.memref_slice %arg2[%add3A_366, %mul3A_364] : memref<4096x8192xf32, #tpu.memory_space<hbm>> -> memref<1x1024xf32, #tpu.memory_space<hbm>>
    %dma_wait3A_374 = tpu.memref_squeeze %dma_wait3A_373 : memref<1x1024xf32, #tpu.memory_space<hbm>> -> memref<1024xf32, #tpu.memory_space<hbm>>
    tpu.wait_dma2 semaphore(%arg11 : memref<!tpu.dma_semaphore, #tpu.memory_space<semaphore_mem>>) src(%dma_wait3A_374 : memref<1024xf32, #tpu.memory_space<hbm>>) dst(%dma_wait3A_372 : memref<1024xf32, #tpu.memory_space<vmem>>)
    %add3A_375 = arith.constant 1 : i32
    %add3A_376 = arith.addi %mul3A_360, %add3A_375 : i32
    %dma_wait3A_377 = arith.constant 1024 : i32
    %dma_wait3A_378 = tpu.memref_slice %arg7[%dma_wait3A_377] : memref<16384xf32, #tpu.memory_space<vmem>> -> memref<1024xf32, #tpu.memory_space<vmem>>
    %dma_wait3A_379 = tpu.memref_slice %arg2[%add3A_376, %mul3A_364] : memref<4096x8192xf32, #tpu.memory_space<hbm>> -> memref<1x1024xf32, #tpu.memory_space<hbm>>
    %dma_wait3A_380 = tpu.memref_squeeze %dma_wait3A_379 : memref<1x1024xf32, #tpu.memory_space<hbm>> -> memref<1024xf32, #tpu.memory_space<hbm>>
    %dma_wait3A_381 = arith.constant 1024 : i32
    %dma_wait3A_382 = tpu.memref_slice %arg7[%dma_wait3A_381] : memref<16384xf32, #tpu.memory_space<vmem>> -> memref<1024xf32, #tpu.memory_space<vmem>>
    %dma_wait3A_383 = tpu.memref_slice %arg2[%add3A_376, %mul3A_364] : memref<4096x8192xf32, #tpu.memory_space<hbm>> -> memref<1x1024xf32, #tpu.memory_space<hbm>>
    %dma_wait3A_384 = tpu.memref_squeeze %dma_wait3A_383 : memref<1x1024xf32, #tpu.memory_space<hbm>> -> memref<1024xf32, #tpu.memory_space<hbm>>
    tpu.wait_dma2 semaphore(%arg11 : memref<!tpu.dma_semaphore, #tpu.memory_space<semaphore_mem>>) src(%dma_wait3A_384 : memref<1024xf32, #tpu.memory_space<hbm>>) dst(%dma_wait3A_382 : memref<1024xf32, #tpu.memory_space<vmem>>)
    %add3A_385 = arith.constant 2 : i32
    %add3A_386 = arith.addi %mul3A_360, %add3A_385 : i32
    %dma_wait3A_387 = arith.constant 2048 : i32
    %dma_wait3A_388 = tpu.memref_slice %arg7[%dma_wait3A_387] : memref<16384xf32, #tpu.memory_space<vmem>> -> memref<1024xf32, #tpu.memory_space<vmem>>
    %dma_wait3A_389 = tpu.memref_slice %arg2[%add3A_386, %mul3A_364] : memref<4096x8192xf32, #tpu.memory_space<hbm>> -> memref<1x1024xf32, #tpu.memory_space<hbm>>
    %dma_wait3A_390 = tpu.memref_squeeze %dma_wait3A_389 : memref<1x1024xf32, #tpu.memory_space<hbm>> -> memref<1024xf32, #tpu.memory_space<hbm>>
    %dma_wait3A_391 = arith.constant 2048 : i32
    %dma_wait3A_392 = tpu.memref_slice %arg7[%dma_wait3A_391] : memref<16384xf32, #tpu.memory_space<vmem>> -> memref<1024xf32, #tpu.memory_space<vmem>>
    %dma_wait3A_393 = tpu.memref_slice %arg2[%add3A_386, %mul3A_364] : memref<4096x8192xf32, #tpu.memory_space<hbm>> -> memref<1x1024xf32, #tpu.memory_space<hbm>>
    %dma_wait3A_394 = tpu.memref_squeeze %dma_wait3A_393 : memref<1x1024xf32, #tpu.memory_space<hbm>> -> memref<1024xf32, #tpu.memory_space<hbm>>
    tpu.wait_dma2 semaphore(%arg11 : memref<!tpu.dma_semaphore, #tpu.memory_space<semaphore_mem>>) src(%dma_wait3A_394 : memref<1024xf32, #tpu.memory_space<hbm>>) dst(%dma_wait3A_392 : memref<1024xf32, #tpu.memory_space<vmem>>)
    %add3A_395 = arith.constant 3 : i32
    %add3A_396 = arith.addi %mul3A_360, %add3A_395 : i32
    %dma_wait3A_397 = arith.constant 3072 : i32
    %dma_wait3A_398 = tpu.memref_slice %arg7[%dma_wait3A_397] : memref<16384xf32, #tpu.memory_space<vmem>> -> memref<1024xf32, #tpu.memory_space<vmem>>
    %dma_wait3A_399 = tpu.memref_slice %arg2[%add3A_396, %mul3A_364] : memref<4096x8192xf32, #tpu.memory_space<hbm>> -> memref<1x1024xf32, #tpu.memory_space<hbm>>
    %dma_wait3A_400 = tpu.memref_squeeze %dma_wait3A_399 : memref<1x1024xf32, #tpu.memory_space<hbm>> -> memref<1024xf32, #tpu.memory_space<hbm>>
    %dma_wait3A_401 = arith.constant 3072 : i32
    %dma_wait3A_402 = tpu.memref_slice %arg7[%dma_wait3A_401] : memref<16384xf32, #tpu.memory_space<vmem>> -> memref<1024xf32, #tpu.memory_space<vmem>>
    %dma_wait3A_403 = tpu.memref_slice %arg2[%add3A_396, %mul3A_364] : memref<4096x8192xf32, #tpu.memory_space<hbm>> -> memref<1x1024xf32, #tpu.memory_space<hbm>>
    %dma_wait3A_404 = tpu.memref_squeeze %dma_wait3A_403 : memref<1x1024xf32, #tpu.memory_space<hbm>> -> memref<1024xf32, #tpu.memory_space<hbm>>
    tpu.wait_dma2 semaphore(%arg11 : memref<!tpu.dma_semaphore, #tpu.memory_space<semaphore_mem>>) src(%dma_wait3A_404 : memref<1024xf32, #tpu.memory_space<hbm>>) dst(%dma_wait3A_402 : memref<1024xf32, #tpu.memory_space<vmem>>)
    %add3A_405 = arith.constant 4 : i32
    %add3A_406 = arith.addi %mul3A_360, %add3A_405 : i32
    %dma_wait3A_407 = arith.constant 4096 : i32
    %dma_wait3A_408 = tpu.memref_slice %arg7[%dma_wait3A_407] : memref<16384xf32, #tpu.memory_space<vmem>> -> memref<1024xf32, #tpu.memory_space<vmem>>
    %dma_wait3A_409 = tpu.memref_slice %arg2[%add3A_406, %mul3A_364] : memref<4096x8192xf32, #tpu.memory_space<hbm>> -> memref<1x1024xf32, #tpu.memory_space<hbm>>
    %dma_wait3A_410 = tpu.memref_squeeze %dma_wait3A_409 : memref<1x1024xf32, #tpu.memory_space<hbm>> -> memref<1024xf32, #tpu.memory_space<hbm>>
    %dma_wait3A_411 = arith.constant 4096 : i32
    %dma_wait3A_412 = tpu.memref_slice %arg7[%dma_wait3A_411] : memref<16384xf32, #tpu.memory_space<vmem>> -> memref<1024xf32, #tpu.memory_space<vmem>>
    %dma_wait3A_413 = tpu.memref_slice %arg2[%add3A_406, %mul3A_364] : memref<4096x8192xf32, #tpu.memory_space<hbm>> -> memref<1x1024xf32, #tpu.memory_space<hbm>>
    %dma_wait3A_414 = tpu.memref_squeeze %dma_wait3A_413 : memref<1x1024xf32, #tpu.memory_space<hbm>> -> memref<1024xf32, #tpu.memory_space<hbm>>
    tpu.wait_dma2 semaphore(%arg11 : memref<!tpu.dma_semaphore, #tpu.memory_space<semaphore_mem>>) src(%dma_wait3A_414 : memref<1024xf32, #tpu.memory_space<hbm>>) dst(%dma_wait3A_412 : memref<1024xf32, #tpu.memory_space<vmem>>)
    %add3A_415 = arith.constant 5 : i32
    %add3A_416 = arith.addi %mul3A_360, %add3A_415 : i32
    %dma_wait3A_417 = arith.constant 5120 : i32
    %dma_wait3A_418 = tpu.memref_slice %arg7[%dma_wait3A_417] : memref<16384xf32, #tpu.memory_space<vmem>> -> memref<1024xf32, #tpu.memory_space<vmem>>
    %dma_wait3A_419 = tpu.memref_slice %arg2[%add3A_416, %mul3A_364] : memref<4096x8192xf32, #tpu.memory_space<hbm>> -> memref<1x1024xf32, #tpu.memory_space<hbm>>
    %dma_wait3A_420 = tpu.memref_squeeze %dma_wait3A_419 : memref<1x1024xf32, #tpu.memory_space<hbm>> -> memref<1024xf32, #tpu.memory_space<hbm>>
    %dma_wait3A_421 = arith.constant 5120 : i32
    %dma_wait3A_422 = tpu.memref_slice %arg7[%dma_wait3A_421] : memref<16384xf32, #tpu.memory_space<vmem>> -> memref<1024xf32, #tpu.memory_space<vmem>>
    %dma_wait3A_423 = tpu.memref_slice %arg2[%add3A_416, %mul3A_364] : memref<4096x8192xf32, #tpu.memory_space<hbm>> -> memref<1x1024xf32, #tpu.memory_space<hbm>>
    %dma_wait3A_424 = tpu.memref_squeeze %dma_wait3A_423 : memref<1x1024xf32, #tpu.memory_space<hbm>> -> memref<1024xf32, #tpu.memory_space<hbm>>
    tpu.wait_dma2 semaphore(%arg11 : memref<!tpu.dma_semaphore, #tpu.memory_space<semaphore_mem>>) src(%dma_wait3A_424 : memref<1024xf32, #tpu.memory_space<hbm>>) dst(%dma_wait3A_422 : memref<1024xf32, #tpu.memory_space<vmem>>)
    %add3A_425 = arith.constant 6 : i32
    %add3A_426 = arith.addi %mul3A_360, %add3A_425 : i32
    %dma_wait3A_427 = arith.constant 6144 : i32
    %dma_wait3A_428 = tpu.memref_slice %arg7[%dma_wait3A_427] : memref<16384xf32, #tpu.memory_space<vmem>> -> memref<1024xf32, #tpu.memory_space<vmem>>
    %dma_wait3A_429 = tpu.memref_slice %arg2[%add3A_426, %mul3A_364] : memref<4096x8192xf32, #tpu.memory_space<hbm>> -> memref<1x1024xf32, #tpu.memory_space<hbm>>
    %dma_wait3A_430 = tpu.memref_squeeze %dma_wait3A_429 : memref<1x1024xf32, #tpu.memory_space<hbm>> -> memref<1024xf32, #tpu.memory_space<hbm>>
    %dma_wait3A_431 = arith.constant 6144 : i32
    %dma_wait3A_432 = tpu.memref_slice %arg7[%dma_wait3A_431] : memref<16384xf32, #tpu.memory_space<vmem>> -> memref<1024xf32, #tpu.memory_space<vmem>>
    %dma_wait3A_433 = tpu.memref_slice %arg2[%add3A_426, %mul3A_364] : memref<4096x8192xf32, #tpu.memory_space<hbm>> -> memref<1x1024xf32, #tpu.memory_space<hbm>>
    %dma_wait3A_434 = tpu.memref_squeeze %dma_wait3A_433 : memref<1x1024xf32, #tpu.memory_space<hbm>> -> memref<1024xf32, #tpu.memory_space<hbm>>
    tpu.wait_dma2 semaphore(%arg11 : memref<!tpu.dma_semaphore, #tpu.memory_space<semaphore_mem>>) src(%dma_wait3A_434 : memref<1024xf32, #tpu.memory_space<hbm>>) dst(%dma_wait3A_432 : memref<1024xf32, #tpu.memory_space<vmem>>)
    %add3A_435 = arith.constant 7 : i32
    %add3A_436 = arith.addi %mul3A_360, %add3A_435 : i32
    %dma_wait3A_437 = arith.constant 7168 : i32
    %dma_wait3A_438 = tpu.memref_slice %arg7[%dma_wait3A_437] : memref<16384xf32, #tpu.memory_space<vmem>> -> memref<1024xf32, #tpu.memory_space<vmem>>
    %dma_wait3A_439 = tpu.memref_slice %arg2[%add3A_436, %mul3A_364] : memref<4096x8192xf32, #tpu.memory_space<hbm>> -> memref<1x1024xf32, #tpu.memory_space<hbm>>
    %dma_wait3A_440 = tpu.memref_squeeze %dma_wait3A_439 : memref<1x1024xf32, #tpu.memory_space<hbm>> -> memref<1024xf32, #tpu.memory_space<hbm>>
    %dma_wait3A_441 = arith.constant 7168 : i32
    %dma_wait3A_442 = tpu.memref_slice %arg7[%dma_wait3A_441] : memref<16384xf32, #tpu.memory_space<vmem>> -> memref<1024xf32, #tpu.memory_space<vmem>>
    %dma_wait3A_443 = tpu.memref_slice %arg2[%add3A_436, %mul3A_364] : memref<4096x8192xf32, #tpu.memory_space<hbm>> -> memref<1x1024xf32, #tpu.memory_space<hbm>>
    %dma_wait3A_444 = tpu.memref_squeeze %dma_wait3A_443 : memref<1x1024xf32, #tpu.memory_space<hbm>> -> memref<1024xf32, #tpu.memory_space<hbm>>
    tpu.wait_dma2 semaphore(%arg11 : memref<!tpu.dma_semaphore, #tpu.memory_space<semaphore_mem>>) src(%dma_wait3A_444 : memref<1024xf32, #tpu.memory_space<hbm>>) dst(%dma_wait3A_442 : memref<1024xf32, #tpu.memory_space<vmem>>)
    %add3A_445 = arith.constant 8 : i32
    %add3A_446 = arith.addi %mul3A_360, %add3A_445 : i32
    %dma_wait3A_447 = arith.constant 8192 : i32
    %dma_wait3A_448 = tpu.memref_slice %arg7[%dma_wait3A_447] : memref<16384xf32, #tpu.memory_space<vmem>> -> memref<1024xf32, #tpu.memory_space<vmem>>
    %dma_wait3A_449 = tpu.memref_slice %arg2[%add3A_446, %mul3A_364] : memref<4096x8192xf32, #tpu.memory_space<hbm>> -> memref<1x1024xf32, #tpu.memory_space<hbm>>
    %dma_wait3A_450 = tpu.memref_squeeze %dma_wait3A_449 : memref<1x1024xf32, #tpu.memory_space<hbm>> -> memref<1024xf32, #tpu.memory_space<hbm>>
    %dma_wait3A_451 = arith.constant 8192 : i32
    %dma_wait3A_452 = tpu.memref_slice %arg7[%dma_wait3A_451] : memref<16384xf32, #tpu.memory_space<vmem>> -> memref<1024xf32, #tpu.memory_space<vmem>>
    %dma_wait3A_453 = tpu.memref_slice %arg2[%add3A_446, %mul3A_364] : memref<4096x8192xf32, #tpu.memory_space<hbm>> -> memref<1x1024xf32, #tpu.memory_space<hbm>>
    %dma_wait3A_454 = tpu.memref_squeeze %dma_wait3A_453 : memref<1x1024xf32, #tpu.memory_space<hbm>> -> memref<1024xf32, #tpu.memory_space<hbm>>
    tpu.wait_dma2 semaphore(%arg11 : memref<!tpu.dma_semaphore, #tpu.memory_space<semaphore_mem>>) src(%dma_wait3A_454 : memref<1024xf32, #tpu.memory_space<hbm>>) dst(%dma_wait3A_452 : memref<1024xf32, #tpu.memory_space<vmem>>)
    %add3A_455 = arith.constant 9 : i32
    %add3A_456 = arith.addi %mul3A_360, %add3A_455 : i32
    %dma_wait3A_457 = arith.constant 9216 : i32
    %dma_wait3A_458 = tpu.memref_slice %arg7[%dma_wait3A_457] : memref<16384xf32, #tpu.memory_space<vmem>> -> memref<1024xf32, #tpu.memory_space<vmem>>
    %dma_wait3A_459 = tpu.memref_slice %arg2[%add3A_456, %mul3A_364] : memref<4096x8192xf32, #tpu.memory_space<hbm>> -> memref<1x1024xf32, #tpu.memory_space<hbm>>
    %dma_wait3A_460 = tpu.memref_squeeze %dma_wait3A_459 : memref<1x1024xf32, #tpu.memory_space<hbm>> -> memref<1024xf32, #tpu.memory_space<hbm>>
    %dma_wait3A_461 = arith.constant 9216 : i32
    %dma_wait3A_462 = tpu.memref_slice %arg7[%dma_wait3A_461] : memref<16384xf32, #tpu.memory_space<vmem>> -> memref<1024xf32, #tpu.memory_space<vmem>>
    %dma_wait3A_463 = tpu.memref_slice %arg2[%add3A_456, %mul3A_364] : memref<4096x8192xf32, #tpu.memory_space<hbm>> -> memref<1x1024xf32, #tpu.memory_space<hbm>>
    %dma_wait3A_464 = tpu.memref_squeeze %dma_wait3A_463 : memref<1x1024xf32, #tpu.memory_space<hbm>> -> memref<1024xf32, #tpu.memory_space<hbm>>
    tpu.wait_dma2 semaphore(%arg11 : memref<!tpu.dma_semaphore, #tpu.memory_space<semaphore_mem>>) src(%dma_wait3A_464 : memref<1024xf32, #tpu.memory_space<hbm>>) dst(%dma_wait3A_462 : memref<1024xf32, #tpu.memory_space<vmem>>)
    %add3A_465 = arith.constant 10 : i32
    %add3A_466 = arith.addi %mul3A_360, %add3A_465 : i32
    %dma_wait3A_467 = arith.constant 10240 : i32
    %dma_wait3A_468 = tpu.memref_slice %arg7[%dma_wait3A_467] : memref<16384xf32, #tpu.memory_space<vmem>> -> memref<1024xf32, #tpu.memory_space<vmem>>
    %dma_wait3A_469 = tpu.memref_slice %arg2[%add3A_466, %mul3A_364] : memref<4096x8192xf32, #tpu.memory_space<hbm>> -> memref<1x1024xf32, #tpu.memory_space<hbm>>
    %dma_wait3A_470 = tpu.memref_squeeze %dma_wait3A_469 : memref<1x1024xf32, #tpu.memory_space<hbm>> -> memref<1024xf32, #tpu.memory_space<hbm>>
    %dma_wait3A_471 = arith.constant 10240 : i32
    %dma_wait3A_472 = tpu.memref_slice %arg7[%dma_wait3A_471] : memref<16384xf32, #tpu.memory_space<vmem>> -> memref<1024xf32, #tpu.memory_space<vmem>>
    %dma_wait3A_473 = tpu.memref_slice %arg2[%add3A_466, %mul3A_364] : memref<4096x8192xf32, #tpu.memory_space<hbm>> -> memref<1x1024xf32, #tpu.memory_space<hbm>>
    %dma_wait3A_474 = tpu.memref_squeeze %dma_wait3A_473 : memref<1x1024xf32, #tpu.memory_space<hbm>> -> memref<1024xf32, #tpu.memory_space<hbm>>
    tpu.wait_dma2 semaphore(%arg11 : memref<!tpu.dma_semaphore, #tpu.memory_space<semaphore_mem>>) src(%dma_wait3A_474 : memref<1024xf32, #tpu.memory_space<hbm>>) dst(%dma_wait3A_472 : memref<1024xf32, #tpu.memory_space<vmem>>)
    %add3A_475 = arith.constant 11 : i32
    %add3A_476 = arith.addi %mul3A_360, %add3A_475 : i32
    %dma_wait3A_477 = arith.constant 11264 : i32
    %dma_wait3A_478 = tpu.memref_slice %arg7[%dma_wait3A_477] : memref<16384xf32, #tpu.memory_space<vmem>> -> memref<1024xf32, #tpu.memory_space<vmem>>
    %dma_wait3A_479 = tpu.memref_slice %arg2[%add3A_476, %mul3A_364] : memref<4096x8192xf32, #tpu.memory_space<hbm>> -> memref<1x1024xf32, #tpu.memory_space<hbm>>
    %dma_wait3A_480 = tpu.memref_squeeze %dma_wait3A_479 : memref<1x1024xf32, #tpu.memory_space<hbm>> -> memref<1024xf32, #tpu.memory_space<hbm>>
    %dma_wait3A_481 = arith.constant 11264 : i32
    %dma_wait3A_482 = tpu.memref_slice %arg7[%dma_wait3A_481] : memref<16384xf32, #tpu.memory_space<vmem>> -> memref<1024xf32, #tpu.memory_space<vmem>>
    %dma_wait3A_483 = tpu.memref_slice %arg2[%add3A_476, %mul3A_364] : memref<4096x8192xf32, #tpu.memory_space<hbm>> -> memref<1x1024xf32, #tpu.memory_space<hbm>>
    %dma_wait3A_484 = tpu.memref_squeeze %dma_wait3A_483 : memref<1x1024xf32, #tpu.memory_space<hbm>> -> memref<1024xf32, #tpu.memory_space<hbm>>
    tpu.wait_dma2 semaphore(%arg11 : memref<!tpu.dma_semaphore, #tpu.memory_space<semaphore_mem>>) src(%dma_wait3A_484 : memref<1024xf32, #tpu.memory_space<hbm>>) dst(%dma_wait3A_482 : memref<1024xf32, #tpu.memory_space<vmem>>)
    %add3A_485 = arith.constant 12 : i32
    %add3A_486 = arith.addi %mul3A_360, %add3A_485 : i32
    %dma_wait3A_487 = arith.constant 12288 : i32
    %dma_wait3A_488 = tpu.memref_slice %arg7[%dma_wait3A_487] : memref<16384xf32, #tpu.memory_space<vmem>> -> memref<1024xf32, #tpu.memory_space<vmem>>
    %dma_wait3A_489 = tpu.memref_slice %arg2[%add3A_486, %mul3A_364] : memref<4096x8192xf32, #tpu.memory_space<hbm>> -> memref<1x1024xf32, #tpu.memory_space<hbm>>
    %dma_wait3A_490 = tpu.memref_squeeze %dma_wait3A_489 : memref<1x1024xf32, #tpu.memory_space<hbm>> -> memref<1024xf32, #tpu.memory_space<hbm>>
    %dma_wait3A_491 = arith.constant 12288 : i32
    %dma_wait3A_492 = tpu.memref_slice %arg7[%dma_wait3A_491] : memref<16384xf32, #tpu.memory_space<vmem>> -> memref<1024xf32, #tpu.memory_space<vmem>>
    %dma_wait3A_493 = tpu.memref_slice %arg2[%add3A_486, %mul3A_364] : memref<4096x8192xf32, #tpu.memory_space<hbm>> -> memref<1x1024xf32, #tpu.memory_space<hbm>>
    %dma_wait3A_494 = tpu.memref_squeeze %dma_wait3A_493 : memref<1x1024xf32, #tpu.memory_space<hbm>> -> memref<1024xf32, #tpu.memory_space<hbm>>
    tpu.wait_dma2 semaphore(%arg11 : memref<!tpu.dma_semaphore, #tpu.memory_space<semaphore_mem>>) src(%dma_wait3A_494 : memref<1024xf32, #tpu.memory_space<hbm>>) dst(%dma_wait3A_492 : memref<1024xf32, #tpu.memory_space<vmem>>)
    %add3A_495 = arith.constant 13 : i32
    %add3A_496 = arith.addi %mul3A_360, %add3A_495 : i32
    %dma_wait3A_497 = arith.constant 13312 : i32
    %dma_wait3A_498 = tpu.memref_slice %arg7[%dma_wait3A_497] : memref<16384xf32, #tpu.memory_space<vmem>> -> memref<1024xf32, #tpu.memory_space<vmem>>
    %dma_wait3A_499 = tpu.memref_slice %arg2[%add3A_496, %mul3A_364] : memref<4096x8192xf32, #tpu.memory_space<hbm>> -> memref<1x1024xf32, #tpu.memory_space<hbm>>
    %dma_wait3A_500 = tpu.memref_squeeze %dma_wait3A_499 : memref<1x1024xf32, #tpu.memory_space<hbm>> -> memref<1024xf32, #tpu.memory_space<hbm>>
    %dma_wait3A_501 = arith.constant 13312 : i32
    %dma_wait3A_502 = tpu.memref_slice %arg7[%dma_wait3A_501] : memref<16384xf32, #tpu.memory_space<vmem>> -> memref<1024xf32, #tpu.memory_space<vmem>>
    %dma_wait3A_503 = tpu.memref_slice %arg2[%add3A_496, %mul3A_364] : memref<4096x8192xf32, #tpu.memory_space<hbm>> -> memref<1x1024xf32, #tpu.memory_space<hbm>>
    %dma_wait3A_504 = tpu.memref_squeeze %dma_wait3A_503 : memref<1x1024xf32, #tpu.memory_space<hbm>> -> memref<1024xf32, #tpu.memory_space<hbm>>
    tpu.wait_dma2 semaphore(%arg11 : memref<!tpu.dma_semaphore, #tpu.memory_space<semaphore_mem>>) src(%dma_wait3A_504 : memref<1024xf32, #tpu.memory_space<hbm>>) dst(%dma_wait3A_502 : memref<1024xf32, #tpu.memory_space<vmem>>)
    %add3A_505 = arith.constant 14 : i32
    %add3A_506 = arith.addi %mul3A_360, %add3A_505 : i32
    %dma_wait3A_507 = arith.constant 14336 : i32
    %dma_wait3A_508 = tpu.memref_slice %arg7[%dma_wait3A_507] : memref<16384xf32, #tpu.memory_space<vmem>> -> memref<1024xf32, #tpu.memory_space<vmem>>
    %dma_wait3A_509 = tpu.memref_slice %arg2[%add3A_506, %mul3A_364] : memref<4096x8192xf32, #tpu.memory_space<hbm>> -> memref<1x1024xf32, #tpu.memory_space<hbm>>
    %dma_wait3A_510 = tpu.memref_squeeze %dma_wait3A_509 : memref<1x1024xf32, #tpu.memory_space<hbm>> -> memref<1024xf32, #tpu.memory_space<hbm>>
    %dma_wait3A_511 = arith.constant 14336 : i32
    %dma_wait3A_512 = tpu.memref_slice %arg7[%dma_wait3A_511] : memref<16384xf32, #tpu.memory_space<vmem>> -> memref<1024xf32, #tpu.memory_space<vmem>>
    %dma_wait3A_513 = tpu.memref_slice %arg2[%add3A_506, %mul3A_364] : memref<4096x8192xf32, #tpu.memory_space<hbm>> -> memref<1x1024xf32, #tpu.memory_space<hbm>>
    %dma_wait3A_514 = tpu.memref_squeeze %dma_wait3A_513 : memref<1x1024xf32, #tpu.memory_space<hbm>> -> memref<1024xf32, #tpu.memory_space<hbm>>
    tpu.wait_dma2 semaphore(%arg11 : memref<!tpu.dma_semaphore, #tpu.memory_space<semaphore_mem>>) src(%dma_wait3A_514 : memref<1024xf32, #tpu.memory_space<hbm>>) dst(%dma_wait3A_512 : memref<1024xf32, #tpu.memory_space<vmem>>)
    %add3A_515 = arith.constant 15 : i32
    %add3A_516 = arith.addi %mul3A_360, %add3A_515 : i32
    %dma_wait3A_517 = arith.constant 15360 : i32
    %dma_wait3A_518 = tpu.memref_slice %arg7[%dma_wait3A_517] : memref<16384xf32, #tpu.memory_space<vmem>> -> memref<1024xf32, #tpu.memory_space<vmem>>
    %dma_wait3A_519 = tpu.memref_slice %arg2[%add3A_516, %mul3A_364] : memref<4096x8192xf32, #tpu.memory_space<hbm>> -> memref<1x1024xf32, #tpu.memory_space<hbm>>
    %dma_wait3A_520 = tpu.memref_squeeze %dma_wait3A_519 : memref<1x1024xf32, #tpu.memory_space<hbm>> -> memref<1024xf32, #tpu.memory_space<hbm>>
    %dma_wait3A_521 = arith.constant 15360 : i32
    %dma_wait3A_522 = tpu.memref_slice %arg7[%dma_wait3A_521] : memref<16384xf32, #tpu.memory_space<vmem>> -> memref<1024xf32, #tpu.memory_space<vmem>>
    %dma_wait3A_523 = tpu.memref_slice %arg2[%add3A_516, %mul3A_364] : memref<4096x8192xf32, #tpu.memory_space<hbm>> -> memref<1x1024xf32, #tpu.memory_space<hbm>>
    %dma_wait3A_524 = tpu.memref_squeeze %dma_wait3A_523 : memref<1x1024xf32, #tpu.memory_space<hbm>> -> memref<1024xf32, #tpu.memory_space<hbm>>
    tpu.wait_dma2 semaphore(%arg11 : memref<!tpu.dma_semaphore, #tpu.memory_space<semaphore_mem>>) src(%dma_wait3A_524 : memref<1024xf32, #tpu.memory_space<hbm>>) dst(%dma_wait3A_522 : memref<1024xf32, #tpu.memory_space<vmem>>)
    return
  }
}

</mosaic_0001>

<sc_bundles>
// kernel: kernel.3.cloned.1.call-start
scs
__scs_entry_jumppad:
0x0: {  	(pc) =	sbr.rel $0x88, $3  }
0x1: {  	(tag) =	ssettag $0x0;
	lr =	simm.s32 $0x1  }
0x2: {  	[smem:$0x3FA0] =	sst lr;
	_ =	strace $0xD0000000  }
0x3: {  	_ = 	snop  }
0x4: {  	_ = 	snop  }
0x5: {  	_ = 	snop  }
0x6: {  	_ = 	snop  }
0x7: {  	_ = 	snop  }
__scs_overlays_trampoline_lowered:
0x8: {  	[smem:$0x3FAF] =	sst s0  }
0x9: {  	[smem:$0x3FB0] =	sst s1  }
0xa: {  	[smem:$0x3FB1] =	sst s2  }
0xb: {  	[smem:$0x3FB2] =	sst s3  }
0xc: {  	[smem:$0x3FB3] =	sst s4  }
0xd: {  	[smem:$0x3FB4] =	sst s5  }
0xe: {  	[smem:$0x3FB5] =	sst s6  }
0xf: {  	[smem:$0x3FB6] =	sst s7  }
0x10: {  	[smem:$0x3FB7] =	sst s8  }
0x11: {  	[smem:$0x3FB8] =	sst s9;
	s0 =	simm.s32 @!p0 $0x0  }
0x12: {  	s1 =	sld [smem:$0x3F9E];
	s0 =	simm.s32 @p0 $0x1  }
0x13: {  	[smem:$0x3FB9] =	sst s0;
	s0 =	simm.s32 @!p1 $0x0  }
0x14: {  	s2 =	sld [smem:$0x3F9D];
	s0 =	simm.s32 @p1 $0x1  }
0x15: {  	[smem:$0x3FBA] =	sst s0;
	s0 =	simm.s32 @!p2 $0x0  }
0x16: {  	s3 =	sld [smem:$0x3FDB];
	s0 =	simm.s32 @p2 $0x1  }
0x17: {  	s4 =	simm.s32 $0x1BF5;
	[smem:$0x3FBC] =	sst s0  }
0x18: {  	s0 =	sld [smem:$0x3F9F];
	_ =	swait.ge [sflag:s4], $0x0  }
0x19: {  	s7 =	sld [smem:$0x3FA0]  }
0x1a: {  	s8 =	sadd.s32 $0xFFFFE003, lr  }
0x1b: {  	s9 =	sadd.s32 $0xFFFFFEF7, lr;
	s5 =	simm.s32 $0xFFFFFFFF;
	p2 =	slt.u32 s8, $0xFFFFF086  }
0x1c: {  	p1 =	slt.u32 s9, $0xF7A;
	s5 =	simm.s32 @!p2 $0x0  }
0x1d: {  	s5 =	simm.s32 @p1 $0x1;
	p0 =	seq.s32 s7, s2  }
0x1e: {  	s7 =	smul.u32 @!p0 $0xF7A, s2;
	p2 =	seq.s32 @!p0 s5, $0x0  }
0x1f: {  	s9 =	smul.u32 $0xF7A, s1;
	s8 =	simm.s32 @!p0 $0x1BF5;
	p2 =	por !p2, p0  }
0x20: {  	[sflag:s8] =	ssyncset.s32 @!p0 $0xFFFFF086;
	s6 =	sadd.s32 @!p0 s3, s7;
	s7 =	simm.s32 @!p0 $0x108  }
0x21: {  	s3 =	sadd.s32 s3, s9;
	s6 =	sadd.s32 @!p0 $0x88, s6;
	s7 =	simm.s32 @p2 $0x1082  }
0x22: {  	[simem:s7], [sflag:s8] =	dma.local @!p0 [hbm:s6], $0xF7A  }
0x23: {  	s9 =	sor.u32 $0xD0000000, s2;
	s6 =	simm.s32 $0x108;
	_ =	swait.ge @!p0 [sflag:s8], $0x0  }
0x24: {  	s3 =	sadd.s32 $0x88, s3;
	s6 =	simm.s32 @!p1 $0x1082;
	[sflag:s4] =	ssyncset.s32 $0xFFFFF086  }
0x25: {  	[simem:s6], [sflag:s4] =	dma.local [hbm:s3], $0xF7A  }
0x26: {  	[smem:$0x3FA0] =	sst s1;
	(tag) =	ssettag s2;
	_ =	strace s9  }
0x27: {  	s1 =	sld [smem:$0x3FB0]  }
0x28: {  	s2 =	sld [smem:$0x3FB1]  }
0x29: {  	s4 =	sld [smem:$0x3FB3]  }
0x2a: {  	p0 =	seq.s32 s5, $0x0;
	s5 =	sld [smem:$0x3FB4]  }
0x2b: {  	s6 =	sld [smem:$0x3FB5]  }
0x2c: {  	s7 =	sld [smem:$0x3FB6]  }
0x2d: {  	s3 =	simm.s32 $0x108;
	s8 =	sld [smem:$0x3FB7]  }
0x2e: {  	s3 =	simm.s32 @!p0 $0x1082;
	s9 =	sld [smem:$0x3FB8]  }
0x2f: {  	lr =	sadd.s32 s0, s3;
	s0 =	sld [smem:$0x3FAF]  }
0x30: {  	s3 =	sld [smem:$0x3FB2]  }
0x31: {  	[smem:$0x3FBB] =	sst s10  }
0x32: {  	s10 =	sld [smem:$0x3FB9];
	_ =	sdelay $0x3  }
0x33: {  	p0 =	seq.s32 s10, $0x1;
	s10 =	sld [smem:$0x3FBB];
	_ =	sdelay $0x3  }
0x34: {  	[smem:$0x3FBB] =	sst s10  }
0x35: {  	s10 =	sld [smem:$0x3FBA];
	_ =	sdelay $0x3  }
0x36: {  	p1 =	seq.s32 s10, $0x1;
	s10 =	sld [smem:$0x3FBB];
	_ =	sdelay $0x3  }
0x37: {  	[smem:$0x3FBB] =	sst s10  }
0x38: {  	s10 =	sld [smem:$0x3FBC]  }
0x39: {  	_ = 	snop;
	(pc) =	sbr.ind lr, $3  }
0x3a: {  	_ = 	snop  }
0x3b: {  	_ = 	snop  }
0x3c: {  	p2 =	seq.s32 s10, $0x1;
	s10 =	sld [smem:$0x3FBB]  }
0x3d: {  	_ =	shalt  }
0x3e: {  	_ =	shalt  }
0x3f: {  	_ =	shalt  }
0x40: {  	_ =	shalt  }
0x41: {  	_ =	shalt  }
0x42: {  	_ =	shalt  }
0x43: {  	_ =	shalt  }
0x44: {  	_ =	shalt  }
0x45: {  	_ =	shalt  }
0x46: {  	_ =	shalt  }
0x47: {  	_ =	shalt  }
0x48: {  	_ =	shalt  }
0x49: {  	_ =	shalt  }
0x4a: {  	_ =	shalt  }
0x4b: {  	_ =	shalt  }
0x4c: {  	_ =	shalt  }
0x4d: {  	_ =	shalt  }
0x4e: {  	_ =	shalt  }
0x4f: {  	_ =	shalt  }
0x50: {  	_ =	shalt  }
0x51: {  	_ =	shalt  }
0x52: {  	_ =	shalt  }
0x53: {  	_ =	shalt  }
0x54: {  	_ =	shalt  }
0x55: {  	_ =	shalt  }
0x56: {  	_ =	shalt  }
0x57: {  	_ =	shalt  }
0x58: {  	_ =	shalt  }
0x59: {  	_ =	shalt  }
0x5a: {  	_ =	shalt  }
0x5b: {  	_ =	shalt  }
0x5c: {  	_ =	shalt  }
0x5d: {  	_ =	shalt  }
0x5e: {  	_ =	shalt  }
0x5f: {  	_ =	shalt  }
0x60: {  	_ =	shalt  }
0x61: {  	_ =	shalt  }
0x62: {  	_ =	shalt  }
0x63: {  	_ =	shalt  }
0x64: {  	_ =	shalt  }
0x65: {  	_ =	shalt  }
0x66: {  	_ =	shalt  }
0x67: {  	_ =	shalt  }
0x68: {  	_ =	shalt  }
0x69: {  	_ =	shalt  }
0x6a: {  	_ =	shalt  }
0x6b: {  	_ =	shalt  }
0x6c: {  	_ =	shalt  }
0x6d: {  	_ =	shalt  }
0x6e: {  	_ =	shalt  }
0x6f: {  	_ =	shalt  }
0x70: {  	_ =	shalt  }
0x71: {  	_ =	shalt  }
0x72: {  	_ =	shalt  }
0x73: {  	_ =	shalt  }
0x74: {  	_ =	shalt  }
0x75: {  	_ =	shalt  }
0x76: {  	_ =	shalt  }
0x77: {  	_ =	shalt  }
0x78: {  	_ =	shalt  }
0x79: {  	_ =	shalt  }
0x7a: {  	_ =	shalt  }
0x7b: {  	_ =	shalt  }
0x7c: {  	_ =	shalt  }
0x7d: {  	_ =	shalt  }
0x7e: {  	_ =	shalt  }
0x7f: {  	_ =	shalt  }
0x80: {  	_ =	shalt  }
0x81: {  	_ =	shalt  }
0x82: {  	_ =	shalt  }
0x83: {  	_ =	shalt  }
0x84: {  	_ =	shalt  }
0x85: {  	_ =	shalt  }
0x86: {  	_ =	shalt  }
0x87: {  	_ =	shalt  }
.Lfunc_end0:
.L_simem_size_0:
called_computation_lowered:
.L_overlay_start_0:
0x88: {  	s2 =	sld [smem:$0x3FD9]  }
0x89: {  	s3 =	sld [smem:$0x3FFE];
	_ =	sdelay $0x1  }
0x8a: {  	s1 =	srdreg.scid  }
0x8b: {  	s0 =	sand.u32 $0x1, s1  }
0x8c: {  	s18 =	sshll.u32 s0, $0xA;
	s2 =	sadd.s32 s3, s2  }
0x8d: {  	s2 =	sadd.s32 s2, s18  }
0x8e: {  	[smem:$0x3FC7] =	sst s2  }
0x8f: {  	_ = 	snop  }
0x90: {  	s2 =	sld [smem:$0x3FC9]  }
0x91: {  	s19 =	sld [smem:$0x3FD0];
	(tm) =	ssettm $0x1  }
0x92: {  	s4 =	sld [smem:$0x3FFB];
	_ =	sdelay $0x3  }
0x93: {  	_ =	strace s4  }
0x94: {  	s4 =	sld [smem:$0x3FFC];
	_ =	sdelay $0x3  }
0x95: {  	_ =	strace s4  }
0x96: {  	s4 =	sld [smem:$0x3FFD];
	_ =	sdelay $0x3  }
0x97: {  	_ =	strace s4  }
0x98: {  	_ =	strace $0x8FFFFFFF  }
0x99: {  	s20 =	sld [smem:$0x3FDB];
	_ =	sdelay $0x1  }
0x9a: {  	s5 =	simm.s32 $_scs_section_size  }
0x9b: {  	s6 =	simm.s32 $_size__tile_overlayer_lowered;
	s7 =	simm.s32 $_tile_overlayer_lowered  }
0x9c: {  	s23 =	simm.s32 $0x1BFF;
	s22 =	sshll.u32 s7, $0x1;
	s4 =	sadd.s32 s5, s20  }
0x9d: {  	s8 =	simm.s32 $0x0;
	s21 =	sshll.u32 s6, $0x1;
	s6 =	sadd.s32 s22, s4  }
0x9e: {  	[timem:s8], [sflag:s23] =	dma.local [hbm:s6], s21  }
0x9f: {  	_ =	swait.ge [sflag:s23], s21  }
0xa0: {  	s5 =	ssub.s32 $0x0, s21;
	[sflag:s23] =	ssyncset.done $0x0  }
0xa1: {  	[sflag:s23] =	ssyncadd.s32 s5;
	_ =	sdelay $0x1  }
0xa2: {  	s24 =	simm.s32 $0x1B8B  }
0xa3: {  	_ =	swait.ge [sflag:s24], $0x1  }
0xa4: {  	[sflag:s24] =	ssyncset.done $0x0  }
0xa5: {  	s25 =	simm.s32 $0x1B8E;
	[sflag:s24] =	ssyncadd.s32 $0xFFFFFFFF  }
0xa6: {  	s26 =	simm.s32 $execute0_lowered;
	[smem:$0x3FD2] =	sst s25  }
0xa7: {  	s5 =	sshll.u32 s26, $0x1;
	_ =	strace $0x80000046;
	[dreg:$0x1] =	wrdreg $0xFFFFFFFF  }
0xa8: {  	s28 =	simm.s32 $_size_execute0_lowered;
	s4 =	sadd.s32 s4, s5;
	[dreg:$0x0] =	wrdreg $0x0  }
0xa9: {  	s5 =	sshll.u32 s28, $0x1;
	[dreg:$0x2] =	wrdreg s4  }
0xaa: {  	[dreg:$0x3] =	wrdreg s5  }
0xab: {  	[dreg:$0x4] =	wrdreg $0xC0  }
0xac: {  	_ =	task [dreg:s8], $0x5FFFF  }
0xad: {  	[dreg:$0x1] =	wrdreg $0xFFFFFFFF  }
0xae: {  	[dreg:$0x0] =	wrdreg $0x60  }
0xaf: {  	[dreg:$0x2] =	wrdreg s2  }
0xb0: {  	[dreg:$0x3] =	wrdreg s19  }
0xb1: {  	[dreg:$0x4] =	wrdreg $0x9  }
0xb2: {  	_ =	task.clear_ibuf [dreg:s8], $0x5FFFF;
	_ =	strace $0x90000046  }
0xb3: {  	s29 =	simm.s32 $0x9;
	_ =	strace $0x80000048  }
0xb4: {  	_ =	swait.ge [sflag:s29], $0x1  }
0xb5: {  	[sflag:s29] =	ssyncadd.s32 $0xFFFFFFFF  }
0xb6: {  	_ =	strace $0x90000048  }
0xb7: {  	_ =	sfence  }
0xb8: {  	s30 =	sld [smem:$0x0];
	_ =	sdelay $0x2  }
0xb9: {  	s31 =	sshll.u32 s1, $0xD;
	s1 =	sshrl.u32 s1, $0x2  }
0xba: {  	s3 =	sand.u32 $0x4000, s31;
	s1 =	sadd.s32 s1, s30  }
0xbb: {  	s0 =	sor.u32 s3, s0;
	s1 =	sshll.u32 s1, $0x11  }
0xbc: {  	s0 =	sor.u32 s1, s0  }
0xbd: {  	s0 =	sadd.s32 $0x8F2B, s0  }
0xbe: {  	[sflag:s0] =	ssyncadd.remote.s32 $0x1  }
0xbf: {  	_ =	sfence.sel $0xFFFF  }
0xc0: {  	[dreg:$0x0] =	wrdreg $0xFFFFFFFF;
	(pc) =	sbr.abs _section_cstart, $3  }
0xc1: {  	[dreg:$0x1] =	wrdreg $0xFFFFFFFF  }
0xc2: {  	_ =	task.clear_ibuf [dreg:s8], $0x2FFFF;
	_ =	strace $0x9FFFFFFF  }
0xc3: {  	(tm) =	ssettm $0x7FFFFFFF  }
tec
execute0_lowered:
.L_overlay_start_1:
0x0: {  	(tag) =	ssettag $0x1  }
0x1: {  	s2 =	rddreg [dreg:$0x0]  }
0x2: {  	s3 =	rddreg [dreg:$0x1];
	s0 =	srdreg.scid  }
0x3: {  	s1 =	stileid.u32;
	s4 =	simm.s32 $0x0;
	s0 =	sand.u32 $0x1, s0  }
0x4: {  	s1 =	sshll.u32 s1, $0x1;
	[smem:$0x7FF] =	sst s4;
	s19 =	sadd.s32 $0x10, s3  }
0x5: {  	s20 =	sadd.s32 $0x20, s3;
	_ =	strace $0x80000047;
	[dreg:$0x14] =	wrdreg s19  }
0x6: {  	s21 =	sadd.s32 $0x30, s3;
	s5 =	ssub.s32 $0x2, s0;
	[dreg:$0x15] =	wrdreg s20  }
0x7: {  	s0 =	sor.u32 s0, s1;
	[dreg:$0x16] =	wrdreg s21;
	s19 =	sadd.s32 $0x2000, s2  }
0x8: {  	s20 =	sadd.s32 $0x2010, s2;
	s21 =	sadd.s32 $0x2020, s2;
	[smem:$0x7F6] =	sst s19  }
0x9: {  	s23 =	sshrl.u32 s5, $0x1;
	s6 =	sshll.u32 s0, $0x11;
	[smem:$0x7F7] =	sst s20  }
0xa: {  	s0 =	sshll.u32 s0, $0x3;
	[smem:$0x7F8] =	sst s21;
	s1 =	ssub.s32 s5, s23  }
0xb: {  	s24 =	sadd.s32 s6, s2;
	[dreg:$0x13] =	wrdreg s0;
	s23 =	sadd.s32 $0x40, s3  }
0xc: {  	s6 =	sadd.s32 $0x1C00, s24;
	[dreg:$0x18] =	wrdreg s23  }
0xd: {  	s25 =	sadd.s32 $0x1C10, s24;
	[dreg:$0x3] =	wrdreg s6  }
0xe: {  	s26 =	sadd.s32 $0x1C20, s24;
	[dreg:$0x4] =	wrdreg s25  }
0xf: {  	s7 =	sadd.s32 $0x1C30, s24;
	[dreg:$0x5] =	wrdreg s26  }
0x10: {  	s8 =	sadd.s32 $0x1C40, s24;
	[dreg:$0x6] =	wrdreg s7  }
0x11: {  	s9 =	sadd.s32 $0x1C50, s24;
	[dreg:$0x7] =	wrdreg s8  }
0x12: {  	s10 =	sadd.s32 $0x1C60, s24;
	[dreg:$0x8] =	wrdreg s9  }
0x13: {  	s11 =	sadd.s32 $0x1C70, s24;
	[dreg:$0x9] =	wrdreg s10  }
0x14: {  	s12 =	sadd.s32 $0x3C00, s24;
	[dreg:$0xa] =	wrdreg s11  }
0x15: {  	s13 =	sadd.s32 $0x3C10, s24;
	[dreg:$0xb] =	wrdreg s12  }
0x16: {  	s14 =	sadd.s32 $0x3C20, s24;
	[dreg:$0xc] =	wrdreg s13  }
0x17: {  	s15 =	sadd.s32 $0x3C30, s24;
	[dreg:$0xd] =	wrdreg s14  }
0x18: {  	s16 =	sadd.s32 $0x3C40, s24;
	[dreg:$0xe] =	wrdreg s15  }
0x19: {  	s17 =	sadd.s32 $0x3C50, s24;
	[dreg:$0xf] =	wrdreg s16  }
0x1a: {  	s18 =	sadd.s32 $0x3C60, s24;
	[dreg:$0x10] =	wrdreg s17  }
0x1b: {  	s5 =	sadd.s32 $0x3C70, s24;
	[dreg:$0x11] =	wrdreg s18  }
0x1c: {  	s22 =	smax.u32 s1, $0x1;
	[dreg:$0x12] =	wrdreg s5  }
0x1d: {  	s24 =	sadd.s32 $0x50, s3;
	[dreg:$0x17] =	wrdreg s22  }
0x1e: {  	s1 =	sadd.s32 $0x2000, s3;
	[dreg:$0x19] =	wrdreg s24  }
0x1f: {  	s23 =	sadd.s32 $0x2040, s2;
	[dreg:$0x1c] =	wrdreg s1  }
0x20: {  	s25 =	sadd.s32 $0x60, s3;
	[smem:$0x7FA] =	sst s23  }
0x21: {  	s26 =	sadd.s32 $0x70, s3;
	[dreg:$0x1a] =	wrdreg s25  }
0x22: {  	s5 =	sadd.s32 $0x2010, s3;
	[dreg:$0x1b] =	wrdreg s26  }
0x23: {  	s6 =	sadd.s32 $0x2020, s3;
	[dreg:$0x1d] =	wrdreg s5  }
0x24: {  	s7 =	sadd.s32 $0x2030, s3;
	[dreg:$0x1e] =	wrdreg s6  }
0x25: {  	s8 =	sadd.s32 $0x2040, s3;
	[dreg:$0x1f] =	wrdreg s7  }
0x26: {  	s9 =	sadd.s32 $0x2050, s3;
	[smem:$0x7EB] =	sst s8  }
0x27: {  	s10 =	sadd.s32 $0x2060, s3;
	[smem:$0x7EC] =	sst s9  }
0x28: {  	s11 =	sadd.s32 $0x2070, s3;
	[smem:$0x7ED] =	sst s10  }
0x29: {  	s12 =	sadd.s32 $0x10, s2;
	[smem:$0x7EE] =	sst s11  }
0x2a: {  	s13 =	sadd.s32 $0x20, s2;
	[smem:$0x7EF] =	sst s12  }
0x2b: {  	s14 =	sadd.s32 $0x30, s2;
	[smem:$0x7F0] =	sst s13  }
0x2c: {  	s15 =	sadd.s32 $0x40, s2;
	[smem:$0x7F1] =	sst s14  }
0x2d: {  	s16 =	sadd.s32 $0x50, s2;
	[smem:$0x7F2] =	sst s15  }
0x2e: {  	s28 =	simm.s32 $0x400;
	s17 =	sadd.s32 $0x60, s2;
	[smem:$0x7F3] =	sst s16  }
0x2f: {  	s29 =	simm.s32 $0x4000;
	s18 =	sadd.s32 $0x70, s2;
	[smem:$0x7F4] =	sst s17  }
0x30: {  	s30 =	simm.s32 $0x1;
	s22 =	sadd.s32 $0x2030, s2;
	[smem:$0x7F5] =	sst s18  }
0x31: {  	s31 =	simm.s32 $0x8000;
	v1 =	vlaneseq.u32;
	s24 =	sadd.s32 $0x2050, s2;
	[smem:$0x7F9] =	sst s22  }
0x32: {  	v2 =	vmul.u32 $0x3FF, v1;
	s0 =	simm.s32 $0x2;
	[smem:$0x7FB] =	sst s24;
	s25 =	sadd.s32 $0x2060, s2  }
0x33: {  	s1 =	simm.s32 $0xC000;
	s26 =	sadd.s32 $0x2070, s2;
	[smem:$0x7FC] =	sst s25  }
0x34: {  	v0 =	vmul.u32 $0xFFFFFFFF, v1;
	v1 =	vmul.u32 $0x400, v1;
	v2 =	vadd.s32 $0x3FF, v2;
	s7 =	simm.s32 $0x0;
	[smem:$0x7FD] =	sst s26;
	s26 =	simm.s32 $0x80  }
.LBB2_1:
0x35: {  	[smem:$0x7EA] =	sst s7  }
0x36: {  	s5 =	rddreg [dreg:$0x3]  }
0x37: {  	[tilespmem:s4], [sflag:$0x1] =	stream.strided.gather [hbm4b:s5+s26], $0x400, s28, s26, $0x38;
	[tilespmem:$0x10000] =	vst v63  }
0x38: {  	s18 =	rddreg [dreg:$0x4]  }
0x39: {  	[tilespmem:s28], [sflag:$0x1] =	stream.strided.gather [hbm4b:s18+s26], $0x400, s28, s26, $0x38;
	[tilespmem:$0x10000] =	vst v63  }
0x3a: {  	s19 =	rddreg [dreg:$0x5];
	s6 =	simm.s32 $0x800  }
0x3b: {  	[tilespmem:s6], [sflag:$0x1] =	stream.strided.gather [hbm4b:s19+s26], $0x400, s28, s26, $0x38;
	[tilespmem:$0x10000] =	vst v63  }
0x3c: {  	s20 =	rddreg [dreg:$0x6];
	s21 =	simm.s32 $0xC00  }
0x3d: {  	[tilespmem:s21], [sflag:$0x1] =	stream.strided.gather [hbm4b:s20+s26], $0x400, s28, s26, $0x38;
	[tilespmem:$0x10000] =	vst v63  }
0x3e: {  	s22 =	rddreg [dreg:$0x7];
	s23 =	simm.s32 $0x1000  }
0x3f: {  	[tilespmem:s23], [sflag:$0x1] =	stream.strided.gather [hbm4b:s22+s26], $0x400, s28, s26, $0x38;
	[tilespmem:$0x10000] =	vst v63  }
0x40: {  	s24 =	rddreg [dreg:$0x8];
	s25 =	simm.s32 $0x1400  }
0x41: {  	[tilespmem:s25], [sflag:$0x1] =	stream.strided.gather [hbm4b:s24+s26], $0x400, s28, s26, $0x38;
	[tilespmem:$0x10000] =	vst v63  }
0x42: {  	s7 =	simm.s32 $0x1800;
	s6 =	rddreg [dreg:$0x9]  }
0x43: {  	[tilespmem:s7], [sflag:$0x1] =	stream.strided.gather [hbm4b:s6+s26], $0x400, s28, s26, $0x38;
	[tilespmem:$0x10000] =	vst v63  }
0x44: {  	s8 =	rddreg [dreg:$0xa];
	s9 =	simm.s32 $0x1C00  }
0x45: {  	[tilespmem:s9], [sflag:$0x1] =	stream.strided.gather [hbm4b:s8+s26], $0x400, s28, s26, $0x38;
	[tilespmem:$0x10000] =	vst v63  }
0x46: {  	s10 =	rddreg [dreg:$0xb];
	s11 =	simm.s32 $0x2000  }
0x47: {  	[tilespmem:s11], [sflag:$0x1] =	stream.strided.gather [hbm4b:s10+s26], $0x400, s28, s26, $0x38;
	[tilespmem:$0x10000] =	vst v63  }
0x48: {  	s12 =	rddreg [dreg:$0xc];
	s13 =	simm.s32 $0x2400  }
0x49: {  	[tilespmem:s13], [sflag:$0x1] =	stream.strided.gather [hbm4b:s12+s26], $0x400, s28, s26, $0x38;
	[tilespmem:$0x10000] =	vst v63  }
0x4a: {  	s14 =	rddreg [dreg:$0xd];
	s15 =	simm.s32 $0x2800  }
0x4b: {  	[tilespmem:s15], [sflag:$0x1] =	stream.strided.gather [hbm4b:s14+s26], $0x400, s28, s26, $0x38;
	[tilespmem:$0x10000] =	vst v63  }
0x4c: {  	s16 =	rddreg [dreg:$0xe];
	s17 =	simm.s32 $0x2C00  }
0x4d: {  	[tilespmem:s17], [sflag:$0x1] =	stream.strided.gather [hbm4b:s16+s26], $0x400, s28, s26, $0x38;
	[tilespmem:$0x10000] =	vst v63  }
0x4e: {  	s18 =	rddreg [dreg:$0xf];
	s19 =	simm.s32 $0x3000  }
0x4f: {  	[tilespmem:s19], [sflag:$0x1] =	stream.strided.gather [hbm4b:s18+s26], $0x400, s28, s26, $0x38;
	[tilespmem:$0x10000] =	vst v63  }
0x50: {  	s20 =	rddreg [dreg:$0x10];
	s21 =	simm.s32 $0x3400  }
0x51: {  	[tilespmem:s21], [sflag:$0x1] =	stream.strided.gather [hbm4b:s20+s26], $0x400, s28, s26, $0x38;
	[tilespmem:$0x10000] =	vst v63  }
0x52: {  	s22 =	rddreg [dreg:$0x11];
	s23 =	simm.s32 $0x3800  }
0x53: {  	[tilespmem:s23], [sflag:$0x1] =	stream.strided.gather [hbm4b:s22+s26], $0x400, s28, s26, $0x38;
	[tilespmem:$0x10000] =	vst v63  }
0x54: {  	s5 =	simm.s32 $0x0;
	s24 =	rddreg [dreg:$0x12];
	s25 =	simm.s32 $0x3C00  }
0x55: {  	v3 =	vimm.f32 $0.0e+00;
	[tilespmem:s25], [sflag:$0x1] =	stream.strided.gather [hbm4b:s24+s26], $0x400, s28, s26, $0x38;
	[tilespmem:$0x10000] =	vst v63  }
.LBB2_2:
0x56: {  	s6 =	sshrl.u32 s5, $0x2;
	s7 =	rddreg [dreg:$0x13]  }
0x57: {  	s8 =	sshll.u32 s5, $0xE;
	s6 =	sor.u32 s7, s6  }
0x58: {  	s7 =	sand.u32 $0xC000, s8;
	s23 =	sshll.u32 s6, $0x11  }
0x59: {  	s6 =	sor.u32 s7, s23  }
0x5a: {  	s6 =	sshrl.u32 s6, $0x3  }
0x5b: {  	s6 =	sxor.u32 $0x1800, s6  }
0x5c: {  	s9 =	sadd.s32 s2, s6;
	s10 =	sor.u32 $0x10, s6  }
0x5d: {  	[tilespmem:s29], [sflag:$0x2] =	stream.strided.gather [hbm4b:s9+s26], $0x400, s28, s26, $0x38;
	[tilespmem:$0x10000] =	vst v63  }
0x5e: {  	s11 =	simm.s32 $0x4400;
	s8 =	sadd.s32 s2, s10  }
0x5f: {  	[tilespmem:s11], [sflag:$0x2] =	stream.strided.gather [hbm4b:s8+s26], $0x400, s28, s26, $0x38;
	[tilespmem:$0x10000] =	vst v63  }
0x60: {  	s8 =	sor.u32 $0x20, s6  }
0x61: {  	s12 =	simm.s32 $0x4800;
	s9 =	sadd.s32 s2, s8  }
0x62: {  	[tilespmem:s12], [sflag:$0x2] =	stream.strided.gather [hbm4b:s9+s26], $0x400, s28, s26, $0x38;
	[tilespmem:$0x10000] =	vst v63  }
0x63: {  	s9 =	sor.u32 $0x30, s6  }
0x64: {  	s13 =	simm.s32 $0x4C00;
	[smem:$0x7E9] =	sst s10;
	s10 =	sadd.s32 s2, s9  }
0x65: {  	[tilespmem:s13], [sflag:$0x2] =	stream.strided.gather [hbm4b:s10+s26], $0x400, s28, s26, $0x38;
	[tilespmem:$0x10000] =	vst v63  }
0x66: {  	s10 =	sor.u32 $0x40, s6  }
0x67: {  	s14 =	simm.s32 $0x5000;
	s11 =	sadd.s32 s2, s10  }
0x68: {  	[tilespmem:s14], [sflag:$0x2] =	stream.strided.gather [hbm4b:s11+s26], $0x400, s28, s26, $0x38;
	[tilespmem:$0x10000] =	vst v63  }
0x69: {  	s11 =	sor.u32 $0x50, s6  }
0x6a: {  	s15 =	simm.s32 $0x5400;
	s12 =	sadd.s32 s2, s11  }
0x6b: {  	[tilespmem:s15], [sflag:$0x2] =	stream.strided.gather [hbm4b:s12+s26], $0x400, s28, s26, $0x38;
	[tilespmem:$0x10000] =	vst v63  }
0x6c: {  	s12 =	sor.u32 $0x60, s6  }
0x6d: {  	s16 =	simm.s32 $0x5800;
	s13 =	sadd.s32 s2, s12  }
0x6e: {  	[tilespmem:s16], [sflag:$0x2] =	stream.strided.gather [hbm4b:s13+s26], $0x400, s28, s26, $0x38;
	[tilespmem:$0x10000] =	vst v63  }
0x6f: {  	s13 =	sor.u32 $0x70, s6  }
0x70: {  	s17 =	simm.s32 $0x5C00;
	s14 =	sadd.s32 s2, s13  }
0x71: {  	[tilespmem:s17], [sflag:$0x2] =	stream.strided.gather [hbm4b:s14+s26], $0x400, s28, s26, $0x38;
	[tilespmem:$0x10000] =	vst v63  }
0x72: {  	s14 =	sor.u32 $0x2000, s6  }
0x73: {  	s18 =	simm.s32 $0x6000;
	s15 =	sadd.s32 s2, s14  }
0x74: {  	[tilespmem:s18], [sflag:$0x2] =	stream.strided.gather [hbm4b:s15+s26], $0x400, s28, s26, $0x38;
	[tilespmem:$0x10000] =	vst v63  }
0x75: {  	s15 =	sor.u32 $0x2010, s6  }
0x76: {  	s19 =	simm.s32 $0x6400;
	s16 =	sadd.s32 s2, s15  }
0x77: {  	[tilespmem:s19], [sflag:$0x2] =	stream.strided.gather [hbm4b:s16+s26], $0x400, s28, s26, $0x38;
	[tilespmem:$0x10000] =	vst v63  }
0x78: {  	s16 =	sor.u32 $0x2020, s6  }
0x79: {  	s20 =	simm.s32 $0x6800;
	s17 =	sadd.s32 s2, s16  }
0x7a: {  	[tilespmem:s20], [sflag:$0x2] =	stream.strided.gather [hbm4b:s17+s26], $0x400, s28, s26, $0x38;
	[tilespmem:$0x10000] =	vst v63  }
0x7b: {  	s17 =	sor.u32 $0x2030, s6  }
0x7c: {  	s21 =	simm.s32 $0x6C00;
	s18 =	sadd.s32 s2, s17  }
0x7d: {  	[tilespmem:s21], [sflag:$0x2] =	stream.strided.gather [hbm4b:s18+s26], $0x400, s28, s26, $0x38;
	[tilespmem:$0x10000] =	vst v63  }
0x7e: {  	s18 =	sor.u32 $0x2040, s6  }
0x7f: {  	s22 =	simm.s32 $0x7000;
	s19 =	sadd.s32 s2, s18  }
0x80: {  	[tilespmem:s22], [sflag:$0x2] =	stream.strided.gather [hbm4b:s19+s26], $0x400, s28, s26, $0x38;
	[tilespmem:$0x10000] =	vst v63  }
0x81: {  	s19 =	sor.u32 $0x2050, s6  }
0x82: {  	s24 =	simm.s32 $0x7400;
	s20 =	sadd.s32 s2, s19  }
0x83: {  	[tilespmem:s24], [sflag:$0x2] =	stream.strided.gather [hbm4b:s20+s26], $0x400, s28, s26, $0x38;
	[tilespmem:$0x10000] =	vst v63  }
0x84: {  	s20 =	sor.u32 $0x2060, s6  }
0x85: {  	s25 =	simm.s32 $0x7800;
	s22 =	sadd.s32 s2, s20  }
0x86: {  	[tilespmem:s25], [sflag:$0x2] =	stream.strided.gather [hbm4b:s22+s26], $0x400, s28, s26, $0x38;
	[tilespmem:$0x10000] =	vst v63  }
0x87: {  	s25 =	sor.u32 $0x2070, s6  }
0x88: {  	s24 =	simm.s32 $0x7C00;
	s21 =	sadd.s32 s2, s25  }
0x89: {  	[tilespmem:s24], [sflag:$0x2] =	stream.strided.gather [hbm4b:s21+s26], $0x400, s28, s26, $0x38;
	[tilespmem:$0x10000] =	vst v63  }
0x8a: {  	_ =	swait.ge [sflag:s30], $0x400  }
0x8b: {  	[sflag:s30] =	ssyncset.done $0x0  }
0x8c: {  	[sflag:s30] =	ssyncadd.s32 $0xFFFFFC00  }
0x8d: {  	_ =	swait.ge [sflag:s30], $0x400  }
0x8e: {  	[sflag:s30] =	ssyncset.done $0x0  }
0x8f: {  	[sflag:s30] =	ssyncadd.s32 $0xFFFFFC00  }
0x90: {  	_ =	swait.ge [sflag:s30], $0x400  }
0x91: {  	[sflag:s30] =	ssyncset.done $0x0  }
0x92: {  	[sflag:s30] =	ssyncadd.s32 $0xFFFFFC00  }
0x93: {  	_ =	swait.ge [sflag:s30], $0x400  }
0x94: {  	[sflag:s30] =	ssyncset.done $0x0  }
0x95: {  	[sflag:s30] =	ssyncadd.s32 $0xFFFFFC00  }
0x96: {  	_ =	swait.ge [sflag:s30], $0x400  }
0x97: {  	[sflag:s30] =	ssyncset.done $0x0  }
0x98: {  	[sflag:s30] =	ssyncadd.s32 $0xFFFFFC00  }
0x99: {  	_ =	swait.ge [sflag:s30], $0x400  }
0x9a: {  	[sflag:s30] =	ssyncset.done $0x0  }
0x9b: {  	[sflag:s30] =	ssyncadd.s32 $0xFFFFFC00  }
0x9c: {  	_ =	swait.ge [sflag:s30], $0x400  }
0x9d: {  	[sflag:s30] =	ssyncset.done $0x0  }
0x9e: {  	[sflag:s30] =	ssyncadd.s32 $0xFFFFFC00  }
0x9f: {  	_ =	swait.ge [sflag:s30], $0x400  }
0xa0: {  	[sflag:s30] =	ssyncset.done $0x0  }
0xa1: {  	[sflag:s30] =	ssyncadd.s32 $0xFFFFFC00  }
0xa2: {  	_ =	swait.ge [sflag:s30], $0x400  }
0xa3: {  	[sflag:s30] =	ssyncset.done $0x0  }
0xa4: {  	[sflag:s30] =	ssyncadd.s32 $0xFFFFFC00  }
0xa5: {  	_ =	swait.ge [sflag:s30], $0x400  }
0xa6: {  	[sflag:s30] =	ssyncset.done $0x0  }
0xa7: {  	[sflag:s30] =	ssyncadd.s32 $0xFFFFFC00  }
0xa8: {  	_ =	swait.ge [sflag:s30], $0x400  }
0xa9: {  	[sflag:s30] =	ssyncset.done $0x0  }
0xaa: {  	[sflag:s30] =	ssyncadd.s32 $0xFFFFFC00  }
0xab: {  	_ =	swait.ge [sflag:s30], $0x400  }
0xac: {  	[sflag:s30] =	ssyncset.done $0x0  }
0xad: {  	[sflag:s30] =	ssyncadd.s32 $0xFFFFFC00  }
0xae: {  	_ =	swait.ge [sflag:s30], $0x400  }
0xaf: {  	[sflag:s30] =	ssyncset.done $0x0  }
0xb0: {  	[sflag:s30] =	ssyncadd.s32 $0xFFFFFC00  }
0xb1: {  	_ =	swait.ge [sflag:s30], $0x400  }
0xb2: {  	[sflag:s30] =	ssyncset.done $0x0  }
0xb3: {  	[sflag:s30] =	ssyncadd.s32 $0xFFFFFC00  }
0xb4: {  	_ =	swait.ge [sflag:s30], $0x400  }
0xb5: {  	[sflag:s30] =	ssyncset.done $0x0  }
0xb6: {  	[sflag:s30] =	ssyncadd.s32 $0xFFFFFC00  }
0xb7: {  	_ =	swait.ge [sflag:s30], $0x400  }
0xb8: {  	p0 =	seq.s32 s5, $0x0;
	[sflag:s30] =	ssyncset.done $0x0  }
0xb9: {  	s24 =	simm.s32 @!p0 $0x3;
	[sflag:s30] =	ssyncadd.s32 $0xFFFFFC00  }
0xba: {  	_ =	swait.ge @!p0 [sflag:s24], $0x400  }
0xbb: {  	[sflag:s24] =	ssyncset.done @!p0 $0x0  }
0xbc: {  	[sflag:s24] =	ssyncadd.s32 @!p0 $0xFFFFFC00  }
0xbd: {  	_ =	swait.ge @!p0 [sflag:s24], $0x400  }
0xbe: {  	[sflag:s24] =	ssyncset.done @!p0 $0x0  }
0xbf: {  	[sflag:s24] =	ssyncadd.s32 @!p0 $0xFFFFFC00  }
0xc0: {  	_ =	swait.ge @!p0 [sflag:s24], $0x400  }
0xc1: {  	[sflag:s24] =	ssyncset.done @!p0 $0x0  }
0xc2: {  	[sflag:s24] =	ssyncadd.s32 @!p0 $0xFFFFFC00  }
0xc3: {  	_ =	swait.ge @!p0 [sflag:s24], $0x400  }
0xc4: {  	[sflag:s24] =	ssyncset.done @!p0 $0x0  }
0xc5: {  	[sflag:s24] =	ssyncadd.s32 @!p0 $0xFFFFFC00  }
0xc6: {  	_ =	swait.ge @!p0 [sflag:s24], $0x400  }
0xc7: {  	[sflag:s24] =	ssyncset.done @!p0 $0x0  }
0xc8: {  	[sflag:s24] =	ssyncadd.s32 @!p0 $0xFFFFFC00  }
0xc9: {  	_ =	swait.ge @!p0 [sflag:s24], $0x400  }
0xca: {  	[sflag:s24] =	ssyncset.done @!p0 $0x0  }
0xcb: {  	[sflag:s24] =	ssyncadd.s32 @!p0 $0xFFFFFC00  }
0xcc: {  	_ =	swait.ge @!p0 [sflag:s24], $0x400  }
0xcd: {  	[sflag:s24] =	ssyncset.done @!p0 $0x0  }
0xce: {  	[sflag:s24] =	ssyncadd.s32 @!p0 $0xFFFFFC00  }
0xcf: {  	_ =	swait.ge @!p0 [sflag:s24], $0x400  }
0xd0: {  	[sflag:s24] =	ssyncset.done @!p0 $0x0  }
0xd1: {  	[sflag:s24] =	ssyncadd.s32 @!p0 $0xFFFFFC00  }
0xd2: {  	_ =	swait.ge @!p0 [sflag:s24], $0x400  }
0xd3: {  	[sflag:s24] =	ssyncset.done @!p0 $0x0  }
0xd4: {  	[sflag:s24] =	ssyncadd.s32 @!p0 $0xFFFFFC00  }
0xd5: {  	_ =	swait.ge @!p0 [sflag:s24], $0x400  }
0xd6: {  	[sflag:s24] =	ssyncset.done @!p0 $0x0  }
0xd7: {  	[sflag:s24] =	ssyncadd.s32 @!p0 $0xFFFFFC00  }
0xd8: {  	_ =	swait.ge @!p0 [sflag:s24], $0x400  }
0xd9: {  	[sflag:s24] =	ssyncset.done @!p0 $0x0  }
0xda: {  	[sflag:s24] =	ssyncadd.s32 @!p0 $0xFFFFFC00  }
0xdb: {  	_ =	swait.ge @!p0 [sflag:s24], $0x400  }
0xdc: {  	[sflag:s24] =	ssyncset.done @!p0 $0x0  }
0xdd: {  	[sflag:s24] =	ssyncadd.s32 @!p0 $0xFFFFFC00  }
0xde: {  	_ =	swait.ge @!p0 [sflag:s24], $0x400  }
0xdf: {  	[sflag:s24] =	ssyncset.done @!p0 $0x0  }
0xe0: {  	[sflag:s24] =	ssyncadd.s32 @!p0 $0xFFFFFC00  }
0xe1: {  	s21 =	simm.s32 $0x40E;
	_ =	swait.ge @!p0 [sflag:s24], $0x400  }
0xe2: {  	v4 =	vadd.s32 s21, v0;
	[sflag:s24] =	ssyncset.done @!p0 $0x0  }
0xe3: {  	vm0 =	vlt.s32 v4, $0x3FF;
	[sflag:s24] =	ssyncadd.s32 @!p0 $0xFFFFFC00  }
0xe4: {  	vm1 =	vlt.s32 v4, $0x400;
	v4 =	vnsel vm0, $0x3FF, v4;
	_ =	swait.ge @!p0 [sflag:s24], $0x400  }
0xe5: {  	v4 =	vadd.s32 v1, v4;
	[sflag:s24] =	ssyncset.done @!p0 $0x0  }
0xe6: {  	[sflag:s24] =	ssyncadd.s32 @!p0 $0xFFFFFC00  }
0xe7: {  	s22 =	sshll.u32 s5, $0x1;
	_ =	swait.ge @!p0 [sflag:s24], $0x400  }
0xe8: {  	s21 =	sand.u32 $0x6, s22;
	[sflag:s24] =	ssyncset.done @!p0 $0x0  }
0xe9: {  	p1 =	seq.s32 s21, $0x0;
	s21 =	sshll.u32 s21, $0xD;
	[sflag:s24] =	ssyncadd.s32 @!p0 $0xFFFFFC00  }
0xea: {  	s7 =	simm.s32 $0x40D;
	s21 =	ssub.s32 s23, s21;
	v5 =	vld.idx.msk [tilespmem:v4+s4+$0x0], vm1  }
0xeb: {  	v6 =	vadd.s32 s7, v0;
	v3 =	vpsel p1, $0x0, v3;
	vm0 =	vmmov vm1;
	s23 =	sadd.s32 $0xE000, s21;
	s24 =	simm.s32 $0x40C  }
.LBB2_3:
0xec: {  	p1 =	sne.s32 s24, $0x400;
	vm1 =	vlt.s32 v6, $0x3FF  }
0xed: {  	vm2 =	vlt.s32 v6, $0x400;
	v6 =	vnsel vm1, $0x3FF, v6  }
0xee: {  	v6 =	vadd.s32 v1, v6  }
0xef: {  	v5 =	vnsel vm0, $0x0, v5  }
0xf0: {  	v3 =	vadd.f32 v5, v3  }
.Ltmp0:
0xf1: {  	(pc) =	sbr.rel @p1 .LBB2_3-.Ltmp0, $3  }
0xf2: {  	[tilespmem:v4+s31+$0x0] =	vst.idx.msk vm0, v3;
	v4 =	vmov v6;
	vm0 =	vmmov vm2  }
0xf3: {  	v5 =	vld.idx.msk [tilespmem:v6+s4+$0x0], vm2;
	_ =	sdelay $0x1  }
0xf4: {  	v6 =	vadd.s32 s24, v0;
	s24 =	sadd.s32 $0xFFFFFFFF, s24  }
0xf5: {  	vm1 =	vlt.s32 v6, $0x3FF  }
0xf6: {  	vm2 =	vlt.s32 v6, $0x400;
	v6 =	vnsel vm1, $0x3FF, v6  }
0xf7: {  	v6 =	vadd.s32 v1, v6  }
0xf8: {  	v5 =	vnsel vm0, $0x0, v5  }
0xf9: {  	v3 =	vadd.f32 v5, v3;
	_ =	sdelay $0x1  }
0xfa: {  	[tilespmem:v4+s31+$0x0] =	vst.idx.msk vm0, v3  }
0xfb: {  	v4 =	vld.idx.msk [tilespmem:v6+s4+$0x0], vm2;
	_ =	sdelay $0x3  }
0xfc: {  	vm15 =	vmmov vm2  }
0xfd: {  	v8 =	vadd.s32 $0xFFFFFFFF, v2;
	v4 =	vnsel vm15, $0x0, v4  }
0xfe: {  	v17 =	vadd.f32 v4, v3  }
0xff: {  	v11 =	vadd.s32 $0xFFFFFFFE, v2  }
0x100: {  	[tilespmem:v6+s31+$0x0] =	vst.idx.msk vm2, v17  }
0x101: {  	v9 =	vadd.s32 $0xFFFFFFFD, v2;
	v18 =	vld.idx.msk [tilespmem:v2+s4+$0x0], $0xffff  }
0x102: {  	v3 =	vld.idx.msk [tilespmem:v8+s4+$0x0], $0xffff  }
0x103: {  	v10 =	vadd.s32 $0xFFFFFFFC, v2  }
0x104: {  	v4 =	vld.idx.msk [tilespmem:v11+s4+$0x0], $0xffff  }
0x105: {  	v5 =	vadd.s32 $0xFFFFFFFB, v2  }
0x106: {  	v13 =	vld.idx.msk [tilespmem:v9+s4+$0x0], $0xffff  }
0x107: {  	v6 =	vadd.s32 $0xFFFFFFFA, v2;
	v20 =	vadd.f32 v3, v18  }
0x108: {  	v14 =	vld.idx.msk [tilespmem:v10+s4+$0x0], $0xffff  }
0x109: {  	v7 =	vadd.s32 $0xFFFFFFF9, v2;
	v21 =	vadd.f32 v4, v20  }
0x10a: {  	v19 =	vadd.s32 $0xFFFFFFF1, v2;
	v15 =	vld.idx.msk [tilespmem:v5+s4+$0x0], $0xffff  }
0x10b: {  	v12 =	vadd.s32 $0xFFFFFFF8, v2;
	v22 =	vadd.f32 v13, v21  }
0x10c: {  	v16 =	vadd.s32 $0xFFFFFFF5, v2;
	v23 =	vld.idx.msk [tilespmem:v6+s4+$0x0], $0xffff  }
0x10d: {  	v13 =	vadd.s32 $0xFFFFFFF7, v2;
	v24 =	vadd.f32 v14, v22  }
0x10e: {  	v25 =	vld.idx.msk [tilespmem:v7+s4+$0x0], $0xffff;
	v3 =	vadd.s32 $0xFFFFFFF2, v2  }
0x10f: {  	v26 =	vld.idx.msk [tilespmem:v19+s4+$0x0], $0xffff;
	v14 =	vadd.s32 $0xFFFFFFF6, v2;
	v27 =	vadd.f32 v15, v24  }
0x110: {  	v28 =	vld.idx.msk [tilespmem:v12+s4+$0x0], $0xffff;
	v4 =	vadd.s32 $0xFFFFFFF3, v2  }
0x111: {  	v34 =	vld.idx.msk [tilespmem:v16+s4+$0x0], $0xffff;
	v15 =	vadd.s32 $0xFFFFFFF4, v2;
	v23 =	vadd.f32 v23, v27  }
0x112: {  	v30 =	vld.idx.msk [tilespmem:v13+s4+$0x0], $0xffff  }
0x113: {  	v29 =	vld.idx.msk [tilespmem:v3+s4+$0x0], $0xffff;
	v25 =	vadd.f32 v25, v23  }
0x114: {  	v18 =	vadd.f32 v18, v17;
	v32 =	vld.idx.msk [tilespmem:v14+s4+$0x0], $0xffff  }
0x115: {  	v20 =	vadd.f32 v20, v17;
	v31 =	vld.idx.msk [tilespmem:v4+s4+$0x0], $0xffff;
	v28 =	vadd.f32 v28, v25  }
0x116: {  	v33 =	vld.idx.msk [tilespmem:v15+s4+$0x0], $0xffff;
	[tilespmem:v2+s31+$0x0] =	vst.idx.msk $0xffff, v18;
	v18 =	vadd.f32 v21, v17  }
0x117: {  	v22 =	vadd.f32 v22, v17;
	[tilespmem:v8+s31+$0x0] =	vst.idx.msk $0xffff, v20;
	v21 =	vadd.f32 v30, v28  }
0x118: {  	[tilespmem:v11+s31+$0x0] =	vst.idx.msk $0xffff, v18;
	v18 =	vadd.f32 v24, v17  }
0x119: {  	v62 =	vadd.f32 v27, v17;
	[tilespmem:v9+s31+$0x0] =	vst.idx.msk $0xffff, v22;
	v20 =	vadd.f32 v32, v21  }
0x11a: {  	v22 =	vadd.f32 v23, v17;
	[tilespmem:v10+s31+$0x0] =	vst.idx.msk $0xffff, v18  }
0x11b: {  	v23 =	vadd.f32 v25, v17;
	[tilespmem:v5+s31+$0x0] =	vst.idx.msk $0xffff, v62;
	v18 =	vadd.f32 v34, v20  }
0x11c: {  	v63 =	vadd.f32 v28, v17;
	[tilespmem:v6+s31+$0x0] =	vst.idx.msk $0xffff, v22  }
0x11d: {  	v21 =	vadd.f32 v21, v17;
	[tilespmem:v7+s31+$0x0] =	vst.idx.msk $0xffff, v23;
	v22 =	vadd.f32 v33, v18  }
0x11e: {  	v20 =	vadd.f32 v20, v17;
	[tilespmem:v12+s31+$0x0] =	vst.idx.msk $0xffff, v63  }
0x11f: {  	v18 =	vadd.f32 v18, v17;
	[tilespmem:v13+s31+$0x0] =	vst.idx.msk $0xffff, v21;
	v23 =	vadd.f32 v31, v22  }
0x120: {  	[tilespmem:v14+s31+$0x0] =	vst.idx.msk $0xffff, v20;
	v21 =	vadd.f32 v22, v17  }
0x121: {  	[tilespmem:v16+s31+$0x0] =	vst.idx.msk $0xffff, v18;
	v20 =	vadd.f32 v29, v23;
	v18 =	vadd.f32 v23, v17  }
0x122: {  	[tilespmem:v15+s31+$0x0] =	vst.idx.msk $0xffff, v21  }
0x123: {  	v21 =	vadd.f32 v26, v20;
	[tilespmem:v4+s31+$0x0] =	vst.idx.msk $0xffff, v18;
	v18 =	vadd.s32 $0xFFFFFFF0, v2  }
0x124: {  	v22 =	vadd.f32 v20, v17;
	v20 =	vadd.s32 $0xFFFFFFFF, v18  }
0x125: {  	v17 =	vadd.f32 v21, v17  }
0x126: {  	s24 =	simm.s32 $0x3D;
	[tilespmem:v3+s31+$0x0] =	vst.idx.msk $0xffff, v22;
	v21 =	vadd.s32 $0xFFFFFFFE, v18  }
.LBB2_5:
0x127: {  	p1 =	sne.s32 s24, $0x1;
	s24 =	sadd.s32 $0xFFFFFFFF, s24;
	[tilespmem:v19+s31+$0x0] =	vst.idx.msk $0xffff, v17  }
0x128: {  	v23 =	vadd.s32 $0xFFFFFFFD, v18;
	v22 =	vld.idx.msk [tilespmem:v18+s4+$0x0], $0xffff  }
0x129: {  	v19 =	vld.idx.msk [tilespmem:v20+s4+$0x0], $0xffff  }
0x12a: {  	v24 =	vadd.s32 $0xFFFFFFFC, v18  }
0x12b: {  	v25 =	vld.idx.msk [tilespmem:v21+s4+$0x0], $0xffff  }
0x12c: {  	v26 =	vadd.s32 $0xFFFFFFFB, v18  }
0x12d: {  	v27 =	vld.idx.msk [tilespmem:v23+s4+$0x0], $0xffff  }
0x12e: {  	v28 =	vadd.s32 $0xFFFFFFFA, v18  }
0x12f: {  	v30 =	vadd.f32 v19, v22;
	v29 =	vld.idx.msk [tilespmem:v24+s4+$0x0], $0xffff  }
0x130: {  	v31 =	vadd.s32 $0xFFFFFFF9, v18  }
0x131: {  	v19 =	vadd.s32 $0xFFFFFFF1, v18;
	v25 =	vadd.f32 v25, v30;
	v32 =	vld.idx.msk [tilespmem:v26+s4+$0x0], $0xffff  }
0x132: {  	v33 =	vadd.s32 $0xFFFFFFF8, v18  }
0x133: {  	v35 =	vadd.s32 $0xFFFFFFF2, v18;
	v27 =	vadd.f32 v27, v25;
	v34 =	vld.idx.msk [tilespmem:v28+s4+$0x0], $0xffff  }
0x134: {  	v36 =	vadd.s32 $0xFFFFFFF7, v18  }
0x135: {  	v38 =	vadd.s32 $0xFFFFFFF3, v18;
	v29 =	vadd.f32 v29, v27;
	v37 =	vld.idx.msk [tilespmem:v31+s4+$0x0], $0xffff  }
0x136: {  	v39 =	vadd.s32 $0xFFFFFFF6, v18;
	v40 =	vld.idx.msk [tilespmem:v19+s4+$0x0], $0xffff  }
0x137: {  	v42 =	vadd.s32 $0xFFFFFFF4, v18;
	v32 =	vadd.f32 v32, v29;
	v41 =	vld.idx.msk [tilespmem:v33+s4+$0x0], $0xffff  }
0x138: {  	v43 =	vadd.s32 $0xFFFFFFF5, v18;
	v44 =	vld.idx.msk [tilespmem:v35+s4+$0x0], $0xffff  }
0x139: {  	v34 =	vadd.f32 v34, v32;
	v32 =	vadd.f32 v32, v17;
	v45 =	vld.idx.msk [tilespmem:v36+s4+$0x0], $0xffff  }
0x13a: {  	v46 =	vld.idx.msk [tilespmem:v38+s4+$0x0], $0xffff  }
0x13b: {  	v37 =	vadd.f32 v37, v34;
	v34 =	vadd.f32 v34, v17;
	v47 =	vld.idx.msk [tilespmem:v39+s4+$0x0], $0xffff  }
0x13c: {  	v22 =	vadd.f32 v22, v17;
	v30 =	vadd.f32 v30, v17;
	v48 =	vld.idx.msk [tilespmem:v42+s4+$0x0], $0xffff  }
0x13d: {  	v41 =	vadd.f32 v41, v37;
	v37 =	vadd.f32 v37, v17;
	v49 =	vld.idx.msk [tilespmem:v43+s4+$0x0], $0xffff  }
0x13e: {  	[tilespmem:v18+s31+$0x0] =	vst.idx.msk $0xffff, v22;
	v22 =	vadd.f32 v25, v17;
	v25 =	vadd.f32 v27, v17  }
0x13f: {  	v27 =	vadd.f32 v45, v41;
	[tilespmem:v20+s31+$0x0] =	vst.idx.msk $0xffff, v30;
	v20 =	vadd.f32 v41, v17  }
0x140: {  	[tilespmem:v21+s31+$0x0] =	vst.idx.msk $0xffff, v22;
	v21 =	vadd.f32 v29, v17  }
0x141: {  	v22 =	vadd.f32 v47, v27;
	[tilespmem:v23+s31+$0x0] =	vst.idx.msk $0xffff, v25  }
0x142: {  	[tilespmem:v24+s31+$0x0] =	vst.idx.msk $0xffff, v21  }
0x143: {  	v21 =	vadd.f32 v49, v22;
	[tilespmem:v26+s31+$0x0] =	vst.idx.msk $0xffff, v32  }
0x144: {  	v23 =	vadd.f32 v27, v17;
	[tilespmem:v28+s31+$0x0] =	vst.idx.msk $0xffff, v34  }
0x145: {  	v24 =	vadd.f32 v48, v21;
	v21 =	vadd.f32 v21, v17;
	[tilespmem:v31+s31+$0x0] =	vst.idx.msk $0xffff, v37  }
0x146: {  	[tilespmem:v33+s31+$0x0] =	vst.idx.msk $0xffff, v20;
	v20 =	vadd.f32 v22, v17  }
0x147: {  	v22 =	vadd.f32 v46, v24;
	[tilespmem:v36+s31+$0x0] =	vst.idx.msk $0xffff, v23;
	v23 =	vadd.f32 v24, v17  }
0x148: {  	[tilespmem:v39+s31+$0x0] =	vst.idx.msk $0xffff, v20  }
0x149: {  	v20 =	vadd.f32 v44, v22;
	[tilespmem:v43+s31+$0x0] =	vst.idx.msk $0xffff, v21;
	v21 =	vadd.f32 v22, v17  }
.Ltmp1:
0x14a: {  	[tilespmem:v42+s31+$0x0] =	vst.idx.msk $0xffff, v23;
	(pc) =	sbr.rel @p1 .LBB2_5-.Ltmp1, $4  }
0x14b: {  	v18 =	vadd.s32 $0xFFFFFFF0, v18;
	v22 =	vadd.f32 v40, v20;
	[tilespmem:v38+s31+$0x0] =	vst.idx.msk $0xffff, v21;
	v21 =	vadd.f32 v20, v17  }
0x14c: {  	v20 =	vadd.s32 $0xFFFFFFFF, v18  }
0x14d: {  	v17 =	vadd.f32 v22, v17;
	[tilespmem:v35+s31+$0x0] =	vst.idx.msk $0xffff, v21  }
0x14e: {  	v21 =	vadd.s32 $0xFFFFFFFE, v18  }
0x14f: {  	_ =	sdelay $0x3  }
0x150: {  	[tilespmem:v19+s31+$0x0] =	vst.idx.msk $0xffff, v17  }
0x151: {  	v22 =	vadd.s32 $0xFFFFFFFD, v18;
	v19 =	vld.idx.msk [tilespmem:v18+s4+$0x0], $0xffff  }
0x152: {  	v23 =	vld.idx.msk [tilespmem:v20+s4+$0x0], $0xffff  }
0x153: {  	v24 =	vadd.s32 $0xFFFFFFFC, v18  }
0x154: {  	v25 =	vld.idx.msk [tilespmem:v21+s4+$0x0], $0xffff  }
0x155: {  	v26 =	vadd.s32 $0xFFFFFFFB, v18  }
0x156: {  	v27 =	vld.idx.msk [tilespmem:v22+s4+$0x0], $0xffff  }
0x157: {  	v28 =	vadd.s32 $0xFFFFFFFA, v18;
	v23 =	vadd.f32 v23, v19  }
0x158: {  	v29 =	vld.idx.msk [tilespmem:v24+s4+$0x0], $0xffff  }
0x159: {  	v30 =	vadd.s32 $0xFFFFFFF9, v18;
	v25 =	vadd.f32 v25, v23  }
0x15a: {  	v31 =	vld.idx.msk [tilespmem:v26+s4+$0x0], $0xffff  }
0x15b: {  	v33 =	vadd.s32 $0xFFFFFFF8, v18;
	v27 =	vadd.f32 v27, v25  }
0x15c: {  	v32 =	vadd.s32 $0xFFFFFFF1, v18;
	v34 =	vld.idx.msk [tilespmem:v28+s4+$0x0], $0xffff  }
0x15d: {  	v36 =	vadd.s32 $0xFFFFFFF7, v18;
	v29 =	vadd.f32 v29, v27  }
0x15e: {  	v35 =	vadd.s32 $0xFFFFFFF2, v18;
	v37 =	vld.idx.msk [tilespmem:v30+s4+$0x0], $0xffff  }
0x15f: {  	v39 =	vadd.s32 $0xFFFFFFF6, v18;
	v31 =	vadd.f32 v31, v29  }
0x160: {  	v38 =	vadd.s32 $0xFFFFFFF3, v18;
	v41 =	vld.idx.msk [tilespmem:v33+s4+$0x0], $0xffff  }
0x161: {  	v43 =	vadd.s32 $0xFFFFFFF5, v18;
	v40 =	vld.idx.msk [tilespmem:v32+s4+$0x0], $0xffff;
	v34 =	vadd.f32 v34, v31  }
0x162: {  	v42 =	vadd.s32 $0xFFFFFFF4, v18;
	v45 =	vld.idx.msk [tilespmem:v36+s4+$0x0], $0xffff  }
0x163: {  	v44 =	vld.idx.msk [tilespmem:v35+s4+$0x0], $0xffff;
	v37 =	vadd.f32 v37, v34  }
0x164: {  	v47 =	vld.idx.msk [tilespmem:v39+s4+$0x0], $0xffff  }
0x165: {  	v46 =	vld.idx.msk [tilespmem:v38+s4+$0x0], $0xffff;
	v19 =	vadd.f32 v19, v17;
	v41 =	vadd.f32 v41, v37  }
0x166: {  	v49 =	vld.idx.msk [tilespmem:v43+s4+$0x0], $0xffff;
	v23 =	vadd.f32 v23, v17  }
0x167: {  	v48 =	vld.idx.msk [tilespmem:v42+s4+$0x0], $0xffff;
	[tilespmem:v18+s31+$0x0] =	vst.idx.msk $0xffff, v19;
	v18 =	vadd.f32 v25, v17;
	v19 =	vadd.f32 v45, v41  }
0x168: {  	[tilespmem:v20+s31+$0x0] =	vst.idx.msk $0xffff, v23;
	v63 =	vadd.f32 v27, v17  }
0x169: {  	[tilespmem:v21+s31+$0x0] =	vst.idx.msk $0xffff, v18;
	v18 =	vadd.f32 v29, v17;
	v20 =	vadd.f32 v47, v19  }
0x16a: {  	[tilespmem:v22+s31+$0x0] =	vst.idx.msk $0xffff, v63;
	v21 =	vadd.f32 v31, v17  }
0x16b: {  	[tilespmem:v24+s31+$0x0] =	vst.idx.msk $0xffff, v18;
	v22 =	vadd.f32 v34, v17;
	v18 =	vadd.f32 v49, v20  }
0x16c: {  	[tilespmem:v26+s31+$0x0] =	vst.idx.msk $0xffff, v21;
	v23 =	vadd.f32 v37, v17  }
0x16d: {  	[tilespmem:v28+s31+$0x0] =	vst.idx.msk $0xffff, v22;
	v21 =	vadd.f32 v41, v17;
	v22 =	vadd.f32 v48, v18  }
0x16e: {  	[tilespmem:v30+s31+$0x0] =	vst.idx.msk $0xffff, v23;
	v19 =	vadd.f32 v19, v17  }
0x16f: {  	s21 =	simm.s32 $0xF;
	[tilespmem:v33+s31+$0x0] =	vst.idx.msk $0xffff, v21;
	v20 =	vadd.f32 v20, v17;
	v21 =	vadd.f32 v46, v22  }
0x170: {  	[tilespmem:v36+s31+$0x0] =	vst.idx.msk $0xffff, v19;
	v19 =	vadd.s32 s21, v0;
	v18 =	vadd.f32 v18, v17  }
0x171: {  	vm0 =	vgt.s32 v19, $0x0;
	[tilespmem:v39+s31+$0x0] =	vst.idx.msk $0xffff, v20;
	v20 =	vadd.f32 v44, v21  }
0x172: {  	vm1 =	vgt.s32 v19, $0xFFFFFFFF;
	v22 =	vadd.f32 v22, v17;
	[tilespmem:v43+s31+$0x0] =	vst.idx.msk $0xffff, v18;
	v18 =	vnsel vm0, $0x0, v19  }
0x173: {  	v18 =	vadd.s32 v1, v18;
	v19 =	vadd.f32 v21, v17;
	v21 =	vadd.f32 v40, v20  }
0x174: {  	[tilespmem:v42+s31+$0x0] =	vst.idx.msk $0xffff, v22;
	v20 =	vadd.f32 v20, v17  }
0x175: {  	[tilespmem:v38+s31+$0x0] =	vst.idx.msk $0xffff, v19;
	v17 =	vadd.f32 v21, v17  }
0x176: {  	[tilespmem:v35+s31+$0x0] =	vst.idx.msk $0xffff, v20  }
0x177: {  	[tilespmem:v32+s31+$0x0] =	vst.idx.msk $0xffff, v17  }
0x178: {  	s24 =	simm.s32 $0xE;
	v19 =	vld.idx.msk [tilespmem:v18+s4+$0x0], vm1  }
0x179: {  	vm0 =	vmmov vm1;
	v20 =	vadd.s32 s24, v0;
	s24 =	simm.s32 $0xD  }
.LBB2_7:
0x17a: {  	p1 =	sne.s32 s24, $0x0;
	vm1 =	vgt.s32 v20, $0x0  }
0x17b: {  	vm2 =	vgt.s32 v20, $0xFFFFFFFF;
	v20 =	vnsel vm1, $0x0, v20  }
0x17c: {  	v20 =	vadd.s32 v1, v20  }
0x17d: {  	v19 =	vnsel vm0, $0x0, v19  }
0x17e: {  	v17 =	vadd.f32 v19, v17  }
.Ltmp2:
0x17f: {  	(pc) =	sbr.rel @p1 .LBB2_7-.Ltmp2, $3  }
0x180: {  	[tilespmem:v18+s31+$0x0] =	vst.idx.msk vm0, v17;
	v18 =	vmov v20;
	vm0 =	vmmov vm2  }
0x181: {  	v19 =	vld.idx.msk [tilespmem:v20+s4+$0x0], vm2;
	_ =	sdelay $0x1  }
0x182: {  	v20 =	vadd.s32 s24, v0;
	s24 =	sadd.s32 $0xFFFFFFFF, s24  }
0x183: {  	vm1 =	vgt.s32 v20, $0x0  }
0x184: {  	vm2 =	vgt.s32 v20, $0xFFFFFFFF;
	v20 =	vnsel vm1, $0x0, v20  }
0x185: {  	v20 =	vadd.s32 v1, v20  }
0x186: {  	v19 =	vnsel vm0, $0x0, v19  }
0x187: {  	v17 =	vadd.f32 v19, v17;
	_ =	sdelay $0x1  }
0x188: {  	[tilespmem:v18+s31+$0x0] =	vst.idx.msk vm0, v17  }
0x189: {  	v18 =	vld.idx.msk [tilespmem:v20+s4+$0x0], vm2;
	_ =	sdelay $0x3  }
0x18a: {  	vm0 =	vmmov vm2  }
0x18b: {  	v18 =	vnsel vm0, $0x0, v18  }
0x18c: {  	v17 =	vadd.f32 v18, v17  }
0x18d: {  	s21 =	sshrl.u32 s23, $0x3  }
0x18e: {  	s7 =	rddreg [dreg:$0x14];
	s23 =	sadd.s32 s3, s21;
	[tilespmem:v20+s31+$0x0] =	vst.idx.msk vm2, v17  }
0x18f: {  	[hbm4b:s23+s26] =	stream.strided.scatter [tilespmem:s31], [sflag:$0x3], $0x400, s28, s26, $0x38;
	[tilespmem:$0x10000] =	vst v63  }
0x190: {  	s24 =	simm.s32 $0x8400;
	s7 =	sadd.s32 s21, s7  }
0x191: {  	[hbm4b:s7+s26] =	stream.strided.scatter [tilespmem:s24], [sflag:$0x3], $0x400, s28, s26, $0x38;
	[tilespmem:$0x10000] =	vst v63  }
0x192: {  	s24 =	rddreg [dreg:$0x15]  }
0x193: {  	s7 =	sadd.s32 s21, s24;
	s24 =	simm.s32 $0x8800  }
0x194: {  	[hbm4b:s7+s26] =	stream.strided.scatter [tilespmem:s24], [sflag:$0x3], $0x400, s28, s26, $0x38;
	[tilespmem:$0x10000] =	vst v63  }
0x195: {  	s24 =	rddreg [dreg:$0x16]  }
0x196: {  	s7 =	sadd.s32 s21, s24;
	s24 =	simm.s32 $0x8C00  }
0x197: {  	[hbm4b:s7+s26] =	stream.strided.scatter [tilespmem:s24], [sflag:$0x3], $0x400, s28, s26, $0x38;
	[tilespmem:$0x10000] =	vst v63  }
0x198: {  	s24 =	rddreg [dreg:$0x18]  }
0x199: {  	s7 =	sadd.s32 s21, s24;
	s24 =	simm.s32 $0x9000  }
0x19a: {  	[hbm4b:s7+s26] =	stream.strided.scatter [tilespmem:s24], [sflag:$0x3], $0x400, s28, s26, $0x38;
	[tilespmem:$0x10000] =	vst v63  }
0x19b: {  	s24 =	rddreg [dreg:$0x19]  }
0x19c: {  	s7 =	sadd.s32 s21, s24;
	s24 =	simm.s32 $0x9400  }
0x19d: {  	[hbm4b:s7+s26] =	stream.strided.scatter [tilespmem:s24], [sflag:$0x3], $0x400, s28, s26, $0x38;
	[tilespmem:$0x10000] =	vst v63  }
0x19e: {  	s24 =	rddreg [dreg:$0x1a]  }
0x19f: {  	s7 =	sadd.s32 s21, s24;
	s24 =	simm.s32 $0x9800  }
0x1a0: {  	[hbm4b:s7+s26] =	stream.strided.scatter [tilespmem:s24], [sflag:$0x3], $0x400, s28, s26, $0x38;
	[tilespmem:$0x10000] =	vst v63  }
0x1a1: {  	s24 =	rddreg [dreg:$0x1b]  }
0x1a2: {  	s7 =	sadd.s32 s21, s24;
	s24 =	simm.s32 $0x9C00  }
0x1a3: {  	[hbm4b:s7+s26] =	stream.strided.scatter [tilespmem:s24], [sflag:$0x3], $0x400, s28, s26, $0x38;
	[tilespmem:$0x10000] =	vst v63  }
0x1a4: {  	s24 =	rddreg [dreg:$0x1c]  }
0x1a5: {  	s7 =	sadd.s32 s21, s24;
	s24 =	simm.s32 $0xA000  }
0x1a6: {  	[hbm4b:s7+s26] =	stream.strided.scatter [tilespmem:s24], [sflag:$0x3], $0x400, s28, s26, $0x38;
	[tilespmem:$0x10000] =	vst v63  }
0x1a7: {  	s24 =	rddreg [dreg:$0x1d]  }
0x1a8: {  	s7 =	sadd.s32 s21, s24;
	s24 =	simm.s32 $0xA400  }
0x1a9: {  	[hbm4b:s7+s26] =	stream.strided.scatter [tilespmem:s24], [sflag:$0x3], $0x400, s28, s26, $0x38;
	[tilespmem:$0x10000] =	vst v63  }
0x1aa: {  	s24 =	rddreg [dreg:$0x1e]  }
0x1ab: {  	s7 =	sadd.s32 s21, s24;
	s24 =	simm.s32 $0xA800  }
0x1ac: {  	[hbm4b:s7+s26] =	stream.strided.scatter [tilespmem:s24], [sflag:$0x3], $0x400, s28, s26, $0x38;
	[tilespmem:$0x10000] =	vst v63  }
0x1ad: {  	s24 =	rddreg [dreg:$0x1f]  }
0x1ae: {  	s7 =	sadd.s32 s21, s24;
	s24 =	simm.s32 $0xAC00  }
0x1af: {  	[hbm4b:s7+s26] =	stream.strided.scatter [tilespmem:s24], [sflag:$0x3], $0x400, s28, s26, $0x38;
	[tilespmem:$0x10000] =	vst v63  }
0x1b0: {  	s24 =	sld [smem:$0x7EB];
	_ =	sdelay $0x2  }
0x1b1: {  	s7 =	sadd.s32 s21, s24;
	s24 =	simm.s32 $0xB000  }
0x1b2: {  	[hbm4b:s7+s26] =	stream.strided.scatter [tilespmem:s24], [sflag:$0x3], $0x400, s28, s26, $0x38;
	[tilespmem:$0x10000] =	vst v63  }
0x1b3: {  	s24 =	sld [smem:$0x7EC];
	_ =	sdelay $0x2  }
0x1b4: {  	s7 =	sadd.s32 s21, s24;
	s24 =	simm.s32 $0xB400  }
0x1b5: {  	[hbm4b:s7+s26] =	stream.strided.scatter [tilespmem:s24], [sflag:$0x3], $0x400, s28, s26, $0x38;
	[tilespmem:$0x10000] =	vst v63  }
0x1b6: {  	s24 =	sld [smem:$0x7ED];
	_ =	sdelay $0x1  }
0x1b7: {  	s23 =	sld [smem:$0x7EE]  }
0x1b8: {  	s7 =	sadd.s32 s21, s24;
	s24 =	simm.s32 $0xB800  }
0x1b9: {  	[hbm4b:s7+s26] =	stream.strided.scatter [tilespmem:s24], [sflag:$0x3], $0x400, s28, s26, $0x38;
	[tilespmem:$0x10000] =	vst v63  }
0x1ba: {  	p1 =	seq.s32 s5, $0x1F;
	s21 =	sadd.s32 s21, s23;
	s24 =	simm.s32 $0xBC00  }
0x1bb: {  	[hbm4b:s21+s26] =	stream.strided.scatter [tilespmem:s24], [sflag:$0x3], $0x400, s28, s26, $0x38;
	[tilespmem:$0x10000] =	vst v63  }
0x1bc: {  	s21 =	sadd.s32 @!p1 $0x2, s22  }
0x1bd: {  	s7 =	rddreg [dreg:$0x13];
	s22 =	sshrl.u32 @!p1 s21, $0x3  }
0x1be: {  	s21 =	sshll.u32 @!p1 s21, $0xD;
	s22 =	sadd.s32 @!p1 s7, s22  }
0x1bf: {  	s21 =	sand.u32 @!p1 $0xC000, s21;
	s22 =	sshll.u32 @!p1 s22, $0x11  }
0x1c0: {  	s21 =	ssub.s32 @!p1 s22, s21  }
0x1c1: {  	s21 =	sadd.s32 @!p1 $0xE000, s21  }
0x1c2: {  	s23 =	simm.s32 @!p1 $0x80;
	s21 =	sshrl.u32 @!p1 s21, $0x3  }
0x1c3: {  	s24 =	simm.s32 @!p1 $0x400;
	s7 =	simm.s32 @!p1 $0x0;
	s22 =	sadd.s32 @!p1 s2, s21  }
0x1c4: {  	[tilespmem:s7], [sflag:$0x1] =	stream.strided.gather @!p1 [hbm4b:s22+s23], $0x400, s24, s23, $0x38;
	[tilespmem:$0x10000] =	vst v63  }
0x1c5: {  	s7 =	sld [smem:$0x7EF];
	_ =	sdelay $0x2  }
0x1c6: {  	s7 =	sadd.s32 @!p1 s21, s7  }
0x1c7: {  	[tilespmem:s24], [sflag:$0x1] =	stream.strided.gather @!p1 [hbm4b:s7+s23], $0x400, s24, s23, $0x38;
	[tilespmem:$0x10000] =	vst v63  }
0x1c8: {  	s7 =	sld [smem:$0x7F0];
	_ =	sdelay $0x2  }
0x1c9: {  	s22 =	simm.s32 @!p1 $0x800;
	s7 =	sadd.s32 @!p1 s21, s7  }
0x1ca: {  	[tilespmem:s22], [sflag:$0x1] =	stream.strided.gather @!p1 [hbm4b:s7+s23], $0x400, s24, s23, $0x38;
	[tilespmem:$0x10000] =	vst v63  }
0x1cb: {  	s7 =	sld [smem:$0x7F1];
	_ =	sdelay $0x2  }
0x1cc: {  	s22 =	simm.s32 @!p1 $0xC00;
	s7 =	sadd.s32 @!p1 s21, s7  }
0x1cd: {  	[tilespmem:s22], [sflag:$0x1] =	stream.strided.gather @!p1 [hbm4b:s7+s23], $0x400, s24, s23, $0x38;
	[tilespmem:$0x10000] =	vst v63  }
0x1ce: {  	s7 =	sld [smem:$0x7F2];
	_ =	sdelay $0x2  }
0x1cf: {  	s22 =	simm.s32 @!p1 $0x1000;
	s7 =	sadd.s32 @!p1 s21, s7  }
0x1d0: {  	[tilespmem:s22], [sflag:$0x1] =	stream.strided.gather @!p1 [hbm4b:s7+s23], $0x400, s24, s23, $0x38;
	[tilespmem:$0x10000] =	vst v63  }
0x1d1: {  	s7 =	sld [smem:$0x7F3];
	_ =	sdelay $0x2  }
0x1d2: {  	s22 =	simm.s32 @!p1 $0x1400;
	s7 =	sadd.s32 @!p1 s21, s7  }
0x1d3: {  	[tilespmem:s22], [sflag:$0x1] =	stream.strided.gather @!p1 [hbm4b:s7+s23], $0x400, s24, s23, $0x38;
	[tilespmem:$0x10000] =	vst v63  }
0x1d4: {  	s7 =	sld [smem:$0x7F4];
	_ =	sdelay $0x2  }
0x1d5: {  	s22 =	simm.s32 @!p1 $0x1800;
	s7 =	sadd.s32 @!p1 s21, s7  }
0x1d6: {  	[tilespmem:s22], [sflag:$0x1] =	stream.strided.gather @!p1 [hbm4b:s7+s23], $0x400, s24, s23, $0x38;
	[tilespmem:$0x10000] =	vst v63  }
0x1d7: {  	s7 =	sld [smem:$0x7F5];
	_ =	sdelay $0x2  }
0x1d8: {  	s22 =	simm.s32 @!p1 $0x1C00;
	s7 =	sadd.s32 @!p1 s21, s7  }
0x1d9: {  	[tilespmem:s22], [sflag:$0x1] =	stream.strided.gather @!p1 [hbm4b:s7+s23], $0x400, s24, s23, $0x38;
	[tilespmem:$0x10000] =	vst v63  }
0x1da: {  	s7 =	sld [smem:$0x7F6];
	_ =	sdelay $0x2  }
0x1db: {  	s22 =	simm.s32 @!p1 $0x2000;
	s7 =	sadd.s32 @!p1 s21, s7  }
0x1dc: {  	[tilespmem:s22], [sflag:$0x1] =	stream.strided.gather @!p1 [hbm4b:s7+s23], $0x400, s24, s23, $0x38;
	[tilespmem:$0x10000] =	vst v63  }
0x1dd: {  	s7 =	sld [smem:$0x7F7];
	_ =	sdelay $0x2  }
0x1de: {  	s22 =	simm.s32 @!p1 $0x2400;
	s7 =	sadd.s32 @!p1 s21, s7  }
0x1df: {  	[tilespmem:s22], [sflag:$0x1] =	stream.strided.gather @!p1 [hbm4b:s7+s23], $0x400, s24, s23, $0x38;
	[tilespmem:$0x10000] =	vst v63  }
0x1e0: {  	s7 =	sld [smem:$0x7F8];
	_ =	sdelay $0x2  }
0x1e1: {  	s22 =	simm.s32 @!p1 $0x2800;
	s7 =	sadd.s32 @!p1 s21, s7  }
0x1e2: {  	[tilespmem:s22], [sflag:$0x1] =	stream.strided.gather @!p1 [hbm4b:s7+s23], $0x400, s24, s23, $0x38;
	[tilespmem:$0x10000] =	vst v63  }
0x1e3: {  	s7 =	sld [smem:$0x7F9];
	_ =	sdelay $0x2  }
0x1e4: {  	s22 =	simm.s32 @!p1 $0x2C00;
	s7 =	sadd.s32 @!p1 s21, s7  }
0x1e5: {  	[tilespmem:s22], [sflag:$0x1] =	stream.strided.gather @!p1 [hbm4b:s7+s23], $0x400, s24, s23, $0x38;
	[tilespmem:$0x10000] =	vst v63  }
0x1e6: {  	s7 =	sld [smem:$0x7FA];
	_ =	sdelay $0x2  }
0x1e7: {  	s22 =	simm.s32 @!p1 $0x3000;
	s7 =	sadd.s32 @!p1 s21, s7  }
0x1e8: {  	[tilespmem:s22], [sflag:$0x1] =	stream.strided.gather @!p1 [hbm4b:s7+s23], $0x400, s24, s23, $0x38;
	[tilespmem:$0x10000] =	vst v63  }
0x1e9: {  	s7 =	sld [smem:$0x7FB];
	_ =	sdelay $0x2  }
0x1ea: {  	s22 =	simm.s32 @!p1 $0x3400;
	s7 =	sadd.s32 @!p1 s21, s7  }
0x1eb: {  	[tilespmem:s22], [sflag:$0x1] =	stream.strided.gather @!p1 [hbm4b:s7+s23], $0x400, s24, s23, $0x38;
	[tilespmem:$0x10000] =	vst v63  }
0x1ec: {  	s7 =	sld [smem:$0x7FC];
	_ =	sdelay $0x2  }
0x1ed: {  	s22 =	simm.s32 @!p1 $0x3800;
	s7 =	sadd.s32 @!p1 s21, s7  }
0x1ee: {  	[tilespmem:s22], [sflag:$0x1] =	stream.strided.gather @!p1 [hbm4b:s7+s23], $0x400, s24, s23, $0x38;
	[tilespmem:$0x10000] =	vst v63  }
0x1ef: {  	s7 =	sld [smem:$0x7FD];
	_ =	sdelay $0x2  }
0x1f0: {  	s7 =	sadd.s32 @!p1 s21, s7;
	s21 =	simm.s32 @!p1 $0x3C00  }
0x1f1: {  	[tilespmem:s21], [sflag:$0x1] =	stream.strided.gather @!p1 [hbm4b:s7+s23], $0x400, s24, s23, $0x38;
	[tilespmem:$0x10000] =	vst v63  }
0x1f2: {  	_ =	swait.ge [sflag:s0], $0x400  }
0x1f3: {  	[sflag:s0] =	ssyncset.done $0x0  }
0x1f4: {  	[sflag:s0] =	ssyncadd.s32 $0xFFFFFC00  }
0x1f5: {  	_ =	swait.ge [sflag:s0], $0x400  }
0x1f6: {  	[sflag:s0] =	ssyncset.done $0x0  }
0x1f7: {  	[sflag:s0] =	ssyncadd.s32 $0xFFFFFC00  }
0x1f8: {  	_ =	swait.ge [sflag:s0], $0x400  }
0x1f9: {  	[sflag:s0] =	ssyncset.done $0x0  }
0x1fa: {  	[sflag:s0] =	ssyncadd.s32 $0xFFFFFC00  }
0x1fb: {  	_ =	swait.ge [sflag:s0], $0x400  }
0x1fc: {  	[sflag:s0] =	ssyncset.done $0x0  }
0x1fd: {  	[sflag:s0] =	ssyncadd.s32 $0xFFFFFC00  }
0x1fe: {  	_ =	swait.ge [sflag:s0], $0x400  }
0x1ff: {  	[sflag:s0] =	ssyncset.done $0x0  }
0x200: {  	[sflag:s0] =	ssyncadd.s32 $0xFFFFFC00  }
0x201: {  	_ =	swait.ge [sflag:s0], $0x400  }
0x202: {  	[sflag:s0] =	ssyncset.done $0x0  }
0x203: {  	[sflag:s0] =	ssyncadd.s32 $0xFFFFFC00  }
0x204: {  	_ =	swait.ge [sflag:s0], $0x400  }
0x205: {  	[sflag:s0] =	ssyncset.done $0x0  }
0x206: {  	[sflag:s0] =	ssyncadd.s32 $0xFFFFFC00  }
0x207: {  	_ =	swait.ge [sflag:s0], $0x400  }
0x208: {  	[sflag:s0] =	ssyncset.done $0x0  }
0x209: {  	[sflag:s0] =	ssyncadd.s32 $0xFFFFFC00  }
0x20a: {  	_ =	swait.ge [sflag:s0], $0x400  }
0x20b: {  	[sflag:s0] =	ssyncset.done $0x0  }
0x20c: {  	[sflag:s0] =	ssyncadd.s32 $0xFFFFFC00  }
0x20d: {  	_ =	swait.ge [sflag:s0], $0x400  }
0x20e: {  	[sflag:s0] =	ssyncset.done $0x0  }
0x20f: {  	[sflag:s0] =	ssyncadd.s32 $0xFFFFFC00  }
0x210: {  	_ =	swait.ge [sflag:s0], $0x400  }
0x211: {  	[sflag:s0] =	ssyncset.done $0x0  }
0x212: {  	[sflag:s0] =	ssyncadd.s32 $0xFFFFFC00  }
0x213: {  	_ =	swait.ge [sflag:s0], $0x400  }
0x214: {  	[sflag:s0] =	ssyncset.done $0x0  }
0x215: {  	[sflag:s0] =	ssyncadd.s32 $0xFFFFFC00  }
0x216: {  	_ =	swait.ge [sflag:s0], $0x400  }
0x217: {  	[sflag:s0] =	ssyncset.done $0x0  }
0x218: {  	[sflag:s0] =	ssyncadd.s32 $0xFFFFFC00  }
0x219: {  	_ =	swait.ge [sflag:s0], $0x400  }
0x21a: {  	[sflag:s0] =	ssyncset.done $0x0  }
0x21b: {  	[sflag:s0] =	ssyncadd.s32 $0xFFFFFC00  }
0x21c: {  	_ =	swait.ge [sflag:s0], $0x400  }
0x21d: {  	[sflag:s0] =	ssyncset.done $0x0  }
0x21e: {  	[sflag:s0] =	ssyncadd.s32 $0xFFFFFC00  }
0x21f: {  	_ =	swait.ge [sflag:s0], $0x400  }
0x220: {  	[sflag:s0] =	ssyncset.done $0x0  }
0x221: {  	s7 =	simm.s32 @!p0 $0x4;
	[sflag:s0] =	ssyncadd.s32 $0xFFFFFC00  }
0x222: {  	_ =	swait.ge @!p0 [sflag:s7], $0x400  }
0x223: {  	[sflag:s7] =	ssyncset.done @!p0 $0x0  }
0x224: {  	[sflag:s7] =	ssyncadd.s32 @!p0 $0xFFFFFC00  }
0x225: {  	_ =	swait.ge @!p0 [sflag:s7], $0x400  }
0x226: {  	[sflag:s7] =	ssyncset.done @!p0 $0x0  }
0x227: {  	[sflag:s7] =	ssyncadd.s32 @!p0 $0xFFFFFC00  }
0x228: {  	_ =	swait.ge @!p0 [sflag:s7], $0x400  }
0x229: {  	[sflag:s7] =	ssyncset.done @!p0 $0x0  }
0x22a: {  	[sflag:s7] =	ssyncadd.s32 @!p0 $0xFFFFFC00  }
0x22b: {  	_ =	swait.ge @!p0 [sflag:s7], $0x400  }
0x22c: {  	[sflag:s7] =	ssyncset.done @!p0 $0x0  }
0x22d: {  	[sflag:s7] =	ssyncadd.s32 @!p0 $0xFFFFFC00  }
0x22e: {  	_ =	swait.ge @!p0 [sflag:s7], $0x400  }
0x22f: {  	[sflag:s7] =	ssyncset.done @!p0 $0x0  }
0x230: {  	[sflag:s7] =	ssyncadd.s32 @!p0 $0xFFFFFC00  }
0x231: {  	_ =	swait.ge @!p0 [sflag:s7], $0x400  }
0x232: {  	[sflag:s7] =	ssyncset.done @!p0 $0x0  }
0x233: {  	[sflag:s7] =	ssyncadd.s32 @!p0 $0xFFFFFC00  }
0x234: {  	_ =	swait.ge @!p0 [sflag:s7], $0x400  }
0x235: {  	[sflag:s7] =	ssyncset.done @!p0 $0x0  }
0x236: {  	[sflag:s7] =	ssyncadd.s32 @!p0 $0xFFFFFC00  }
0x237: {  	_ =	swait.ge @!p0 [sflag:s7], $0x400  }
0x238: {  	[sflag:s7] =	ssyncset.done @!p0 $0x0  }
0x239: {  	[sflag:s7] =	ssyncadd.s32 @!p0 $0xFFFFFC00  }
0x23a: {  	_ =	swait.ge @!p0 [sflag:s7], $0x400  }
0x23b: {  	[sflag:s7] =	ssyncset.done @!p0 $0x0  }
0x23c: {  	[sflag:s7] =	ssyncadd.s32 @!p0 $0xFFFFFC00  }
0x23d: {  	_ =	swait.ge @!p0 [sflag:s7], $0x400  }
0x23e: {  	[sflag:s7] =	ssyncset.done @!p0 $0x0  }
0x23f: {  	[sflag:s7] =	ssyncadd.s32 @!p0 $0xFFFFFC00  }
0x240: {  	_ =	swait.ge @!p0 [sflag:s7], $0x400  }
0x241: {  	[sflag:s7] =	ssyncset.done @!p0 $0x0  }
0x242: {  	[sflag:s7] =	ssyncadd.s32 @!p0 $0xFFFFFC00  }
0x243: {  	_ =	swait.ge @!p0 [sflag:s7], $0x400  }
0x244: {  	[sflag:s7] =	ssyncset.done @!p0 $0x0  }
0x245: {  	[sflag:s7] =	ssyncadd.s32 @!p0 $0xFFFFFC00  }
0x246: {  	_ =	swait.ge @!p0 [sflag:s7], $0x400  }
0x247: {  	[sflag:s7] =	ssyncset.done @!p0 $0x0  }
0x248: {  	[sflag:s7] =	ssyncadd.s32 @!p0 $0xFFFFFC00  }
0x249: {  	s23 =	simm.s32 $0x40E;
	_ =	swait.ge @!p0 [sflag:s7], $0x400  }
0x24a: {  	v18 =	vadd.s32 s23, v0;
	[sflag:s7] =	ssyncset.done @!p0 $0x0  }
0x24b: {  	vm0 =	vlt.s32 v18, $0x3FF;
	[sflag:s7] =	ssyncadd.s32 @!p0 $0xFFFFFC00  }
0x24c: {  	vm1 =	vlt.s32 v18, $0x400;
	v18 =	vnsel vm0, $0x3FF, v18;
	_ =	swait.ge @!p0 [sflag:s7], $0x400  }
0x24d: {  	v18 =	vadd.s32 v1, v18;
	[sflag:s7] =	ssyncset.done @!p0 $0x0  }
0x24e: {  	[sflag:s7] =	ssyncadd.s32 @!p0 $0xFFFFFC00  }
0x24f: {  	_ =	swait.ge @!p0 [sflag:s7], $0x400  }
0x250: {  	[sflag:s7] =	ssyncset.done @!p0 $0x0  }
0x251: {  	[sflag:s7] =	ssyncadd.s32 @!p0 $0xFFFFFC00  }
0x252: {  	s24 =	simm.s32 $0x40D;
	v19 =	vld.idx.msk [tilespmem:v18+s29+$0x0], vm1  }
0x253: {  	s22 =	simm.s32 $0x40C;
	v20 =	vadd.s32 s24, v0;
	vm0 =	vmmov vm1  }
.LBB2_9:
0x254: {  	p0 =	sne.s32 s22, $0x400;
	vm1 =	vlt.s32 v20, $0x3FF  }
0x255: {  	vm2 =	vlt.s32 v20, $0x400;
	v20 =	vnsel vm1, $0x3FF, v20  }
0x256: {  	v20 =	vadd.s32 v1, v20  }
0x257: {  	v19 =	vnsel vm0, $0x0, v19  }
0x258: {  	v17 =	vadd.f32 v19, v17  }
.Ltmp3:
0x259: {  	(pc) =	sbr.rel @p0 .LBB2_9-.Ltmp3, $3  }
0x25a: {  	[tilespmem:v18+s1+$0x0] =	vst.idx.msk vm0, v17;
	v18 =	vmov v20;
	vm0 =	vmmov vm2  }
0x25b: {  	v19 =	vld.idx.msk [tilespmem:v20+s29+$0x0], vm2;
	_ =	sdelay $0x1  }
0x25c: {  	v20 =	vadd.s32 s22, v0;
	s22 =	sadd.s32 $0xFFFFFFFF, s22  }
0x25d: {  	vm1 =	vlt.s32 v20, $0x3FF  }
0x25e: {  	vm2 =	vlt.s32 v20, $0x400;
	v58 =	vnsel vm1, $0x3FF, v20  }
0x25f: {  	v20 =	vadd.s32 v1, v58  }
0x260: {  	v19 =	vnsel vm0, $0x0, v19  }
0x261: {  	v17 =	vadd.f32 v19, v17;
	_ =	sdelay $0x1  }
0x262: {  	[tilespmem:v18+s1+$0x0] =	vst.idx.msk vm0, v17  }
0x263: {  	v18 =	vld.idx.msk [tilespmem:v20+s29+$0x0], vm2;
	_ =	sdelay $0x3  }
0x264: {  	vm15 =	vmmov vm2  }
0x265: {  	v18 =	vnsel vm15, $0x0, v18  }
0x266: {  	v18 =	vadd.f32 v18, v17;
	_ =	sdelay $0x1  }
0x267: {  	[tilespmem:v20+s1+$0x0] =	vst.idx.msk vm2, v18  }
0x268: {  	v19 =	vld.idx.msk [tilespmem:v2+s29+$0x0], $0xffff  }
0x269: {  	v17 =	vld.idx.msk [tilespmem:v8+s29+$0x0], $0xffff;
	_ =	sdelay $0x1  }
0x26a: {  	v20 =	vld.idx.msk [tilespmem:v11+s29+$0x0], $0xffff;
	_ =	sdelay $0x1  }
0x26b: {  	v21 =	vld.idx.msk [tilespmem:v9+s29+$0x0], $0xffff  }
0x26c: {  	v22 =	vadd.f32 v17, v19  }
0x26d: {  	v23 =	vld.idx.msk [tilespmem:v10+s29+$0x0], $0xffff  }
0x26e: {  	v20 =	vadd.f32 v20, v22  }
0x26f: {  	v24 =	vld.idx.msk [tilespmem:v5+s29+$0x0], $0xffff  }
0x270: {  	v21 =	vadd.f32 v21, v20  }
0x271: {  	v25 =	vld.idx.msk [tilespmem:v6+s29+$0x0], $0xffff  }
0x272: {  	v23 =	vadd.f32 v23, v21  }
0x273: {  	v26 =	vld.idx.msk [tilespmem:v7+s29+$0x0], $0xffff  }
0x274: {  	v28 =	vld.idx.msk [tilespmem:v12+s29+$0x0], $0xffff;
	v24 =	vadd.f32 v24, v23  }
0x275: {  	v29 =	vld.idx.msk [tilespmem:v3+s29+$0x0], $0xffff  }
0x276: {  	v30 =	vld.idx.msk [tilespmem:v13+s29+$0x0], $0xffff;
	v17 =	vadd.s32 $0xFFFFFFF1, v2;
	v25 =	vadd.f32 v25, v24  }
0x277: {  	v31 =	vld.idx.msk [tilespmem:v4+s29+$0x0], $0xffff  }
0x278: {  	v32 =	vld.idx.msk [tilespmem:v14+s29+$0x0], $0xffff;
	v26 =	vadd.f32 v26, v25  }
0x279: {  	v33 =	vld.idx.msk [tilespmem:v15+s29+$0x0], $0xffff;
	v19 =	vadd.f32 v19, v18  }
0x27a: {  	v34 =	vld.idx.msk [tilespmem:v16+s29+$0x0], $0xffff;
	v22 =	vadd.f32 v22, v18;
	v28 =	vadd.f32 v28, v26  }
0x27b: {  	v27 =	vld.idx.msk [tilespmem:v17+s29+$0x0], $0xffff;
	[tilespmem:v2+s1+$0x0] =	vst.idx.msk $0xffff, v19;
	v19 =	vadd.f32 v20, v18  }
0x27c: {  	v21 =	vadd.f32 v21, v18;
	[tilespmem:v8+s1+$0x0] =	vst.idx.msk $0xffff, v22;
	v59 =	vadd.f32 v30, v28  }
0x27d: {  	[tilespmem:v11+s1+$0x0] =	vst.idx.msk $0xffff, v19;
	v8 =	vadd.f32 v23, v18  }
0x27e: {  	[tilespmem:v9+s1+$0x0] =	vst.idx.msk $0xffff, v21;
	v19 =	vadd.f32 v24, v18;
	v60 =	vadd.f32 v32, v59  }
0x27f: {  	[tilespmem:v10+s1+$0x0] =	vst.idx.msk $0xffff, v8;
	v61 =	vadd.f32 v25, v18  }
0x280: {  	[tilespmem:v5+s1+$0x0] =	vst.idx.msk $0xffff, v19;
	v62 =	vadd.f32 v26, v18;
	v8 =	vadd.f32 v34, v60  }
0x281: {  	[tilespmem:v6+s1+$0x0] =	vst.idx.msk $0xffff, v61;
	v5 =	vadd.f32 v28, v18  }
0x282: {  	[tilespmem:v7+s1+$0x0] =	vst.idx.msk $0xffff, v62;
	v63 =	vadd.f32 v59, v18;
	v6 =	vadd.f32 v33, v8  }
0x283: {  	[tilespmem:v12+s1+$0x0] =	vst.idx.msk $0xffff, v5;
	v5 =	vadd.f32 v60, v18  }
0x284: {  	[tilespmem:v13+s1+$0x0] =	vst.idx.msk $0xffff, v63;
	v8 =	vadd.f32 v8, v18;
	v7 =	vadd.f32 v31, v6  }
0x285: {  	[tilespmem:v14+s1+$0x0] =	vst.idx.msk $0xffff, v5;
	v6 =	vadd.f32 v6, v18  }
0x286: {  	[tilespmem:v16+s1+$0x0] =	vst.idx.msk $0xffff, v8;
	v5 =	vadd.f32 v29, v7;
	v7 =	vadd.f32 v7, v18  }
0x287: {  	[tilespmem:v15+s1+$0x0] =	vst.idx.msk $0xffff, v6  }
0x288: {  	v6 =	vadd.f32 v27, v5;
	v8 =	vadd.f32 v5, v18;
	[tilespmem:v4+s1+$0x0] =	vst.idx.msk $0xffff, v7;
	v4 =	vadd.s32 $0xFFFFFFF0, v2  }
0x289: {  	v5 =	vadd.s32 $0xFFFFFFFF, v4  }
0x28a: {  	[tilespmem:v3+s1+$0x0] =	vst.idx.msk $0xffff, v8;
	v3 =	vadd.f32 v6, v18  }
0x28b: {  	s22 =	simm.s32 $0x3D;
	v6 =	vadd.s32 $0xFFFFFFFE, v4  }
.LBB2_11:
0x28c: {  	p0 =	sne.s32 s22, $0x1;
	s22 =	sadd.s32 $0xFFFFFFFF, s22;
	[tilespmem:v17+s1+$0x0] =	vst.idx.msk $0xffff, v3  }
0x28d: {  	v8 =	vadd.s32 $0xFFFFFFFD, v4;
	v7 =	vld.idx.msk [tilespmem:v4+s29+$0x0], $0xffff  }
0x28e: {  	v9 =	vld.idx.msk [tilespmem:v5+s29+$0x0], $0xffff  }
0x28f: {  	v10 =	vadd.s32 $0xFFFFFFFC, v4  }
0x290: {  	v11 =	vld.idx.msk [tilespmem:v6+s29+$0x0], $0xffff  }
0x291: {  	v12 =	vadd.s32 $0xFFFFFFFB, v4  }
0x292: {  	v13 =	vld.idx.msk [tilespmem:v8+s29+$0x0], $0xffff  }
0x293: {  	v14 =	vadd.s32 $0xFFFFFFFA, v4  }
0x294: {  	v9 =	vadd.f32 v9, v7;
	v15 =	vld.idx.msk [tilespmem:v10+s29+$0x0], $0xffff  }
0x295: {  	v16 =	vadd.s32 $0xFFFFFFF9, v4  }
0x296: {  	v17 =	vadd.s32 $0xFFFFFFF1, v4;
	v11 =	vadd.f32 v11, v9;
	v18 =	vld.idx.msk [tilespmem:v12+s29+$0x0], $0xffff  }
0x297: {  	v19 =	vadd.s32 $0xFFFFFFF8, v4  }
0x298: {  	v21 =	vadd.s32 $0xFFFFFFF2, v4;
	v13 =	vadd.f32 v13, v11;
	v20 =	vld.idx.msk [tilespmem:v14+s29+$0x0], $0xffff  }
0x299: {  	v22 =	vadd.s32 $0xFFFFFFF7, v4  }
0x29a: {  	v24 =	vadd.s32 $0xFFFFFFF3, v4;
	v15 =	vadd.f32 v15, v13;
	v23 =	vld.idx.msk [tilespmem:v16+s29+$0x0], $0xffff  }
0x29b: {  	v25 =	vadd.s32 $0xFFFFFFF6, v4;
	v26 =	vld.idx.msk [tilespmem:v17+s29+$0x0], $0xffff  }
0x29c: {  	v28 =	vadd.s32 $0xFFFFFFF4, v4;
	v18 =	vadd.f32 v18, v15;
	v27 =	vld.idx.msk [tilespmem:v19+s29+$0x0], $0xffff  }
0x29d: {  	v29 =	vadd.s32 $0xFFFFFFF5, v4;
	v30 =	vld.idx.msk [tilespmem:v21+s29+$0x0], $0xffff  }
0x29e: {  	v20 =	vadd.f32 v20, v18;
	v18 =	vadd.f32 v18, v3;
	v31 =	vld.idx.msk [tilespmem:v22+s29+$0x0], $0xffff  }
0x29f: {  	v32 =	vld.idx.msk [tilespmem:v24+s29+$0x0], $0xffff  }
0x2a0: {  	v23 =	vadd.f32 v23, v20;
	v20 =	vadd.f32 v20, v3;
	v33 =	vld.idx.msk [tilespmem:v25+s29+$0x0], $0xffff  }
0x2a1: {  	v7 =	vadd.f32 v7, v3;
	v9 =	vadd.f32 v9, v3;
	v34 =	vld.idx.msk [tilespmem:v28+s29+$0x0], $0xffff  }
0x2a2: {  	v27 =	vadd.f32 v27, v23;
	v23 =	vadd.f32 v23, v3;
	v35 =	vld.idx.msk [tilespmem:v29+s29+$0x0], $0xffff  }
0x2a3: {  	[tilespmem:v4+s1+$0x0] =	vst.idx.msk $0xffff, v7;
	v7 =	vadd.f32 v11, v3;
	v11 =	vadd.f32 v13, v3  }
0x2a4: {  	v13 =	vadd.f32 v31, v27;
	[tilespmem:v5+s1+$0x0] =	vst.idx.msk $0xffff, v9;
	v5 =	vadd.f32 v27, v3  }
0x2a5: {  	[tilespmem:v6+s1+$0x0] =	vst.idx.msk $0xffff, v7;
	v6 =	vadd.f32 v15, v3  }
0x2a6: {  	v7 =	vadd.f32 v33, v13;
	[tilespmem:v8+s1+$0x0] =	vst.idx.msk $0xffff, v11  }
0x2a7: {  	[tilespmem:v10+s1+$0x0] =	vst.idx.msk $0xffff, v6  }
0x2a8: {  	v6 =	vadd.f32 v35, v7;
	[tilespmem:v12+s1+$0x0] =	vst.idx.msk $0xffff, v18  }
0x2a9: {  	v8 =	vadd.f32 v13, v3;
	[tilespmem:v14+s1+$0x0] =	vst.idx.msk $0xffff, v20  }
0x2aa: {  	v9 =	vadd.f32 v34, v6;
	v6 =	vadd.f32 v6, v3;
	[tilespmem:v16+s1+$0x0] =	vst.idx.msk $0xffff, v23  }
0x2ab: {  	[tilespmem:v19+s1+$0x0] =	vst.idx.msk $0xffff, v5;
	v5 =	vadd.f32 v7, v3  }
0x2ac: {  	v7 =	vadd.f32 v32, v9;
	[tilespmem:v22+s1+$0x0] =	vst.idx.msk $0xffff, v8;
	v8 =	vadd.f32 v9, v3  }
0x2ad: {  	[tilespmem:v25+s1+$0x0] =	vst.idx.msk $0xffff, v5  }
0x2ae: {  	v5 =	vadd.f32 v30, v7;
	[tilespmem:v29+s1+$0x0] =	vst.idx.msk $0xffff, v6;
	v6 =	vadd.f32 v7, v3  }
.Ltmp4:
0x2af: {  	[tilespmem:v28+s1+$0x0] =	vst.idx.msk $0xffff, v8;
	(pc) =	sbr.rel @p0 .LBB2_11-.Ltmp4, $4  }
0x2b0: {  	v4 =	vadd.s32 $0xFFFFFFF0, v4;
	v7 =	vadd.f32 v26, v5;
	[tilespmem:v24+s1+$0x0] =	vst.idx.msk $0xffff, v6;
	v6 =	vadd.f32 v5, v3  }
0x2b1: {  	v5 =	vadd.s32 $0xFFFFFFFF, v4  }
0x2b2: {  	v3 =	vadd.f32 v7, v3;
	[tilespmem:v21+s1+$0x0] =	vst.idx.msk $0xffff, v6  }
0x2b3: {  	v6 =	vadd.s32 $0xFFFFFFFE, v4  }
0x2b4: {  	_ =	sdelay $0x3  }
0x2b5: {  	[tilespmem:v17+s1+$0x0] =	vst.idx.msk $0xffff, v3  }
0x2b6: {  	v8 =	vadd.s32 $0xFFFFFFFD, v4;
	v7 =	vld.idx.msk [tilespmem:v4+s29+$0x0], $0xffff  }
0x2b7: {  	v9 =	vld.idx.msk [tilespmem:v5+s29+$0x0], $0xffff  }
0x2b8: {  	v10 =	vadd.s32 $0xFFFFFFFC, v4  }
0x2b9: {  	v11 =	vld.idx.msk [tilespmem:v6+s29+$0x0], $0xffff  }
0x2ba: {  	v12 =	vadd.s32 $0xFFFFFFFB, v4  }
0x2bb: {  	v13 =	vld.idx.msk [tilespmem:v8+s29+$0x0], $0xffff  }
0x2bc: {  	v14 =	vadd.s32 $0xFFFFFFFA, v4;
	v9 =	vadd.f32 v9, v7  }
0x2bd: {  	v15 =	vld.idx.msk [tilespmem:v10+s29+$0x0], $0xffff  }
0x2be: {  	v16 =	vadd.s32 $0xFFFFFFF9, v4;
	v11 =	vadd.f32 v11, v9  }
0x2bf: {  	v17 =	vld.idx.msk [tilespmem:v12+s29+$0x0], $0xffff  }
0x2c0: {  	v19 =	vadd.s32 $0xFFFFFFF8, v4;
	v13 =	vadd.f32 v13, v11  }
0x2c1: {  	v18 =	vadd.s32 $0xFFFFFFF1, v4;
	v20 =	vld.idx.msk [tilespmem:v14+s29+$0x0], $0xffff  }
0x2c2: {  	v22 =	vadd.s32 $0xFFFFFFF7, v4;
	v15 =	vadd.f32 v15, v13  }
0x2c3: {  	v21 =	vadd.s32 $0xFFFFFFF2, v4;
	v23 =	vld.idx.msk [tilespmem:v16+s29+$0x0], $0xffff  }
0x2c4: {  	v25 =	vadd.s32 $0xFFFFFFF6, v4;
	v17 =	vadd.f32 v17, v15  }
0x2c5: {  	v24 =	vadd.s32 $0xFFFFFFF3, v4;
	v27 =	vld.idx.msk [tilespmem:v19+s29+$0x0], $0xffff  }
0x2c6: {  	v29 =	vadd.s32 $0xFFFFFFF5, v4;
	v26 =	vld.idx.msk [tilespmem:v18+s29+$0x0], $0xffff;
	v20 =	vadd.f32 v20, v17  }
0x2c7: {  	v28 =	vadd.s32 $0xFFFFFFF4, v4;
	v31 =	vld.idx.msk [tilespmem:v22+s29+$0x0], $0xffff  }
0x2c8: {  	v30 =	vld.idx.msk [tilespmem:v21+s29+$0x0], $0xffff;
	v23 =	vadd.f32 v23, v20  }
0x2c9: {  	v33 =	vld.idx.msk [tilespmem:v25+s29+$0x0], $0xffff  }
0x2ca: {  	v32 =	vld.idx.msk [tilespmem:v24+s29+$0x0], $0xffff;
	v7 =	vadd.f32 v7, v3;
	v27 =	vadd.f32 v27, v23  }
0x2cb: {  	v35 =	vld.idx.msk [tilespmem:v29+s29+$0x0], $0xffff;
	v9 =	vadd.f32 v9, v3  }
0x2cc: {  	v34 =	vld.idx.msk [tilespmem:v28+s29+$0x0], $0xffff;
	[tilespmem:v4+s1+$0x0] =	vst.idx.msk $0xffff, v7;
	v4 =	vadd.f32 v11, v3;
	v7 =	vadd.f32 v31, v27  }
0x2cd: {  	[tilespmem:v5+s1+$0x0] =	vst.idx.msk $0xffff, v9;
	v62 =	vadd.f32 v13, v3  }
0x2ce: {  	[tilespmem:v6+s1+$0x0] =	vst.idx.msk $0xffff, v4;
	v4 =	vadd.f32 v15, v3;
	v5 =	vadd.f32 v33, v7  }
0x2cf: {  	[tilespmem:v8+s1+$0x0] =	vst.idx.msk $0xffff, v62;
	v6 =	vadd.f32 v17, v3  }
0x2d0: {  	[tilespmem:v10+s1+$0x0] =	vst.idx.msk $0xffff, v4;
	v8 =	vadd.f32 v20, v3;
	v4 =	vadd.f32 v35, v5  }
0x2d1: {  	[tilespmem:v12+s1+$0x0] =	vst.idx.msk $0xffff, v6;
	v63 =	vadd.f32 v23, v3  }
0x2d2: {  	[tilespmem:v14+s1+$0x0] =	vst.idx.msk $0xffff, v8;
	v6 =	vadd.f32 v27, v3;
	v8 =	vadd.f32 v34, v4  }
0x2d3: {  	[tilespmem:v16+s1+$0x0] =	vst.idx.msk $0xffff, v63;
	v7 =	vadd.f32 v7, v3  }
0x2d4: {  	s7 =	simm.s32 $0xF;
	[tilespmem:v19+s1+$0x0] =	vst.idx.msk $0xffff, v6;
	v5 =	vadd.f32 v5, v3;
	v6 =	vadd.f32 v32, v8  }
0x2d5: {  	[tilespmem:v22+s1+$0x0] =	vst.idx.msk $0xffff, v7;
	v7 =	vadd.s32 s7, v0;
	v4 =	vadd.f32 v4, v3  }
0x2d6: {  	vm0 =	vgt.s32 v7, $0x0;
	[tilespmem:v25+s1+$0x0] =	vst.idx.msk $0xffff, v5;
	v5 =	vadd.f32 v30, v6  }
0x2d7: {  	vm1 =	vgt.s32 v7, $0xFFFFFFFF;
	v8 =	vadd.f32 v8, v3;
	[tilespmem:v29+s1+$0x0] =	vst.idx.msk $0xffff, v4;
	v4 =	vnsel vm0, $0x0, v7  }
0x2d8: {  	v4 =	vadd.s32 v1, v4;
	v6 =	vadd.f32 v6, v3;
	v7 =	vadd.f32 v26, v5  }
0x2d9: {  	[tilespmem:v28+s1+$0x0] =	vst.idx.msk $0xffff, v8;
	v5 =	vadd.f32 v5, v3  }
0x2da: {  	[tilespmem:v24+s1+$0x0] =	vst.idx.msk $0xffff, v6;
	v3 =	vadd.f32 v7, v3  }
0x2db: {  	[tilespmem:v21+s1+$0x0] =	vst.idx.msk $0xffff, v5  }
0x2dc: {  	[tilespmem:v18+s1+$0x0] =	vst.idx.msk $0xffff, v3  }
0x2dd: {  	s24 =	simm.s32 $0xE;
	v5 =	vld.idx.msk [tilespmem:v4+s29+$0x0], vm1  }
0x2de: {  	s22 =	simm.s32 $0xD;
	vm0 =	vmmov vm1;
	v6 =	vadd.s32 s24, v0  }
.LBB2_13:
0x2df: {  	p0 =	sne.s32 s22, $0x0;
	vm1 =	vgt.s32 v6, $0x0  }
0x2e0: {  	vm2 =	vgt.s32 v6, $0xFFFFFFFF;
	v6 =	vnsel vm1, $0x0, v6  }
0x2e1: {  	v6 =	vadd.s32 v1, v6  }
0x2e2: {  	v5 =	vnsel vm0, $0x0, v5  }
0x2e3: {  	v3 =	vadd.f32 v5, v3  }
.Ltmp5:
0x2e4: {  	(pc) =	sbr.rel @p0 .LBB2_13-.Ltmp5, $3  }
0x2e5: {  	[tilespmem:v4+s1+$0x0] =	vst.idx.msk vm0, v3;
	v4 =	vmov v6;
	vm0 =	vmmov vm2  }
0x2e6: {  	v5 =	vld.idx.msk [tilespmem:v6+s29+$0x0], vm2;
	_ =	sdelay $0x1  }
0x2e7: {  	v6 =	vadd.s32 s22, v0;
	s22 =	sadd.s32 $0xFFFFFFFF, s22  }
0x2e8: {  	vm1 =	vgt.s32 v6, $0x0  }
0x2e9: {  	vm2 =	vgt.s32 v6, $0xFFFFFFFF;
	v63 =	vnsel vm1, $0x0, v6  }
0x2ea: {  	v6 =	vadd.s32 v1, v63  }
0x2eb: {  	v5 =	vnsel vm0, $0x0, v5  }
0x2ec: {  	v3 =	vadd.f32 v5, v3;
	_ =	sdelay $0x1  }
0x2ed: {  	[tilespmem:v4+s1+$0x0] =	vst.idx.msk vm0, v3  }
0x2ee: {  	v4 =	vld.idx.msk [tilespmem:v6+s29+$0x0], vm2;
	_ =	sdelay $0x3  }
0x2ef: {  	vm15 =	vmmov vm2  }
0x2f0: {  	v4 =	vnsel vm15, $0x0, v4  }
0x2f1: {  	v3 =	vadd.f32 v4, v3  }
0x2f2: {  	s22 =	sld [smem:$0x7E9]  }
0x2f3: {  	s6 =	sadd.s32 s3, s6;
	[tilespmem:v6+s1+$0x0] =	vst.idx.msk vm2, v3  }
0x2f4: {  	[hbm4b:s6+s26] =	stream.strided.scatter [tilespmem:s1], [sflag:$0x4], $0x400, s28, s26, $0x38;
	[tilespmem:$0x10000] =	vst v63  }
0x2f5: {  	s7 =	simm.s32 $0xC400;
	s6 =	sadd.s32 s3, s22  }
0x2f6: {  	[hbm4b:s6+s26] =	stream.strided.scatter [tilespmem:s7], [sflag:$0x4], $0x400, s28, s26, $0x38;
	[tilespmem:$0x10000] =	vst v63  }
0x2f7: {  	s23 =	sadd.s32 s3, s8;
	s24 =	simm.s32 $0xC800  }
0x2f8: {  	[hbm4b:s23+s26] =	stream.strided.scatter [tilespmem:s24], [sflag:$0x4], $0x400, s28, s26, $0x38;
	[tilespmem:$0x10000] =	vst v63  }
0x2f9: {  	s8 =	simm.s32 $0xCC00;
	s7 =	sadd.s32 s3, s9  }
0x2fa: {  	[hbm4b:s7+s26] =	stream.strided.scatter [tilespmem:s8], [sflag:$0x4], $0x400, s28, s26, $0x38;
	[tilespmem:$0x10000] =	vst v63  }
0x2fb: {  	s9 =	sadd.s32 s3, s10;
	s10 =	simm.s32 $0xD000  }
0x2fc: {  	[hbm4b:s9+s26] =	stream.strided.scatter [tilespmem:s10], [sflag:$0x4], $0x400, s28, s26, $0x38;
	[tilespmem:$0x10000] =	vst v63  }
0x2fd: {  	s21 =	sadd.s32 s3, s11;
	s22 =	simm.s32 $0xD400  }
0x2fe: {  	[hbm4b:s21+s26] =	stream.strided.scatter [tilespmem:s22], [sflag:$0x4], $0x400, s28, s26, $0x38;
	[tilespmem:$0x10000] =	vst v63  }
0x2ff: {  	s23 =	sadd.s32 s3, s12;
	s24 =	simm.s32 $0xD800  }
0x300: {  	[hbm4b:s23+s26] =	stream.strided.scatter [tilespmem:s24], [sflag:$0x4], $0x400, s28, s26, $0x38;
	[tilespmem:$0x10000] =	vst v63  }
0x301: {  	s7 =	sadd.s32 s3, s13;
	s8 =	simm.s32 $0xDC00  }
0x302: {  	[hbm4b:s7+s26] =	stream.strided.scatter [tilespmem:s8], [sflag:$0x4], $0x400, s28, s26, $0x38;
	[tilespmem:$0x10000] =	vst v63  }
0x303: {  	s9 =	sadd.s32 s3, s14;
	s10 =	simm.s32 $0xE000  }
0x304: {  	[hbm4b:s9+s26] =	stream.strided.scatter [tilespmem:s10], [sflag:$0x4], $0x400, s28, s26, $0x38;
	[tilespmem:$0x10000] =	vst v63  }
0x305: {  	s11 =	sadd.s32 s3, s15;
	s12 =	simm.s32 $0xE400  }
0x306: {  	[hbm4b:s11+s26] =	stream.strided.scatter [tilespmem:s12], [sflag:$0x4], $0x400, s28, s26, $0x38;
	[tilespmem:$0x10000] =	vst v63  }
0x307: {  	s13 =	sadd.s32 s3, s16;
	s14 =	simm.s32 $0xE800  }
0x308: {  	[hbm4b:s13+s26] =	stream.strided.scatter [tilespmem:s14], [sflag:$0x4], $0x400, s28, s26, $0x38;
	[tilespmem:$0x10000] =	vst v63  }
0x309: {  	s15 =	sadd.s32 s3, s17;
	s16 =	simm.s32 $0xEC00  }
0x30a: {  	[hbm4b:s15+s26] =	stream.strided.scatter [tilespmem:s16], [sflag:$0x4], $0x400, s28, s26, $0x38;
	[tilespmem:$0x10000] =	vst v63  }
0x30b: {  	s17 =	sadd.s32 s3, s18;
	s18 =	simm.s32 $0xF000;
	s5 =	sadd.s32 $0x1, s5  }
0x30c: {  	[hbm4b:s17+s26] =	stream.strided.scatter [tilespmem:s18], [sflag:$0x4], $0x400, s28, s26, $0x38;
	[tilespmem:$0x10000] =	vst v63  }
0x30d: {  	s19 =	sadd.s32 s3, s19;
	p0 =	sne.s32 s5, $0x20;
	s21 =	simm.s32 $0xF400  }
0x30e: {  	[hbm4b:s19+s26] =	stream.strided.scatter [tilespmem:s21], [sflag:$0x4], $0x400, s28, s26, $0x38;
	[tilespmem:$0x10000] =	vst v63  }
.Ltmp6:
0x30f: {  	_ = 	snop;
	(pc) =	sbr.rel @p0 .LBB2_2-.Ltmp6, $4  }
0x310: {  	s22 =	sadd.s32 s3, s20;
	s23 =	simm.s32 $0xF800  }
0x311: {  	[hbm4b:s22+s26] =	stream.strided.scatter [tilespmem:s23], [sflag:$0x4], $0x400, s28, s26, $0x38;
	[tilespmem:$0x10000] =	vst v63  }
0x312: {  	s24 =	sadd.s32 s3, s25;
	s25 =	simm.s32 $0xFC00  }
0x313: {  	[hbm4b:s24+s26] =	stream.strided.scatter [tilespmem:s25], [sflag:$0x4], $0x400, s28, s26, $0x38;
	[tilespmem:$0x10000] =	vst v63  }
0x314: {  	s5 =	simm.s32 $0x3  }
0x315: {  	_ =	swait.ge [sflag:s5], $0x400  }
0x316: {  	[sflag:s5] =	ssyncset.done $0x0  }
0x317: {  	[sflag:s5] =	ssyncadd.s32 $0xFFFFFC00  }
0x318: {  	_ =	swait.ge [sflag:s5], $0x400  }
0x319: {  	[sflag:s5] =	ssyncset.done $0x0  }
0x31a: {  	[sflag:s5] =	ssyncadd.s32 $0xFFFFFC00  }
0x31b: {  	_ =	swait.ge [sflag:s5], $0x400  }
0x31c: {  	[sflag:s5] =	ssyncset.done $0x0  }
0x31d: {  	[sflag:s5] =	ssyncadd.s32 $0xFFFFFC00  }
0x31e: {  	_ =	swait.ge [sflag:s5], $0x400  }
0x31f: {  	[sflag:s5] =	ssyncset.done $0x0  }
0x320: {  	[sflag:s5] =	ssyncadd.s32 $0xFFFFFC00  }
0x321: {  	_ =	swait.ge [sflag:s5], $0x400  }
0x322: {  	[sflag:s5] =	ssyncset.done $0x0  }
0x323: {  	[sflag:s5] =	ssyncadd.s32 $0xFFFFFC00  }
0x324: {  	_ =	swait.ge [sflag:s5], $0x400  }
0x325: {  	[sflag:s5] =	ssyncset.done $0x0  }
0x326: {  	[sflag:s5] =	ssyncadd.s32 $0xFFFFFC00  }
0x327: {  	_ =	swait.ge [sflag:s5], $0x400  }
0x328: {  	[sflag:s5] =	ssyncset.done $0x0  }
0x329: {  	[sflag:s5] =	ssyncadd.s32 $0xFFFFFC00  }
0x32a: {  	_ =	swait.ge [sflag:s5], $0x400  }
0x32b: {  	[sflag:s5] =	ssyncset.done $0x0  }
0x32c: {  	[sflag:s5] =	ssyncadd.s32 $0xFFFFFC00  }
0x32d: {  	_ =	swait.ge [sflag:s5], $0x400  }
0x32e: {  	[sflag:s5] =	ssyncset.done $0x0  }
0x32f: {  	[sflag:s5] =	ssyncadd.s32 $0xFFFFFC00  }
0x330: {  	_ =	swait.ge [sflag:s5], $0x400  }
0x331: {  	[sflag:s5] =	ssyncset.done $0x0  }
0x332: {  	[sflag:s5] =	ssyncadd.s32 $0xFFFFFC00  }
0x333: {  	_ =	swait.ge [sflag:s5], $0x400  }
0x334: {  	[sflag:s5] =	ssyncset.done $0x0  }
0x335: {  	[sflag:s5] =	ssyncadd.s32 $0xFFFFFC00  }
0x336: {  	_ =	swait.ge [sflag:s5], $0x400  }
0x337: {  	[sflag:s5] =	ssyncset.done $0x0  }
0x338: {  	[sflag:s5] =	ssyncadd.s32 $0xFFFFFC00  }
0x339: {  	_ =	swait.ge [sflag:s5], $0x400  }
0x33a: {  	[sflag:s5] =	ssyncset.done $0x0  }
0x33b: {  	[sflag:s5] =	ssyncadd.s32 $0xFFFFFC00  }
0x33c: {  	_ =	swait.ge [sflag:s5], $0x400  }
0x33d: {  	[sflag:s5] =	ssyncset.done $0x0  }
0x33e: {  	[sflag:s5] =	ssyncadd.s32 $0xFFFFFC00  }
0x33f: {  	_ =	swait.ge [sflag:s5], $0x400  }
0x340: {  	[sflag:s5] =	ssyncset.done $0x0  }
0x341: {  	[sflag:s5] =	ssyncadd.s32 $0xFFFFFC00  }
0x342: {  	_ =	swait.ge [sflag:s5], $0x400  }
0x343: {  	[sflag:s5] =	ssyncset.done $0x0  }
0x344: {  	s6 =	simm.s32 $0x4;
	[sflag:s5] =	ssyncadd.s32 $0xFFFFFC00  }
0x345: {  	_ =	swait.ge [sflag:s6], $0x400  }
0x346: {  	[sflag:s6] =	ssyncset.done $0x0  }
0x347: {  	[sflag:s6] =	ssyncadd.s32 $0xFFFFFC00  }
0x348: {  	_ =	swait.ge [sflag:s6], $0x400  }
0x349: {  	[sflag:s6] =	ssyncset.done $0x0  }
0x34a: {  	[sflag:s6] =	ssyncadd.s32 $0xFFFFFC00  }
0x34b: {  	_ =	swait.ge [sflag:s6], $0x400  }
0x34c: {  	[sflag:s6] =	ssyncset.done $0x0  }
0x34d: {  	[sflag:s6] =	ssyncadd.s32 $0xFFFFFC00  }
0x34e: {  	_ =	swait.ge [sflag:s6], $0x400  }
0x34f: {  	[sflag:s6] =	ssyncset.done $0x0  }
0x350: {  	[sflag:s6] =	ssyncadd.s32 $0xFFFFFC00  }
0x351: {  	_ =	swait.ge [sflag:s6], $0x400  }
0x352: {  	[sflag:s6] =	ssyncset.done $0x0  }
0x353: {  	[sflag:s6] =	ssyncadd.s32 $0xFFFFFC00  }
0x354: {  	_ =	swait.ge [sflag:s6], $0x400  }
0x355: {  	[sflag:s6] =	ssyncset.done $0x0  }
0x356: {  	[sflag:s6] =	ssyncadd.s32 $0xFFFFFC00  }
0x357: {  	_ =	swait.ge [sflag:s6], $0x400  }
0x358: {  	[sflag:s6] =	ssyncset.done $0x0  }
0x359: {  	[sflag:s6] =	ssyncadd.s32 $0xFFFFFC00  }
0x35a: {  	_ =	swait.ge [sflag:s6], $0x400  }
0x35b: {  	[sflag:s6] =	ssyncset.done $0x0  }
0x35c: {  	[sflag:s6] =	ssyncadd.s32 $0xFFFFFC00  }
0x35d: {  	_ =	swait.ge [sflag:s6], $0x400  }
0x35e: {  	[sflag:s6] =	ssyncset.done $0x0  }
0x35f: {  	[sflag:s6] =	ssyncadd.s32 $0xFFFFFC00  }
0x360: {  	_ =	swait.ge [sflag:s6], $0x400  }
0x361: {  	[sflag:s6] =	ssyncset.done $0x0  }
0x362: {  	[sflag:s6] =	ssyncadd.s32 $0xFFFFFC00  }
0x363: {  	_ =	swait.ge [sflag:s6], $0x400  }
0x364: {  	[sflag:s6] =	ssyncset.done $0x0  }
0x365: {  	[sflag:s6] =	ssyncadd.s32 $0xFFFFFC00  }
0x366: {  	_ =	swait.ge [sflag:s6], $0x400  }
0x367: {  	[sflag:s6] =	ssyncset.done $0x0  }
0x368: {  	[sflag:s6] =	ssyncadd.s32 $0xFFFFFC00  }
0x369: {  	_ =	swait.ge [sflag:s6], $0x400  }
0x36a: {  	[sflag:s6] =	ssyncset.done $0x0  }
0x36b: {  	[sflag:s6] =	ssyncadd.s32 $0xFFFFFC00  }
0x36c: {  	_ =	swait.ge [sflag:s6], $0x400  }
0x36d: {  	[sflag:s6] =	ssyncset.done $0x0  }
0x36e: {  	[sflag:s6] =	ssyncadd.s32 $0xFFFFFC00  }
0x36f: {  	_ =	swait.ge [sflag:s6], $0x400  }
0x370: {  	[sflag:s6] =	ssyncset.done $0x0  }
0x371: {  	[sflag:s6] =	ssyncadd.s32 $0xFFFFFC00  }
0x372: {  	_ =	swait.ge [sflag:s6], $0x400  }
0x373: {  	s7 =	sld [smem:$0x7EA];
	_ =	sdelay $0x2  }
0x374: {  	s25 =	rddreg [dreg:$0x17];
	s7 =	sadd.s32 $0x1, s7  }
0x375: {  	p0 =	sne.s32 s7, s25  }
.Ltmp7:
0x376: {  	_ = 	snop;
	(pc) =	sbr.rel @p0 .LBB2_1-.Ltmp7, $3  }
0x377: {  	_ =	sdelay $0x1  }
0x378: {  	[sflag:s6] =	ssyncset.done $0x0  }
0x379: {  	[sflag:s6] =	ssyncadd.s32 $0xFFFFFC00  }
0x37a: {  	_ =	sfence.sel $0x180000  }
0x37b: {  	[bflag:$0x0] =	sbarrier.arrive $0xFFFF  }
0x37c: {  	_ =	strace $0x90000047  }
0x37d: {  	s0 =	stileid.u32;
	[bflag:$0x2] =	sbarrier.arrive $0xFFFF  }
0x37e: {  	p0 =	sne.s32 s0, $0x0;
	s0 =	rddreg [dreg:$0x2]  }
0x37f: {  	s0 =	sadd.s32 @!p0 $0x100000, s0  }
0x380: {  	[sflag:s0] =	ssyncadd.tile.s32 @!p0 $0x1;
	_ =	shalt  }
.Lfunc_end2:
_tile_overlayer_lowered:
.L_overlay_start_2:
0x381: {  	(tag) =	ssettag $0x2  }
0x382: {  	s0 =	rddreg [dreg:$0x0];
	s2 =	stileid.u32  }
0x383: {  	s1 =	rddreg [dreg:$0x1];
	p0 =	sne.s32 s2, $0x0  }
0x384: {  	s3 =	rddreg [dreg:$0x2];
	[bflag:$0x3] =	sbarrier.arrive $0xFFFF;
	s2 =	simm.s32 @!p0 $0x1C05  }
0x385: {  	[timem:s3], [sflag:s2] =	dma.local @!p0 [hbm:s0], s1  }
0x386: {  	s0 =	simm.s32 @!p0 $0x5  }
0x387: {  	_ =	swait.ge @!p0 [sflag:s0], s1  }
0x388: {  	s1 =	ssub.s32 @!p0 $0x0, s1;
	[sflag:s0] =	ssyncset.done @!p0 $0x0  }
0x389: {  	[sflag:s0] =	ssyncadd.s32 @!p0 s1  }
0x38a: {  	[bflag:$0x3] =	sbarrier.arrive $0xFFFF  }
0x38b: {  	_ =	shalt  }

</sc_bundles>
